<compile_context>
chip_gen: v7x
topology: tpu7x:2x2x1
jax: 0.10.2.dev20260603
libtpu: 0.0.44.dev20260713+nightly
codegen_flags: <defaults>
</compile_context>

<pallas_src>
import dataclasses
import functools


import jax
import jax.numpy as jnp
from jax import lax
from jax.experimental import pallas as pl
from jax.experimental.pallas import tpu as pltpu
from jax.experimental.pallas import tpu_sc as plsc

N_SRC = 10000
N_DST = 10000
E_EDGES = 320000
D = 128
OUT = 128

NUM_CORES = 2
NUM_SUBCORES = 16
NUM_TILES = NUM_CORES * NUM_SUBCORES
EDGES_PER_TILE = E_EDGES // NUM_TILES
CHUNK = 120
NCHUNKS = EDGES_PER_TILE // CHUNK
TAIL = EDGES_PER_TILE - NCHUNKS * CHUNK
NBUF = 3
N_PAD = 10112
ROWS_PER_TILE = N_PAD // NUM_SUBCORES
LANES = 16
GROUPS = EDGES_PER_TILE // LANES


def _tables_body(nfs_ref, nfd_ref, sw_ref, q_ref, degs_ref, degd_ref, out_ref):
    w = sw_ref[...]
    hu = jnp.sum(nfs_ref[...] * w[:, 0][None, :], axis=1)
    hv = jnp.sum(nfd_ref[...] * w[:, 1][None, :], axis=1)
    coef = lax.rsqrt(degs_ref[...].astype(jnp.float32) + 1.0) / (
        q_ref[...] * float(E_EDGES))
    norm_dst = lax.rsqrt(degd_ref[...].astype(jnp.float32) + 1.0)
    out_ref[pl.ds(0 * N_SRC, N_SRC)] = coef
    out_ref[pl.ds(1 * N_SRC, N_SRC)] = hu
    out_ref[pl.ds(2 * N_SRC, N_SRC)] = norm_dst
    out_ref[pl.ds(3 * N_SRC, N_SRC)] = hv


def _attn_kernel_body(eidx_hbm, tabs_hbm, attn_hbm,
                      coef_ref, hu_ref, nd_ref, hv_ref,
                      sidx_ref, didx_ref, attn_ref, sem):
    c = lax.axis_index("c")
    s = lax.axis_index("s")
    base_edge = (c * NUM_SUBCORES + s) * EDGES_PER_TILE

    copies = [
        (tabs_hbm.at[pl.ds(0 * N_SRC, N_SRC)], coef_ref),
        (tabs_hbm.at[pl.ds(1 * N_SRC, N_SRC)], hu_ref),
        (tabs_hbm.at[pl.ds(2 * N_SRC, N_SRC)], nd_ref),
        (tabs_hbm.at[pl.ds(3 * N_SRC, N_SRC)], hv_ref),
        (eidx_hbm.at[pl.ds(base_edge, EDGES_PER_TILE)], sidx_ref),
        (eidx_hbm.at[pl.ds(E_EDGES + base_edge, EDGES_PER_TILE)], didx_ref),
    ]
    for src_, dst_ in copies:
        pltpu.async_copy(src_, dst_, sem)
    for src_, dst_ in copies:
        pltpu.make_async_copy(src_, dst_, sem).wait()

    @pl.loop(0, GROUPS, step=5)
    def _(g):
        for gg in range(5):
            sl = pl.ds((g + gg) * LANES, LANES)
            sv = sidx_ref[sl]
            dv = didx_ref[sl]
            cs = plsc.load_gather(coef_ref, [sv])
            hus = plsc.load_gather(hu_ref, [sv])
            nd = plsc.load_gather(nd_ref, [dv])
            hvs = plsc.load_gather(hv_ref, [dv])
            attn_ref[sl] = cs * nd * (jnp.maximum(hus + hvs, 0.0) + 0.1)

    pltpu.sync_copy(attn_ref, attn_hbm.at[pl.ds(base_edge, EDGES_PER_TILE)])


def _agg_kernel_body(eidx_hbm, hidden_hbm, attn_hbm, zeros_hbm,
                     out_hbm,
                     sidx_refs, didx_refs, attn_refs, rows_refs,
                     sidx_t, didx_t, attn_t,
                     pf_sems, g_sems, sc_sems, z_sem, acc_ref):
    c = lax.axis_index("c")
    s = lax.axis_index("s")
    base_edge = (c * NUM_SUBCORES + s) * EDGES_PER_TILE
    row0 = s * ROWS_PER_TILE

    pltpu.async_copy(zeros_hbm, acc_ref.at[pl.ds(row0, ROWS_PER_TILE)], z_sem)

    def start_pf(j, b):
        base = base_edge + j * CHUNK
        pltpu.async_copy(eidx_hbm.at[pl.ds(base, CHUNK)], sidx_refs[b],
                         pf_sems[b])
        pltpu.async_copy(eidx_hbm.at[pl.ds(E_EDGES + base, CHUNK)],
                         didx_refs[b], pf_sems[b])
        pltpu.async_copy(attn_hbm.at[pl.ds(base, CHUNK)], attn_refs[b],
                         pf_sems[b])

    def wait_pf(b):
        pltpu.make_async_copy(eidx_hbm.at[pl.ds(0, CHUNK)], sidx_refs[b],
                              pf_sems[b]).wait()
        pltpu.make_async_copy(eidx_hbm.at[pl.ds(0, CHUNK)], didx_refs[b],
                              pf_sems[b]).wait()
        pltpu.make_async_copy(attn_hbm.at[pl.ds(0, CHUNK)], attn_refs[b],
                              pf_sems[b]).wait()

    def start_gather(j, b):
        del j
        pltpu.async_copy(hidden_hbm.at[sidx_refs[b]], rows_refs[b], g_sems[b])

    def wait_gather(b):
        pltpu.make_async_copy(hidden_hbm.at[sidx_refs[b]], rows_refs[b],
                              g_sems[b]).wait()

    def start_scatter(b):
        pltpu.async_copy(rows_refs[b], acc_ref.at[didx_refs[b]], sc_sems[b],
                         add=True)

    def wait_scatter(b):
        pltpu.make_async_copy(rows_refs[b], acc_ref.at[didx_refs[b]],
                              sc_sems[b]).wait()

    def scale(b):
        rows = rows_refs[b]
        attn = attn_refs[b]

        @pl.loop(0, CHUNK, step=4)
        def _(e):
            avs = [
                plsc.load_gather(attn, [jnp.full((LANES,), e + i, jnp.int32)])
                for i in range(4)
            ]
            for g in range(D // LANES):
                sl = pl.ds(g * LANES, LANES)
                for i in range(4):
                    rows[e + i, sl] = rows[e + i, sl] * avs[i]

    for b in range(NBUF):
        start_pf(b, b)
    for b in range(NBUF):
        wait_pf(b)
        start_gather(b, b)

    pltpu.make_async_copy(zeros_hbm, acc_ref.at[pl.ds(row0, ROWS_PER_TILE)],
                          z_sem).wait()
    plsc.subcore_barrier()

    steady = (NCHUNKS - NBUF) // NBUF

    @pl.loop(0, steady)
    def _(k):
        j = k * NBUF
        for b in range(NBUF):
            wait_gather(b)
            scale(b)
            start_scatter(b)
        for b in range(NBUF):
            wait_scatter(b)
            start_pf(j + NBUF + b, b)
            wait_pf(b)
            start_gather(j + NBUF + b, b)

    for b in range(NBUF):
        wait_gather(b)
        scale(b)
        start_scatter(b)
    for i, j in enumerate(range(NBUF * (steady + 1), NCHUNKS)):
        b = i
        wait_scatter(b)
        start_pf(j, b)
        wait_pf(b)
        start_gather(j, b)
    for i in range(NCHUNKS - NBUF * (steady + 1)):
        wait_gather(i)
        scale(i)
        start_scatter(i)
    for b in range(NBUF):
        wait_scatter(b)

    tbase = base_edge + NCHUNKS * CHUNK
    pltpu.sync_copy(eidx_hbm.at[pl.ds(tbase, TAIL)], sidx_t)
    pltpu.sync_copy(eidx_hbm.at[pl.ds(E_EDGES + tbase, TAIL)], didx_t)
    pltpu.sync_copy(attn_hbm.at[pl.ds(tbase, TAIL)], attn_t)
    trows = rows_refs[0].at[pl.ds(0, TAIL)]
    pltpu.sync_copy(hidden_hbm.at[sidx_t], trows)

    @pl.loop(0, TAIL)
    def _(e):
        a = plsc.load_gather(attn_t, [jnp.full((LANES,), e, jnp.int32)])
        for g in range(D // LANES):
            sl = pl.ds(g * LANES, LANES)
            rows_refs[0][e, sl] = rows_refs[0][e, sl] * a

    pltpu.sync_copy(trows, acc_ref.at[didx_t], add=True)

    plsc.subcore_barrier()
    pltpu.sync_copy(acc_ref.at[pl.ds(row0, ROWS_PER_TILE)],
                    out_hbm.at[c, pl.ds(row0, ROWS_PER_TILE)])


def _final_body(part_ref, w_ref, b_ref, out_ref):
    h = part_ref[0, :N_DST, :] + part_ref[1, :N_DST, :]
    rst = jax.lax.dot_general(
        h, w_ref[...],
        dimension_numbers=(((1,), (1,)), ((), ())),
        precision=lax.Precision.HIGHEST,
        preferred_element_type=jnp.float32)
    out_ref[...] = rst + b_ref[...][None, :]


@jax.jit
def kernel(hidden_feat, node_feat_src, node_feat_dst, sample_weights, q_probs,
           W_neigh, b_neigh, edge_index, deg_src, deg_dst):
    tabs = pl.pallas_call(
        _tables_body,
        out_shape=jax.ShapeDtypeStruct((4 * N_SRC,), jnp.float32),
    )(node_feat_src, node_feat_dst, sample_weights, q_probs, deg_src, deg_dst)

    eidx = edge_index.reshape(2 * E_EDGES)
    zeros_rows = jnp.zeros((ROWS_PER_TILE, D), jnp.float32)

    mesh = plsc.VectorSubcoreMesh(core_axis_name="c", subcore_axis_name="s")
    sc_params = pltpu.CompilerParams()
    if "needs_layout_passes" in pltpu.CompilerParams.__dataclass_fields__:
        sc_params = dataclasses.replace(sc_params, needs_layout_passes=False)

    attn_kernel = functools.partial(
        pl.kernel,
        compiler_params=sc_params,
        out_type=jax.ShapeDtypeStruct((E_EDGES,), jnp.float32),
        mesh=mesh,
        scratch_types=[
            pltpu.VMEM((N_SRC,), jnp.float32),
            pltpu.VMEM((N_SRC,), jnp.float32),
            pltpu.VMEM((N_DST,), jnp.float32),
            pltpu.VMEM((N_DST,), jnp.float32),
            pltpu.VMEM((EDGES_PER_TILE,), jnp.int32),
            pltpu.VMEM((EDGES_PER_TILE,), jnp.int32),
            pltpu.VMEM((EDGES_PER_TILE,), jnp.float32),
            pltpu.SemaphoreType.DMA,
        ],
    )(_attn_kernel_body)
    attn_all = attn_kernel(eidx, tabs)

    agg_kernel = functools.partial(
        pl.kernel,
        compiler_params=sc_params,
        out_type=jax.ShapeDtypeStruct((NUM_CORES, N_PAD, D), jnp.float32),
        mesh=mesh,
        scratch_types=[
            [pltpu.VMEM((CHUNK,), jnp.int32) for _ in range(NBUF)],
            [pltpu.VMEM((CHUNK,), jnp.int32) for _ in range(NBUF)],
            [pltpu.VMEM((CHUNK,), jnp.float32) for _ in range(NBUF)],
            [pltpu.VMEM((CHUNK, D), jnp.float32) for _ in range(NBUF)],
            pltpu.VMEM((TAIL,), jnp.int32),
            pltpu.VMEM((TAIL,), jnp.int32),
            pltpu.VMEM((TAIL,), jnp.float32),
            [pltpu.SemaphoreType.DMA for _ in range(NBUF)],
            [pltpu.SemaphoreType.DMA for _ in range(NBUF)],
            [pltpu.SemaphoreType.DMA for _ in range(NBUF)],
            pltpu.SemaphoreType.DMA,
            pltpu.VMEM_SHARED((N_PAD, D), jnp.float32),
        ],
    )(_agg_kernel_body)
    partials = agg_kernel(eidx, hidden_feat, attn_all, zeros_rows)

    rst = pl.pallas_call(
        _final_body,
        out_shape=jax.ShapeDtypeStruct((N_DST, OUT), jnp.float32),
    )(partials, W_neigh, b_neigh)
    return rst

# --- scband reference (transcript-rebuilt; emitter-appended) ---
"""Pipeline reference for scband-sageconv2-76218489635041 (READ-ONLY COPY).

The authoritative reference and input builder live on the scoring server;
editing this copy changes nothing except your own understanding.
"""

import jax, jax.numpy as jnp
import numpy as np

N_SRC = 10000
N_DST = 10000
E = 320000
D = 128
OUT = 128


def setup_inputs(seed: int = 0) -> dict:
    key = jax.random.key(seed)
    ks = jax.random.split(key, 10)
    hidden_feat = jax.random.normal(ks[0], (N_SRC, D), dtype=jnp.float32)
    node_feat_src = jax.random.normal(ks[1], (N_SRC, D), dtype=jnp.float32)
    node_feat_dst = jax.random.normal(ks[2], (N_DST, D), dtype=jnp.float32)
    sample_weights = jax.random.normal(ks[3], (D, 2), dtype=jnp.float32)
    # q_probs are sampling probabilities; keep bounded away from 0 to avoid blowup
    q_probs = jax.random.uniform(ks[4], (N_SRC,), dtype=jnp.float32, minval=0.1, maxval=1.0)
    deg_src = jax.random.randint(ks[5], (N_SRC,), 0, 64, dtype=jnp.int32)
    deg_dst = jax.random.randint(ks[6], (N_DST,), 0, 64, dtype=jnp.int32)
    edge_index = jax.random.randint(ks[7], (2, E), 0, N_SRC, dtype=jnp.int32)
    # fc_neigh: xavier_uniform with relu gain, torch Linear layout [out, in]
    gain = float(np.sqrt(2.0))
    bound_w = gain * float(np.sqrt(6.0 / (D + OUT)))
    W_neigh = jax.random.uniform(ks[8], (OUT, D), dtype=jnp.float32, minval=-bound_w, maxval=bound_w)
    bound_b = 1.0 / float(np.sqrt(D))
    b_neigh = jax.random.uniform(ks[9], (OUT,), dtype=jnp.float32, minval=-bound_b, maxval=bound_b)
    return {
        'hidden_feat': hidden_feat,
        'node_feat_src': node_feat_src,
        'node_feat_dst': node_feat_dst,
        'sample_weights': sample_weights,
        'q_probs': q_probs,
        'W_neigh': W_neigh,
        'b_neigh': b_neigh,
        'edge_index': edge_index,
        'deg_src': deg_src,
        'deg_dst': deg_dst,
    }


def reference(hidden_feat, node_feat_src, node_feat_dst, sample_weights, q_probs,
              W_neigh, b_neigh, edge_index, deg_src, deg_dst):
    # norm_deg = 1/sqrt(in_degree + 1) for src layer and dst layer
    norm_src = 1.0 / jnp.sqrt(deg_src.astype(jnp.float32) + 1.0)
    norm_dst = 1.0 / jnp.sqrt(deg_dst.astype(jnp.float32) + 1.0)
    # per-node projections hu, hv (send_func: matmul against sample_weights columns)
    hu = node_feat_src @ sample_weights[:, 0]  # [N_SRC]
    hv = node_feat_dst @ sample_weights[:, 1]  # [N_DST]
    src = edge_index[0]
    dst = edge_index[1]
    n_edges = edge_index.shape[1]
    # send_func: attention per edge
    attn = (norm_src[src] * norm_dst[dst]
            * (jax.nn.relu(hu[src] + hv[dst]) + 0.1)
            / q_probs[src] / n_edges)  # [E]
    msgs = hidden_feat[src] * attn[:, None]  # [E, D]  (gather + scale)
    # recv_func: sum over mailbox == segment-sum over dst
    h_neigh = jax.ops.segment_sum(msgs, dst, num_segments=N_DST)  # [N_DST, D]
    # fc_neigh (Linear): h @ W.T + b; activation=None, norm=None
    rst = h_neigh @ W_neigh.T + b_neigh
    return rst

if __name__ == "__main__":
    import jax
    _d = setup_inputs()
    print(jax.jit(kernel)(*tuple(_d.values())))

</pallas_src>

<mosaic_0001>
#map = affine_map<(d0, d1) -> (0)>
module attributes {stable_mosaic.version = 14 : i64} {
  func.func @_attn_kernel_body(%arg0: i32, %arg1: i32, %arg2: memref<640000xi32, #tpu.memory_space<hbm>>, %arg3: memref<40000xf32, #tpu.memory_space<hbm>>, %arg4: memref<320000xf32, #tpu.memory_space<hbm>>, %arg5: memref<10000xf32, #tpu.memory_space<vmem>>, %arg6: memref<10000xf32, #tpu.memory_space<vmem>>, %arg7: memref<10000xf32, #tpu.memory_space<vmem>>, %arg8: memref<10000xf32, #tpu.memory_space<vmem>>, %arg9: memref<10000xi32, #tpu.memory_space<vmem>>, %arg10: memref<10000xi32, #tpu.memory_space<vmem>>, %arg11: memref<10000xf32, #tpu.memory_space<vmem>>, %arg12: memref<!tpu.dma_semaphore, #tpu.memory_space<semaphore_mem>>) attributes {dimension_semantics = [#tpu.dimension_semantics<core_parallel>, #tpu.dimension_semantics<subcore_parallel>], iteration_bounds = array<i64: 2, 16>, scalar_prefetch = 0 : i64, scratch_operands = 8 : i64, tpu.core_type = #tpu.core_type<sc_vector_subcore>, window_params = [{transform_indices = #map}, {transform_indices = #map}, {transform_indices = #map}]} {
    %mul3A = arith.constant 16 : i32
    %mul3A_0 = arith.muli %arg0, %mul3A : i32
    %add3A = arith.addi %mul3A_0, %arg1 : i32
    %mul3A_1 = arith.constant 10000 : i32
    %mul3A_2 = arith.muli %add3A, %mul3A_1 : i32
    %add3A_3 = arith.constant 320000 : i32
    %add3A_4 = arith.addi %add3A_3, %mul3A_2 : i32
    %dma_start3A = arith.constant 0 : i32
    %dma_start3A_5 = tpu.memref_slice %arg3[%dma_start3A] : memref<40000xf32, #tpu.memory_space<hbm>> -> memref<10000xf32, #tpu.memory_space<hbm>>
    %dma_start3A_6 = arith.constant 0 : i32
    %dma_start3A_7 = tpu.memref_slice %arg3[%dma_start3A_6] : memref<40000xf32, #tpu.memory_space<hbm>> -> memref<10000xf32, #tpu.memory_space<hbm>>
    tpu.enqueue_dma source(%dma_start3A_7 : memref<10000xf32, #tpu.memory_space<hbm>>) target(%arg5 : memref<10000xf32, #tpu.memory_space<vmem>>) target_semaphore(%arg12 : memref<!tpu.dma_semaphore, #tpu.memory_space<semaphore_mem>>)
    %dma_start3A_8 = arith.constant 10000 : i32
    %dma_start3A_9 = tpu.memref_slice %arg3[%dma_start3A_8] : memref<40000xf32, #tpu.memory_space<hbm>> -> memref<10000xf32, #tpu.memory_space<hbm>>
    %dma_start3A_10 = arith.constant 10000 : i32
    %dma_start3A_11 = tpu.memref_slice %arg3[%dma_start3A_10] : memref<40000xf32, #tpu.memory_space<hbm>> -> memref<10000xf32, #tpu.memory_space<hbm>>
    tpu.enqueue_dma source(%dma_start3A_11 : memref<10000xf32, #tpu.memory_space<hbm>>) target(%arg6 : memref<10000xf32, #tpu.memory_space<vmem>>) target_semaphore(%arg12 : memref<!tpu.dma_semaphore, #tpu.memory_space<semaphore_mem>>)
    %dma_start3A_12 = arith.constant 20000 : i32
    %dma_start3A_13 = tpu.memref_slice %arg3[%dma_start3A_12] : memref<40000xf32, #tpu.memory_space<hbm>> -> memref<10000xf32, #tpu.memory_space<hbm>>
    %dma_start3A_14 = arith.constant 20000 : i32
    %dma_start3A_15 = tpu.memref_slice %arg3[%dma_start3A_14] : memref<40000xf32, #tpu.memory_space<hbm>> -> memref<10000xf32, #tpu.memory_space<hbm>>
    tpu.enqueue_dma source(%dma_start3A_15 : memref<10000xf32, #tpu.memory_space<hbm>>) target(%arg7 : memref<10000xf32, #tpu.memory_space<vmem>>) target_semaphore(%arg12 : memref<!tpu.dma_semaphore, #tpu.memory_space<semaphore_mem>>)
    %dma_start3A_16 = arith.constant 30000 : i32
    %dma_start3A_17 = tpu.memref_slice %arg3[%dma_start3A_16] : memref<40000xf32, #tpu.memory_space<hbm>> -> memref<10000xf32, #tpu.memory_space<hbm>>
    %dma_start3A_18 = arith.constant 30000 : i32
    %dma_start3A_19 = tpu.memref_slice %arg3[%dma_start3A_18] : memref<40000xf32, #tpu.memory_space<hbm>> -> memref<10000xf32, #tpu.memory_space<hbm>>
    tpu.enqueue_dma source(%dma_start3A_19 : memref<10000xf32, #tpu.memory_space<hbm>>) target(%arg8 : memref<10000xf32, #tpu.memory_space<vmem>>) target_semaphore(%arg12 : memref<!tpu.dma_semaphore, #tpu.memory_space<semaphore_mem>>)
    %dma_start3A_20 = tpu.memref_slice %arg2[%mul3A_2] : memref<640000xi32, #tpu.memory_space<hbm>> -> memref<10000xi32, #tpu.memory_space<hbm>>
    %dma_start3A_21 = tpu.memref_slice %arg2[%mul3A_2] : memref<640000xi32, #tpu.memory_space<hbm>> -> memref<10000xi32, #tpu.memory_space<hbm>>
    tpu.enqueue_dma source(%dma_start3A_21 : memref<10000xi32, #tpu.memory_space<hbm>>) target(%arg9 : memref<10000xi32, #tpu.memory_space<vmem>>) target_semaphore(%arg12 : memref<!tpu.dma_semaphore, #tpu.memory_space<semaphore_mem>>)
    %dma_start3A_22 = tpu.memref_slice %arg2[%add3A_4] : memref<640000xi32, #tpu.memory_space<hbm>> -> memref<10000xi32, #tpu.memory_space<hbm>>
    %dma_start3A_23 = tpu.memref_slice %arg2[%add3A_4] : memref<640000xi32, #tpu.memory_space<hbm>> -> memref<10000xi32, #tpu.memory_space<hbm>>
    tpu.enqueue_dma source(%dma_start3A_23 : memref<10000xi32, #tpu.memory_space<hbm>>) target(%arg10 : memref<10000xi32, #tpu.memory_space<vmem>>) target_semaphore(%arg12 : memref<!tpu.dma_semaphore, #tpu.memory_space<semaphore_mem>>)
    %dma_wait3A = arith.constant 0 : i32
    %dma_wait3A_24 = tpu.memref_slice %arg3[%dma_wait3A] : memref<40000xf32, #tpu.memory_space<hbm>> -> memref<10000xf32, #tpu.memory_space<hbm>>
    %dma_wait3A_25 = arith.constant 0 : i32
    %dma_wait3A_26 = tpu.memref_slice %arg3[%dma_wait3A_25] : memref<40000xf32, #tpu.memory_space<hbm>> -> memref<10000xf32, #tpu.memory_space<hbm>>
    tpu.wait_dma2 semaphore(%arg12 : memref<!tpu.dma_semaphore, #tpu.memory_space<semaphore_mem>>) src(%dma_wait3A_26 : memref<10000xf32, #tpu.memory_space<hbm>>) dst(%arg5 : memref<10000xf32, #tpu.memory_space<vmem>>)
    %dma_wait3A_27 = arith.constant 10000 : i32
    %dma_wait3A_28 = tpu.memref_slice %arg3[%dma_wait3A_27] : memref<40000xf32, #tpu.memory_space<hbm>> -> memref<10000xf32, #tpu.memory_space<hbm>>
    %dma_wait3A_29 = arith.constant 10000 : i32
    %dma_wait3A_30 = tpu.memref_slice %arg3[%dma_wait3A_29] : memref<40000xf32, #tpu.memory_space<hbm>> -> memref<10000xf32, #tpu.memory_space<hbm>>
    tpu.wait_dma2 semaphore(%arg12 : memref<!tpu.dma_semaphore, #tpu.memory_space<semaphore_mem>>) src(%dma_wait3A_30 : memref<10000xf32, #tpu.memory_space<hbm>>) dst(%arg6 : memref<10000xf32, #tpu.memory_space<vmem>>)
    %dma_wait3A_31 = arith.constant 20000 : i32
    %dma_wait3A_32 = tpu.memref_slice %arg3[%dma_wait3A_31] : memref<40000xf32, #tpu.memory_space<hbm>> -> memref<10000xf32, #tpu.memory_space<hbm>>
    %dma_wait3A_33 = arith.constant 20000 : i32
    %dma_wait3A_34 = tpu.memref_slice %arg3[%dma_wait3A_33] : memref<40000xf32, #tpu.memory_space<hbm>> -> memref<10000xf32, #tpu.memory_space<hbm>>
    tpu.wait_dma2 semaphore(%arg12 : memref<!tpu.dma_semaphore, #tpu.memory_space<semaphore_mem>>) src(%dma_wait3A_34 : memref<10000xf32, #tpu.memory_space<hbm>>) dst(%arg7 : memref<10000xf32, #tpu.memory_space<vmem>>)
    %dma_wait3A_35 = arith.constant 30000 : i32
    %dma_wait3A_36 = tpu.memref_slice %arg3[%dma_wait3A_35] : memref<40000xf32, #tpu.memory_space<hbm>> -> memref<10000xf32, #tpu.memory_space<hbm>>
    %dma_wait3A_37 = arith.constant 30000 : i32
    %dma_wait3A_38 = tpu.memref_slice %arg3[%dma_wait3A_37] : memref<40000xf32, #tpu.memory_space<hbm>> -> memref<10000xf32, #tpu.memory_space<hbm>>
    tpu.wait_dma2 semaphore(%arg12 : memref<!tpu.dma_semaphore, #tpu.memory_space<semaphore_mem>>) src(%dma_wait3A_38 : memref<10000xf32, #tpu.memory_space<hbm>>) dst(%arg8 : memref<10000xf32, #tpu.memory_space<vmem>>)
    %dma_wait3A_39 = tpu.memref_slice %arg2[%mul3A_2] : memref<640000xi32, #tpu.memory_space<hbm>> -> memref<10000xi32, #tpu.memory_space<hbm>>
    %dma_wait3A_40 = tpu.memref_slice %arg2[%mul3A_2] : memref<640000xi32, #tpu.memory_space<hbm>> -> memref<10000xi32, #tpu.memory_space<hbm>>
    tpu.wait_dma2 semaphore(%arg12 : memref<!tpu.dma_semaphore, #tpu.memory_space<semaphore_mem>>) src(%dma_wait3A_40 : memref<10000xi32, #tpu.memory_space<hbm>>) dst(%arg9 : memref<10000xi32, #tpu.memory_space<vmem>>)
    %dma_wait3A_41 = tpu.memref_slice %arg2[%add3A_4] : memref<640000xi32, #tpu.memory_space<hbm>> -> memref<10000xi32, #tpu.memory_space<hbm>>
    %dma_wait3A_42 = tpu.memref_slice %arg2[%add3A_4] : memref<640000xi32, #tpu.memory_space<hbm>> -> memref<10000xi32, #tpu.memory_space<hbm>>
    tpu.wait_dma2 semaphore(%arg12 : memref<!tpu.dma_semaphore, #tpu.memory_space<semaphore_mem>>) src(%dma_wait3A_42 : memref<10000xi32, #tpu.memory_space<hbm>>) dst(%arg10 : memref<10000xi32, #tpu.memory_space<vmem>>)
    %scan3A = arith.constant 0 : i32
    %scan3A_43 = arith.constant 125 : i32
    %scan3A_44 = arith.addi %scan3A, %scan3A_43 : i32
    %scan3A_45 = arith.constant 1 : i32
    scf.for %scan3A_47 = %scan3A to %scan3A_44 step %scan3A_45  : i32 {
      %mul3A_48 = arith.constant 5 : i32
      %mul3A_49 = arith.muli %scan3A_47, %mul3A_48 : i32
      %add3A_50 = arith.constant 0 : i32
      %add3A_51 = arith.addi %add3A_50, %mul3A_49 : i32
      %add3A_52 = arith.constant 0 : i32
      %add3A_53 = arith.addi %add3A_51, %add3A_52 : i32
      %mul3A_54 = arith.constant 16 : i32
      %mul3A_55 = arith.muli %add3A_53, %mul3A_54 : i32
      %get3A = arith.index_cast %mul3A_55 : i32 to index
      %get3A_56 = tpu.vector_load %arg9[%get3A] {strides = array<i32>} : memref<10000xi32, #tpu.memory_space<vmem>>, vector<16xi32>,
      %get3A_57 = arith.index_cast %mul3A_55 : i32 to index
      %get3A_58 = tpu.vector_load %arg10[%get3A_57] {strides = array<i32>} : memref<10000xi32, #tpu.memory_space<vmem>>, vector<16xi32>,
      %gather3A = tpu.vector_load_idx %arg5[%get3A_56] : memref<10000xf32, #tpu.memory_space<vmem>>[vector<16xi32>], vector<16xf32>,
      %gather3A_59 = tpu.vector_load_idx %arg6[%get3A_56] : memref<10000xf32, #tpu.memory_space<vmem>>[vector<16xi32>], vector<16xf32>,
      %gather3A_60 = tpu.vector_load_idx %arg7[%get3A_58] : memref<10000xf32, #tpu.memory_space<vmem>>[vector<16xi32>], vector<16xf32>,
      %gather3A_61 = tpu.vector_load_idx %arg8[%get3A_58] : memref<10000xf32, #tpu.memory_space<vmem>>[vector<16xi32>], vector<16xf32>,
      %mul3A_62 = arith.mulf %gather3A, %gather3A_60 : vector<16xf32>
      %add3A_63 = arith.addf %gather3A_59, %gather3A_61 : vector<16xf32>
      %max3A = arith.constant 0.000000e+00 : f32
      %max3A_64 = vector.broadcast %max3A : f32 to vector<16xf32>
      %max3A_65 = arith.maximumf %add3A_63, %max3A_64 : vector<16xf32>
      %add3A_66 = arith.constant 1.000000e-01 : f32
      %add3A_67 = vector.broadcast %add3A_66 : f32 to vector<16xf32>
      %add3A_68 = arith.addf %max3A_65, %add3A_67 : vector<16xf32>
      %mul3A_69 = arith.mulf %mul3A_62, %add3A_68 : vector<16xf32>
      %swap3A = arith.index_cast %mul3A_55 : i32 to index
      %swap3A_70 = tpu.vector_load %arg11[%swap3A] {strides = array<i32>} : memref<10000xf32, #tpu.memory_space<vmem>>, vector<16xf32>,
      tpu.vector_store %arg11[%swap3A], %mul3A_69 {strides = array<i32>} : memref<10000xf32, #tpu.memory_space<vmem>>, vector<16xf32>,
      %add3A_71 = arith.constant 1 : i32
      %add3A_72 = arith.addi %add3A_51, %add3A_71 : i32
      %mul3A_73 = arith.constant 16 : i32
      %mul3A_74 = arith.muli %add3A_72, %mul3A_73 : i32
      %get3A_75 = arith.index_cast %mul3A_74 : i32 to index
      %get3A_76 = tpu.vector_load %arg9[%get3A_75] {strides = array<i32>} : memref<10000xi32, #tpu.memory_space<vmem>>, vector<16xi32>,
      %get3A_77 = arith.index_cast %mul3A_74 : i32 to index
      %get3A_78 = tpu.vector_load %arg10[%get3A_77] {strides = array<i32>} : memref<10000xi32, #tpu.memory_space<vmem>>, vector<16xi32>,
      %gather3A_79 = tpu.vector_load_idx %arg5[%get3A_76] : memref<10000xf32, #tpu.memory_space<vmem>>[vector<16xi32>], vector<16xf32>,
      %gather3A_80 = tpu.vector_load_idx %arg6[%get3A_76] : memref<10000xf32, #tpu.memory_space<vmem>>[vector<16xi32>], vector<16xf32>,
      %gather3A_81 = tpu.vector_load_idx %arg7[%get3A_78] : memref<10000xf32, #tpu.memory_space<vmem>>[vector<16xi32>], vector<16xf32>,
      %gather3A_82 = tpu.vector_load_idx %arg8[%get3A_78] : memref<10000xf32, #tpu.memory_space<vmem>>[vector<16xi32>], vector<16xf32>,
      %mul3A_83 = arith.mulf %gather3A_79, %gather3A_81 : vector<16xf32>
      %add3A_84 = arith.addf %gather3A_80, %gather3A_82 : vector<16xf32>
      %max3A_85 = arith.constant 0.000000e+00 : f32
      %max3A_86 = vector.broadcast %max3A_85 : f32 to vector<16xf32>
      %max3A_87 = arith.maximumf %add3A_84, %max3A_86 : vector<16xf32>
      %add3A_88 = arith.constant 1.000000e-01 : f32
      %add3A_89 = vector.broadcast %add3A_88 : f32 to vector<16xf32>
      %add3A_90 = arith.addf %max3A_87, %add3A_89 : vector<16xf32>
      %mul3A_91 = arith.mulf %mul3A_83, %add3A_90 : vector<16xf32>
      %swap3A_92 = arith.index_cast %mul3A_74 : i32 to index
      %swap3A_93 = tpu.vector_load %arg11[%swap3A_92] {strides = array<i32>} : memref<10000xf32, #tpu.memory_space<vmem>>, vector<16xf32>,
      tpu.vector_store %arg11[%swap3A_92], %mul3A_91 {strides = array<i32>} : memref<10000xf32, #tpu.memory_space<vmem>>, vector<16xf32>,
      %add3A_94 = arith.constant 2 : i32
      %add3A_95 = arith.addi %add3A_51, %add3A_94 : i32
      %mul3A_96 = arith.constant 16 : i32
      %mul3A_97 = arith.muli %add3A_95, %mul3A_96 : i32
      %get3A_98 = arith.index_cast %mul3A_97 : i32 to index
      %get3A_99 = tpu.vector_load %arg9[%get3A_98] {strides = array<i32>} : memref<10000xi32, #tpu.memory_space<vmem>>, vector<16xi32>,
      %get3A_100 = arith.index_cast %mul3A_97 : i32 to index
      %get3A_101 = tpu.vector_load %arg10[%get3A_100] {strides = array<i32>} : memref<10000xi32, #tpu.memory_space<vmem>>, vector<16xi32>,
      %gather3A_102 = tpu.vector_load_idx %arg5[%get3A_99] : memref<10000xf32, #tpu.memory_space<vmem>>[vector<16xi32>], vector<16xf32>,
      %gather3A_103 = tpu.vector_load_idx %arg6[%get3A_99] : memref<10000xf32, #tpu.memory_space<vmem>>[vector<16xi32>], vector<16xf32>,
      %gather3A_104 = tpu.vector_load_idx %arg7[%get3A_101] : memref<10000xf32, #tpu.memory_space<vmem>>[vector<16xi32>], vector<16xf32>,
      %gather3A_105 = tpu.vector_load_idx %arg8[%get3A_101] : memref<10000xf32, #tpu.memory_space<vmem>>[vector<16xi32>], vector<16xf32>,
      %mul3A_106 = arith.mulf %gather3A_102, %gather3A_104 : vector<16xf32>
      %add3A_107 = arith.addf %gather3A_103, %gather3A_105 : vector<16xf32>
      %max3A_108 = arith.constant 0.000000e+00 : f32
      %max3A_109 = vector.broadcast %max3A_108 : f32 to vector<16xf32>
      %max3A_110 = arith.maximumf %add3A_107, %max3A_109 : vector<16xf32>
      %add3A_111 = arith.constant 1.000000e-01 : f32
      %add3A_112 = vector.broadcast %add3A_111 : f32 to vector<16xf32>
      %add3A_113 = arith.addf %max3A_110, %add3A_112 : vector<16xf32>
      %mul3A_114 = arith.mulf %mul3A_106, %add3A_113 : vector<16xf32>
      %swap3A_115 = arith.index_cast %mul3A_97 : i32 to index
      %swap3A_116 = tpu.vector_load %arg11[%swap3A_115] {strides = array<i32>} : memref<10000xf32, #tpu.memory_space<vmem>>, vector<16xf32>,
      tpu.vector_store %arg11[%swap3A_115], %mul3A_114 {strides = array<i32>} : memref<10000xf32, #tpu.memory_space<vmem>>, vector<16xf32>,
      %add3A_117 = arith.constant 3 : i32
      %add3A_118 = arith.addi %add3A_51, %add3A_117 : i32
      %mul3A_119 = arith.constant 16 : i32
      %mul3A_120 = arith.muli %add3A_118, %mul3A_119 : i32
      %get3A_121 = arith.index_cast %mul3A_120 : i32 to index
      %get3A_122 = tpu.vector_load %arg9[%get3A_121] {strides = array<i32>} : memref<10000xi32, #tpu.memory_space<vmem>>, vector<16xi32>,
      %get3A_123 = arith.index_cast %mul3A_120 : i32 to index
      %get3A_124 = tpu.vector_load %arg10[%get3A_123] {strides = array<i32>} : memref<10000xi32, #tpu.memory_space<vmem>>, vector<16xi32>,
      %gather3A_125 = tpu.vector_load_idx %arg5[%get3A_122] : memref<10000xf32, #tpu.memory_space<vmem>>[vector<16xi32>], vector<16xf32>,
      %gather3A_126 = tpu.vector_load_idx %arg6[%get3A_122] : memref<10000xf32, #tpu.memory_space<vmem>>[vector<16xi32>], vector<16xf32>,
      %gather3A_127 = tpu.vector_load_idx %arg7[%get3A_124] : memref<10000xf32, #tpu.memory_space<vmem>>[vector<16xi32>], vector<16xf32>,
      %gather3A_128 = tpu.vector_load_idx %arg8[%get3A_124] : memref<10000xf32, #tpu.memory_space<vmem>>[vector<16xi32>], vector<16xf32>,
      %mul3A_129 = arith.mulf %gather3A_125, %gather3A_127 : vector<16xf32>
      %add3A_130 = arith.addf %gather3A_126, %gather3A_128 : vector<16xf32>
      %max3A_131 = arith.constant 0.000000e+00 : f32
      %max3A_132 = vector.broadcast %max3A_131 : f32 to vector<16xf32>
      %max3A_133 = arith.maximumf %add3A_130, %max3A_132 : vector<16xf32>
      %add3A_134 = arith.constant 1.000000e-01 : f32
      %add3A_135 = vector.broadcast %add3A_134 : f32 to vector<16xf32>
      %add3A_136 = arith.addf %max3A_133, %add3A_135 : vector<16xf32>
      %mul3A_137 = arith.mulf %mul3A_129, %add3A_136 : vector<16xf32>
      %swap3A_138 = arith.index_cast %mul3A_120 : i32 to index
      %swap3A_139 = tpu.vector_load %arg11[%swap3A_138] {strides = array<i32>} : memref<10000xf32, #tpu.memory_space<vmem>>, vector<16xf32>,
      tpu.vector_store %arg11[%swap3A_138], %mul3A_137 {strides = array<i32>} : memref<10000xf32, #tpu.memory_space<vmem>>, vector<16xf32>,
      %add3A_140 = arith.constant 4 : i32
      %add3A_141 = arith.addi %add3A_51, %add3A_140 : i32
      %mul3A_142 = arith.constant 16 : i32
      %mul3A_143 = arith.muli %add3A_141, %mul3A_142 : i32
      %get3A_144 = arith.index_cast %mul3A_143 : i32 to index
      %get3A_145 = tpu.vector_load %arg9[%get3A_144] {strides = array<i32>} : memref<10000xi32, #tpu.memory_space<vmem>>, vector<16xi32>,
      %get3A_146 = arith.index_cast %mul3A_143 : i32 to index
      %get3A_147 = tpu.vector_load %arg10[%get3A_146] {strides = array<i32>} : memref<10000xi32, #tpu.memory_space<vmem>>, vector<16xi32>,
      %gather3A_148 = tpu.vector_load_idx %arg5[%get3A_145] : memref<10000xf32, #tpu.memory_space<vmem>>[vector<16xi32>], vector<16xf32>,
      %gather3A_149 = tpu.vector_load_idx %arg6[%get3A_145] : memref<10000xf32, #tpu.memory_space<vmem>>[vector<16xi32>], vector<16xf32>,
      %gather3A_150 = tpu.vector_load_idx %arg7[%get3A_147] : memref<10000xf32, #tpu.memory_space<vmem>>[vector<16xi32>], vector<16xf32>,
      %gather3A_151 = tpu.vector_load_idx %arg8[%get3A_147] : memref<10000xf32, #tpu.memory_space<vmem>>[vector<16xi32>], vector<16xf32>,
      %mul3A_152 = arith.mulf %gather3A_148, %gather3A_150 : vector<16xf32>
      %add3A_153 = arith.addf %gather3A_149, %gather3A_151 : vector<16xf32>
      %max3A_154 = arith.constant 0.000000e+00 : f32
      %max3A_155 = vector.broadcast %max3A_154 : f32 to vector<16xf32>
      %max3A_156 = arith.maximumf %add3A_153, %max3A_155 : vector<16xf32>
      %add3A_157 = arith.constant 1.000000e-01 : f32
      %add3A_158 = vector.broadcast %add3A_157 : f32 to vector<16xf32>
      %add3A_159 = arith.addf %max3A_156, %add3A_158 : vector<16xf32>
      %mul3A_160 = arith.mulf %mul3A_152, %add3A_159 : vector<16xf32>
      %swap3A_161 = arith.index_cast %mul3A_143 : i32 to index
      %swap3A_162 = tpu.vector_load %arg11[%swap3A_161] {strides = array<i32>} : memref<10000xf32, #tpu.memory_space<vmem>>, vector<16xf32>,
      tpu.vector_store %arg11[%swap3A_161], %mul3A_160 {strides = array<i32>} : memref<10000xf32, #tpu.memory_space<vmem>>, vector<16xf32>,
    }
    %scan3A_46 = arith.constant 125 : i32
    "tpu.region"() ({
      %run_scoped3A = tpu.sem_alloc : memref<!tpu.dma_semaphore, #tpu.memory_space<semaphore_mem>>
      %dma_start3A_47 = tpu.memref_slice %arg4[%mul3A_2] : memref<320000xf32, #tpu.memory_space<hbm>> -> memref<10000xf32, #tpu.memory_space<hbm>>
      %dma_start3A_48 = tpu.memref_slice %arg4[%mul3A_2] : memref<320000xf32, #tpu.memory_space<hbm>> -> memref<10000xf32, #tpu.memory_space<hbm>>
      tpu.enqueue_dma source(%arg11 : memref<10000xf32, #tpu.memory_space<vmem>>) target(%dma_start3A_48 : memref<10000xf32, #tpu.memory_space<hbm>>) target_semaphore(%run_scoped3A : memref<!tpu.dma_semaphore, #tpu.memory_space<semaphore_mem>>)
      %dma_wait3A_49 = tpu.memref_slice %arg4[%mul3A_2] : memref<320000xf32, #tpu.memory_space<hbm>> -> memref<10000xf32, #tpu.memory_space<hbm>>
      %dma_wait3A_50 = tpu.memref_slice %arg4[%mul3A_2] : memref<320000xf32, #tpu.memory_space<hbm>> -> memref<10000xf32, #tpu.memory_space<hbm>>
      tpu.wait_dma2 semaphore(%run_scoped3A : memref<!tpu.dma_semaphore, #tpu.memory_space<semaphore_mem>>) src(%arg11 : memref<10000xf32, #tpu.memory_space<vmem>>) dst(%dma_wait3A_50 : memref<10000xf32, #tpu.memory_space<hbm>>)
      tpu.yield
    }) : () -> ()
    return
  }
}

#map = affine_map<(d0, d1) -> (0)>
#map1 = affine_map<(d0, d1) -> (0, 0)>
#map2 = affine_map<(d0, d1) -> (0, 0, 0)>
module attributes {stable_mosaic.version = 14 : i64} {
  func.func @_agg_kernel_body(%arg0: i32, %arg1: i32, %arg2: memref<640000xi32, #tpu.memory_space<hbm>>, %arg3: memref<10000x128xf32, #tpu.memory_space<hbm>>, %arg4: memref<320000xf32, #tpu.memory_space<hbm>>, %arg5: memref<632x128xf32, #tpu.memory_space<hbm>>, %arg6: memref<2x10112x128xf32, #tpu.memory_space<hbm>>, %arg7: memref<120xi32, #tpu.memory_space<vmem>>, %arg8: memref<120xi32, #tpu.memory_space<vmem>>, %arg9: memref<120xi32, #tpu.memory_space<vmem>>, %arg10: memref<120xi32, #tpu.memory_space<vmem>>, %arg11: memref<120xi32, #tpu.memory_space<vmem>>, %arg12: memref<120xi32, #tpu.memory_space<vmem>>, %arg13: memref<120xf32, #tpu.memory_space<vmem>>, %arg14: memref<120xf32, #tpu.memory_space<vmem>>, %arg15: memref<120xf32, #tpu.memory_space<vmem>>, %arg16: memref<120x128xf32, #tpu.memory_space<vmem>>, %arg17: memref<120x128xf32, #tpu.memory_space<vmem>>, %arg18: memref<120x128xf32, #tpu.memory_space<vmem>>, %arg19: memref<40xi32, #tpu.memory_space<vmem>>, %arg20: memref<40xi32, #tpu.memory_space<vmem>>, %arg21: memref<40xf32, #tpu.memory_space<vmem>>, %arg22: memref<!tpu.dma_semaphore, #tpu.memory_space<semaphore_mem>>, %arg23: memref<!tpu.dma_semaphore, #tpu.memory_space<semaphore_mem>>, %arg24: memref<!tpu.dma_semaphore, #tpu.memory_space<semaphore_mem>>, %arg25: memref<!tpu.dma_semaphore, #tpu.memory_space<semaphore_mem>>, %arg26: memref<!tpu.dma_semaphore, #tpu.memory_space<semaphore_mem>>, %arg27: memref<!tpu.dma_semaphore, #tpu.memory_space<semaphore_mem>>, %arg28: memref<!tpu.dma_semaphore, #tpu.memory_space<semaphore_mem>>, %arg29: memref<!tpu.dma_semaphore, #tpu.memory_space<semaphore_mem>>, %arg30: memref<!tpu.dma_semaphore, #tpu.memory_space<semaphore_mem>>, %arg31: memref<!tpu.dma_semaphore, #tpu.memory_space<semaphore_mem>>, %arg32: memref<10112x128xf32, #tpu.memory_space<vmem_shared>>) attributes {dimension_semantics = [#tpu.dimension_semantics<core_parallel>, #tpu.dimension_semantics<subcore_parallel>], iteration_bounds = array<i64: 2, 16>, scalar_prefetch = 0 : i64, scratch_operands = 26 : i64, tpu.core_type = #tpu.core_type<sc_vector_subcore>, window_params = [{transform_indices = #map}, {transform_indices = #map1}, {transform_indices = #map}, {transform_indices = #map1}, {transform_indices = #map2}]} {
    %mul3A = arith.constant 16 : i32
    %mul3A_0 = arith.muli %arg0, %mul3A : i32
    %add3A = arith.addi %mul3A_0, %arg1 : i32
    %mul3A_1 = arith.constant 10000 : i32
    %mul3A_2 = arith.muli %add3A, %mul3A_1 : i32
    %mul3A_3 = arith.constant 632 : i32
    %mul3A_4 = arith.muli %arg1, %mul3A_3 : i32
    %dma_start3A = arith.constant 0 : i32
    %dma_start3A_5 = tpu.memref_slice %arg32[%mul3A_4, %dma_start3A] : memref<10112x128xf32, #tpu.memory_space<vmem_shared>> -> memref<632x128xf32, #tpu.memory_space<vmem_shared>>
    tpu.enqueue_dma source(%arg5 : memref<632x128xf32, #tpu.memory_space<hbm>>) target(%dma_start3A_5 : memref<632x128xf32, #tpu.memory_space<vmem_shared>>) target_semaphore(%arg31 : memref<!tpu.dma_semaphore, #tpu.memory_space<semaphore_mem>>)
    %add3A_6 = arith.constant 0 : i32
    %add3A_7 = arith.addi %mul3A_2, %add3A_6 : i32
    %dma_start3A_8 = tpu.memref_slice %arg2[%add3A_7] : memref<640000xi32, #tpu.memory_space<hbm>> -> memref<120xi32, #tpu.memory_space<hbm>>
    %dma_start3A_9 = tpu.memref_slice %arg2[%add3A_7] : memref<640000xi32, #tpu.memory_space<hbm>> -> memref<120xi32, #tpu.memory_space<hbm>>
    tpu.enqueue_dma source(%dma_start3A_9 : memref<120xi32, #tpu.memory_space<hbm>>) target(%arg7 : memref<120xi32, #tpu.memory_space<vmem>>) target_semaphore(%arg22 : memref<!tpu.dma_semaphore, #tpu.memory_space<semaphore_mem>>)
    %add3A_10 = arith.constant 320000 : i32
    %add3A_11 = arith.addi %add3A_10, %add3A_7 : i32
    %dma_start3A_12 = tpu.memref_slice %arg2[%add3A_11] : memref<640000xi32, #tpu.memory_space<hbm>> -> memref<120xi32, #tpu.memory_space<hbm>>
    %dma_start3A_13 = tpu.memref_slice %arg2[%add3A_11] : memref<640000xi32, #tpu.memory_space<hbm>> -> memref<120xi32, #tpu.memory_space<hbm>>
    tpu.enqueue_dma source(%dma_start3A_13 : memref<120xi32, #tpu.memory_space<hbm>>) target(%arg10 : memref<120xi32, #tpu.memory_space<vmem>>) target_semaphore(%arg22 : memref<!tpu.dma_semaphore, #tpu.memory_space<semaphore_mem>>)
    %dma_start3A_14 = tpu.memref_slice %arg4[%add3A_7] : memref<320000xf32, #tpu.memory_space<hbm>> -> memref<120xf32, #tpu.memory_space<hbm>>
    %dma_start3A_15 = tpu.memref_slice %arg4[%add3A_7] : memref<320000xf32, #tpu.memory_space<hbm>> -> memref<120xf32, #tpu.memory_space<hbm>>
    tpu.enqueue_dma source(%dma_start3A_15 : memref<120xf32, #tpu.memory_space<hbm>>) target(%arg13 : memref<120xf32, #tpu.memory_space<vmem>>) target_semaphore(%arg22 : memref<!tpu.dma_semaphore, #tpu.memory_space<semaphore_mem>>)
    %add3A_16 = arith.constant 120 : i32
    %add3A_17 = arith.addi %mul3A_2, %add3A_16 : i32
    %dma_start3A_18 = tpu.memref_slice %arg2[%add3A_17] : memref<640000xi32, #tpu.memory_space<hbm>> -> memref<120xi32, #tpu.memory_space<hbm>>
    %dma_start3A_19 = tpu.memref_slice %arg2[%add3A_17] : memref<640000xi32, #tpu.memory_space<hbm>> -> memref<120xi32, #tpu.memory_space<hbm>>
    tpu.enqueue_dma source(%dma_start3A_19 : memref<120xi32, #tpu.memory_space<hbm>>) target(%arg8 : memref<120xi32, #tpu.memory_space<vmem>>) target_semaphore(%arg23 : memref<!tpu.dma_semaphore, #tpu.memory_space<semaphore_mem>>)
    %add3A_20 = arith.constant 320000 : i32
    %add3A_21 = arith.addi %add3A_20, %add3A_17 : i32
    %dma_start3A_22 = tpu.memref_slice %arg2[%add3A_21] : memref<640000xi32, #tpu.memory_space<hbm>> -> memref<120xi32, #tpu.memory_space<hbm>>
    %dma_start3A_23 = tpu.memref_slice %arg2[%add3A_21] : memref<640000xi32, #tpu.memory_space<hbm>> -> memref<120xi32, #tpu.memory_space<hbm>>
    tpu.enqueue_dma source(%dma_start3A_23 : memref<120xi32, #tpu.memory_space<hbm>>) target(%arg11 : memref<120xi32, #tpu.memory_space<vmem>>) target_semaphore(%arg23 : memref<!tpu.dma_semaphore, #tpu.memory_space<semaphore_mem>>)
    %dma_start3A_24 = tpu.memref_slice %arg4[%add3A_17] : memref<320000xf32, #tpu.memory_space<hbm>> -> memref<120xf32, #tpu.memory_space<hbm>>
    %dma_start3A_25 = tpu.memref_slice %arg4[%add3A_17] : memref<320000xf32, #tpu.memory_space<hbm>> -> memref<120xf32, #tpu.memory_space<hbm>>
    tpu.enqueue_dma source(%dma_start3A_25 : memref<120xf32, #tpu.memory_space<hbm>>) target(%arg14 : memref<120xf32, #tpu.memory_space<vmem>>) target_semaphore(%arg23 : memref<!tpu.dma_semaphore, #tpu.memory_space<semaphore_mem>>)
    %add3A_26 = arith.constant 240 : i32
    %add3A_27 = arith.addi %mul3A_2, %add3A_26 : i32
    %dma_start3A_28 = tpu.memref_slice %arg2[%add3A_27] : memref<640000xi32, #tpu.memory_space<hbm>> -> memref<120xi32, #tpu.memory_space<hbm>>
    %dma_start3A_29 = tpu.memref_slice %arg2[%add3A_27] : memref<640000xi32, #tpu.memory_space<hbm>> -> memref<120xi32, #tpu.memory_space<hbm>>
    tpu.enqueue_dma source(%dma_start3A_29 : memref<120xi32, #tpu.memory_space<hbm>>) target(%arg9 : memref<120xi32, #tpu.memory_space<vmem>>) target_semaphore(%arg24 : memref<!tpu.dma_semaphore, #tpu.memory_space<semaphore_mem>>)
    %add3A_30 = arith.constant 320000 : i32
    %add3A_31 = arith.addi %add3A_30, %add3A_27 : i32
    %dma_start3A_32 = tpu.memref_slice %arg2[%add3A_31] : memref<640000xi32, #tpu.memory_space<hbm>> -> memref<120xi32, #tpu.memory_space<hbm>>
    %dma_start3A_33 = tpu.memref_slice %arg2[%add3A_31] : memref<640000xi32, #tpu.memory_space<hbm>> -> memref<120xi32, #tpu.memory_space<hbm>>
    tpu.enqueue_dma source(%dma_start3A_33 : memref<120xi32, #tpu.memory_space<hbm>>) target(%arg12 : memref<120xi32, #tpu.memory_space<vmem>>) target_semaphore(%arg24 : memref<!tpu.dma_semaphore, #tpu.memory_space<semaphore_mem>>)
    %dma_start3A_34 = tpu.memref_slice %arg4[%add3A_27] : memref<320000xf32, #tpu.memory_space<hbm>> -> memref<120xf32, #tpu.memory_space<hbm>>
    %dma_start3A_35 = tpu.memref_slice %arg4[%add3A_27] : memref<320000xf32, #tpu.memory_space<hbm>> -> memref<120xf32, #tpu.memory_space<hbm>>
    tpu.enqueue_dma source(%dma_start3A_35 : memref<120xf32, #tpu.memory_space<hbm>>) target(%arg15 : memref<120xf32, #tpu.memory_space<vmem>>) target_semaphore(%arg24 : memref<!tpu.dma_semaphore, #tpu.memory_space<semaphore_mem>>)
    %dma_wait3A = arith.constant 0 : i32
    %dma_wait3A_36 = tpu.memref_slice %arg2[%dma_wait3A] : memref<640000xi32, #tpu.memory_space<hbm>> -> memref<120xi32, #tpu.memory_space<hbm>>
    %dma_wait3A_37 = arith.constant 0 : i32
    %dma_wait3A_38 = tpu.memref_slice %arg2[%dma_wait3A_37] : memref<640000xi32, #tpu.memory_space<hbm>> -> memref<120xi32, #tpu.memory_space<hbm>>
    tpu.wait_dma2 semaphore(%arg22 : memref<!tpu.dma_semaphore, #tpu.memory_space<semaphore_mem>>) src(%dma_wait3A_38 : memref<120xi32, #tpu.memory_space<hbm>>) dst(%arg7 : memref<120xi32, #tpu.memory_space<vmem>>)
    %dma_wait3A_39 = arith.constant 0 : i32
    %dma_wait3A_40 = tpu.memref_slice %arg2[%dma_wait3A_39] : memref<640000xi32, #tpu.memory_space<hbm>> -> memref<120xi32, #tpu.memory_space<hbm>>
    %dma_wait3A_41 = arith.constant 0 : i32
    %dma_wait3A_42 = tpu.memref_slice %arg2[%dma_wait3A_41] : memref<640000xi32, #tpu.memory_space<hbm>> -> memref<120xi32, #tpu.memory_space<hbm>>
    tpu.wait_dma2 semaphore(%arg22 : memref<!tpu.dma_semaphore, #tpu.memory_space<semaphore_mem>>) src(%dma_wait3A_42 : memref<120xi32, #tpu.memory_space<hbm>>) dst(%arg10 : memref<120xi32, #tpu.memory_space<vmem>>)
    %dma_wait3A_43 = arith.constant 0 : i32
    %dma_wait3A_44 = tpu.memref_slice %arg4[%dma_wait3A_43] : memref<320000xf32, #tpu.memory_space<hbm>> -> memref<120xf32, #tpu.memory_space<hbm>>
    %dma_wait3A_45 = arith.constant 0 : i32
    %dma_wait3A_46 = tpu.memref_slice %arg4[%dma_wait3A_45] : memref<320000xf32, #tpu.memory_space<hbm>> -> memref<120xf32, #tpu.memory_space<hbm>>
    tpu.wait_dma2 semaphore(%arg22 : memref<!tpu.dma_semaphore, #tpu.memory_space<semaphore_mem>>) src(%dma_wait3A_46 : memref<120xf32, #tpu.memory_space<hbm>>) dst(%arg13 : memref<120xf32, #tpu.memory_space<vmem>>)
    %dma_start3A_47 = arith.constant 0 : i32
    %dma_start3A_48 = arith.constant 0 : i32
    %dma_start3A_49 = tpu.memref_slice %arg3[%dma_start3A_47, %dma_start3A_48] : memref<10000x128xf32, #tpu.memory_space<hbm>> -> memref<10000x128xf32, #tpu.memory_space<hbm>>
    tpu.enqueue_indirect_dma source(%dma_start3A_49 : memref<10000x128xf32, #tpu.memory_space<hbm>>) target(%arg16 : memref<120x128xf32, #tpu.memory_space<vmem>>) offsets(%arg7 : memref<120xi32, #tpu.memory_space<vmem>>) semaphore(%arg25 : memref<!tpu.dma_semaphore, #tpu.memory_space<semaphore_mem>>)
    %dma_wait3A_50 = arith.constant 0 : i32
    %dma_wait3A_51 = tpu.memref_slice %arg2[%dma_wait3A_50] : memref<640000xi32, #tpu.memory_space<hbm>> -> memref<120xi32, #tpu.memory_space<hbm>>
    %dma_wait3A_52 = arith.constant 0 : i32
    %dma_wait3A_53 = tpu.memref_slice %arg2[%dma_wait3A_52] : memref<640000xi32, #tpu.memory_space<hbm>> -> memref<120xi32, #tpu.memory_space<hbm>>
    tpu.wait_dma2 semaphore(%arg23 : memref<!tpu.dma_semaphore, #tpu.memory_space<semaphore_mem>>) src(%dma_wait3A_53 : memref<120xi32, #tpu.memory_space<hbm>>) dst(%arg8 : memref<120xi32, #tpu.memory_space<vmem>>)
    %dma_wait3A_54 = arith.constant 0 : i32
    %dma_wait3A_55 = tpu.memref_slice %arg2[%dma_wait3A_54] : memref<640000xi32, #tpu.memory_space<hbm>> -> memref<120xi32, #tpu.memory_space<hbm>>
    %dma_wait3A_56 = arith.constant 0 : i32
    %dma_wait3A_57 = tpu.memref_slice %arg2[%dma_wait3A_56] : memref<640000xi32, #tpu.memory_space<hbm>> -> memref<120xi32, #tpu.memory_space<hbm>>
    tpu.wait_dma2 semaphore(%arg23 : memref<!tpu.dma_semaphore, #tpu.memory_space<semaphore_mem>>) src(%dma_wait3A_57 : memref<120xi32, #tpu.memory_space<hbm>>) dst(%arg11 : memref<120xi32, #tpu.memory_space<vmem>>)
    %dma_wait3A_58 = arith.constant 0 : i32
    %dma_wait3A_59 = tpu.memref_slice %arg4[%dma_wait3A_58] : memref<320000xf32, #tpu.memory_space<hbm>> -> memref<120xf32, #tpu.memory_space<hbm>>
    %dma_wait3A_60 = arith.constant 0 : i32
    %dma_wait3A_61 = tpu.memref_slice %arg4[%dma_wait3A_60] : memref<320000xf32, #tpu.memory_space<hbm>> -> memref<120xf32, #tpu.memory_space<hbm>>
    tpu.wait_dma2 semaphore(%arg23 : memref<!tpu.dma_semaphore, #tpu.memory_space<semaphore_mem>>) src(%dma_wait3A_61 : memref<120xf32, #tpu.memory_space<hbm>>) dst(%arg14 : memref<120xf32, #tpu.memory_space<vmem>>)
    %dma_start3A_62 = arith.constant 0 : i32
    %dma_start3A_63 = arith.constant 0 : i32
    %dma_start3A_64 = tpu.memref_slice %arg3[%dma_start3A_62, %dma_start3A_63] : memref<10000x128xf32, #tpu.memory_space<hbm>> -> memref<10000x128xf32, #tpu.memory_space<hbm>>
    tpu.enqueue_indirect_dma source(%dma_start3A_64 : memref<10000x128xf32, #tpu.memory_space<hbm>>) target(%arg17 : memref<120x128xf32, #tpu.memory_space<vmem>>) offsets(%arg8 : memref<120xi32, #tpu.memory_space<vmem>>) semaphore(%arg26 : memref<!tpu.dma_semaphore, #tpu.memory_space<semaphore_mem>>)
    %dma_wait3A_65 = arith.constant 0 : i32
    %dma_wait3A_66 = tpu.memref_slice %arg2[%dma_wait3A_65] : memref<640000xi32, #tpu.memory_space<hbm>> -> memref<120xi32, #tpu.memory_space<hbm>>
    %dma_wait3A_67 = arith.constant 0 : i32
    %dma_wait3A_68 = tpu.memref_slice %arg2[%dma_wait3A_67] : memref<640000xi32, #tpu.memory_space<hbm>> -> memref<120xi32, #tpu.memory_space<hbm>>
    tpu.wait_dma2 semaphore(%arg24 : memref<!tpu.dma_semaphore, #tpu.memory_space<semaphore_mem>>) src(%dma_wait3A_68 : memref<120xi32, #tpu.memory_space<hbm>>) dst(%arg9 : memref<120xi32, #tpu.memory_space<vmem>>)
    %dma_wait3A_69 = arith.constant 0 : i32
    %dma_wait3A_70 = tpu.memref_slice %arg2[%dma_wait3A_69] : memref<640000xi32, #tpu.memory_space<hbm>> -> memref<120xi32, #tpu.memory_space<hbm>>
    %dma_wait3A_71 = arith.constant 0 : i32
    %dma_wait3A_72 = tpu.memref_slice %arg2[%dma_wait3A_71] : memref<640000xi32, #tpu.memory_space<hbm>> -> memref<120xi32, #tpu.memory_space<hbm>>
    tpu.wait_dma2 semaphore(%arg24 : memref<!tpu.dma_semaphore, #tpu.memory_space<semaphore_mem>>) src(%dma_wait3A_72 : memref<120xi32, #tpu.memory_space<hbm>>) dst(%arg12 : memref<120xi32, #tpu.memory_space<vmem>>)
    %dma_wait3A_73 = arith.constant 0 : i32
    %dma_wait3A_74 = tpu.memref_slice %arg4[%dma_wait3A_73] : memref<320000xf32, #tpu.memory_space<hbm>> -> memref<120xf32, #tpu.memory_space<hbm>>
    %dma_wait3A_75 = arith.constant 0 : i32
    %dma_wait3A_76 = tpu.memref_slice %arg4[%dma_wait3A_75] : memref<320000xf32, #tpu.memory_space<hbm>> -> memref<120xf32, #tpu.memory_space<hbm>>
    tpu.wait_dma2 semaphore(%arg24 : memref<!tpu.dma_semaphore, #tpu.memory_space<semaphore_mem>>) src(%dma_wait3A_76 : memref<120xf32, #tpu.memory_space<hbm>>) dst(%arg15 : memref<120xf32, #tpu.memory_space<vmem>>)
    %dma_start3A_77 = arith.constant 0 : i32
    %dma_start3A_78 = arith.constant 0 : i32
    %dma_start3A_79 = tpu.memref_slice %arg3[%dma_start3A_77, %dma_start3A_78] : memref<10000x128xf32, #tpu.memory_space<hbm>> -> memref<10000x128xf32, #tpu.memory_space<hbm>>
    tpu.enqueue_indirect_dma source(%dma_start3A_79 : memref<10000x128xf32, #tpu.memory_space<hbm>>) target(%arg18 : memref<120x128xf32, #tpu.memory_space<vmem>>) offsets(%arg9 : memref<120xi32, #tpu.memory_space<vmem>>) semaphore(%arg27 : memref<!tpu.dma_semaphore, #tpu.memory_space<semaphore_mem>>)
    %dma_wait3A_80 = arith.constant 0 : i32
    %dma_wait3A_81 = tpu.memref_slice %arg32[%mul3A_4, %dma_wait3A_80] : memref<10112x128xf32, #tpu.memory_space<vmem_shared>> -> memref<632x128xf32, #tpu.memory_space<vmem_shared>>
    tpu.wait_dma2 semaphore(%arg31 : memref<!tpu.dma_semaphore, #tpu.memory_space<semaphore_mem>>) src(%arg5 : memref<632x128xf32, #tpu.memory_space<hbm>>) dst(%dma_wait3A_81 : memref<632x128xf32, #tpu.memory_space<vmem_shared>>)
    %barrier3A = arith.constant 0 : index
    tpu.barrier barrier_id(%barrier3A)
    %scan3A = arith.constant 0 : i32
    %scan3A_82 = arith.constant 26 : i32
    %scan3A_83 = arith.addi %scan3A, %scan3A_82 : i32
    %scan3A_84 = arith.constant 1 : i32
    scf.for %scan3A_216 = %scan3A to %scan3A_83 step %scan3A_84  : i32 {
      %mul3A_217 = arith.constant 1 : i32
      %mul3A_218 = arith.muli %scan3A_216, %mul3A_217 : i32
      %add3A_219 = arith.constant 0 : i32
      %add3A_220 = arith.addi %add3A_219, %mul3A_218 : i32
      %mul3A_221 = arith.constant 3 : i32
      %mul3A_222 = arith.muli %add3A_220, %mul3A_221 : i32
      %dma_wait3A_223 = arith.constant 0 : i32
      %dma_wait3A_224 = arith.constant 0 : i32
      %dma_wait3A_225 = tpu.memref_slice %arg3[%dma_wait3A_223, %dma_wait3A_224] : memref<10000x128xf32, #tpu.memory_space<hbm>> -> memref<10000x128xf32, #tpu.memory_space<hbm>>
      tpu.wait_indirect_dma semaphore(%arg25 : memref<!tpu.dma_semaphore, #tpu.memory_space<semaphore_mem>>) src(%dma_wait3A_225 : memref<10000x128xf32, #tpu.memory_space<hbm>>) dst(%arg16 : memref<120x128xf32, #tpu.memory_space<vmem>>)
      %scan3A_226 = arith.constant 0 : i32
      %scan3A_227 = arith.constant 30 : i32
      %scan3A_228 = arith.addi %scan3A_226, %scan3A_227 : i32
      %scan3A_229 = arith.constant 1 : i32
      scf.for %scan3A_367 = %scan3A_226 to %scan3A_228 step %scan3A_229  : i32 {
        %mul3A_368 = arith.constant 4 : i32
        %mul3A_369 = arith.muli %scan3A_367, %mul3A_368 : i32
        %add3A_370 = arith.constant 0 : i32
        %add3A_371 = arith.addi %add3A_370, %mul3A_369 : i32
        %add3A_372 = arith.constant 0 : i32
        %add3A_373 = arith.addi %add3A_371, %add3A_372 : i32
        %broadcast_in_dim3A = vector.broadcast %add3A_373 : i32 to vector<16xi32>
        %gather3A = tpu.vector_load_idx %arg13[%broadcast_in_dim3A] : memref<120xf32, #tpu.memory_space<vmem>>[vector<16xi32>], vector<16xf32>,
        %add3A_374 = arith.constant 1 : i32
        %add3A_375 = arith.addi %add3A_371, %add3A_374 : i32
        %broadcast_in_dim3A_376 = vector.broadcast %add3A_375 : i32 to vector<16xi32>
        %gather3A_377 = tpu.vector_load_idx %arg13[%broadcast_in_dim3A_376] : memref<120xf32, #tpu.memory_space<vmem>>[vector<16xi32>], vector<16xf32>,
        %add3A_378 = arith.constant 2 : i32
        %add3A_379 = arith.addi %add3A_371, %add3A_378 : i32
        %broadcast_in_dim3A_380 = vector.broadcast %add3A_379 : i32 to vector<16xi32>
        %gather3A_381 = tpu.vector_load_idx %arg13[%broadcast_in_dim3A_380] : memref<120xf32, #tpu.memory_space<vmem>>[vector<16xi32>], vector<16xf32>,
        %add3A_382 = arith.constant 3 : i32
        %add3A_383 = arith.addi %add3A_371, %add3A_382 : i32
        %broadcast_in_dim3A_384 = vector.broadcast %add3A_383 : i32 to vector<16xi32>
        %gather3A_385 = tpu.vector_load_idx %arg13[%broadcast_in_dim3A_384] : memref<120xf32, #tpu.memory_space<vmem>>[vector<16xi32>], vector<16xf32>,
        %add3A_386 = arith.constant 0 : i32
        %add3A_387 = arith.addi %add3A_371, %add3A_386 : i32
        %get3A = arith.index_cast %add3A_387 : i32 to index
        %get3A_388 = arith.constant 0 : index
        %get3A_389 = tpu.vector_load %arg16[%get3A, %get3A_388] {strides = array<i32>} : memref<120x128xf32, #tpu.memory_space<vmem>>, vector<16xf32>,
        %mul3A_390 = arith.mulf %get3A_389, %gather3A : vector<16xf32>
        %add3A_391 = arith.constant 0 : i32
        %add3A_392 = arith.addi %add3A_371, %add3A_391 : i32
        %swap3A = arith.index_cast %add3A_392 : i32 to index
        %swap3A_393 = arith.constant 0 : index
        %swap3A_394 = tpu.vector_load %arg16[%swap3A, %swap3A_393] {strides = array<i32>} : memref<120x128xf32, #tpu.memory_space<vmem>>, vector<16xf32>,
        tpu.vector_store %arg16[%swap3A, %swap3A_393], %mul3A_390 {strides = array<i32>} : memref<120x128xf32, #tpu.memory_space<vmem>>, vector<16xf32>,
        %add3A_395 = arith.constant 1 : i32
        %add3A_396 = arith.addi %add3A_371, %add3A_395 : i32
        %get3A_397 = arith.index_cast %add3A_396 : i32 to index
        %get3A_398 = arith.constant 0 : index
        %get3A_399 = tpu.vector_load %arg16[%get3A_397, %get3A_398] {strides = array<i32>} : memref<120x128xf32, #tpu.memory_space<vmem>>, vector<16xf32>,
        %mul3A_400 = arith.mulf %get3A_399, %gather3A_377 : vector<16xf32>
        %add3A_401 = arith.constant 1 : i32
        %add3A_402 = arith.addi %add3A_371, %add3A_401 : i32
        %swap3A_403 = arith.index_cast %add3A_402 : i32 to index
        %swap3A_404 = arith.constant 0 : index
        %swap3A_405 = tpu.vector_load %arg16[%swap3A_403, %swap3A_404] {strides = array<i32>} : memref<120x128xf32, #tpu.memory_space<vmem>>, vector<16xf32>,
        tpu.vector_store %arg16[%swap3A_403, %swap3A_404], %mul3A_400 {strides = array<i32>} : memref<120x128xf32, #tpu.memory_space<vmem>>, vector<16xf32>,
        %add3A_406 = arith.constant 2 : i32
        %add3A_407 = arith.addi %add3A_371, %add3A_406 : i32
        %get3A_408 = arith.index_cast %add3A_407 : i32 to index
        %get3A_409 = arith.constant 0 : index
        %get3A_410 = tpu.vector_load %arg16[%get3A_408, %get3A_409] {strides = array<i32>} : memref<120x128xf32, #tpu.memory_space<vmem>>, vector<16xf32>,
        %mul3A_411 = arith.mulf %get3A_410, %gather3A_381 : vector<16xf32>
        %add3A_412 = arith.constant 2 : i32
        %add3A_413 = arith.addi %add3A_371, %add3A_412 : i32
        %swap3A_414 = arith.index_cast %add3A_413 : i32 to index
        %swap3A_415 = arith.constant 0 : index
        %swap3A_416 = tpu.vector_load %arg16[%swap3A_414, %swap3A_415] {strides = array<i32>} : memref<120x128xf32, #tpu.memory_space<vmem>>, vector<16xf32>,
        tpu.vector_store %arg16[%swap3A_414, %swap3A_415], %mul3A_411 {strides = array<i32>} : memref<120x128xf32, #tpu.memory_space<vmem>>, vector<16xf32>,
        %add3A_417 = arith.constant 3 : i32
        %add3A_418 = arith.addi %add3A_371, %add3A_417 : i32
        %get3A_419 = arith.index_cast %add3A_418 : i32 to index
        %get3A_420 = arith.constant 0 : index
        %get3A_421 = tpu.vector_load %arg16[%get3A_419, %get3A_420] {strides = array<i32>} : memref<120x128xf32, #tpu.memory_space<vmem>>, vector<16xf32>,
        %mul3A_422 = arith.mulf %get3A_421, %gather3A_385 : vector<16xf32>
        %add3A_423 = arith.constant 3 : i32
        %add3A_424 = arith.addi %add3A_371, %add3A_423 : i32
        %swap3A_425 = arith.index_cast %add3A_424 : i32 to index
        %swap3A_426 = arith.constant 0 : index
        %swap3A_427 = tpu.vector_load %arg16[%swap3A_425, %swap3A_426] {strides = array<i32>} : memref<120x128xf32, #tpu.memory_space<vmem>>, vector<16xf32>,
        tpu.vector_store %arg16[%swap3A_425, %swap3A_426], %mul3A_422 {strides = array<i32>} : memref<120x128xf32, #tpu.memory_space<vmem>>, vector<16xf32>,
        %add3A_428 = arith.constant 0 : i32
        %add3A_429 = arith.addi %add3A_371, %add3A_428 : i32
        %get3A_430 = arith.index_cast %add3A_429 : i32 to index
        %get3A_431 = arith.constant 16 : index
        %get3A_432 = tpu.vector_load %arg16[%get3A_430, %get3A_431] {strides = array<i32>} : memref<120x128xf32, #tpu.memory_space<vmem>>, vector<16xf32>,
        %mul3A_433 = arith.mulf %get3A_432, %gather3A : vector<16xf32>
        %add3A_434 = arith.constant 0 : i32
        %add3A_435 = arith.addi %add3A_371, %add3A_434 : i32
        %swap3A_436 = arith.index_cast %add3A_435 : i32 to index
        %swap3A_437 = arith.constant 16 : index
        %swap3A_438 = tpu.vector_load %arg16[%swap3A_436, %swap3A_437] {strides = array<i32>} : memref<120x128xf32, #tpu.memory_space<vmem>>, vector<16xf32>,
        tpu.vector_store %arg16[%swap3A_436, %swap3A_437], %mul3A_433 {strides = array<i32>} : memref<120x128xf32, #tpu.memory_space<vmem>>, vector<16xf32>,
        %add3A_439 = arith.constant 1 : i32
        %add3A_440 = arith.addi %add3A_371, %add3A_439 : i32
        %get3A_441 = arith.index_cast %add3A_440 : i32 to index
        %get3A_442 = arith.constant 16 : index
        %get3A_443 = tpu.vector_load %arg16[%get3A_441, %get3A_442] {strides = array<i32>} : memref<120x128xf32, #tpu.memory_space<vmem>>, vector<16xf32>,
        %mul3A_444 = arith.mulf %get3A_443, %gather3A_377 : vector<16xf32>
        %add3A_445 = arith.constant 1 : i32
        %add3A_446 = arith.addi %add3A_371, %add3A_445 : i32
        %swap3A_447 = arith.index_cast %add3A_446 : i32 to index
        %swap3A_448 = arith.constant 16 : index
        %swap3A_449 = tpu.vector_load %arg16[%swap3A_447, %swap3A_448] {strides = array<i32>} : memref<120x128xf32, #tpu.memory_space<vmem>>, vector<16xf32>,
        tpu.vector_store %arg16[%swap3A_447, %swap3A_448], %mul3A_444 {strides = array<i32>} : memref<120x128xf32, #tpu.memory_space<vmem>>, vector<16xf32>,
        %add3A_450 = arith.constant 2 : i32
        %add3A_451 = arith.addi %add3A_371, %add3A_450 : i32
        %get3A_452 = arith.index_cast %add3A_451 : i32 to index
        %get3A_453 = arith.constant 16 : index
        %get3A_454 = tpu.vector_load %arg16[%get3A_452, %get3A_453] {strides = array<i32>} : memref<120x128xf32, #tpu.memory_space<vmem>>, vector<16xf32>,
        %mul3A_455 = arith.mulf %get3A_454, %gather3A_381 : vector<16xf32>
        %add3A_456 = arith.constant 2 : i32
        %add3A_457 = arith.addi %add3A_371, %add3A_456 : i32
        %swap3A_458 = arith.index_cast %add3A_457 : i32 to index
        %swap3A_459 = arith.constant 16 : index
        %swap3A_460 = tpu.vector_load %arg16[%swap3A_458, %swap3A_459] {strides = array<i32>} : memref<120x128xf32, #tpu.memory_space<vmem>>, vector<16xf32>,
        tpu.vector_store %arg16[%swap3A_458, %swap3A_459], %mul3A_455 {strides = array<i32>} : memref<120x128xf32, #tpu.memory_space<vmem>>, vector<16xf32>,
        %add3A_461 = arith.constant 3 : i32
        %add3A_462 = arith.addi %add3A_371, %add3A_461 : i32
        %get3A_463 = arith.index_cast %add3A_462 : i32 to index
        %get3A_464 = arith.constant 16 : index
        %get3A_465 = tpu.vector_load %arg16[%get3A_463, %get3A_464] {strides = array<i32>} : memref<120x128xf32, #tpu.memory_space<vmem>>, vector<16xf32>,
        %mul3A_466 = arith.mulf %get3A_465, %gather3A_385 : vector<16xf32>
        %add3A_467 = arith.constant 3 : i32
        %add3A_468 = arith.addi %add3A_371, %add3A_467 : i32
        %swap3A_469 = arith.index_cast %add3A_468 : i32 to index
        %swap3A_470 = arith.constant 16 : index
        %swap3A_471 = tpu.vector_load %arg16[%swap3A_469, %swap3A_470] {strides = array<i32>} : memref<120x128xf32, #tpu.memory_space<vmem>>, vector<16xf32>,
        tpu.vector_store %arg16[%swap3A_469, %swap3A_470], %mul3A_466 {strides = array<i32>} : memref<120x128xf32, #tpu.memory_space<vmem>>, vector<16xf32>,
        %add3A_472 = arith.constant 0 : i32
        %add3A_473 = arith.addi %add3A_371, %add3A_472 : i32
        %get3A_474 = arith.index_cast %add3A_473 : i32 to index
        %get3A_475 = arith.constant 32 : index
        %get3A_476 = tpu.vector_load %arg16[%get3A_474, %get3A_475] {strides = array<i32>} : memref<120x128xf32, #tpu.memory_space<vmem>>, vector<16xf32>,
        %mul3A_477 = arith.mulf %get3A_476, %gather3A : vector<16xf32>
        %add3A_478 = arith.constant 0 : i32
        %add3A_479 = arith.addi %add3A_371, %add3A_478 : i32
        %swap3A_480 = arith.index_cast %add3A_479 : i32 to index
        %swap3A_481 = arith.constant 32 : index
        %swap3A_482 = tpu.vector_load %arg16[%swap3A_480, %swap3A_481] {strides = array<i32>} : memref<120x128xf32, #tpu.memory_space<vmem>>, vector<16xf32>,
        tpu.vector_store %arg16[%swap3A_480, %swap3A_481], %mul3A_477 {strides = array<i32>} : memref<120x128xf32, #tpu.memory_space<vmem>>, vector<16xf32>,
        %add3A_483 = arith.constant 1 : i32
        %add3A_484 = arith.addi %add3A_371, %add3A_483 : i32
        %get3A_485 = arith.index_cast %add3A_484 : i32 to index
        %get3A_486 = arith.constant 32 : index
        %get3A_487 = tpu.vector_load %arg16[%get3A_485, %get3A_486] {strides = array<i32>} : memref<120x128xf32, #tpu.memory_space<vmem>>, vector<16xf32>,
        %mul3A_488 = arith.mulf %get3A_487, %gather3A_377 : vector<16xf32>
        %add3A_489 = arith.constant 1 : i32
        %add3A_490 = arith.addi %add3A_371, %add3A_489 : i32
        %swap3A_491 = arith.index_cast %add3A_490 : i32 to index
        %swap3A_492 = arith.constant 32 : index
        %swap3A_493 = tpu.vector_load %arg16[%swap3A_491, %swap3A_492] {strides = array<i32>} : memref<120x128xf32, #tpu.memory_space<vmem>>, vector<16xf32>,
        tpu.vector_store %arg16[%swap3A_491, %swap3A_492], %mul3A_488 {strides = array<i32>} : memref<120x128xf32, #tpu.memory_space<vmem>>, vector<16xf32>,
        %add3A_494 = arith.constant 2 : i32
        %add3A_495 = arith.addi %add3A_371, %add3A_494 : i32
        %get3A_496 = arith.index_cast %add3A_495 : i32 to index
        %get3A_497 = arith.constant 32 : index
        %get3A_498 = tpu.vector_load %arg16[%get3A_496, %get3A_497] {strides = array<i32>} : memref<120x128xf32, #tpu.memory_space<vmem>>, vector<16xf32>,
        %mul3A_499 = arith.mulf %get3A_498, %gather3A_381 : vector<16xf32>
        %add3A_500 = arith.constant 2 : i32
        %add3A_501 = arith.addi %add3A_371, %add3A_500 : i32
        %swap3A_502 = arith.index_cast %add3A_501 : i32 to index
        %swap3A_503 = arith.constant 32 : index
        %swap3A_504 = tpu.vector_load %arg16[%swap3A_502, %swap3A_503] {strides = array<i32>} : memref<120x128xf32, #tpu.memory_space<vmem>>, vector<16xf32>,
        tpu.vector_store %arg16[%swap3A_502, %swap3A_503], %mul3A_499 {strides = array<i32>} : memref<120x128xf32, #tpu.memory_space<vmem>>, vector<16xf32>,
        %add3A_505 = arith.constant 3 : i32
        %add3A_506 = arith.addi %add3A_371, %add3A_505 : i32
        %get3A_507 = arith.index_cast %add3A_506 : i32 to index
        %get3A_508 = arith.constant 32 : index
        %get3A_509 = tpu.vector_load %arg16[%get3A_507, %get3A_508] {strides = array<i32>} : memref<120x128xf32, #tpu.memory_space<vmem>>, vector<16xf32>,
        %mul3A_510 = arith.mulf %get3A_509, %gather3A_385 : vector<16xf32>
        %add3A_511 = arith.constant 3 : i32
        %add3A_512 = arith.addi %add3A_371, %add3A_511 : i32
        %swap3A_513 = arith.index_cast %add3A_512 : i32 to index
        %swap3A_514 = arith.constant 32 : index
        %swap3A_515 = tpu.vector_load %arg16[%swap3A_513, %swap3A_514] {strides = array<i32>} : memref<120x128xf32, #tpu.memory_space<vmem>>, vector<16xf32>,
        tpu.vector_store %arg16[%swap3A_513, %swap3A_514], %mul3A_510 {strides = array<i32>} : memref<120x128xf32, #tpu.memory_space<vmem>>, vector<16xf32>,
        %add3A_516 = arith.constant 0 : i32
        %add3A_517 = arith.addi %add3A_371, %add3A_516 : i32
        %get3A_518 = arith.index_cast %add3A_517 : i32 to index
        %get3A_519 = arith.constant 48 : index
        %get3A_520 = tpu.vector_load %arg16[%get3A_518, %get3A_519] {strides = array<i32>} : memref<120x128xf32, #tpu.memory_space<vmem>>, vector<16xf32>,
        %mul3A_521 = arith.mulf %get3A_520, %gather3A : vector<16xf32>
        %add3A_522 = arith.constant 0 : i32
        %add3A_523 = arith.addi %add3A_371, %add3A_522 : i32
        %swap3A_524 = arith.index_cast %add3A_523 : i32 to index
        %swap3A_525 = arith.constant 48 : index
        %swap3A_526 = tpu.vector_load %arg16[%swap3A_524, %swap3A_525] {strides = array<i32>} : memref<120x128xf32, #tpu.memory_space<vmem>>, vector<16xf32>,
        tpu.vector_store %arg16[%swap3A_524, %swap3A_525], %mul3A_521 {strides = array<i32>} : memref<120x128xf32, #tpu.memory_space<vmem>>, vector<16xf32>,
        %add3A_527 = arith.constant 1 : i32
        %add3A_528 = arith.addi %add3A_371, %add3A_527 : i32
        %get3A_529 = arith.index_cast %add3A_528 : i32 to index
        %get3A_530 = arith.constant 48 : index
        %get3A_531 = tpu.vector_load %arg16[%get3A_529, %get3A_530] {strides = array<i32>} : memref<120x128xf32, #tpu.memory_space<vmem>>, vector<16xf32>,
        %mul3A_532 = arith.mulf %get3A_531, %gather3A_377 : vector<16xf32>
        %add3A_533 = arith.constant 1 : i32
        %add3A_534 = arith.addi %add3A_371, %add3A_533 : i32
        %swap3A_535 = arith.index_cast %add3A_534 : i32 to index
        %swap3A_536 = arith.constant 48 : index
        %swap3A_537 = tpu.vector_load %arg16[%swap3A_535, %swap3A_536] {strides = array<i32>} : memref<120x128xf32, #tpu.memory_space<vmem>>, vector<16xf32>,
        tpu.vector_store %arg16[%swap3A_535, %swap3A_536], %mul3A_532 {strides = array<i32>} : memref<120x128xf32, #tpu.memory_space<vmem>>, vector<16xf32>,
        %add3A_538 = arith.constant 2 : i32
        %add3A_539 = arith.addi %add3A_371, %add3A_538 : i32
        %get3A_540 = arith.index_cast %add3A_539 : i32 to index
        %get3A_541 = arith.constant 48 : index
        %get3A_542 = tpu.vector_load %arg16[%get3A_540, %get3A_541] {strides = array<i32>} : memref<120x128xf32, #tpu.memory_space<vmem>>, vector<16xf32>,
        %mul3A_543 = arith.mulf %get3A_542, %gather3A_381 : vector<16xf32>
        %add3A_544 = arith.constant 2 : i32
        %add3A_545 = arith.addi %add3A_371, %add3A_544 : i32
        %swap3A_546 = arith.index_cast %add3A_545 : i32 to index
        %swap3A_547 = arith.constant 48 : index
        %swap3A_548 = tpu.vector_load %arg16[%swap3A_546, %swap3A_547] {strides = array<i32>} : memref<120x128xf32, #tpu.memory_space<vmem>>, vector<16xf32>,
        tpu.vector_store %arg16[%swap3A_546, %swap3A_547], %mul3A_543 {strides = array<i32>} : memref<120x128xf32, #tpu.memory_space<vmem>>, vector<16xf32>,
        %add3A_549 = arith.constant 3 : i32
        %add3A_550 = arith.addi %add3A_371, %add3A_549 : i32
        %get3A_551 = arith.index_cast %add3A_550 : i32 to index
        %get3A_552 = arith.constant 48 : index
        %get3A_553 = tpu.vector_load %arg16[%get3A_551, %get3A_552] {strides = array<i32>} : memref<120x128xf32, #tpu.memory_space<vmem>>, vector<16xf32>,
        %mul3A_554 = arith.mulf %get3A_553, %gather3A_385 : vector<16xf32>
        %add3A_555 = arith.constant 3 : i32
        %add3A_556 = arith.addi %add3A_371, %add3A_555 : i32
        %swap3A_557 = arith.index_cast %add3A_556 : i32 to index
        %swap3A_558 = arith.constant 48 : index
        %swap3A_559 = tpu.vector_load %arg16[%swap3A_557, %swap3A_558] {strides = array<i32>} : memref<120x128xf32, #tpu.memory_space<vmem>>, vector<16xf32>,
        tpu.vector_store %arg16[%swap3A_557, %swap3A_558], %mul3A_554 {strides = array<i32>} : memref<120x128xf32, #tpu.memory_space<vmem>>, vector<16xf32>,
        %add3A_560 = arith.constant 0 : i32
        %add3A_561 = arith.addi %add3A_371, %add3A_560 : i32
        %get3A_562 = arith.index_cast %add3A_561 : i32 to index
        %get3A_563 = arith.constant 64 : index
        %get3A_564 = tpu.vector_load %arg16[%get3A_562, %get3A_563] {strides = array<i32>} : memref<120x128xf32, #tpu.memory_space<vmem>>, vector<16xf32>,
        %mul3A_565 = arith.mulf %get3A_564, %gather3A : vector<16xf32>
        %add3A_566 = arith.constant 0 : i32
        %add3A_567 = arith.addi %add3A_371, %add3A_566 : i32
        %swap3A_568 = arith.index_cast %add3A_567 : i32 to index
        %swap3A_569 = arith.constant 64 : index
        %swap3A_570 = tpu.vector_load %arg16[%swap3A_568, %swap3A_569] {strides = array<i32>} : memref<120x128xf32, #tpu.memory_space<vmem>>, vector<16xf32>,
        tpu.vector_store %arg16[%swap3A_568, %swap3A_569], %mul3A_565 {strides = array<i32>} : memref<120x128xf32, #tpu.memory_space<vmem>>, vector<16xf32>,
        %add3A_571 = arith.constant 1 : i32
        %add3A_572 = arith.addi %add3A_371, %add3A_571 : i32
        %get3A_573 = arith.index_cast %add3A_572 : i32 to index
        %get3A_574 = arith.constant 64 : index
        %get3A_575 = tpu.vector_load %arg16[%get3A_573, %get3A_574] {strides = array<i32>} : memref<120x128xf32, #tpu.memory_space<vmem>>, vector<16xf32>,
        %mul3A_576 = arith.mulf %get3A_575, %gather3A_377 : vector<16xf32>
        %add3A_577 = arith.constant 1 : i32
        %add3A_578 = arith.addi %add3A_371, %add3A_577 : i32
        %swap3A_579 = arith.index_cast %add3A_578 : i32 to index
        %swap3A_580 = arith.constant 64 : index
        %swap3A_581 = tpu.vector_load %arg16[%swap3A_579, %swap3A_580] {strides = array<i32>} : memref<120x128xf32, #tpu.memory_space<vmem>>, vector<16xf32>,
        tpu.vector_store %arg16[%swap3A_579, %swap3A_580], %mul3A_576 {strides = array<i32>} : memref<120x128xf32, #tpu.memory_space<vmem>>, vector<16xf32>,
        %add3A_582 = arith.constant 2 : i32
        %add3A_583 = arith.addi %add3A_371, %add3A_582 : i32
        %get3A_584 = arith.index_cast %add3A_583 : i32 to index
        %get3A_585 = arith.constant 64 : index
        %get3A_586 = tpu.vector_load %arg16[%get3A_584, %get3A_585] {strides = array<i32>} : memref<120x128xf32, #tpu.memory_space<vmem>>, vector<16xf32>,
        %mul3A_587 = arith.mulf %get3A_586, %gather3A_381 : vector<16xf32>
        %add3A_588 = arith.constant 2 : i32
        %add3A_589 = arith.addi %add3A_371, %add3A_588 : i32
        %swap3A_590 = arith.index_cast %add3A_589 : i32 to index
        %swap3A_591 = arith.constant 64 : index
        %swap3A_592 = tpu.vector_load %arg16[%swap3A_590, %swap3A_591] {strides = array<i32>} : memref<120x128xf32, #tpu.memory_space<vmem>>, vector<16xf32>,
        tpu.vector_store %arg16[%swap3A_590, %swap3A_591], %mul3A_587 {strides = array<i32>} : memref<120x128xf32, #tpu.memory_space<vmem>>, vector<16xf32>,
        %add3A_593 = arith.constant 3 : i32
        %add3A_594 = arith.addi %add3A_371, %add3A_593 : i32
        %get3A_595 = arith.index_cast %add3A_594 : i32 to index
        %get3A_596 = arith.constant 64 : index
        %get3A_597 = tpu.vector_load %arg16[%get3A_595, %get3A_596] {strides = array<i32>} : memref<120x128xf32, #tpu.memory_space<vmem>>, vector<16xf32>,
        %mul3A_598 = arith.mulf %get3A_597, %gather3A_385 : vector<16xf32>
        %add3A_599 = arith.constant 3 : i32
        %add3A_600 = arith.addi %add3A_371, %add3A_599 : i32
        %swap3A_601 = arith.index_cast %add3A_600 : i32 to index
        %swap3A_602 = arith.constant 64 : index
        %swap3A_603 = tpu.vector_load %arg16[%swap3A_601, %swap3A_602] {strides = array<i32>} : memref<120x128xf32, #tpu.memory_space<vmem>>, vector<16xf32>,
        tpu.vector_store %arg16[%swap3A_601, %swap3A_602], %mul3A_598 {strides = array<i32>} : memref<120x128xf32, #tpu.memory_space<vmem>>, vector<16xf32>,
        %add3A_604 = arith.constant 0 : i32
        %add3A_605 = arith.addi %add3A_371, %add3A_604 : i32
        %get3A_606 = arith.index_cast %add3A_605 : i32 to index
        %get3A_607 = arith.constant 80 : index
        %get3A_608 = tpu.vector_load %arg16[%get3A_606, %get3A_607] {strides = array<i32>} : memref<120x128xf32, #tpu.memory_space<vmem>>, vector<16xf32>,
        %mul3A_609 = arith.mulf %get3A_608, %gather3A : vector<16xf32>
        %add3A_610 = arith.constant 0 : i32
        %add3A_611 = arith.addi %add3A_371, %add3A_610 : i32
        %swap3A_612 = arith.index_cast %add3A_611 : i32 to index
        %swap3A_613 = arith.constant 80 : index
        %swap3A_614 = tpu.vector_load %arg16[%swap3A_612, %swap3A_613] {strides = array<i32>} : memref<120x128xf32, #tpu.memory_space<vmem>>, vector<16xf32>,
        tpu.vector_store %arg16[%swap3A_612, %swap3A_613], %mul3A_609 {strides = array<i32>} : memref<120x128xf32, #tpu.memory_space<vmem>>, vector<16xf32>,
        %add3A_615 = arith.constant 1 : i32
        %add3A_616 = arith.addi %add3A_371, %add3A_615 : i32
        %get3A_617 = arith.index_cast %add3A_616 : i32 to index
        %get3A_618 = arith.constant 80 : index
        %get3A_619 = tpu.vector_load %arg16[%get3A_617, %get3A_618] {strides = array<i32>} : memref<120x128xf32, #tpu.memory_space<vmem>>, vector<16xf32>,
        %mul3A_620 = arith.mulf %get3A_619, %gather3A_377 : vector<16xf32>
        %add3A_621 = arith.constant 1 : i32
        %add3A_622 = arith.addi %add3A_371, %add3A_621 : i32
        %swap3A_623 = arith.index_cast %add3A_622 : i32 to index
        %swap3A_624 = arith.constant 80 : index
        %swap3A_625 = tpu.vector_load %arg16[%swap3A_623, %swap3A_624] {strides = array<i32>} : memref<120x128xf32, #tpu.memory_space<vmem>>, vector<16xf32>,
        tpu.vector_store %arg16[%swap3A_623, %swap3A_624], %mul3A_620 {strides = array<i32>} : memref<120x128xf32, #tpu.memory_space<vmem>>, vector<16xf32>,
        %add3A_626 = arith.constant 2 : i32
        %add3A_627 = arith.addi %add3A_371, %add3A_626 : i32
        %get3A_628 = arith.index_cast %add3A_627 : i32 to index
        %get3A_629 = arith.constant 80 : index
        %get3A_630 = tpu.vector_load %arg16[%get3A_628, %get3A_629] {strides = array<i32>} : memref<120x128xf32, #tpu.memory_space<vmem>>, vector<16xf32>,
        %mul3A_631 = arith.mulf %get3A_630, %gather3A_381 : vector<16xf32>
        %add3A_632 = arith.constant 2 : i32
        %add3A_633 = arith.addi %add3A_371, %add3A_632 : i32
        %swap3A_634 = arith.index_cast %add3A_633 : i32 to index
        %swap3A_635 = arith.constant 80 : index
        %swap3A_636 = tpu.vector_load %arg16[%swap3A_634, %swap3A_635] {strides = array<i32>} : memref<120x128xf32, #tpu.memory_space<vmem>>, vector<16xf32>,
        tpu.vector_store %arg16[%swap3A_634, %swap3A_635], %mul3A_631 {strides = array<i32>} : memref<120x128xf32, #tpu.memory_space<vmem>>, vector<16xf32>,
        %add3A_637 = arith.constant 3 : i32
        %add3A_638 = arith.addi %add3A_371, %add3A_637 : i32
        %get3A_639 = arith.index_cast %add3A_638 : i32 to index
        %get3A_640 = arith.constant 80 : index
        %get3A_641 = tpu.vector_load %arg16[%get3A_639, %get3A_640] {strides = array<i32>} : memref<120x128xf32, #tpu.memory_space<vmem>>, vector<16xf32>,
        %mul3A_642 = arith.mulf %get3A_641, %gather3A_385 : vector<16xf32>
        %add3A_643 = arith.constant 3 : i32
        %add3A_644 = arith.addi %add3A_371, %add3A_643 : i32
        %swap3A_645 = arith.index_cast %add3A_644 : i32 to index
        %swap3A_646 = arith.constant 80 : index
        %swap3A_647 = tpu.vector_load %arg16[%swap3A_645, %swap3A_646] {strides = array<i32>} : memref<120x128xf32, #tpu.memory_space<vmem>>, vector<16xf32>,
        tpu.vector_store %arg16[%swap3A_645, %swap3A_646], %mul3A_642 {strides = array<i32>} : memref<120x128xf32, #tpu.memory_space<vmem>>, vector<16xf32>,
        %add3A_648 = arith.constant 0 : i32
        %add3A_649 = arith.addi %add3A_371, %add3A_648 : i32
        %get3A_650 = arith.index_cast %add3A_649 : i32 to index
        %get3A_651 = arith.constant 96 : index
        %get3A_652 = tpu.vector_load %arg16[%get3A_650, %get3A_651] {strides = array<i32>} : memref<120x128xf32, #tpu.memory_space<vmem>>, vector<16xf32>,
        %mul3A_653 = arith.mulf %get3A_652, %gather3A : vector<16xf32>
        %add3A_654 = arith.constant 0 : i32
        %add3A_655 = arith.addi %add3A_371, %add3A_654 : i32
        %swap3A_656 = arith.index_cast %add3A_655 : i32 to index
        %swap3A_657 = arith.constant 96 : index
        %swap3A_658 = tpu.vector_load %arg16[%swap3A_656, %swap3A_657] {strides = array<i32>} : memref<120x128xf32, #tpu.memory_space<vmem>>, vector<16xf32>,
        tpu.vector_store %arg16[%swap3A_656, %swap3A_657], %mul3A_653 {strides = array<i32>} : memref<120x128xf32, #tpu.memory_space<vmem>>, vector<16xf32>,
        %add3A_659 = arith.constant 1 : i32
        %add3A_660 = arith.addi %add3A_371, %add3A_659 : i32
        %get3A_661 = arith.index_cast %add3A_660 : i32 to index
        %get3A_662 = arith.constant 96 : index
        %get3A_663 = tpu.vector_load %arg16[%get3A_661, %get3A_662] {strides = array<i32>} : memref<120x128xf32, #tpu.memory_space<vmem>>, vector<16xf32>,
        %mul3A_664 = arith.mulf %get3A_663, %gather3A_377 : vector<16xf32>
        %add3A_665 = arith.constant 1 : i32
        %add3A_666 = arith.addi %add3A_371, %add3A_665 : i32
        %swap3A_667 = arith.index_cast %add3A_666 : i32 to index
        %swap3A_668 = arith.constant 96 : index
        %swap3A_669 = tpu.vector_load %arg16[%swap3A_667, %swap3A_668] {strides = array<i32>} : memref<120x128xf32, #tpu.memory_space<vmem>>, vector<16xf32>,
        tpu.vector_store %arg16[%swap3A_667, %swap3A_668], %mul3A_664 {strides = array<i32>} : memref<120x128xf32, #tpu.memory_space<vmem>>, vector<16xf32>,
        %add3A_670 = arith.constant 2 : i32
        %add3A_671 = arith.addi %add3A_371, %add3A_670 : i32
        %get3A_672 = arith.index_cast %add3A_671 : i32 to index
        %get3A_673 = arith.constant 96 : index
        %get3A_674 = tpu.vector_load %arg16[%get3A_672, %get3A_673] {strides = array<i32>} : memref<120x128xf32, #tpu.memory_space<vmem>>, vector<16xf32>,
        %mul3A_675 = arith.mulf %get3A_674, %gather3A_381 : vector<16xf32>
        %add3A_676 = arith.constant 2 : i32
        %add3A_677 = arith.addi %add3A_371, %add3A_676 : i32
        %swap3A_678 = arith.index_cast %add3A_677 : i32 to index
        %swap3A_679 = arith.constant 96 : index
        %swap3A_680 = tpu.vector_load %arg16[%swap3A_678, %swap3A_679] {strides = array<i32>} : memref<120x128xf32, #tpu.memory_space<vmem>>, vector<16xf32>,
        tpu.vector_store %arg16[%swap3A_678, %swap3A_679], %mul3A_675 {strides = array<i32>} : memref<120x128xf32, #tpu.memory_space<vmem>>, vector<16xf32>,
        %add3A_681 = arith.constant 3 : i32
        %add3A_682 = arith.addi %add3A_371, %add3A_681 : i32
        %get3A_683 = arith.index_cast %add3A_682 : i32 to index
        %get3A_684 = arith.constant 96 : index
        %get3A_685 = tpu.vector_load %arg16[%get3A_683, %get3A_684] {strides = array<i32>} : memref<120x128xf32, #tpu.memory_space<vmem>>, vector<16xf32>,
        %mul3A_686 = arith.mulf %get3A_685, %gather3A_385 : vector<16xf32>
        %add3A_687 = arith.constant 3 : i32
        %add3A_688 = arith.addi %add3A_371, %add3A_687 : i32
        %swap3A_689 = arith.index_cast %add3A_688 : i32 to index
        %swap3A_690 = arith.constant 96 : index
        %swap3A_691 = tpu.vector_load %arg16[%swap3A_689, %swap3A_690] {strides = array<i32>} : memref<120x128xf32, #tpu.memory_space<vmem>>, vector<16xf32>,
        tpu.vector_store %arg16[%swap3A_689, %swap3A_690], %mul3A_686 {strides = array<i32>} : memref<120x128xf32, #tpu.memory_space<vmem>>, vector<16xf32>,
        %add3A_692 = arith.constant 0 : i32
        %add3A_693 = arith.addi %add3A_371, %add3A_692 : i32
        %get3A_694 = arith.index_cast %add3A_693 : i32 to index
        %get3A_695 = arith.constant 112 : index
        %get3A_696 = tpu.vector_load %arg16[%get3A_694, %get3A_695] {strides = array<i32>} : memref<120x128xf32, #tpu.memory_space<vmem>>, vector<16xf32>,
        %mul3A_697 = arith.mulf %get3A_696, %gather3A : vector<16xf32>
        %add3A_698 = arith.constant 0 : i32
        %add3A_699 = arith.addi %add3A_371, %add3A_698 : i32
        %swap3A_700 = arith.index_cast %add3A_699 : i32 to index
        %swap3A_701 = arith.constant 112 : index
        %swap3A_702 = tpu.vector_load %arg16[%swap3A_700, %swap3A_701] {strides = array<i32>} : memref<120x128xf32, #tpu.memory_space<vmem>>, vector<16xf32>,
        tpu.vector_store %arg16[%swap3A_700, %swap3A_701], %mul3A_697 {strides = array<i32>} : memref<120x128xf32, #tpu.memory_space<vmem>>, vector<16xf32>,
        %add3A_703 = arith.constant 1 : i32
        %add3A_704 = arith.addi %add3A_371, %add3A_703 : i32
        %get3A_705 = arith.index_cast %add3A_704 : i32 to index
        %get3A_706 = arith.constant 112 : index
        %get3A_707 = tpu.vector_load %arg16[%get3A_705, %get3A_706] {strides = array<i32>} : memref<120x128xf32, #tpu.memory_space<vmem>>, vector<16xf32>,
        %mul3A_708 = arith.mulf %get3A_707, %gather3A_377 : vector<16xf32>
        %add3A_709 = arith.constant 1 : i32
        %add3A_710 = arith.addi %add3A_371, %add3A_709 : i32
        %swap3A_711 = arith.index_cast %add3A_710 : i32 to index
        %swap3A_712 = arith.constant 112 : index
        %swap3A_713 = tpu.vector_load %arg16[%swap3A_711, %swap3A_712] {strides = array<i32>} : memref<120x128xf32, #tpu.memory_space<vmem>>, vector<16xf32>,
        tpu.vector_store %arg16[%swap3A_711, %swap3A_712], %mul3A_708 {strides = array<i32>} : memref<120x128xf32, #tpu.memory_space<vmem>>, vector<16xf32>,
        %add3A_714 = arith.constant 2 : i32
        %add3A_715 = arith.addi %add3A_371, %add3A_714 : i32
        %get3A_716 = arith.index_cast %add3A_715 : i32 to index
        %get3A_717 = arith.constant 112 : index
        %get3A_718 = tpu.vector_load %arg16[%get3A_716, %get3A_717] {strides = array<i32>} : memref<120x128xf32, #tpu.memory_space<vmem>>, vector<16xf32>,
        %mul3A_719 = arith.mulf %get3A_718, %gather3A_381 : vector<16xf32>
        %add3A_720 = arith.constant 2 : i32
        %add3A_721 = arith.addi %add3A_371, %add3A_720 : i32
        %swap3A_722 = arith.index_cast %add3A_721 : i32 to index
        %swap3A_723 = arith.constant 112 : index
        %swap3A_724 = tpu.vector_load %arg16[%swap3A_722, %swap3A_723] {strides = array<i32>} : memref<120x128xf32, #tpu.memory_space<vmem>>, vector<16xf32>,
        tpu.vector_store %arg16[%swap3A_722, %swap3A_723], %mul3A_719 {strides = array<i32>} : memref<120x128xf32, #tpu.memory_space<vmem>>, vector<16xf32>,
        %add3A_725 = arith.constant 3 : i32
        %add3A_726 = arith.addi %add3A_371, %add3A_725 : i32
        %get3A_727 = arith.index_cast %add3A_726 : i32 to index
        %get3A_728 = arith.constant 112 : index
        %get3A_729 = tpu.vector_load %arg16[%get3A_727, %get3A_728] {strides = array<i32>} : memref<120x128xf32, #tpu.memory_space<vmem>>, vector<16xf32>,
        %mul3A_730 = arith.mulf %get3A_729, %gather3A_385 : vector<16xf32>
        %add3A_731 = arith.constant 3 : i32
        %add3A_732 = arith.addi %add3A_371, %add3A_731 : i32
        %swap3A_733 = arith.index_cast %add3A_732 : i32 to index
        %swap3A_734 = arith.constant 112 : index
        %swap3A_735 = tpu.vector_load %arg16[%swap3A_733, %swap3A_734] {strides = array<i32>} : memref<120x128xf32, #tpu.memory_space<vmem>>, vector<16xf32>,
        tpu.vector_store %arg16[%swap3A_733, %swap3A_734], %mul3A_730 {strides = array<i32>} : memref<120x128xf32, #tpu.memory_space<vmem>>, vector<16xf32>,
      }
      %scan3A_230 = arith.constant 30 : i32
      %dma_start3A_231 = arith.constant 0 : i32
      %dma_start3A_232 = arith.constant 0 : i32
      %dma_start3A_233 = tpu.memref_slice %arg32[%dma_start3A_231, %dma_start3A_232] : memref<10112x128xf32, #tpu.memory_space<vmem_shared>> -> memref<10112x128xf32, #tpu.memory_space<vmem_shared>>
      tpu.enqueue_indirect_dma source(%arg16 : memref<120x128xf32, #tpu.memory_space<vmem>>) target(%dma_start3A_233 : memref<10112x128xf32, #tpu.memory_space<vmem_shared>>) offsets(%arg10 : memref<120xi32, #tpu.memory_space<vmem>>) semaphore(%arg28 : memref<!tpu.dma_semaphore, #tpu.memory_space<semaphore_mem>>) {add = true}
      %dma_wait3A_234 = arith.constant 0 : i32
      %dma_wait3A_235 = arith.constant 0 : i32
      %dma_wait3A_236 = tpu.memref_slice %arg3[%dma_wait3A_234, %dma_wait3A_235] : memref<10000x128xf32, #tpu.memory_space<hbm>> -> memref<10000x128xf32, #tpu.memory_space<hbm>>
      tpu.wait_indirect_dma semaphore(%arg26 : memref<!tpu.dma_semaphore, #tpu.memory_space<semaphore_mem>>) src(%dma_wait3A_236 : memref<10000x128xf32, #tpu.memory_space<hbm>>) dst(%arg17 : memref<120x128xf32, #tpu.memory_space<vmem>>)
      %scan3A_237 = arith.constant 0 : i32
      %scan3A_238 = arith.constant 30 : i32
      %scan3A_239 = arith.addi %scan3A_237, %scan3A_238 : i32
      %scan3A_240 = arith.constant 1 : i32
      scf.for %scan3A_367 = %scan3A_237 to %scan3A_239 step %scan3A_240  : i32 {
        %mul3A_368 = arith.constant 4 : i32
        %mul3A_369 = arith.muli %scan3A_367, %mul3A_368 : i32
        %add3A_370 = arith.constant 0 : i32
        %add3A_371 = arith.addi %add3A_370, %mul3A_369 : i32
        %add3A_372 = arith.constant 0 : i32
        %add3A_373 = arith.addi %add3A_371, %add3A_372 : i32
        %broadcast_in_dim3A = vector.broadcast %add3A_373 : i32 to vector<16xi32>
        %gather3A = tpu.vector_load_idx %arg14[%broadcast_in_dim3A] : memref<120xf32, #tpu.memory_space<vmem>>[vector<16xi32>], vector<16xf32>,
        %add3A_374 = arith.constant 1 : i32
        %add3A_375 = arith.addi %add3A_371, %add3A_374 : i32
        %broadcast_in_dim3A_376 = vector.broadcast %add3A_375 : i32 to vector<16xi32>
        %gather3A_377 = tpu.vector_load_idx %arg14[%broadcast_in_dim3A_376] : memref<120xf32, #tpu.memory_space<vmem>>[vector<16xi32>], vector<16xf32>,
        %add3A_378 = arith.constant 2 : i32
        %add3A_379 = arith.addi %add3A_371, %add3A_378 : i32
        %broadcast_in_dim3A_380 = vector.broadcast %add3A_379 : i32 to vector<16xi32>
        %gather3A_381 = tpu.vector_load_idx %arg14[%broadcast_in_dim3A_380] : memref<120xf32, #tpu.memory_space<vmem>>[vector<16xi32>], vector<16xf32>,
        %add3A_382 = arith.constant 3 : i32
        %add3A_383 = arith.addi %add3A_371, %add3A_382 : i32
        %broadcast_in_dim3A_384 = vector.broadcast %add3A_383 : i32 to vector<16xi32>
        %gather3A_385 = tpu.vector_load_idx %arg14[%broadcast_in_dim3A_384] : memref<120xf32, #tpu.memory_space<vmem>>[vector<16xi32>], vector<16xf32>,
        %add3A_386 = arith.constant 0 : i32
        %add3A_387 = arith.addi %add3A_371, %add3A_386 : i32
        %get3A = arith.index_cast %add3A_387 : i32 to index
        %get3A_388 = arith.constant 0 : index
        %get3A_389 = tpu.vector_load %arg17[%get3A, %get3A_388] {strides = array<i32>} : memref<120x128xf32, #tpu.memory_space<vmem>>, vector<16xf32>,
        %mul3A_390 = arith.mulf %get3A_389, %gather3A : vector<16xf32>
        %add3A_391 = arith.constant 0 : i32
        %add3A_392 = arith.addi %add3A_371, %add3A_391 : i32
        %swap3A = arith.index_cast %add3A_392 : i32 to index
        %swap3A_393 = arith.constant 0 : index
        %swap3A_394 = tpu.vector_load %arg17[%swap3A, %swap3A_393] {strides = array<i32>} : memref<120x128xf32, #tpu.memory_space<vmem>>, vector<16xf32>,
        tpu.vector_store %arg17[%swap3A, %swap3A_393], %mul3A_390 {strides = array<i32>} : memref<120x128xf32, #tpu.memory_space<vmem>>, vector<16xf32>,
        %add3A_395 = arith.constant 1 : i32
        %add3A_396 = arith.addi %add3A_371, %add3A_395 : i32
        %get3A_397 = arith.index_cast %add3A_396 : i32 to index
        %get3A_398 = arith.constant 0 : index
        %get3A_399 = tpu.vector_load %arg17[%get3A_397, %get3A_398] {strides = array<i32>} : memref<120x128xf32, #tpu.memory_space<vmem>>, vector<16xf32>,
        %mul3A_400 = arith.mulf %get3A_399, %gather3A_377 : vector<16xf32>
        %add3A_401 = arith.constant 1 : i32
        %add3A_402 = arith.addi %add3A_371, %add3A_401 : i32
        %swap3A_403 = arith.index_cast %add3A_402 : i32 to index
        %swap3A_404 = arith.constant 0 : index
        %swap3A_405 = tpu.vector_load %arg17[%swap3A_403, %swap3A_404] {strides = array<i32>} : memref<120x128xf32, #tpu.memory_space<vmem>>, vector<16xf32>,
        tpu.vector_store %arg17[%swap3A_403, %swap3A_404], %mul3A_400 {strides = array<i32>} : memref<120x128xf32, #tpu.memory_space<vmem>>, vector<16xf32>,
        %add3A_406 = arith.constant 2 : i32
        %add3A_407 = arith.addi %add3A_371, %add3A_406 : i32
        %get3A_408 = arith.index_cast %add3A_407 : i32 to index
        %get3A_409 = arith.constant 0 : index
        %get3A_410 = tpu.vector_load %arg17[%get3A_408, %get3A_409] {strides = array<i32>} : memref<120x128xf32, #tpu.memory_space<vmem>>, vector<16xf32>,
        %mul3A_411 = arith.mulf %get3A_410, %gather3A_381 : vector<16xf32>
        %add3A_412 = arith.constant 2 : i32
        %add3A_413 = arith.addi %add3A_371, %add3A_412 : i32
        %swap3A_414 = arith.index_cast %add3A_413 : i32 to index
        %swap3A_415 = arith.constant 0 : index
        %swap3A_416 = tpu.vector_load %arg17[%swap3A_414, %swap3A_415] {strides = array<i32>} : memref<120x128xf32, #tpu.memory_space<vmem>>, vector<16xf32>,
        tpu.vector_store %arg17[%swap3A_414, %swap3A_415], %mul3A_411 {strides = array<i32>} : memref<120x128xf32, #tpu.memory_space<vmem>>, vector<16xf32>,
        %add3A_417 = arith.constant 3 : i32
        %add3A_418 = arith.addi %add3A_371, %add3A_417 : i32
        %get3A_419 = arith.index_cast %add3A_418 : i32 to index
        %get3A_420 = arith.constant 0 : index
        %get3A_421 = tpu.vector_load %arg17[%get3A_419, %get3A_420] {strides = array<i32>} : memref<120x128xf32, #tpu.memory_space<vmem>>, vector<16xf32>,
        %mul3A_422 = arith.mulf %get3A_421, %gather3A_385 : vector<16xf32>
        %add3A_423 = arith.constant 3 : i32
        %add3A_424 = arith.addi %add3A_371, %add3A_423 : i32
        %swap3A_425 = arith.index_cast %add3A_424 : i32 to index
        %swap3A_426 = arith.constant 0 : index
        %swap3A_427 = tpu.vector_load %arg17[%swap3A_425, %swap3A_426] {strides = array<i32>} : memref<120x128xf32, #tpu.memory_space<vmem>>, vector<16xf32>,
        tpu.vector_store %arg17[%swap3A_425, %swap3A_426], %mul3A_422 {strides = array<i32>} : memref<120x128xf32, #tpu.memory_space<vmem>>, vector<16xf32>,
        %add3A_428 = arith.constant 0 : i32
        %add3A_429 = arith.addi %add3A_371, %add3A_428 : i32
        %get3A_430 = arith.index_cast %add3A_429 : i32 to index
        %get3A_431 = arith.constant 16 : index
        %get3A_432 = tpu.vector_load %arg17[%get3A_430, %get3A_431] {strides = array<i32>} : memref<120x128xf32, #tpu.memory_space<vmem>>, vector<16xf32>,
        %mul3A_433 = arith.mulf %get3A_432, %gather3A : vector<16xf32>
        %add3A_434 = arith.constant 0 : i32
        %add3A_435 = arith.addi %add3A_371, %add3A_434 : i32
        %swap3A_436 = arith.index_cast %add3A_435 : i32 to index
        %swap3A_437 = arith.constant 16 : index
        %swap3A_438 = tpu.vector_load %arg17[%swap3A_436, %swap3A_437] {strides = array<i32>} : memref<120x128xf32, #tpu.memory_space<vmem>>, vector<16xf32>,
        tpu.vector_store %arg17[%swap3A_436, %swap3A_437], %mul3A_433 {strides = array<i32>} : memref<120x128xf32, #tpu.memory_space<vmem>>, vector<16xf32>,
        %add3A_439 = arith.constant 1 : i32
        %add3A_440 = arith.addi %add3A_371, %add3A_439 : i32
        %get3A_441 = arith.index_cast %add3A_440 : i32 to index
        %get3A_442 = arith.constant 16 : index
        %get3A_443 = tpu.vector_load %arg17[%get3A_441, %get3A_442] {strides = array<i32>} : memref<120x128xf32, #tpu.memory_space<vmem>>, vector<16xf32>,
        %mul3A_444 = arith.mulf %get3A_443, %gather3A_377 : vector<16xf32>
        %add3A_445 = arith.constant 1 : i32
        %add3A_446 = arith.addi %add3A_371, %add3A_445 : i32
        %swap3A_447 = arith.index_cast %add3A_446 : i32 to index
        %swap3A_448 = arith.constant 16 : index
        %swap3A_449 = tpu.vector_load %arg17[%swap3A_447, %swap3A_448] {strides = array<i32>} : memref<120x128xf32, #tpu.memory_space<vmem>>, vector<16xf32>,
        tpu.vector_store %arg17[%swap3A_447, %swap3A_448], %mul3A_444 {strides = array<i32>} : memref<120x128xf32, #tpu.memory_space<vmem>>, vector<16xf32>,
        %add3A_450 = arith.constant 2 : i32
        %add3A_451 = arith.addi %add3A_371, %add3A_450 : i32
        %get3A_452 = arith.index_cast %add3A_451 : i32 to index
        %get3A_453 = arith.constant 16 : index
        %get3A_454 = tpu.vector_load %arg17[%get3A_452, %get3A_453] {strides = array<i32>} : memref<120x128xf32, #tpu.memory_space<vmem>>, vector<16xf32>,
        %mul3A_455 = arith.mulf %get3A_454, %gather3A_381 : vector<16xf32>
        %add3A_456 = arith.constant 2 : i32
        %add3A_457 = arith.addi %add3A_371, %add3A_456 : i32
        %swap3A_458 = arith.index_cast %add3A_457 : i32 to index
        %swap3A_459 = arith.constant 16 : index
        %swap3A_460 = tpu.vector_load %arg17[%swap3A_458, %swap3A_459] {strides = array<i32>} : memref<120x128xf32, #tpu.memory_space<vmem>>, vector<16xf32>,
        tpu.vector_store %arg17[%swap3A_458, %swap3A_459], %mul3A_455 {strides = array<i32>} : memref<120x128xf32, #tpu.memory_space<vmem>>, vector<16xf32>,
        %add3A_461 = arith.constant 3 : i32
        %add3A_462 = arith.addi %add3A_371, %add3A_461 : i32
        %get3A_463 = arith.index_cast %add3A_462 : i32 to index
        %get3A_464 = arith.constant 16 : index
        %get3A_465 = tpu.vector_load %arg17[%get3A_463, %get3A_464] {strides = array<i32>} : memref<120x128xf32, #tpu.memory_space<vmem>>, vector<16xf32>,
        %mul3A_466 = arith.mulf %get3A_465, %gather3A_385 : vector<16xf32>
        %add3A_467 = arith.constant 3 : i32
        %add3A_468 = arith.addi %add3A_371, %add3A_467 : i32
        %swap3A_469 = arith.index_cast %add3A_468 : i32 to index
        %swap3A_470 = arith.constant 16 : index
        %swap3A_471 = tpu.vector_load %arg17[%swap3A_469, %swap3A_470] {strides = array<i32>} : memref<120x128xf32, #tpu.memory_space<vmem>>, vector<16xf32>,
        tpu.vector_store %arg17[%swap3A_469, %swap3A_470], %mul3A_466 {strides = array<i32>} : memref<120x128xf32, #tpu.memory_space<vmem>>, vector<16xf32>,
        %add3A_472 = arith.constant 0 : i32
        %add3A_473 = arith.addi %add3A_371, %add3A_472 : i32
        %get3A_474 = arith.index_cast %add3A_473 : i32 to index
        %get3A_475 = arith.constant 32 : index
        %get3A_476 = tpu.vector_load %arg17[%get3A_474, %get3A_475] {strides = array<i32>} : memref<120x128xf32, #tpu.memory_space<vmem>>, vector<16xf32>,
        %mul3A_477 = arith.mulf %get3A_476, %gather3A : vector<16xf32>
        %add3A_478 = arith.constant 0 : i32
        %add3A_479 = arith.addi %add3A_371, %add3A_478 : i32
        %swap3A_480 = arith.index_cast %add3A_479 : i32 to index
        %swap3A_481 = arith.constant 32 : index
        %swap3A_482 = tpu.vector_load %arg17[%swap3A_480, %swap3A_481] {strides = array<i32>} : memref<120x128xf32, #tpu.memory_space<vmem>>, vector<16xf32>,
        tpu.vector_store %arg17[%swap3A_480, %swap3A_481], %mul3A_477 {strides = array<i32>} : memref<120x128xf32, #tpu.memory_space<vmem>>, vector<16xf32>,
        %add3A_483 = arith.constant 1 : i32
        %add3A_484 = arith.addi %add3A_371, %add3A_483 : i32
        %get3A_485 = arith.index_cast %add3A_484 : i32 to index
        %get3A_486 = arith.constant 32 : index
        %get3A_487 = tpu.vector_load %arg17[%get3A_485, %get3A_486] {strides = array<i32>} : memref<120x128xf32, #tpu.memory_space<vmem>>, vector<16xf32>,
        %mul3A_488 = arith.mulf %get3A_487, %gather3A_377 : vector<16xf32>
        %add3A_489 = arith.constant 1 : i32
        %add3A_490 = arith.addi %add3A_371, %add3A_489 : i32
        %swap3A_491 = arith.index_cast %add3A_490 : i32 to index
        %swap3A_492 = arith.constant 32 : index
        %swap3A_493 = tpu.vector_load %arg17[%swap3A_491, %swap3A_492] {strides = array<i32>} : memref<120x128xf32, #tpu.memory_space<vmem>>, vector<16xf32>,
        tpu.vector_store %arg17[%swap3A_491, %swap3A_492], %mul3A_488 {strides = array<i32>} : memref<120x128xf32, #tpu.memory_space<vmem>>, vector<16xf32>,
        %add3A_494 = arith.constant 2 : i32
        %add3A_495 = arith.addi %add3A_371, %add3A_494 : i32
        %get3A_496 = arith.index_cast %add3A_495 : i32 to index
        %get3A_497 = arith.constant 32 : index
        %get3A_498 = tpu.vector_load %arg17[%get3A_496, %get3A_497] {strides = array<i32>} : memref<120x128xf32, #tpu.memory_space<vmem>>, vector<16xf32>,
        %mul3A_499 = arith.mulf %get3A_498, %gather3A_381 : vector<16xf32>
        %add3A_500 = arith.constant 2 : i32
        %add3A_501 = arith.addi %add3A_371, %add3A_500 : i32
        %swap3A_502 = arith.index_cast %add3A_501 : i32 to index
        %swap3A_503 = arith.constant 32 : index
        %swap3A_504 = tpu.vector_load %arg17[%swap3A_502, %swap3A_503] {strides = array<i32>} : memref<120x128xf32, #tpu.memory_space<vmem>>, vector<16xf32>,
        tpu.vector_store %arg17[%swap3A_502, %swap3A_503], %mul3A_499 {strides = array<i32>} : memref<120x128xf32, #tpu.memory_space<vmem>>, vector<16xf32>,
        %add3A_505 = arith.constant 3 : i32
        %add3A_506 = arith.addi %add3A_371, %add3A_505 : i32
        %get3A_507 = arith.index_cast %add3A_506 : i32 to index
        %get3A_508 = arith.constant 32 : index
        %get3A_509 = tpu.vector_load %arg17[%get3A_507, %get3A_508] {strides = array<i32>} : memref<120x128xf32, #tpu.memory_space<vmem>>, vector<16xf32>,
        %mul3A_510 = arith.mulf %get3A_509, %gather3A_385 : vector<16xf32>
        %add3A_511 = arith.constant 3 : i32
        %add3A_512 = arith.addi %add3A_371, %add3A_511 : i32
        %swap3A_513 = arith.index_cast %add3A_512 : i32 to index
        %swap3A_514 = arith.constant 32 : index
        %swap3A_515 = tpu.vector_load %arg17[%swap3A_513, %swap3A_514] {strides = array<i32>} : memref<120x128xf32, #tpu.memory_space<vmem>>, vector<16xf32>,
        tpu.vector_store %arg17[%swap3A_513, %swap3A_514], %mul3A_510 {strides = array<i32>} : memref<120x128xf32, #tpu.memory_space<vmem>>, vector<16xf32>,
        %add3A_516 = arith.constant 0 : i32
        %add3A_517 = arith.addi %add3A_371, %add3A_516 : i32
        %get3A_518 = arith.index_cast %add3A_517 : i32 to index
        %get3A_519 = arith.constant 48 : index
        %get3A_520 = tpu.vector_load %arg17[%get3A_518, %get3A_519] {strides = array<i32>} : memref<120x128xf32, #tpu.memory_space<vmem>>, vector<16xf32>,
        %mul3A_521 = arith.mulf %get3A_520, %gather3A : vector<16xf32>
        %add3A_522 = arith.constant 0 : i32
        %add3A_523 = arith.addi %add3A_371, %add3A_522 : i32
        %swap3A_524 = arith.index_cast %add3A_523 : i32 to index
        %swap3A_525 = arith.constant 48 : index
        %swap3A_526 = tpu.vector_load %arg17[%swap3A_524, %swap3A_525] {strides = array<i32>} : memref<120x128xf32, #tpu.memory_space<vmem>>, vector<16xf32>,
        tpu.vector_store %arg17[%swap3A_524, %swap3A_525], %mul3A_521 {strides = array<i32>} : memref<120x128xf32, #tpu.memory_space<vmem>>, vector<16xf32>,
        %add3A_527 = arith.constant 1 : i32
        %add3A_528 = arith.addi %add3A_371, %add3A_527 : i32
        %get3A_529 = arith.index_cast %add3A_528 : i32 to index
        %get3A_530 = arith.constant 48 : index
        %get3A_531 = tpu.vector_load %arg17[%get3A_529, %get3A_530] {strides = array<i32>} : memref<120x128xf32, #tpu.memory_space<vmem>>, vector<16xf32>,
        %mul3A_532 = arith.mulf %get3A_531, %gather3A_377 : vector<16xf32>
        %add3A_533 = arith.constant 1 : i32
        %add3A_534 = arith.addi %add3A_371, %add3A_533 : i32
        %swap3A_535 = arith.index_cast %add3A_534 : i32 to index
        %swap3A_536 = arith.constant 48 : index
        %swap3A_537 = tpu.vector_load %arg17[%swap3A_535, %swap3A_536] {strides = array<i32>} : memref<120x128xf32, #tpu.memory_space<vmem>>, vector<16xf32>,
        tpu.vector_store %arg17[%swap3A_535, %swap3A_536], %mul3A_532 {strides = array<i32>} : memref<120x128xf32, #tpu.memory_space<vmem>>, vector<16xf32>,
        %add3A_538 = arith.constant 2 : i32
        %add3A_539 = arith.addi %add3A_371, %add3A_538 : i32
        %get3A_540 = arith.index_cast %add3A_539 : i32 to index
        %get3A_541 = arith.constant 48 : index
        %get3A_542 = tpu.vector_load %arg17[%get3A_540, %get3A_541] {strides = array<i32>} : memref<120x128xf32, #tpu.memory_space<vmem>>, vector<16xf32>,
        %mul3A_543 = arith.mulf %get3A_542, %gather3A_381 : vector<16xf32>
        %add3A_544 = arith.constant 2 : i32
        %add3A_545 = arith.addi %add3A_371, %add3A_544 : i32
        %swap3A_546 = arith.index_cast %add3A_545 : i32 to index
        %swap3A_547 = arith.constant 48 : index
        %swap3A_548 = tpu.vector_load %arg17[%swap3A_546, %swap3A_547] {strides = array<i32>} : memref<120x128xf32, #tpu.memory_space<vmem>>, vector<16xf32>,
        tpu.vector_store %arg17[%swap3A_546, %swap3A_547], %mul3A_543 {strides = array<i32>} : memref<120x128xf32, #tpu.memory_space<vmem>>, vector<16xf32>,
        %add3A_549 = arith.constant 3 : i32
        %add3A_550 = arith.addi %add3A_371, %add3A_549 : i32
        %get3A_551 = arith.index_cast %add3A_550 : i32 to index
        %get3A_552 = arith.constant 48 : index
        %get3A_553 = tpu.vector_load %arg17[%get3A_551, %get3A_552] {strides = array<i32>} : memref<120x128xf32, #tpu.memory_space<vmem>>, vector<16xf32>,
        %mul3A_554 = arith.mulf %get3A_553, %gather3A_385 : vector<16xf32>
        %add3A_555 = arith.constant 3 : i32
        %add3A_556 = arith.addi %add3A_371, %add3A_555 : i32
        %swap3A_557 = arith.index_cast %add3A_556 : i32 to index
        %swap3A_558 = arith.constant 48 : index
        %swap3A_559 = tpu.vector_load %arg17[%swap3A_557, %swap3A_558] {strides = array<i32>} : memref<120x128xf32, #tpu.memory_space<vmem>>, vector<16xf32>,
        tpu.vector_store %arg17[%swap3A_557, %swap3A_558], %mul3A_554 {strides = array<i32>} : memref<120x128xf32, #tpu.memory_space<vmem>>, vector<16xf32>,
        %add3A_560 = arith.constant 0 : i32
        %add3A_561 = arith.addi %add3A_371, %add3A_560 : i32
        %get3A_562 = arith.index_cast %add3A_561 : i32 to index
        %get3A_563 = arith.constant 64 : index
        %get3A_564 = tpu.vector_load %arg17[%get3A_562, %get3A_563] {strides = array<i32>} : memref<120x128xf32, #tpu.memory_space<vmem>>, vector<16xf32>,
        %mul3A_565 = arith.mulf %get3A_564, %gather3A : vector<16xf32>
        %add3A_566 = arith.constant 0 : i32
        %add3A_567 = arith.addi %add3A_371, %add3A_566 : i32
        %swap3A_568 = arith.index_cast %add3A_567 : i32 to index
        %swap3A_569 = arith.constant 64 : index
        %swap3A_570 = tpu.vector_load %arg17[%swap3A_568, %swap3A_569] {strides = array<i32>} : memref<120x128xf32, #tpu.memory_space<vmem>>, vector<16xf32>,
        tpu.vector_store %arg17[%swap3A_568, %swap3A_569], %mul3A_565 {strides = array<i32>} : memref<120x128xf32, #tpu.memory_space<vmem>>, vector<16xf32>,
        %add3A_571 = arith.constant 1 : i32
        %add3A_572 = arith.addi %add3A_371, %add3A_571 : i32
        %get3A_573 = arith.index_cast %add3A_572 : i32 to index
        %get3A_574 = arith.constant 64 : index
        %get3A_575 = tpu.vector_load %arg17[%get3A_573, %get3A_574] {strides = array<i32>} : memref<120x128xf32, #tpu.memory_space<vmem>>, vector<16xf32>,
        %mul3A_576 = arith.mulf %get3A_575, %gather3A_377 : vector<16xf32>
        %add3A_577 = arith.constant 1 : i32
        %add3A_578 = arith.addi %add3A_371, %add3A_577 : i32
        %swap3A_579 = arith.index_cast %add3A_578 : i32 to index
        %swap3A_580 = arith.constant 64 : index
        %swap3A_581 = tpu.vector_load %arg17[%swap3A_579, %swap3A_580] {strides = array<i32>} : memref<120x128xf32, #tpu.memory_space<vmem>>, vector<16xf32>,
        tpu.vector_store %arg17[%swap3A_579, %swap3A_580], %mul3A_576 {strides = array<i32>} : memref<120x128xf32, #tpu.memory_space<vmem>>, vector<16xf32>,
        %add3A_582 = arith.constant 2 : i32
        %add3A_583 = arith.addi %add3A_371, %add3A_582 : i32
        %get3A_584 = arith.index_cast %add3A_583 : i32 to index
        %get3A_585 = arith.constant 64 : index
        %get3A_586 = tpu.vector_load %arg17[%get3A_584, %get3A_585] {strides = array<i32>} : memref<120x128xf32, #tpu.memory_space<vmem>>, vector<16xf32>,
        %mul3A_587 = arith.mulf %get3A_586, %gather3A_381 : vector<16xf32>
        %add3A_588 = arith.constant 2 : i32
        %add3A_589 = arith.addi %add3A_371, %add3A_588 : i32
        %swap3A_590 = arith.index_cast %add3A_589 : i32 to index
        %swap3A_591 = arith.constant 64 : index
        %swap3A_592 = tpu.vector_load %arg17[%swap3A_590, %swap3A_591] {strides = array<i32>} : memref<120x128xf32, #tpu.memory_space<vmem>>, vector<16xf32>,
        tpu.vector_store %arg17[%swap3A_590, %swap3A_591], %mul3A_587 {strides = array<i32>} : memref<120x128xf32, #tpu.memory_space<vmem>>, vector<16xf32>,
        %add3A_593 = arith.constant 3 : i32
        %add3A_594 = arith.addi %add3A_371, %add3A_593 : i32
        %get3A_595 = arith.index_cast %add3A_594 : i32 to index
        %get3A_596 = arith.constant 64 : index
        %get3A_597 = tpu.vector_load %arg17[%get3A_595, %get3A_596] {strides = array<i32>} : memref<120x128xf32, #tpu.memory_space<vmem>>, vector<16xf32>,
        %mul3A_598 = arith.mulf %get3A_597, %gather3A_385 : vector<16xf32>
        %add3A_599 = arith.constant 3 : i32
        %add3A_600 = arith.addi %add3A_371, %add3A_599 : i32
        %swap3A_601 = arith.index_cast %add3A_600 : i32 to index
        %swap3A_602 = arith.constant 64 : index
        %swap3A_603 = tpu.vector_load %arg17[%swap3A_601, %swap3A_602] {strides = array<i32>} : memref<120x128xf32, #tpu.memory_space<vmem>>, vector<16xf32>,
        tpu.vector_store %arg17[%swap3A_601, %swap3A_602], %mul3A_598 {strides = array<i32>} : memref<120x128xf32, #tpu.memory_space<vmem>>, vector<16xf32>,
        %add3A_604 = arith.constant 0 : i32
        %add3A_605 = arith.addi %add3A_371, %add3A_604 : i32
        %get3A_606 = arith.index_cast %add3A_605 : i32 to index
        %get3A_607 = arith.constant 80 : index
        %get3A_608 = tpu.vector_load %arg17[%get3A_606, %get3A_607] {strides = array<i32>} : memref<120x128xf32, #tpu.memory_space<vmem>>, vector<16xf32>,
        %mul3A_609 = arith.mulf %get3A_608, %gather3A : vector<16xf32>
        %add3A_610 = arith.constant 0 : i32
        %add3A_611 = arith.addi %add3A_371, %add3A_610 : i32
        %swap3A_612 = arith.index_cast %add3A_611 : i32 to index
        %swap3A_613 = arith.constant 80 : index
        %swap3A_614 = tpu.vector_load %arg17[%swap3A_612, %swap3A_613] {strides = array<i32>} : memref<120x128xf32, #tpu.memory_space<vmem>>, vector<16xf32>,
        tpu.vector_store %arg17[%swap3A_612, %swap3A_613], %mul3A_609 {strides = array<i32>} : memref<120x128xf32, #tpu.memory_space<vmem>>, vector<16xf32>,
        %add3A_615 = arith.constant 1 : i32
        %add3A_616 = arith.addi %add3A_371, %add3A_615 : i32
        %get3A_617 = arith.index_cast %add3A_616 : i32 to index
        %get3A_618 = arith.constant 80 : index
        %get3A_619 = tpu.vector_load %arg17[%get3A_617, %get3A_618] {strides = array<i32>} : memref<120x128xf32, #tpu.memory_space<vmem>>, vector<16xf32>,
        %mul3A_620 = arith.mulf %get3A_619, %gather3A_377 : vector<16xf32>
        %add3A_621 = arith.constant 1 : i32
        %add3A_622 = arith.addi %add3A_371, %add3A_621 : i32
        %swap3A_623 = arith.index_cast %add3A_622 : i32 to index
        %swap3A_624 = arith.constant 80 : index
        %swap3A_625 = tpu.vector_load %arg17[%swap3A_623, %swap3A_624] {strides = array<i32>} : memref<120x128xf32, #tpu.memory_space<vmem>>, vector<16xf32>,
        tpu.vector_store %arg17[%swap3A_623, %swap3A_624], %mul3A_620 {strides = array<i32>} : memref<120x128xf32, #tpu.memory_space<vmem>>, vector<16xf32>,
        %add3A_626 = arith.constant 2 : i32
        %add3A_627 = arith.addi %add3A_371, %add3A_626 : i32
        %get3A_628 = arith.index_cast %add3A_627 : i32 to index
        %get3A_629 = arith.constant 80 : index
        %get3A_630 = tpu.vector_load %arg17[%get3A_628, %get3A_629] {strides = array<i32>} : memref<120x128xf32, #tpu.memory_space<vmem>>, vector<16xf32>,
        %mul3A_631 = arith.mulf %get3A_630, %gather3A_381 : vector<16xf32>
        %add3A_632 = arith.constant 2 : i32
        %add3A_633 = arith.addi %add3A_371, %add3A_632 : i32
        %swap3A_634 = arith.index_cast %add3A_633 : i32 to index
        %swap3A_635 = arith.constant 80 : index
        %swap3A_636 = tpu.vector_load %arg17[%swap3A_634, %swap3A_635] {strides = array<i32>} : memref<120x128xf32, #tpu.memory_space<vmem>>, vector<16xf32>,
        tpu.vector_store %arg17[%swap3A_634, %swap3A_635], %mul3A_631 {strides = array<i32>} : memref<120x128xf32, #tpu.memory_space<vmem>>, vector<16xf32>,
        %add3A_637 = arith.constant 3 : i32
        %add3A_638 = arith.addi %add3A_371, %add3A_637 : i32
        %get3A_639 = arith.index_cast %add3A_638 : i32 to index
        %get3A_640 = arith.constant 80 : index
        %get3A_641 = tpu.vector_load %arg17[%get3A_639, %get3A_640] {strides = array<i32>} : memref<120x128xf32, #tpu.memory_space<vmem>>, vector<16xf32>,
        %mul3A_642 = arith.mulf %get3A_641, %gather3A_385 : vector<16xf32>
        %add3A_643 = arith.constant 3 : i32
        %add3A_644 = arith.addi %add3A_371, %add3A_643 : i32
        %swap3A_645 = arith.index_cast %add3A_644 : i32 to index
        %swap3A_646 = arith.constant 80 : index
        %swap3A_647 = tpu.vector_load %arg17[%swap3A_645, %swap3A_646] {strides = array<i32>} : memref<120x128xf32, #tpu.memory_space<vmem>>, vector<16xf32>,
        tpu.vector_store %arg17[%swap3A_645, %swap3A_646], %mul3A_642 {strides = array<i32>} : memref<120x128xf32, #tpu.memory_space<vmem>>, vector<16xf32>,
        %add3A_648 = arith.constant 0 : i32
        %add3A_649 = arith.addi %add3A_371, %add3A_648 : i32
        %get3A_650 = arith.index_cast %add3A_649 : i32 to index
        %get3A_651 = arith.constant 96 : index
        %get3A_652 = tpu.vector_load %arg17[%get3A_650, %get3A_651] {strides = array<i32>} : memref<120x128xf32, #tpu.memory_space<vmem>>, vector<16xf32>,
        %mul3A_653 = arith.mulf %get3A_652, %gather3A : vector<16xf32>
        %add3A_654 = arith.constant 0 : i32
        %add3A_655 = arith.addi %add3A_371, %add3A_654 : i32
        %swap3A_656 = arith.index_cast %add3A_655 : i32 to index
        %swap3A_657 = arith.constant 96 : index
        %swap3A_658 = tpu.vector_load %arg17[%swap3A_656, %swap3A_657] {strides = array<i32>} : memref<120x128xf32, #tpu.memory_space<vmem>>, vector<16xf32>,
        tpu.vector_store %arg17[%swap3A_656, %swap3A_657], %mul3A_653 {strides = array<i32>} : memref<120x128xf32, #tpu.memory_space<vmem>>, vector<16xf32>,
        %add3A_659 = arith.constant 1 : i32
        %add3A_660 = arith.addi %add3A_371, %add3A_659 : i32
        %get3A_661 = arith.index_cast %add3A_660 : i32 to index
        %get3A_662 = arith.constant 96 : index
        %get3A_663 = tpu.vector_load %arg17[%get3A_661, %get3A_662] {strides = array<i32>} : memref<120x128xf32, #tpu.memory_space<vmem>>, vector<16xf32>,
        %mul3A_664 = arith.mulf %get3A_663, %gather3A_377 : vector<16xf32>
        %add3A_665 = arith.constant 1 : i32
        %add3A_666 = arith.addi %add3A_371, %add3A_665 : i32
        %swap3A_667 = arith.index_cast %add3A_666 : i32 to index
        %swap3A_668 = arith.constant 96 : index
        %swap3A_669 = tpu.vector_load %arg17[%swap3A_667, %swap3A_668] {strides = array<i32>} : memref<120x128xf32, #tpu.memory_space<vmem>>, vector<16xf32>,
        tpu.vector_store %arg17[%swap3A_667, %swap3A_668], %mul3A_664 {strides = array<i32>} : memref<120x128xf32, #tpu.memory_space<vmem>>, vector<16xf32>,
        %add3A_670 = arith.constant 2 : i32
        %add3A_671 = arith.addi %add3A_371, %add3A_670 : i32
        %get3A_672 = arith.index_cast %add3A_671 : i32 to index
        %get3A_673 = arith.constant 96 : index
        %get3A_674 = tpu.vector_load %arg17[%get3A_672, %get3A_673] {strides = array<i32>} : memref<120x128xf32, #tpu.memory_space<vmem>>, vector<16xf32>,
        %mul3A_675 = arith.mulf %get3A_674, %gather3A_381 : vector<16xf32>
        %add3A_676 = arith.constant 2 : i32
        %add3A_677 = arith.addi %add3A_371, %add3A_676 : i32
        %swap3A_678 = arith.index_cast %add3A_677 : i32 to index
        %swap3A_679 = arith.constant 96 : index
        %swap3A_680 = tpu.vector_load %arg17[%swap3A_678, %swap3A_679] {strides = array<i32>} : memref<120x128xf32, #tpu.memory_space<vmem>>, vector<16xf32>,
        tpu.vector_store %arg17[%swap3A_678, %swap3A_679], %mul3A_675 {strides = array<i32>} : memref<120x128xf32, #tpu.memory_space<vmem>>, vector<16xf32>,
        %add3A_681 = arith.constant 3 : i32
        %add3A_682 = arith.addi %add3A_371, %add3A_681 : i32
        %get3A_683 = arith.index_cast %add3A_682 : i32 to index
        %get3A_684 = arith.constant 96 : index
        %get3A_685 = tpu.vector_load %arg17[%get3A_683, %get3A_684] {strides = array<i32>} : memref<120x128xf32, #tpu.memory_space<vmem>>, vector<16xf32>,
        %mul3A_686 = arith.mulf %get3A_685, %gather3A_385 : vector<16xf32>
        %add3A_687 = arith.constant 3 : i32
        %add3A_688 = arith.addi %add3A_371, %add3A_687 : i32
        %swap3A_689 = arith.index_cast %add3A_688 : i32 to index
        %swap3A_690 = arith.constant 96 : index
        %swap3A_691 = tpu.vector_load %arg17[%swap3A_689, %swap3A_690] {strides = array<i32>} : memref<120x128xf32, #tpu.memory_space<vmem>>, vector<16xf32>,
        tpu.vector_store %arg17[%swap3A_689, %swap3A_690], %mul3A_686 {strides = array<i32>} : memref<120x128xf32, #tpu.memory_space<vmem>>, vector<16xf32>,
        %add3A_692 = arith.constant 0 : i32
        %add3A_693 = arith.addi %add3A_371, %add3A_692 : i32
        %get3A_694 = arith.index_cast %add3A_693 : i32 to index
        %get3A_695 = arith.constant 112 : index
        %get3A_696 = tpu.vector_load %arg17[%get3A_694, %get3A_695] {strides = array<i32>} : memref<120x128xf32, #tpu.memory_space<vmem>>, vector<16xf32>,
        %mul3A_697 = arith.mulf %get3A_696, %gather3A : vector<16xf32>
        %add3A_698 = arith.constant 0 : i32
        %add3A_699 = arith.addi %add3A_371, %add3A_698 : i32
        %swap3A_700 = arith.index_cast %add3A_699 : i32 to index
        %swap3A_701 = arith.constant 112 : index
        %swap3A_702 = tpu.vector_load %arg17[%swap3A_700, %swap3A_701] {strides = array<i32>} : memref<120x128xf32, #tpu.memory_space<vmem>>, vector<16xf32>,
        tpu.vector_store %arg17[%swap3A_700, %swap3A_701], %mul3A_697 {strides = array<i32>} : memref<120x128xf32, #tpu.memory_space<vmem>>, vector<16xf32>,
        %add3A_703 = arith.constant 1 : i32
        %add3A_704 = arith.addi %add3A_371, %add3A_703 : i32
        %get3A_705 = arith.index_cast %add3A_704 : i32 to index
        %get3A_706 = arith.constant 112 : index
        %get3A_707 = tpu.vector_load %arg17[%get3A_705, %get3A_706] {strides = array<i32>} : memref<120x128xf32, #tpu.memory_space<vmem>>, vector<16xf32>,
        %mul3A_708 = arith.mulf %get3A_707, %gather3A_377 : vector<16xf32>
        %add3A_709 = arith.constant 1 : i32
        %add3A_710 = arith.addi %add3A_371, %add3A_709 : i32
        %swap3A_711 = arith.index_cast %add3A_710 : i32 to index
        %swap3A_712 = arith.constant 112 : index
        %swap3A_713 = tpu.vector_load %arg17[%swap3A_711, %swap3A_712] {strides = array<i32>} : memref<120x128xf32, #tpu.memory_space<vmem>>, vector<16xf32>,
        tpu.vector_store %arg17[%swap3A_711, %swap3A_712], %mul3A_708 {strides = array<i32>} : memref<120x128xf32, #tpu.memory_space<vmem>>, vector<16xf32>,
        %add3A_714 = arith.constant 2 : i32
        %add3A_715 = arith.addi %add3A_371, %add3A_714 : i32
        %get3A_716 = arith.index_cast %add3A_715 : i32 to index
        %get3A_717 = arith.constant 112 : index
        %get3A_718 = tpu.vector_load %arg17[%get3A_716, %get3A_717] {strides = array<i32>} : memref<120x128xf32, #tpu.memory_space<vmem>>, vector<16xf32>,
        %mul3A_719 = arith.mulf %get3A_718, %gather3A_381 : vector<16xf32>
        %add3A_720 = arith.constant 2 : i32
        %add3A_721 = arith.addi %add3A_371, %add3A_720 : i32
        %swap3A_722 = arith.index_cast %add3A_721 : i32 to index
        %swap3A_723 = arith.constant 112 : index
        %swap3A_724 = tpu.vector_load %arg17[%swap3A_722, %swap3A_723] {strides = array<i32>} : memref<120x128xf32, #tpu.memory_space<vmem>>, vector<16xf32>,
        tpu.vector_store %arg17[%swap3A_722, %swap3A_723], %mul3A_719 {strides = array<i32>} : memref<120x128xf32, #tpu.memory_space<vmem>>, vector<16xf32>,
        %add3A_725 = arith.constant 3 : i32
        %add3A_726 = arith.addi %add3A_371, %add3A_725 : i32
        %get3A_727 = arith.index_cast %add3A_726 : i32 to index
        %get3A_728 = arith.constant 112 : index
        %get3A_729 = tpu.vector_load %arg17[%get3A_727, %get3A_728] {strides = array<i32>} : memref<120x128xf32, #tpu.memory_space<vmem>>, vector<16xf32>,
        %mul3A_730 = arith.mulf %get3A_729, %gather3A_385 : vector<16xf32>
        %add3A_731 = arith.constant 3 : i32
        %add3A_732 = arith.addi %add3A_371, %add3A_731 : i32
        %swap3A_733 = arith.index_cast %add3A_732 : i32 to index
        %swap3A_734 = arith.constant 112 : index
        %swap3A_735 = tpu.vector_load %arg17[%swap3A_733, %swap3A_734] {strides = array<i32>} : memref<120x128xf32, #tpu.memory_space<vmem>>, vector<16xf32>,
        tpu.vector_store %arg17[%swap3A_733, %swap3A_734], %mul3A_730 {strides = array<i32>} : memref<120x128xf32, #tpu.memory_space<vmem>>, vector<16xf32>,
      }
      %scan3A_241 = arith.constant 30 : i32
      %dma_start3A_242 = arith.constant 0 : i32
      %dma_start3A_243 = arith.constant 0 : i32
      %dma_start3A_244 = tpu.memref_slice %arg32[%dma_start3A_242, %dma_start3A_243] : memref<10112x128xf32, #tpu.memory_space<vmem_shared>> -> memref<10112x128xf32, #tpu.memory_space<vmem_shared>>
      tpu.enqueue_indirect_dma source(%arg17 : memref<120x128xf32, #tpu.memory_space<vmem>>) target(%dma_start3A_244 : memref<10112x128xf32, #tpu.memory_space<vmem_shared>>) offsets(%arg11 : memref<120xi32, #tpu.memory_space<vmem>>) semaphore(%arg29 : memref<!tpu.dma_semaphore, #tpu.memory_space<semaphore_mem>>) {add = true}
      %dma_wait3A_245 = arith.constant 0 : i32
      %dma_wait3A_246 = arith.constant 0 : i32
      %dma_wait3A_247 = tpu.memref_slice %arg3[%dma_wait3A_245, %dma_wait3A_246] : memref<10000x128xf32, #tpu.memory_space<hbm>> -> memref<10000x128xf32, #tpu.memory_space<hbm>>
      tpu.wait_indirect_dma semaphore(%arg27 : memref<!tpu.dma_semaphore, #tpu.memory_space<semaphore_mem>>) src(%dma_wait3A_247 : memref<10000x128xf32, #tpu.memory_space<hbm>>) dst(%arg18 : memref<120x128xf32, #tpu.memory_space<vmem>>)
      %scan3A_248 = arith.constant 0 : i32
      %scan3A_249 = arith.constant 30 : i32
      %scan3A_250 = arith.addi %scan3A_248, %scan3A_249 : i32
      %scan3A_251 = arith.constant 1 : i32
      scf.for %scan3A_367 = %scan3A_248 to %scan3A_250 step %scan3A_251  : i32 {
        %mul3A_368 = arith.constant 4 : i32
        %mul3A_369 = arith.muli %scan3A_367, %mul3A_368 : i32
        %add3A_370 = arith.constant 0 : i32
        %add3A_371 = arith.addi %add3A_370, %mul3A_369 : i32
        %add3A_372 = arith.constant 0 : i32
        %add3A_373 = arith.addi %add3A_371, %add3A_372 : i32
        %broadcast_in_dim3A = vector.broadcast %add3A_373 : i32 to vector<16xi32>
        %gather3A = tpu.vector_load_idx %arg15[%broadcast_in_dim3A] : memref<120xf32, #tpu.memory_space<vmem>>[vector<16xi32>], vector<16xf32>,
        %add3A_374 = arith.constant 1 : i32
        %add3A_375 = arith.addi %add3A_371, %add3A_374 : i32
        %broadcast_in_dim3A_376 = vector.broadcast %add3A_375 : i32 to vector<16xi32>
        %gather3A_377 = tpu.vector_load_idx %arg15[%broadcast_in_dim3A_376] : memref<120xf32, #tpu.memory_space<vmem>>[vector<16xi32>], vector<16xf32>,
        %add3A_378 = arith.constant 2 : i32
        %add3A_379 = arith.addi %add3A_371, %add3A_378 : i32
        %broadcast_in_dim3A_380 = vector.broadcast %add3A_379 : i32 to vector<16xi32>
        %gather3A_381 = tpu.vector_load_idx %arg15[%broadcast_in_dim3A_380] : memref<120xf32, #tpu.memory_space<vmem>>[vector<16xi32>], vector<16xf32>,
        %add3A_382 = arith.constant 3 : i32
        %add3A_383 = arith.addi %add3A_371, %add3A_382 : i32
        %broadcast_in_dim3A_384 = vector.broadcast %add3A_383 : i32 to vector<16xi32>
        %gather3A_385 = tpu.vector_load_idx %arg15[%broadcast_in_dim3A_384] : memref<120xf32, #tpu.memory_space<vmem>>[vector<16xi32>], vector<16xf32>,
        %add3A_386 = arith.constant 0 : i32
        %add3A_387 = arith.addi %add3A_371, %add3A_386 : i32
        %get3A = arith.index_cast %add3A_387 : i32 to index
        %get3A_388 = arith.constant 0 : index
        %get3A_389 = tpu.vector_load %arg18[%get3A, %get3A_388] {strides = array<i32>} : memref<120x128xf32, #tpu.memory_space<vmem>>, vector<16xf32>,
        %mul3A_390 = arith.mulf %get3A_389, %gather3A : vector<16xf32>
        %add3A_391 = arith.constant 0 : i32
        %add3A_392 = arith.addi %add3A_371, %add3A_391 : i32
        %swap3A = arith.index_cast %add3A_392 : i32 to index
        %swap3A_393 = arith.constant 0 : index
        %swap3A_394 = tpu.vector_load %arg18[%swap3A, %swap3A_393] {strides = array<i32>} : memref<120x128xf32, #tpu.memory_space<vmem>>, vector<16xf32>,
        tpu.vector_store %arg18[%swap3A, %swap3A_393], %mul3A_390 {strides = array<i32>} : memref<120x128xf32, #tpu.memory_space<vmem>>, vector<16xf32>,
        %add3A_395 = arith.constant 1 : i32
        %add3A_396 = arith.addi %add3A_371, %add3A_395 : i32
        %get3A_397 = arith.index_cast %add3A_396 : i32 to index
        %get3A_398 = arith.constant 0 : index
        %get3A_399 = tpu.vector_load %arg18[%get3A_397, %get3A_398] {strides = array<i32>} : memref<120x128xf32, #tpu.memory_space<vmem>>, vector<16xf32>,
        %mul3A_400 = arith.mulf %get3A_399, %gather3A_377 : vector<16xf32>
        %add3A_401 = arith.constant 1 : i32
        %add3A_402 = arith.addi %add3A_371, %add3A_401 : i32
        %swap3A_403 = arith.index_cast %add3A_402 : i32 to index
        %swap3A_404 = arith.constant 0 : index
        %swap3A_405 = tpu.vector_load %arg18[%swap3A_403, %swap3A_404] {strides = array<i32>} : memref<120x128xf32, #tpu.memory_space<vmem>>, vector<16xf32>,
        tpu.vector_store %arg18[%swap3A_403, %swap3A_404], %mul3A_400 {strides = array<i32>} : memref<120x128xf32, #tpu.memory_space<vmem>>, vector<16xf32>,
        %add3A_406 = arith.constant 2 : i32
        %add3A_407 = arith.addi %add3A_371, %add3A_406 : i32
        %get3A_408 = arith.index_cast %add3A_407 : i32 to index
        %get3A_409 = arith.constant 0 : index
        %get3A_410 = tpu.vector_load %arg18[%get3A_408, %get3A_409] {strides = array<i32>} : memref<120x128xf32, #tpu.memory_space<vmem>>, vector<16xf32>,
        %mul3A_411 = arith.mulf %get3A_410, %gather3A_381 : vector<16xf32>
        %add3A_412 = arith.constant 2 : i32
        %add3A_413 = arith.addi %add3A_371, %add3A_412 : i32
        %swap3A_414 = arith.index_cast %add3A_413 : i32 to index
        %swap3A_415 = arith.constant 0 : index
        %swap3A_416 = tpu.vector_load %arg18[%swap3A_414, %swap3A_415] {strides = array<i32>} : memref<120x128xf32, #tpu.memory_space<vmem>>, vector<16xf32>,
        tpu.vector_store %arg18[%swap3A_414, %swap3A_415], %mul3A_411 {strides = array<i32>} : memref<120x128xf32, #tpu.memory_space<vmem>>, vector<16xf32>,
        %add3A_417 = arith.constant 3 : i32
        %add3A_418 = arith.addi %add3A_371, %add3A_417 : i32
        %get3A_419 = arith.index_cast %add3A_418 : i32 to index
        %get3A_420 = arith.constant 0 : index
        %get3A_421 = tpu.vector_load %arg18[%get3A_419, %get3A_420] {strides = array<i32>} : memref<120x128xf32, #tpu.memory_space<vmem>>, vector<16xf32>,
        %mul3A_422 = arith.mulf %get3A_421, %gather3A_385 : vector<16xf32>
        %add3A_423 = arith.constant 3 : i32
        %add3A_424 = arith.addi %add3A_371, %add3A_423 : i32
        %swap3A_425 = arith.index_cast %add3A_424 : i32 to index
        %swap3A_426 = arith.constant 0 : index
        %swap3A_427 = tpu.vector_load %arg18[%swap3A_425, %swap3A_426] {strides = array<i32>} : memref<120x128xf32, #tpu.memory_space<vmem>>, vector<16xf32>,
        tpu.vector_store %arg18[%swap3A_425, %swap3A_426], %mul3A_422 {strides = array<i32>} : memref<120x128xf32, #tpu.memory_space<vmem>>, vector<16xf32>,
        %add3A_428 = arith.constant 0 : i32
        %add3A_429 = arith.addi %add3A_371, %add3A_428 : i32
        %get3A_430 = arith.index_cast %add3A_429 : i32 to index
        %get3A_431 = arith.constant 16 : index
        %get3A_432 = tpu.vector_load %arg18[%get3A_430, %get3A_431] {strides = array<i32>} : memref<120x128xf32, #tpu.memory_space<vmem>>, vector<16xf32>,
        %mul3A_433 = arith.mulf %get3A_432, %gather3A : vector<16xf32>
        %add3A_434 = arith.constant 0 : i32
        %add3A_435 = arith.addi %add3A_371, %add3A_434 : i32
        %swap3A_436 = arith.index_cast %add3A_435 : i32 to index
        %swap3A_437 = arith.constant 16 : index
        %swap3A_438 = tpu.vector_load %arg18[%swap3A_436, %swap3A_437] {strides = array<i32>} : memref<120x128xf32, #tpu.memory_space<vmem>>, vector<16xf32>,
        tpu.vector_store %arg18[%swap3A_436, %swap3A_437], %mul3A_433 {strides = array<i32>} : memref<120x128xf32, #tpu.memory_space<vmem>>, vector<16xf32>,
        %add3A_439 = arith.constant 1 : i32
        %add3A_440 = arith.addi %add3A_371, %add3A_439 : i32
        %get3A_441 = arith.index_cast %add3A_440 : i32 to index
        %get3A_442 = arith.constant 16 : index
        %get3A_443 = tpu.vector_load %arg18[%get3A_441, %get3A_442] {strides = array<i32>} : memref<120x128xf32, #tpu.memory_space<vmem>>, vector<16xf32>,
        %mul3A_444 = arith.mulf %get3A_443, %gather3A_377 : vector<16xf32>
        %add3A_445 = arith.constant 1 : i32
        %add3A_446 = arith.addi %add3A_371, %add3A_445 : i32
        %swap3A_447 = arith.index_cast %add3A_446 : i32 to index
        %swap3A_448 = arith.constant 16 : index
        %swap3A_449 = tpu.vector_load %arg18[%swap3A_447, %swap3A_448] {strides = array<i32>} : memref<120x128xf32, #tpu.memory_space<vmem>>, vector<16xf32>,
        tpu.vector_store %arg18[%swap3A_447, %swap3A_448], %mul3A_444 {strides = array<i32>} : memref<120x128xf32, #tpu.memory_space<vmem>>, vector<16xf32>,
        %add3A_450 = arith.constant 2 : i32
        %add3A_451 = arith.addi %add3A_371, %add3A_450 : i32
        %get3A_452 = arith.index_cast %add3A_451 : i32 to index
        %get3A_453 = arith.constant 16 : index
        %get3A_454 = tpu.vector_load %arg18[%get3A_452, %get3A_453] {strides = array<i32>} : memref<120x128xf32, #tpu.memory_space<vmem>>, vector<16xf32>,
        %mul3A_455 = arith.mulf %get3A_454, %gather3A_381 : vector<16xf32>
        %add3A_456 = arith.constant 2 : i32
        %add3A_457 = arith.addi %add3A_371, %add3A_456 : i32
        %swap3A_458 = arith.index_cast %add3A_457 : i32 to index
        %swap3A_459 = arith.constant 16 : index
        %swap3A_460 = tpu.vector_load %arg18[%swap3A_458, %swap3A_459] {strides = array<i32>} : memref<120x128xf32, #tpu.memory_space<vmem>>, vector<16xf32>,
        tpu.vector_store %arg18[%swap3A_458, %swap3A_459], %mul3A_455 {strides = array<i32>} : memref<120x128xf32, #tpu.memory_space<vmem>>, vector<16xf32>,
        %add3A_461 = arith.constant 3 : i32
        %add3A_462 = arith.addi %add3A_371, %add3A_461 : i32
        %get3A_463 = arith.index_cast %add3A_462 : i32 to index
        %get3A_464 = arith.constant 16 : index
        %get3A_465 = tpu.vector_load %arg18[%get3A_463, %get3A_464] {strides = array<i32>} : memref<120x128xf32, #tpu.memory_space<vmem>>, vector<16xf32>,
        %mul3A_466 = arith.mulf %get3A_465, %gather3A_385 : vector<16xf32>
        %add3A_467 = arith.constant 3 : i32
        %add3A_468 = arith.addi %add3A_371, %add3A_467 : i32
        %swap3A_469 = arith.index_cast %add3A_468 : i32 to index
        %swap3A_470 = arith.constant 16 : index
        %swap3A_471 = tpu.vector_load %arg18[%swap3A_469, %swap3A_470] {strides = array<i32>} : memref<120x128xf32, #tpu.memory_space<vmem>>, vector<16xf32>,
        tpu.vector_store %arg18[%swap3A_469, %swap3A_470], %mul3A_466 {strides = array<i32>} : memref<120x128xf32, #tpu.memory_space<vmem>>, vector<16xf32>,
        %add3A_472 = arith.constant 0 : i32
        %add3A_473 = arith.addi %add3A_371, %add3A_472 : i32
        %get3A_474 = arith.index_cast %add3A_473 : i32 to index
        %get3A_475 = arith.constant 32 : index
        %get3A_476 = tpu.vector_load %arg18[%get3A_474, %get3A_475] {strides = array<i32>} : memref<120x128xf32, #tpu.memory_space<vmem>>, vector<16xf32>,
        %mul3A_477 = arith.mulf %get3A_476, %gather3A : vector<16xf32>
        %add3A_478 = arith.constant 0 : i32
        %add3A_479 = arith.addi %add3A_371, %add3A_478 : i32
        %swap3A_480 = arith.index_cast %add3A_479 : i32 to index
        %swap3A_481 = arith.constant 32 : index
        %swap3A_482 = tpu.vector_load %arg18[%swap3A_480, %swap3A_481] {strides = array<i32>} : memref<120x128xf32, #tpu.memory_space<vmem>>, vector<16xf32>,
        tpu.vector_store %arg18[%swap3A_480, %swap3A_481], %mul3A_477 {strides = array<i32>} : memref<120x128xf32, #tpu.memory_space<vmem>>, vector<16xf32>,
        %add3A_483 = arith.constant 1 : i32
        %add3A_484 = arith.addi %add3A_371, %add3A_483 : i32
        %get3A_485 = arith.index_cast %add3A_484 : i32 to index
        %get3A_486 = arith.constant 32 : index
        %get3A_487 = tpu.vector_load %arg18[%get3A_485, %get3A_486] {strides = array<i32>} : memref<120x128xf32, #tpu.memory_space<vmem>>, vector<16xf32>,
        %mul3A_488 = arith.mulf %get3A_487, %gather3A_377 : vector<16xf32>
        %add3A_489 = arith.constant 1 : i32
        %add3A_490 = arith.addi %add3A_371, %add3A_489 : i32
        %swap3A_491 = arith.index_cast %add3A_490 : i32 to index
        %swap3A_492 = arith.constant 32 : index
        %swap3A_493 = tpu.vector_load %arg18[%swap3A_491, %swap3A_492] {strides = array<i32>} : memref<120x128xf32, #tpu.memory_space<vmem>>, vector<16xf32>,
        tpu.vector_store %arg18[%swap3A_491, %swap3A_492], %mul3A_488 {strides = array<i32>} : memref<120x128xf32, #tpu.memory_space<vmem>>, vector<16xf32>,
        %add3A_494 = arith.constant 2 : i32
        %add3A_495 = arith.addi %add3A_371, %add3A_494 : i32
        %get3A_496 = arith.index_cast %add3A_495 : i32 to index
        %get3A_497 = arith.constant 32 : index
        %get3A_498 = tpu.vector_load %arg18[%get3A_496, %get3A_497] {strides = array<i32>} : memref<120x128xf32, #tpu.memory_space<vmem>>, vector<16xf32>,
        %mul3A_499 = arith.mulf %get3A_498, %gather3A_381 : vector<16xf32>
        %add3A_500 = arith.constant 2 : i32
        %add3A_501 = arith.addi %add3A_371, %add3A_500 : i32
        %swap3A_502 = arith.index_cast %add3A_501 : i32 to index
        %swap3A_503 = arith.constant 32 : index
        %swap3A_504 = tpu.vector_load %arg18[%swap3A_502, %swap3A_503] {strides = array<i32>} : memref<120x128xf32, #tpu.memory_space<vmem>>, vector<16xf32>,
        tpu.vector_store %arg18[%swap3A_502, %swap3A_503], %mul3A_499 {strides = array<i32>} : memref<120x128xf32, #tpu.memory_space<vmem>>, vector<16xf32>,
        %add3A_505 = arith.constant 3 : i32
        %add3A_506 = arith.addi %add3A_371, %add3A_505 : i32
        %get3A_507 = arith.index_cast %add3A_506 : i32 to index
        %get3A_508 = arith.constant 32 : index
        %get3A_509 = tpu.vector_load %arg18[%get3A_507, %get3A_508] {strides = array<i32>} : memref<120x128xf32, #tpu.memory_space<vmem>>, vector<16xf32>,
        %mul3A_510 = arith.mulf %get3A_509, %gather3A_385 : vector<16xf32>
        %add3A_511 = arith.constant 3 : i32
        %add3A_512 = arith.addi %add3A_371, %add3A_511 : i32
        %swap3A_513 = arith.index_cast %add3A_512 : i32 to index
        %swap3A_514 = arith.constant 32 : index
        %swap3A_515 = tpu.vector_load %arg18[%swap3A_513, %swap3A_514] {strides = array<i32>} : memref<120x128xf32, #tpu.memory_space<vmem>>, vector<16xf32>,
        tpu.vector_store %arg18[%swap3A_513, %swap3A_514], %mul3A_510 {strides = array<i32>} : memref<120x128xf32, #tpu.memory_space<vmem>>, vector<16xf32>,
        %add3A_516 = arith.constant 0 : i32
        %add3A_517 = arith.addi %add3A_371, %add3A_516 : i32
        %get3A_518 = arith.index_cast %add3A_517 : i32 to index
        %get3A_519 = arith.constant 48 : index
        %get3A_520 = tpu.vector_load %arg18[%get3A_518, %get3A_519] {strides = array<i32>} : memref<120x128xf32, #tpu.memory_space<vmem>>, vector<16xf32>,
        %mul3A_521 = arith.mulf %get3A_520, %gather3A : vector<16xf32>
        %add3A_522 = arith.constant 0 : i32
        %add3A_523 = arith.addi %add3A_371, %add3A_522 : i32
        %swap3A_524 = arith.index_cast %add3A_523 : i32 to index
        %swap3A_525 = arith.constant 48 : index
        %swap3A_526 = tpu.vector_load %arg18[%swap3A_524, %swap3A_525] {strides = array<i32>} : memref<120x128xf32, #tpu.memory_space<vmem>>, vector<16xf32>,
        tpu.vector_store %arg18[%swap3A_524, %swap3A_525], %mul3A_521 {strides = array<i32>} : memref<120x128xf32, #tpu.memory_space<vmem>>, vector<16xf32>,
        %add3A_527 = arith.constant 1 : i32
        %add3A_528 = arith.addi %add3A_371, %add3A_527 : i32
        %get3A_529 = arith.index_cast %add3A_528 : i32 to index
        %get3A_530 = arith.constant 48 : index
        %get3A_531 = tpu.vector_load %arg18[%get3A_529, %get3A_530] {strides = array<i32>} : memref<120x128xf32, #tpu.memory_space<vmem>>, vector<16xf32>,
        %mul3A_532 = arith.mulf %get3A_531, %gather3A_377 : vector<16xf32>
        %add3A_533 = arith.constant 1 : i32
        %add3A_534 = arith.addi %add3A_371, %add3A_533 : i32
        %swap3A_535 = arith.index_cast %add3A_534 : i32 to index
        %swap3A_536 = arith.constant 48 : index
        %swap3A_537 = tpu.vector_load %arg18[%swap3A_535, %swap3A_536] {strides = array<i32>} : memref<120x128xf32, #tpu.memory_space<vmem>>, vector<16xf32>,
        tpu.vector_store %arg18[%swap3A_535, %swap3A_536], %mul3A_532 {strides = array<i32>} : memref<120x128xf32, #tpu.memory_space<vmem>>, vector<16xf32>,
        %add3A_538 = arith.constant 2 : i32
        %add3A_539 = arith.addi %add3A_371, %add3A_538 : i32
        %get3A_540 = arith.index_cast %add3A_539 : i32 to index
        %get3A_541 = arith.constant 48 : index
        %get3A_542 = tpu.vector_load %arg18[%get3A_540, %get3A_541] {strides = array<i32>} : memref<120x128xf32, #tpu.memory_space<vmem>>, vector<16xf32>,
        %mul3A_543 = arith.mulf %get3A_542, %gather3A_381 : vector<16xf32>
        %add3A_544 = arith.constant 2 : i32
        %add3A_545 = arith.addi %add3A_371, %add3A_544 : i32
        %swap3A_546 = arith.index_cast %add3A_545 : i32 to index
        %swap3A_547 = arith.constant 48 : index
        %swap3A_548 = tpu.vector_load %arg18[%swap3A_546, %swap3A_547] {strides = array<i32>} : memref<120x128xf32, #tpu.memory_space<vmem>>, vector<16xf32>,
        tpu.vector_store %arg18[%swap3A_546, %swap3A_547], %mul3A_543 {strides = array<i32>} : memref<120x128xf32, #tpu.memory_space<vmem>>, vector<16xf32>,
        %add3A_549 = arith.constant 3 : i32
        %add3A_550 = arith.addi %add3A_371, %add3A_549 : i32
        %get3A_551 = arith.index_cast %add3A_550 : i32 to index
        %get3A_552 = arith.constant 48 : index
        %get3A_553 = tpu.vector_load %arg18[%get3A_551, %get3A_552] {strides = array<i32>} : memref<120x128xf32, #tpu.memory_space<vmem>>, vector<16xf32>,
        %mul3A_554 = arith.mulf %get3A_553, %gather3A_385 : vector<16xf32>
        %add3A_555 = arith.constant 3 : i32
        %add3A_556 = arith.addi %add3A_371, %add3A_555 : i32
        %swap3A_557 = arith.index_cast %add3A_556 : i32 to index
        %swap3A_558 = arith.constant 48 : index
        %swap3A_559 = tpu.vector_load %arg18[%swap3A_557, %swap3A_558] {strides = array<i32>} : memref<120x128xf32, #tpu.memory_space<vmem>>, vector<16xf32>,
        tpu.vector_store %arg18[%swap3A_557, %swap3A_558], %mul3A_554 {strides = array<i32>} : memref<120x128xf32, #tpu.memory_space<vmem>>, vector<16xf32>,
        %add3A_560 = arith.constant 0 : i32
        %add3A_561 = arith.addi %add3A_371, %add3A_560 : i32
        %get3A_562 = arith.index_cast %add3A_561 : i32 to index
        %get3A_563 = arith.constant 64 : index
        %get3A_564 = tpu.vector_load %arg18[%get3A_562, %get3A_563] {strides = array<i32>} : memref<120x128xf32, #tpu.memory_space<vmem>>, vector<16xf32>,
        %mul3A_565 = arith.mulf %get3A_564, %gather3A : vector<16xf32>
        %add3A_566 = arith.constant 0 : i32
        %add3A_567 = arith.addi %add3A_371, %add3A_566 : i32
        %swap3A_568 = arith.index_cast %add3A_567 : i32 to index
        %swap3A_569 = arith.constant 64 : index
        %swap3A_570 = tpu.vector_load %arg18[%swap3A_568, %swap3A_569] {strides = array<i32>} : memref<120x128xf32, #tpu.memory_space<vmem>>, vector<16xf32>,
        tpu.vector_store %arg18[%swap3A_568, %swap3A_569], %mul3A_565 {strides = array<i32>} : memref<120x128xf32, #tpu.memory_space<vmem>>, vector<16xf32>,
        %add3A_571 = arith.constant 1 : i32
        %add3A_572 = arith.addi %add3A_371, %add3A_571 : i32
        %get3A_573 = arith.index_cast %add3A_572 : i32 to index
        %get3A_574 = arith.constant 64 : index
        %get3A_575 = tpu.vector_load %arg18[%get3A_573, %get3A_574] {strides = array<i32>} : memref<120x128xf32, #tpu.memory_space<vmem>>, vector<16xf32>,
        %mul3A_576 = arith.mulf %get3A_575, %gather3A_377 : vector<16xf32>
        %add3A_577 = arith.constant 1 : i32
        %add3A_578 = arith.addi %add3A_371, %add3A_577 : i32
        %swap3A_579 = arith.index_cast %add3A_578 : i32 to index
        %swap3A_580 = arith.constant 64 : index
        %swap3A_581 = tpu.vector_load %arg18[%swap3A_579, %swap3A_580] {strides = array<i32>} : memref<120x128xf32, #tpu.memory_space<vmem>>, vector<16xf32>,
        tpu.vector_store %arg18[%swap3A_579, %swap3A_580], %mul3A_576 {strides = array<i32>} : memref<120x128xf32, #tpu.memory_space<vmem>>, vector<16xf32>,
        %add3A_582 = arith.constant 2 : i32
        %add3A_583 = arith.addi %add3A_371, %add3A_582 : i32
        %get3A_584 = arith.index_cast %add3A_583 : i32 to index
        %get3A_585 = arith.constant 64 : index
        %get3A_586 = tpu.vector_load %arg18[%get3A_584, %get3A_585] {strides = array<i32>} : memref<120x128xf32, #tpu.memory_space<vmem>>, vector<16xf32>,
        %mul3A_587 = arith.mulf %get3A_586, %gather3A_381 : vector<16xf32>
        %add3A_588 = arith.constant 2 : i32
        %add3A_589 = arith.addi %add3A_371, %add3A_588 : i32
        %swap3A_590 = arith.index_cast %add3A_589 : i32 to index
        %swap3A_591 = arith.constant 64 : index
        %swap3A_592 = tpu.vector_load %arg18[%swap3A_590, %swap3A_591] {strides = array<i32>} : memref<120x128xf32, #tpu.memory_space<vmem>>, vector<16xf32>,
        tpu.vector_store %arg18[%swap3A_590, %swap3A_591], %mul3A_587 {strides = array<i32>} : memref<120x128xf32, #tpu.memory_space<vmem>>, vector<16xf32>,
        %add3A_593 = arith.constant 3 : i32
        %add3A_594 = arith.addi %add3A_371, %add3A_593 : i32
        %get3A_595 = arith.index_cast %add3A_594 : i32 to index
        %get3A_596 = arith.constant 64 : index
        %get3A_597 = tpu.vector_load %arg18[%get3A_595, %get3A_596] {strides = array<i32>} : memref<120x128xf32, #tpu.memory_space<vmem>>, vector<16xf32>,
        %mul3A_598 = arith.mulf %get3A_597, %gather3A_385 : vector<16xf32>
        %add3A_599 = arith.constant 3 : i32
        %add3A_600 = arith.addi %add3A_371, %add3A_599 : i32
        %swap3A_601 = arith.index_cast %add3A_600 : i32 to index
        %swap3A_602 = arith.constant 64 : index
        %swap3A_603 = tpu.vector_load %arg18[%swap3A_601, %swap3A_602] {strides = array<i32>} : memref<120x128xf32, #tpu.memory_space<vmem>>, vector<16xf32>,
        tpu.vector_store %arg18[%swap3A_601, %swap3A_602], %mul3A_598 {strides = array<i32>} : memref<120x128xf32, #tpu.memory_space<vmem>>, vector<16xf32>,
        %add3A_604 = arith.constant 0 : i32
        %add3A_605 = arith.addi %add3A_371, %add3A_604 : i32
        %get3A_606 = arith.index_cast %add3A_605 : i32 to index
        %get3A_607 = arith.constant 80 : index
        %get3A_608 = tpu.vector_load %arg18[%get3A_606, %get3A_607] {strides = array<i32>} : memref<120x128xf32, #tpu.memory_space<vmem>>, vector<16xf32>,
        %mul3A_609 = arith.mulf %get3A_608, %gather3A : vector<16xf32>
        %add3A_610 = arith.constant 0 : i32
        %add3A_611 = arith.addi %add3A_371, %add3A_610 : i32
        %swap3A_612 = arith.index_cast %add3A_611 : i32 to index
        %swap3A_613 = arith.constant 80 : index
        %swap3A_614 = tpu.vector_load %arg18[%swap3A_612, %swap3A_613] {strides = array<i32>} : memref<120x128xf32, #tpu.memory_space<vmem>>, vector<16xf32>,
        tpu.vector_store %arg18[%swap3A_612, %swap3A_613], %mul3A_609 {strides = array<i32>} : memref<120x128xf32, #tpu.memory_space<vmem>>, vector<16xf32>,
        %add3A_615 = arith.constant 1 : i32
        %add3A_616 = arith.addi %add3A_371, %add3A_615 : i32
        %get3A_617 = arith.index_cast %add3A_616 : i32 to index
        %get3A_618 = arith.constant 80 : index
        %get3A_619 = tpu.vector_load %arg18[%get3A_617, %get3A_618] {strides = array<i32>} : memref<120x128xf32, #tpu.memory_space<vmem>>, vector<16xf32>,
        %mul3A_620 = arith.mulf %get3A_619, %gather3A_377 : vector<16xf32>
        %add3A_621 = arith.constant 1 : i32
        %add3A_622 = arith.addi %add3A_371, %add3A_621 : i32
        %swap3A_623 = arith.index_cast %add3A_622 : i32 to index
        %swap3A_624 = arith.constant 80 : index
        %swap3A_625 = tpu.vector_load %arg18[%swap3A_623, %swap3A_624] {strides = array<i32>} : memref<120x128xf32, #tpu.memory_space<vmem>>, vector<16xf32>,
        tpu.vector_store %arg18[%swap3A_623, %swap3A_624], %mul3A_620 {strides = array<i32>} : memref<120x128xf32, #tpu.memory_space<vmem>>, vector<16xf32>,
        %add3A_626 = arith.constant 2 : i32
        %add3A_627 = arith.addi %add3A_371, %add3A_626 : i32
        %get3A_628 = arith.index_cast %add3A_627 : i32 to index
        %get3A_629 = arith.constant 80 : index
        %get3A_630 = tpu.vector_load %arg18[%get3A_628, %get3A_629] {strides = array<i32>} : memref<120x128xf32, #tpu.memory_space<vmem>>, vector<16xf32>,
        %mul3A_631 = arith.mulf %get3A_630, %gather3A_381 : vector<16xf32>
        %add3A_632 = arith.constant 2 : i32
        %add3A_633 = arith.addi %add3A_371, %add3A_632 : i32
        %swap3A_634 = arith.index_cast %add3A_633 : i32 to index
        %swap3A_635 = arith.constant 80 : index
        %swap3A_636 = tpu.vector_load %arg18[%swap3A_634, %swap3A_635] {strides = array<i32>} : memref<120x128xf32, #tpu.memory_space<vmem>>, vector<16xf32>,
        tpu.vector_store %arg18[%swap3A_634, %swap3A_635], %mul3A_631 {strides = array<i32>} : memref<120x128xf32, #tpu.memory_space<vmem>>, vector<16xf32>,
        %add3A_637 = arith.constant 3 : i32
        %add3A_638 = arith.addi %add3A_371, %add3A_637 : i32
        %get3A_639 = arith.index_cast %add3A_638 : i32 to index
        %get3A_640 = arith.constant 80 : index
        %get3A_641 = tpu.vector_load %arg18[%get3A_639, %get3A_640] {strides = array<i32>} : memref<120x128xf32, #tpu.memory_space<vmem>>, vector<16xf32>,
        %mul3A_642 = arith.mulf %get3A_641, %gather3A_385 : vector<16xf32>
        %add3A_643 = arith.constant 3 : i32
        %add3A_644 = arith.addi %add3A_371, %add3A_643 : i32
        %swap3A_645 = arith.index_cast %add3A_644 : i32 to index
        %swap3A_646 = arith.constant 80 : index
        %swap3A_647 = tpu.vector_load %arg18[%swap3A_645, %swap3A_646] {strides = array<i32>} : memref<120x128xf32, #tpu.memory_space<vmem>>, vector<16xf32>,
        tpu.vector_store %arg18[%swap3A_645, %swap3A_646], %mul3A_642 {strides = array<i32>} : memref<120x128xf32, #tpu.memory_space<vmem>>, vector<16xf32>,
        %add3A_648 = arith.constant 0 : i32
        %add3A_649 = arith.addi %add3A_371, %add3A_648 : i32
        %get3A_650 = arith.index_cast %add3A_649 : i32 to index
        %get3A_651 = arith.constant 96 : index
        %get3A_652 = tpu.vector_load %arg18[%get3A_650, %get3A_651] {strides = array<i32>} : memref<120x128xf32, #tpu.memory_space<vmem>>, vector<16xf32>,
        %mul3A_653 = arith.mulf %get3A_652, %gather3A : vector<16xf32>
        %add3A_654 = arith.constant 0 : i32
        %add3A_655 = arith.addi %add3A_371, %add3A_654 : i32
        %swap3A_656 = arith.index_cast %add3A_655 : i32 to index
        %swap3A_657 = arith.constant 96 : index
        %swap3A_658 = tpu.vector_load %arg18[%swap3A_656, %swap3A_657] {strides = array<i32>} : memref<120x128xf32, #tpu.memory_space<vmem>>, vector<16xf32>,
        tpu.vector_store %arg18[%swap3A_656, %swap3A_657], %mul3A_653 {strides = array<i32>} : memref<120x128xf32, #tpu.memory_space<vmem>>, vector<16xf32>,
        %add3A_659 = arith.constant 1 : i32
        %add3A_660 = arith.addi %add3A_371, %add3A_659 : i32
        %get3A_661 = arith.index_cast %add3A_660 : i32 to index
        %get3A_662 = arith.constant 96 : index
        %get3A_663 = tpu.vector_load %arg18[%get3A_661, %get3A_662] {strides = array<i32>} : memref<120x128xf32, #tpu.memory_space<vmem>>, vector<16xf32>,
        %mul3A_664 = arith.mulf %get3A_663, %gather3A_377 : vector<16xf32>
        %add3A_665 = arith.constant 1 : i32
        %add3A_666 = arith.addi %add3A_371, %add3A_665 : i32
        %swap3A_667 = arith.index_cast %add3A_666 : i32 to index
        %swap3A_668 = arith.constant 96 : index
        %swap3A_669 = tpu.vector_load %arg18[%swap3A_667, %swap3A_668] {strides = array<i32>} : memref<120x128xf32, #tpu.memory_space<vmem>>, vector<16xf32>,
        tpu.vector_store %arg18[%swap3A_667, %swap3A_668], %mul3A_664 {strides = array<i32>} : memref<120x128xf32, #tpu.memory_space<vmem>>, vector<16xf32>,
        %add3A_670 = arith.constant 2 : i32
        %add3A_671 = arith.addi %add3A_371, %add3A_670 : i32
        %get3A_672 = arith.index_cast %add3A_671 : i32 to index
        %get3A_673 = arith.constant 96 : index
        %get3A_674 = tpu.vector_load %arg18[%get3A_672, %get3A_673] {strides = array<i32>} : memref<120x128xf32, #tpu.memory_space<vmem>>, vector<16xf32>,
        %mul3A_675 = arith.mulf %get3A_674, %gather3A_381 : vector<16xf32>
        %add3A_676 = arith.constant 2 : i32
        %add3A_677 = arith.addi %add3A_371, %add3A_676 : i32
        %swap3A_678 = arith.index_cast %add3A_677 : i32 to index
        %swap3A_679 = arith.constant 96 : index
        %swap3A_680 = tpu.vector_load %arg18[%swap3A_678, %swap3A_679] {strides = array<i32>} : memref<120x128xf32, #tpu.memory_space<vmem>>, vector<16xf32>,
        tpu.vector_store %arg18[%swap3A_678, %swap3A_679], %mul3A_675 {strides = array<i32>} : memref<120x128xf32, #tpu.memory_space<vmem>>, vector<16xf32>,
        %add3A_681 = arith.constant 3 : i32
        %add3A_682 = arith.addi %add3A_371, %add3A_681 : i32
        %get3A_683 = arith.index_cast %add3A_682 : i32 to index
        %get3A_684 = arith.constant 96 : index
        %get3A_685 = tpu.vector_load %arg18[%get3A_683, %get3A_684] {strides = array<i32>} : memref<120x128xf32, #tpu.memory_space<vmem>>, vector<16xf32>,
        %mul3A_686 = arith.mulf %get3A_685, %gather3A_385 : vector<16xf32>
        %add3A_687 = arith.constant 3 : i32
        %add3A_688 = arith.addi %add3A_371, %add3A_687 : i32
        %swap3A_689 = arith.index_cast %add3A_688 : i32 to index
        %swap3A_690 = arith.constant 96 : index
        %swap3A_691 = tpu.vector_load %arg18[%swap3A_689, %swap3A_690] {strides = array<i32>} : memref<120x128xf32, #tpu.memory_space<vmem>>, vector<16xf32>,
        tpu.vector_store %arg18[%swap3A_689, %swap3A_690], %mul3A_686 {strides = array<i32>} : memref<120x128xf32, #tpu.memory_space<vmem>>, vector<16xf32>,
        %add3A_692 = arith.constant 0 : i32
        %add3A_693 = arith.addi %add3A_371, %add3A_692 : i32
        %get3A_694 = arith.index_cast %add3A_693 : i32 to index
        %get3A_695 = arith.constant 112 : index
        %get3A_696 = tpu.vector_load %arg18[%get3A_694, %get3A_695] {strides = array<i32>} : memref<120x128xf32, #tpu.memory_space<vmem>>, vector<16xf32>,
        %mul3A_697 = arith.mulf %get3A_696, %gather3A : vector<16xf32>
        %add3A_698 = arith.constant 0 : i32
        %add3A_699 = arith.addi %add3A_371, %add3A_698 : i32
        %swap3A_700 = arith.index_cast %add3A_699 : i32 to index
        %swap3A_701 = arith.constant 112 : index
        %swap3A_702 = tpu.vector_load %arg18[%swap3A_700, %swap3A_701] {strides = array<i32>} : memref<120x128xf32, #tpu.memory_space<vmem>>, vector<16xf32>,
        tpu.vector_store %arg18[%swap3A_700, %swap3A_701], %mul3A_697 {strides = array<i32>} : memref<120x128xf32, #tpu.memory_space<vmem>>, vector<16xf32>,
        %add3A_703 = arith.constant 1 : i32
        %add3A_704 = arith.addi %add3A_371, %add3A_703 : i32
        %get3A_705 = arith.index_cast %add3A_704 : i32 to index
        %get3A_706 = arith.constant 112 : index
        %get3A_707 = tpu.vector_load %arg18[%get3A_705, %get3A_706] {strides = array<i32>} : memref<120x128xf32, #tpu.memory_space<vmem>>, vector<16xf32>,
        %mul3A_708 = arith.mulf %get3A_707, %gather3A_377 : vector<16xf32>
        %add3A_709 = arith.constant 1 : i32
        %add3A_710 = arith.addi %add3A_371, %add3A_709 : i32
        %swap3A_711 = arith.index_cast %add3A_710 : i32 to index
        %swap3A_712 = arith.constant 112 : index
        %swap3A_713 = tpu.vector_load %arg18[%swap3A_711, %swap3A_712] {strides = array<i32>} : memref<120x128xf32, #tpu.memory_space<vmem>>, vector<16xf32>,
        tpu.vector_store %arg18[%swap3A_711, %swap3A_712], %mul3A_708 {strides = array<i32>} : memref<120x128xf32, #tpu.memory_space<vmem>>, vector<16xf32>,
        %add3A_714 = arith.constant 2 : i32
        %add3A_715 = arith.addi %add3A_371, %add3A_714 : i32
        %get3A_716 = arith.index_cast %add3A_715 : i32 to index
        %get3A_717 = arith.constant 112 : index
        %get3A_718 = tpu.vector_load %arg18[%get3A_716, %get3A_717] {strides = array<i32>} : memref<120x128xf32, #tpu.memory_space<vmem>>, vector<16xf32>,
        %mul3A_719 = arith.mulf %get3A_718, %gather3A_381 : vector<16xf32>
        %add3A_720 = arith.constant 2 : i32
        %add3A_721 = arith.addi %add3A_371, %add3A_720 : i32
        %swap3A_722 = arith.index_cast %add3A_721 : i32 to index
        %swap3A_723 = arith.constant 112 : index
        %swap3A_724 = tpu.vector_load %arg18[%swap3A_722, %swap3A_723] {strides = array<i32>} : memref<120x128xf32, #tpu.memory_space<vmem>>, vector<16xf32>,
        tpu.vector_store %arg18[%swap3A_722, %swap3A_723], %mul3A_719 {strides = array<i32>} : memref<120x128xf32, #tpu.memory_space<vmem>>, vector<16xf32>,
        %add3A_725 = arith.constant 3 : i32
        %add3A_726 = arith.addi %add3A_371, %add3A_725 : i32
        %get3A_727 = arith.index_cast %add3A_726 : i32 to index
        %get3A_728 = arith.constant 112 : index
        %get3A_729 = tpu.vector_load %arg18[%get3A_727, %get3A_728] {strides = array<i32>} : memref<120x128xf32, #tpu.memory_space<vmem>>, vector<16xf32>,
        %mul3A_730 = arith.mulf %get3A_729, %gather3A_385 : vector<16xf32>
        %add3A_731 = arith.constant 3 : i32
        %add3A_732 = arith.addi %add3A_371, %add3A_731 : i32
        %swap3A_733 = arith.index_cast %add3A_732 : i32 to index
        %swap3A_734 = arith.constant 112 : index
        %swap3A_735 = tpu.vector_load %arg18[%swap3A_733, %swap3A_734] {strides = array<i32>} : memref<120x128xf32, #tpu.memory_space<vmem>>, vector<16xf32>,
        tpu.vector_store %arg18[%swap3A_733, %swap3A_734], %mul3A_730 {strides = array<i32>} : memref<120x128xf32, #tpu.memory_space<vmem>>, vector<16xf32>,
      }
      %scan3A_252 = arith.constant 30 : i32
      %dma_start3A_253 = arith.constant 0 : i32
      %dma_start3A_254 = arith.constant 0 : i32
      %dma_start3A_255 = tpu.memref_slice %arg32[%dma_start3A_253, %dma_start3A_254] : memref<10112x128xf32, #tpu.memory_space<vmem_shared>> -> memref<10112x128xf32, #tpu.memory_space<vmem_shared>>
      tpu.enqueue_indirect_dma source(%arg18 : memref<120x128xf32, #tpu.memory_space<vmem>>) target(%dma_start3A_255 : memref<10112x128xf32, #tpu.memory_space<vmem_shared>>) offsets(%arg12 : memref<120xi32, #tpu.memory_space<vmem>>) semaphore(%arg30 : memref<!tpu.dma_semaphore, #tpu.memory_space<semaphore_mem>>) {add = true}
      %dma_wait3A_256 = arith.constant 0 : i32
      %dma_wait3A_257 = arith.constant 0 : i32
      %dma_wait3A_258 = tpu.memref_slice %arg32[%dma_wait3A_256, %dma_wait3A_257] : memref<10112x128xf32, #tpu.memory_space<vmem_shared>> -> memref<10112x128xf32, #tpu.memory_space<vmem_shared>>
      tpu.wait_indirect_dma semaphore(%arg28 : memref<!tpu.dma_semaphore, #tpu.memory_space<semaphore_mem>>) src(%arg16 : memref<120x128xf32, #tpu.memory_space<vmem>>) dst(%dma_wait3A_258 : memref<10112x128xf32, #tpu.memory_space<vmem_shared>>)
      %add3A_259 = arith.constant 3 : i32
      %add3A_260 = arith.addi %mul3A_222, %add3A_259 : i32
      %add3A_261 = arith.constant 0 : i32
      %add3A_262 = arith.addi %add3A_260, %add3A_261 : i32
      %mul3A_263 = arith.constant 120 : i32
      %mul3A_264 = arith.muli %add3A_262, %mul3A_263 : i32
      %add3A_265 = arith.addi %mul3A_2, %mul3A_264 : i32
      %dma_start3A_266 = tpu.memref_slice %arg2[%add3A_265] : memref<640000xi32, #tpu.memory_space<hbm>> -> memref<120xi32, #tpu.memory_space<hbm>>
      %dma_start3A_267 = tpu.memref_slice %arg2[%add3A_265] : memref<640000xi32, #tpu.memory_space<hbm>> -> memref<120xi32, #tpu.memory_space<hbm>>
      tpu.enqueue_dma source(%dma_start3A_267 : memref<120xi32, #tpu.memory_space<hbm>>) target(%arg7 : memref<120xi32, #tpu.memory_space<vmem>>) target_semaphore(%arg22 : memref<!tpu.dma_semaphore, #tpu.memory_space<semaphore_mem>>)
      %add3A_268 = arith.constant 320000 : i32
      %add3A_269 = arith.addi %add3A_268, %add3A_265 : i32
      %dma_start3A_270 = tpu.memref_slice %arg2[%add3A_269] : memref<640000xi32, #tpu.memory_space<hbm>> -> memref<120xi32, #tpu.memory_space<hbm>>
      %dma_start3A_271 = tpu.memref_slice %arg2[%add3A_269] : memref<640000xi32, #tpu.memory_space<hbm>> -> memref<120xi32, #tpu.memory_space<hbm>>
      tpu.enqueue_dma source(%dma_start3A_271 : memref<120xi32, #tpu.memory_space<hbm>>) target(%arg10 : memref<120xi32, #tpu.memory_space<vmem>>) target_semaphore(%arg22 : memref<!tpu.dma_semaphore, #tpu.memory_space<semaphore_mem>>)
      %dma_start3A_272 = tpu.memref_slice %arg4[%add3A_265] : memref<320000xf32, #tpu.memory_space<hbm>> -> memref<120xf32, #tpu.memory_space<hbm>>
      %dma_start3A_273 = tpu.memref_slice %arg4[%add3A_265] : memref<320000xf32, #tpu.memory_space<hbm>> -> memref<120xf32, #tpu.memory_space<hbm>>
      tpu.enqueue_dma source(%dma_start3A_273 : memref<120xf32, #tpu.memory_space<hbm>>) target(%arg13 : memref<120xf32, #tpu.memory_space<vmem>>) target_semaphore(%arg22 : memref<!tpu.dma_semaphore, #tpu.memory_space<semaphore_mem>>)
      %dma_wait3A_274 = arith.constant 0 : i32
      %dma_wait3A_275 = tpu.memref_slice %arg2[%dma_wait3A_274] : memref<640000xi32, #tpu.memory_space<hbm>> -> memref<120xi32, #tpu.memory_space<hbm>>
      %dma_wait3A_276 = arith.constant 0 : i32
      %dma_wait3A_277 = tpu.memref_slice %arg2[%dma_wait3A_276] : memref<640000xi32, #tpu.memory_space<hbm>> -> memref<120xi32, #tpu.memory_space<hbm>>
      tpu.wait_dma2 semaphore(%arg22 : memref<!tpu.dma_semaphore, #tpu.memory_space<semaphore_mem>>) src(%dma_wait3A_277 : memref<120xi32, #tpu.memory_space<hbm>>) dst(%arg7 : memref<120xi32, #tpu.memory_space<vmem>>)
      %dma_wait3A_278 = arith.constant 0 : i32
      %dma_wait3A_279 = tpu.memref_slice %arg2[%dma_wait3A_278] : memref<640000xi32, #tpu.memory_space<hbm>> -> memref<120xi32, #tpu.memory_space<hbm>>
      %dma_wait3A_280 = arith.constant 0 : i32
      %dma_wait3A_281 = tpu.memref_slice %arg2[%dma_wait3A_280] : memref<640000xi32, #tpu.memory_space<hbm>> -> memref<120xi32, #tpu.memory_space<hbm>>
      tpu.wait_dma2 semaphore(%arg22 : memref<!tpu.dma_semaphore, #tpu.memory_space<semaphore_mem>>) src(%dma_wait3A_281 : memref<120xi32, #tpu.memory_space<hbm>>) dst(%arg10 : memref<120xi32, #tpu.memory_space<vmem>>)
      %dma_wait3A_282 = arith.constant 0 : i32
      %dma_wait3A_283 = tpu.memref_slice %arg4[%dma_wait3A_282] : memref<320000xf32, #tpu.memory_space<hbm>> -> memref<120xf32, #tpu.memory_space<hbm>>
      %dma_wait3A_284 = arith.constant 0 : i32
      %dma_wait3A_285 = tpu.memref_slice %arg4[%dma_wait3A_284] : memref<320000xf32, #tpu.memory_space<hbm>> -> memref<120xf32, #tpu.memory_space<hbm>>
      tpu.wait_dma2 semaphore(%arg22 : memref<!tpu.dma_semaphore, #tpu.memory_space<semaphore_mem>>) src(%dma_wait3A_285 : memref<120xf32, #tpu.memory_space<hbm>>) dst(%arg13 : memref<120xf32, #tpu.memory_space<vmem>>)
      %add3A_286 = arith.constant 3 : i32
      %add3A_287 = arith.addi %mul3A_222, %add3A_286 : i32
      %add3A_288 = arith.constant 0 : i32
      %add3A_289 = arith.addi %add3A_287, %add3A_288 : i32
      %dma_start3A_290 = arith.constant 0 : i32
      %dma_start3A_291 = arith.constant 0 : i32
      %dma_start3A_292 = tpu.memref_slice %arg3[%dma_start3A_290, %dma_start3A_291] : memref<10000x128xf32, #tpu.memory_space<hbm>> -> memref<10000x128xf32, #tpu.memory_space<hbm>>
      tpu.enqueue_indirect_dma source(%dma_start3A_292 : memref<10000x128xf32, #tpu.memory_space<hbm>>) target(%arg16 : memref<120x128xf32, #tpu.memory_space<vmem>>) offsets(%arg7 : memref<120xi32, #tpu.memory_space<vmem>>) semaphore(%arg25 : memref<!tpu.dma_semaphore, #tpu.memory_space<semaphore_mem>>)
      %dma_wait3A_293 = arith.constant 0 : i32
      %dma_wait3A_294 = arith.constant 0 : i32
      %dma_wait3A_295 = tpu.memref_slice %arg32[%dma_wait3A_293, %dma_wait3A_294] : memref<10112x128xf32, #tpu.memory_space<vmem_shared>> -> memref<10112x128xf32, #tpu.memory_space<vmem_shared>>
      tpu.wait_indirect_dma semaphore(%arg29 : memref<!tpu.dma_semaphore, #tpu.memory_space<semaphore_mem>>) src(%arg17 : memref<120x128xf32, #tpu.memory_space<vmem>>) dst(%dma_wait3A_295 : memref<10112x128xf32, #tpu.memory_space<vmem_shared>>)
      %add3A_296 = arith.constant 3 : i32
      %add3A_297 = arith.addi %mul3A_222, %add3A_296 : i32
      %add3A_298 = arith.constant 1 : i32
      %add3A_299 = arith.addi %add3A_297, %add3A_298 : i32
      %mul3A_300 = arith.constant 120 : i32
      %mul3A_301 = arith.muli %add3A_299, %mul3A_300 : i32
      %add3A_302 = arith.addi %mul3A_2, %mul3A_301 : i32
      %dma_start3A_303 = tpu.memref_slice %arg2[%add3A_302] : memref<640000xi32, #tpu.memory_space<hbm>> -> memref<120xi32, #tpu.memory_space<hbm>>
      %dma_start3A_304 = tpu.memref_slice %arg2[%add3A_302] : memref<640000xi32, #tpu.memory_space<hbm>> -> memref<120xi32, #tpu.memory_space<hbm>>
      tpu.enqueue_dma source(%dma_start3A_304 : memref<120xi32, #tpu.memory_space<hbm>>) target(%arg8 : memref<120xi32, #tpu.memory_space<vmem>>) target_semaphore(%arg23 : memref<!tpu.dma_semaphore, #tpu.memory_space<semaphore_mem>>)
      %add3A_305 = arith.constant 320000 : i32
      %add3A_306 = arith.addi %add3A_305, %add3A_302 : i32
      %dma_start3A_307 = tpu.memref_slice %arg2[%add3A_306] : memref<640000xi32, #tpu.memory_space<hbm>> -> memref<120xi32, #tpu.memory_space<hbm>>
      %dma_start3A_308 = tpu.memref_slice %arg2[%add3A_306] : memref<640000xi32, #tpu.memory_space<hbm>> -> memref<120xi32, #tpu.memory_space<hbm>>
      tpu.enqueue_dma source(%dma_start3A_308 : memref<120xi32, #tpu.memory_space<hbm>>) target(%arg11 : memref<120xi32, #tpu.memory_space<vmem>>) target_semaphore(%arg23 : memref<!tpu.dma_semaphore, #tpu.memory_space<semaphore_mem>>)
      %dma_start3A_309 = tpu.memref_slice %arg4[%add3A_302] : memref<320000xf32, #tpu.memory_space<hbm>> -> memref<120xf32, #tpu.memory_space<hbm>>
      %dma_start3A_310 = tpu.memref_slice %arg4[%add3A_302] : memref<320000xf32, #tpu.memory_space<hbm>> -> memref<120xf32, #tpu.memory_space<hbm>>
      tpu.enqueue_dma source(%dma_start3A_310 : memref<120xf32, #tpu.memory_space<hbm>>) target(%arg14 : memref<120xf32, #tpu.memory_space<vmem>>) target_semaphore(%arg23 : memref<!tpu.dma_semaphore, #tpu.memory_space<semaphore_mem>>)
      %dma_wait3A_311 = arith.constant 0 : i32
      %dma_wait3A_312 = tpu.memref_slice %arg2[%dma_wait3A_311] : memref<640000xi32, #tpu.memory_space<hbm>> -> memref<120xi32, #tpu.memory_space<hbm>>
      %dma_wait3A_313 = arith.constant 0 : i32
      %dma_wait3A_314 = tpu.memref_slice %arg2[%dma_wait3A_313] : memref<640000xi32, #tpu.memory_space<hbm>> -> memref<120xi32, #tpu.memory_space<hbm>>
      tpu.wait_dma2 semaphore(%arg23 : memref<!tpu.dma_semaphore, #tpu.memory_space<semaphore_mem>>) src(%dma_wait3A_314 : memref<120xi32, #tpu.memory_space<hbm>>) dst(%arg8 : memref<120xi32, #tpu.memory_space<vmem>>)
      %dma_wait3A_315 = arith.constant 0 : i32
      %dma_wait3A_316 = tpu.memref_slice %arg2[%dma_wait3A_315] : memref<640000xi32, #tpu.memory_space<hbm>> -> memref<120xi32, #tpu.memory_space<hbm>>
      %dma_wait3A_317 = arith.constant 0 : i32
      %dma_wait3A_318 = tpu.memref_slice %arg2[%dma_wait3A_317] : memref<640000xi32, #tpu.memory_space<hbm>> -> memref<120xi32, #tpu.memory_space<hbm>>
      tpu.wait_dma2 semaphore(%arg23 : memref<!tpu.dma_semaphore, #tpu.memory_space<semaphore_mem>>) src(%dma_wait3A_318 : memref<120xi32, #tpu.memory_space<hbm>>) dst(%arg11 : memref<120xi32, #tpu.memory_space<vmem>>)
      %dma_wait3A_319 = arith.constant 0 : i32
      %dma_wait3A_320 = tpu.memref_slice %arg4[%dma_wait3A_319] : memref<320000xf32, #tpu.memory_space<hbm>> -> memref<120xf32, #tpu.memory_space<hbm>>
      %dma_wait3A_321 = arith.constant 0 : i32
      %dma_wait3A_322 = tpu.memref_slice %arg4[%dma_wait3A_321] : memref<320000xf32, #tpu.memory_space<hbm>> -> memref<120xf32, #tpu.memory_space<hbm>>
      tpu.wait_dma2 semaphore(%arg23 : memref<!tpu.dma_semaphore, #tpu.memory_space<semaphore_mem>>) src(%dma_wait3A_322 : memref<120xf32, #tpu.memory_space<hbm>>) dst(%arg14 : memref<120xf32, #tpu.memory_space<vmem>>)
      %add3A_323 = arith.constant 3 : i32
      %add3A_324 = arith.addi %mul3A_222, %add3A_323 : i32
      %add3A_325 = arith.constant 1 : i32
      %add3A_326 = arith.addi %add3A_324, %add3A_325 : i32
      %dma_start3A_327 = arith.constant 0 : i32
      %dma_start3A_328 = arith.constant 0 : i32
      %dma_start3A_329 = tpu.memref_slice %arg3[%dma_start3A_327, %dma_start3A_328] : memref<10000x128xf32, #tpu.memory_space<hbm>> -> memref<10000x128xf32, #tpu.memory_space<hbm>>
      tpu.enqueue_indirect_dma source(%dma_start3A_329 : memref<10000x128xf32, #tpu.memory_space<hbm>>) target(%arg17 : memref<120x128xf32, #tpu.memory_space<vmem>>) offsets(%arg8 : memref<120xi32, #tpu.memory_space<vmem>>) semaphore(%arg26 : memref<!tpu.dma_semaphore, #tpu.memory_space<semaphore_mem>>)
      %dma_wait3A_330 = arith.constant 0 : i32
      %dma_wait3A_331 = arith.constant 0 : i32
      %dma_wait3A_332 = tpu.memref_slice %arg32[%dma_wait3A_330, %dma_wait3A_331] : memref<10112x128xf32, #tpu.memory_space<vmem_shared>> -> memref<10112x128xf32, #tpu.memory_space<vmem_shared>>
      tpu.wait_indirect_dma semaphore(%arg30 : memref<!tpu.dma_semaphore, #tpu.memory_space<semaphore_mem>>) src(%arg18 : memref<120x128xf32, #tpu.memory_space<vmem>>) dst(%dma_wait3A_332 : memref<10112x128xf32, #tpu.memory_space<vmem_shared>>)
      %add3A_333 = arith.constant 3 : i32
      %add3A_334 = arith.addi %mul3A_222, %add3A_333 : i32
      %add3A_335 = arith.constant 2 : i32
      %add3A_336 = arith.addi %add3A_334, %add3A_335 : i32
      %mul3A_337 = arith.constant 120 : i32
      %mul3A_338 = arith.muli %add3A_336, %mul3A_337 : i32
      %add3A_339 = arith.addi %mul3A_2, %mul3A_338 : i32
      %dma_start3A_340 = tpu.memref_slice %arg2[%add3A_339] : memref<640000xi32, #tpu.memory_space<hbm>> -> memref<120xi32, #tpu.memory_space<hbm>>
      %dma_start3A_341 = tpu.memref_slice %arg2[%add3A_339] : memref<640000xi32, #tpu.memory_space<hbm>> -> memref<120xi32, #tpu.memory_space<hbm>>
      tpu.enqueue_dma source(%dma_start3A_341 : memref<120xi32, #tpu.memory_space<hbm>>) target(%arg9 : memref<120xi32, #tpu.memory_space<vmem>>) target_semaphore(%arg24 : memref<!tpu.dma_semaphore, #tpu.memory_space<semaphore_mem>>)
      %add3A_342 = arith.constant 320000 : i32
      %add3A_343 = arith.addi %add3A_342, %add3A_339 : i32
      %dma_start3A_344 = tpu.memref_slice %arg2[%add3A_343] : memref<640000xi32, #tpu.memory_space<hbm>> -> memref<120xi32, #tpu.memory_space<hbm>>
      %dma_start3A_345 = tpu.memref_slice %arg2[%add3A_343] : memref<640000xi32, #tpu.memory_space<hbm>> -> memref<120xi32, #tpu.memory_space<hbm>>
      tpu.enqueue_dma source(%dma_start3A_345 : memref<120xi32, #tpu.memory_space<hbm>>) target(%arg12 : memref<120xi32, #tpu.memory_space<vmem>>) target_semaphore(%arg24 : memref<!tpu.dma_semaphore, #tpu.memory_space<semaphore_mem>>)
      %dma_start3A_346 = tpu.memref_slice %arg4[%add3A_339] : memref<320000xf32, #tpu.memory_space<hbm>> -> memref<120xf32, #tpu.memory_space<hbm>>
      %dma_start3A_347 = tpu.memref_slice %arg4[%add3A_339] : memref<320000xf32, #tpu.memory_space<hbm>> -> memref<120xf32, #tpu.memory_space<hbm>>
      tpu.enqueue_dma source(%dma_start3A_347 : memref<120xf32, #tpu.memory_space<hbm>>) target(%arg15 : memref<120xf32, #tpu.memory_space<vmem>>) target_semaphore(%arg24 : memref<!tpu.dma_semaphore, #tpu.memory_space<semaphore_mem>>)
      %dma_wait3A_348 = arith.constant 0 : i32
      %dma_wait3A_349 = tpu.memref_slice %arg2[%dma_wait3A_348] : memref<640000xi32, #tpu.memory_space<hbm>> -> memref<120xi32, #tpu.memory_space<hbm>>
      %dma_wait3A_350 = arith.constant 0 : i32
      %dma_wait3A_351 = tpu.memref_slice %arg2[%dma_wait3A_350] : memref<640000xi32, #tpu.memory_space<hbm>> -> memref<120xi32, #tpu.memory_space<hbm>>
      tpu.wait_dma2 semaphore(%arg24 : memref<!tpu.dma_semaphore, #tpu.memory_space<semaphore_mem>>) src(%dma_wait3A_351 : memref<120xi32, #tpu.memory_space<hbm>>) dst(%arg9 : memref<120xi32, #tpu.memory_space<vmem>>)
      %dma_wait3A_352 = arith.constant 0 : i32
      %dma_wait3A_353 = tpu.memref_slice %arg2[%dma_wait3A_352] : memref<640000xi32, #tpu.memory_space<hbm>> -> memref<120xi32, #tpu.memory_space<hbm>>
      %dma_wait3A_354 = arith.constant 0 : i32
      %dma_wait3A_355 = tpu.memref_slice %arg2[%dma_wait3A_354] : memref<640000xi32, #tpu.memory_space<hbm>> -> memref<120xi32, #tpu.memory_space<hbm>>
      tpu.wait_dma2 semaphore(%arg24 : memref<!tpu.dma_semaphore, #tpu.memory_space<semaphore_mem>>) src(%dma_wait3A_355 : memref<120xi32, #tpu.memory_space<hbm>>) dst(%arg12 : memref<120xi32, #tpu.memory_space<vmem>>)
      %dma_wait3A_356 = arith.constant 0 : i32
      %dma_wait3A_357 = tpu.memref_slice %arg4[%dma_wait3A_356] : memref<320000xf32, #tpu.memory_space<hbm>> -> memref<120xf32, #tpu.memory_space<hbm>>
      %dma_wait3A_358 = arith.constant 0 : i32
      %dma_wait3A_359 = tpu.memref_slice %arg4[%dma_wait3A_358] : memref<320000xf32, #tpu.memory_space<hbm>> -> memref<120xf32, #tpu.memory_space<hbm>>
      tpu.wait_dma2 semaphore(%arg24 : memref<!tpu.dma_semaphore, #tpu.memory_space<semaphore_mem>>) src(%dma_wait3A_359 : memref<120xf32, #tpu.memory_space<hbm>>) dst(%arg15 : memref<120xf32, #tpu.memory_space<vmem>>)
      %add3A_360 = arith.constant 3 : i32
      %add3A_361 = arith.addi %mul3A_222, %add3A_360 : i32
      %add3A_362 = arith.constant 2 : i32
      %add3A_363 = arith.addi %add3A_361, %add3A_362 : i32
      %dma_start3A_364 = arith.constant 0 : i32
      %dma_start3A_365 = arith.constant 0 : i32
      %dma_start3A_366 = tpu.memref_slice %arg3[%dma_start3A_364, %dma_start3A_365] : memref<10000x128xf32, #tpu.memory_space<hbm>> -> memref<10000x128xf32, #tpu.memory_space<hbm>>
      tpu.enqueue_indirect_dma source(%dma_start3A_366 : memref<10000x128xf32, #tpu.memory_space<hbm>>) target(%arg18 : memref<120x128xf32, #tpu.memory_space<vmem>>) offsets(%arg9 : memref<120xi32, #tpu.memory_space<vmem>>) semaphore(%arg27 : memref<!tpu.dma_semaphore, #tpu.memory_space<semaphore_mem>>)
    }
    %scan3A_85 = arith.constant 26 : i32
    %dma_wait3A_86 = arith.constant 0 : i32
    %dma_wait3A_87 = arith.constant 0 : i32
    %dma_wait3A_88 = tpu.memref_slice %arg3[%dma_wait3A_86, %dma_wait3A_87] : memref<10000x128xf32, #tpu.memory_space<hbm>> -> memref<10000x128xf32, #tpu.memory_space<hbm>>
    tpu.wait_indirect_dma semaphore(%arg25 : memref<!tpu.dma_semaphore, #tpu.memory_space<semaphore_mem>>) src(%dma_wait3A_88 : memref<10000x128xf32, #tpu.memory_space<hbm>>) dst(%arg16 : memref<120x128xf32, #tpu.memory_space<vmem>>)
    %scan3A_89 = arith.constant 0 : i32
    %scan3A_90 = arith.constant 30 : i32
    %scan3A_91 = arith.addi %scan3A_89, %scan3A_90 : i32
    %scan3A_92 = arith.constant 1 : i32
    scf.for %scan3A_216 = %scan3A_89 to %scan3A_91 step %scan3A_92  : i32 {
      %mul3A_217 = arith.constant 4 : i32
      %mul3A_218 = arith.muli %scan3A_216, %mul3A_217 : i32
      %add3A_219 = arith.constant 0 : i32
      %add3A_220 = arith.addi %add3A_219, %mul3A_218 : i32
      %add3A_221 = arith.constant 0 : i32
      %add3A_222 = arith.addi %add3A_220, %add3A_221 : i32
      %broadcast_in_dim3A = vector.broadcast %add3A_222 : i32 to vector<16xi32>
      %gather3A = tpu.vector_load_idx %arg13[%broadcast_in_dim3A] : memref<120xf32, #tpu.memory_space<vmem>>[vector<16xi32>], vector<16xf32>,
      %add3A_223 = arith.constant 1 : i32
      %add3A_224 = arith.addi %add3A_220, %add3A_223 : i32
      %broadcast_in_dim3A_225 = vector.broadcast %add3A_224 : i32 to vector<16xi32>
      %gather3A_226 = tpu.vector_load_idx %arg13[%broadcast_in_dim3A_225] : memref<120xf32, #tpu.memory_space<vmem>>[vector<16xi32>], vector<16xf32>,
      %add3A_227 = arith.constant 2 : i32
      %add3A_228 = arith.addi %add3A_220, %add3A_227 : i32
      %broadcast_in_dim3A_229 = vector.broadcast %add3A_228 : i32 to vector<16xi32>
      %gather3A_230 = tpu.vector_load_idx %arg13[%broadcast_in_dim3A_229] : memref<120xf32, #tpu.memory_space<vmem>>[vector<16xi32>], vector<16xf32>,
      %add3A_231 = arith.constant 3 : i32
      %add3A_232 = arith.addi %add3A_220, %add3A_231 : i32
      %broadcast_in_dim3A_233 = vector.broadcast %add3A_232 : i32 to vector<16xi32>
      %gather3A_234 = tpu.vector_load_idx %arg13[%broadcast_in_dim3A_233] : memref<120xf32, #tpu.memory_space<vmem>>[vector<16xi32>], vector<16xf32>,
      %add3A_235 = arith.constant 0 : i32
      %add3A_236 = arith.addi %add3A_220, %add3A_235 : i32
      %get3A = arith.index_cast %add3A_236 : i32 to index
      %get3A_237 = arith.constant 0 : index
      %get3A_238 = tpu.vector_load %arg16[%get3A, %get3A_237] {strides = array<i32>} : memref<120x128xf32, #tpu.memory_space<vmem>>, vector<16xf32>,
      %mul3A_239 = arith.mulf %get3A_238, %gather3A : vector<16xf32>
      %add3A_240 = arith.constant 0 : i32
      %add3A_241 = arith.addi %add3A_220, %add3A_240 : i32
      %swap3A = arith.index_cast %add3A_241 : i32 to index
      %swap3A_242 = arith.constant 0 : index
      %swap3A_243 = tpu.vector_load %arg16[%swap3A, %swap3A_242] {strides = array<i32>} : memref<120x128xf32, #tpu.memory_space<vmem>>, vector<16xf32>,
      tpu.vector_store %arg16[%swap3A, %swap3A_242], %mul3A_239 {strides = array<i32>} : memref<120x128xf32, #tpu.memory_space<vmem>>, vector<16xf32>,
      %add3A_244 = arith.constant 1 : i32
      %add3A_245 = arith.addi %add3A_220, %add3A_244 : i32
      %get3A_246 = arith.index_cast %add3A_245 : i32 to index
      %get3A_247 = arith.constant 0 : index
      %get3A_248 = tpu.vector_load %arg16[%get3A_246, %get3A_247] {strides = array<i32>} : memref<120x128xf32, #tpu.memory_space<vmem>>, vector<16xf32>,
      %mul3A_249 = arith.mulf %get3A_248, %gather3A_226 : vector<16xf32>
      %add3A_250 = arith.constant 1 : i32
      %add3A_251 = arith.addi %add3A_220, %add3A_250 : i32
      %swap3A_252 = arith.index_cast %add3A_251 : i32 to index
      %swap3A_253 = arith.constant 0 : index
      %swap3A_254 = tpu.vector_load %arg16[%swap3A_252, %swap3A_253] {strides = array<i32>} : memref<120x128xf32, #tpu.memory_space<vmem>>, vector<16xf32>,
      tpu.vector_store %arg16[%swap3A_252, %swap3A_253], %mul3A_249 {strides = array<i32>} : memref<120x128xf32, #tpu.memory_space<vmem>>, vector<16xf32>,
      %add3A_255 = arith.constant 2 : i32
      %add3A_256 = arith.addi %add3A_220, %add3A_255 : i32
      %get3A_257 = arith.index_cast %add3A_256 : i32 to index
      %get3A_258 = arith.constant 0 : index
      %get3A_259 = tpu.vector_load %arg16[%get3A_257, %get3A_258] {strides = array<i32>} : memref<120x128xf32, #tpu.memory_space<vmem>>, vector<16xf32>,
      %mul3A_260 = arith.mulf %get3A_259, %gather3A_230 : vector<16xf32>
      %add3A_261 = arith.constant 2 : i32
      %add3A_262 = arith.addi %add3A_220, %add3A_261 : i32
      %swap3A_263 = arith.index_cast %add3A_262 : i32 to index
      %swap3A_264 = arith.constant 0 : index
      %swap3A_265 = tpu.vector_load %arg16[%swap3A_263, %swap3A_264] {strides = array<i32>} : memref<120x128xf32, #tpu.memory_space<vmem>>, vector<16xf32>,
      tpu.vector_store %arg16[%swap3A_263, %swap3A_264], %mul3A_260 {strides = array<i32>} : memref<120x128xf32, #tpu.memory_space<vmem>>, vector<16xf32>,
      %add3A_266 = arith.constant 3 : i32
      %add3A_267 = arith.addi %add3A_220, %add3A_266 : i32
      %get3A_268 = arith.index_cast %add3A_267 : i32 to index
      %get3A_269 = arith.constant 0 : index
      %get3A_270 = tpu.vector_load %arg16[%get3A_268, %get3A_269] {strides = array<i32>} : memref<120x128xf32, #tpu.memory_space<vmem>>, vector<16xf32>,
      %mul3A_271 = arith.mulf %get3A_270, %gather3A_234 : vector<16xf32>
      %add3A_272 = arith.constant 3 : i32
      %add3A_273 = arith.addi %add3A_220, %add3A_272 : i32
      %swap3A_274 = arith.index_cast %add3A_273 : i32 to index
      %swap3A_275 = arith.constant 0 : index
      %swap3A_276 = tpu.vector_load %arg16[%swap3A_274, %swap3A_275] {strides = array<i32>} : memref<120x128xf32, #tpu.memory_space<vmem>>, vector<16xf32>,
      tpu.vector_store %arg16[%swap3A_274, %swap3A_275], %mul3A_271 {strides = array<i32>} : memref<120x128xf32, #tpu.memory_space<vmem>>, vector<16xf32>,
      %add3A_277 = arith.constant 0 : i32
      %add3A_278 = arith.addi %add3A_220, %add3A_277 : i32
      %get3A_279 = arith.index_cast %add3A_278 : i32 to index
      %get3A_280 = arith.constant 16 : index
      %get3A_281 = tpu.vector_load %arg16[%get3A_279, %get3A_280] {strides = array<i32>} : memref<120x128xf32, #tpu.memory_space<vmem>>, vector<16xf32>,
      %mul3A_282 = arith.mulf %get3A_281, %gather3A : vector<16xf32>
      %add3A_283 = arith.constant 0 : i32
      %add3A_284 = arith.addi %add3A_220, %add3A_283 : i32
      %swap3A_285 = arith.index_cast %add3A_284 : i32 to index
      %swap3A_286 = arith.constant 16 : index
      %swap3A_287 = tpu.vector_load %arg16[%swap3A_285, %swap3A_286] {strides = array<i32>} : memref<120x128xf32, #tpu.memory_space<vmem>>, vector<16xf32>,
      tpu.vector_store %arg16[%swap3A_285, %swap3A_286], %mul3A_282 {strides = array<i32>} : memref<120x128xf32, #tpu.memory_space<vmem>>, vector<16xf32>,
      %add3A_288 = arith.constant 1 : i32
      %add3A_289 = arith.addi %add3A_220, %add3A_288 : i32
      %get3A_290 = arith.index_cast %add3A_289 : i32 to index
      %get3A_291 = arith.constant 16 : index
      %get3A_292 = tpu.vector_load %arg16[%get3A_290, %get3A_291] {strides = array<i32>} : memref<120x128xf32, #tpu.memory_space<vmem>>, vector<16xf32>,
      %mul3A_293 = arith.mulf %get3A_292, %gather3A_226 : vector<16xf32>
      %add3A_294 = arith.constant 1 : i32
      %add3A_295 = arith.addi %add3A_220, %add3A_294 : i32
      %swap3A_296 = arith.index_cast %add3A_295 : i32 to index
      %swap3A_297 = arith.constant 16 : index
      %swap3A_298 = tpu.vector_load %arg16[%swap3A_296, %swap3A_297] {strides = array<i32>} : memref<120x128xf32, #tpu.memory_space<vmem>>, vector<16xf32>,
      tpu.vector_store %arg16[%swap3A_296, %swap3A_297], %mul3A_293 {strides = array<i32>} : memref<120x128xf32, #tpu.memory_space<vmem>>, vector<16xf32>,
      %add3A_299 = arith.constant 2 : i32
      %add3A_300 = arith.addi %add3A_220, %add3A_299 : i32
      %get3A_301 = arith.index_cast %add3A_300 : i32 to index
      %get3A_302 = arith.constant 16 : index
      %get3A_303 = tpu.vector_load %arg16[%get3A_301, %get3A_302] {strides = array<i32>} : memref<120x128xf32, #tpu.memory_space<vmem>>, vector<16xf32>,
      %mul3A_304 = arith.mulf %get3A_303, %gather3A_230 : vector<16xf32>
      %add3A_305 = arith.constant 2 : i32
      %add3A_306 = arith.addi %add3A_220, %add3A_305 : i32
      %swap3A_307 = arith.index_cast %add3A_306 : i32 to index
      %swap3A_308 = arith.constant 16 : index
      %swap3A_309 = tpu.vector_load %arg16[%swap3A_307, %swap3A_308] {strides = array<i32>} : memref<120x128xf32, #tpu.memory_space<vmem>>, vector<16xf32>,
      tpu.vector_store %arg16[%swap3A_307, %swap3A_308], %mul3A_304 {strides = array<i32>} : memref<120x128xf32, #tpu.memory_space<vmem>>, vector<16xf32>,
      %add3A_310 = arith.constant 3 : i32
      %add3A_311 = arith.addi %add3A_220, %add3A_310 : i32
      %get3A_312 = arith.index_cast %add3A_311 : i32 to index
      %get3A_313 = arith.constant 16 : index
      %get3A_314 = tpu.vector_load %arg16[%get3A_312, %get3A_313] {strides = array<i32>} : memref<120x128xf32, #tpu.memory_space<vmem>>, vector<16xf32>,
      %mul3A_315 = arith.mulf %get3A_314, %gather3A_234 : vector<16xf32>
      %add3A_316 = arith.constant 3 : i32
      %add3A_317 = arith.addi %add3A_220, %add3A_316 : i32
      %swap3A_318 = arith.index_cast %add3A_317 : i32 to index
      %swap3A_319 = arith.constant 16 : index
      %swap3A_320 = tpu.vector_load %arg16[%swap3A_318, %swap3A_319] {strides = array<i32>} : memref<120x128xf32, #tpu.memory_space<vmem>>, vector<16xf32>,
      tpu.vector_store %arg16[%swap3A_318, %swap3A_319], %mul3A_315 {strides = array<i32>} : memref<120x128xf32, #tpu.memory_space<vmem>>, vector<16xf32>,
      %add3A_321 = arith.constant 0 : i32
      %add3A_322 = arith.addi %add3A_220, %add3A_321 : i32
      %get3A_323 = arith.index_cast %add3A_322 : i32 to index
      %get3A_324 = arith.constant 32 : index
      %get3A_325 = tpu.vector_load %arg16[%get3A_323, %get3A_324] {strides = array<i32>} : memref<120x128xf32, #tpu.memory_space<vmem>>, vector<16xf32>,
      %mul3A_326 = arith.mulf %get3A_325, %gather3A : vector<16xf32>
      %add3A_327 = arith.constant 0 : i32
      %add3A_328 = arith.addi %add3A_220, %add3A_327 : i32
      %swap3A_329 = arith.index_cast %add3A_328 : i32 to index
      %swap3A_330 = arith.constant 32 : index
      %swap3A_331 = tpu.vector_load %arg16[%swap3A_329, %swap3A_330] {strides = array<i32>} : memref<120x128xf32, #tpu.memory_space<vmem>>, vector<16xf32>,
      tpu.vector_store %arg16[%swap3A_329, %swap3A_330], %mul3A_326 {strides = array<i32>} : memref<120x128xf32, #tpu.memory_space<vmem>>, vector<16xf32>,
      %add3A_332 = arith.constant 1 : i32
      %add3A_333 = arith.addi %add3A_220, %add3A_332 : i32
      %get3A_334 = arith.index_cast %add3A_333 : i32 to index
      %get3A_335 = arith.constant 32 : index
      %get3A_336 = tpu.vector_load %arg16[%get3A_334, %get3A_335] {strides = array<i32>} : memref<120x128xf32, #tpu.memory_space<vmem>>, vector<16xf32>,
      %mul3A_337 = arith.mulf %get3A_336, %gather3A_226 : vector<16xf32>
      %add3A_338 = arith.constant 1 : i32
      %add3A_339 = arith.addi %add3A_220, %add3A_338 : i32
      %swap3A_340 = arith.index_cast %add3A_339 : i32 to index
      %swap3A_341 = arith.constant 32 : index
      %swap3A_342 = tpu.vector_load %arg16[%swap3A_340, %swap3A_341] {strides = array<i32>} : memref<120x128xf32, #tpu.memory_space<vmem>>, vector<16xf32>,
      tpu.vector_store %arg16[%swap3A_340, %swap3A_341], %mul3A_337 {strides = array<i32>} : memref<120x128xf32, #tpu.memory_space<vmem>>, vector<16xf32>,
      %add3A_343 = arith.constant 2 : i32
      %add3A_344 = arith.addi %add3A_220, %add3A_343 : i32
      %get3A_345 = arith.index_cast %add3A_344 : i32 to index
      %get3A_346 = arith.constant 32 : index
      %get3A_347 = tpu.vector_load %arg16[%get3A_345, %get3A_346] {strides = array<i32>} : memref<120x128xf32, #tpu.memory_space<vmem>>, vector<16xf32>,
      %mul3A_348 = arith.mulf %get3A_347, %gather3A_230 : vector<16xf32>
      %add3A_349 = arith.constant 2 : i32
      %add3A_350 = arith.addi %add3A_220, %add3A_349 : i32
      %swap3A_351 = arith.index_cast %add3A_350 : i32 to index
      %swap3A_352 = arith.constant 32 : index
      %swap3A_353 = tpu.vector_load %arg16[%swap3A_351, %swap3A_352] {strides = array<i32>} : memref<120x128xf32, #tpu.memory_space<vmem>>, vector<16xf32>,
      tpu.vector_store %arg16[%swap3A_351, %swap3A_352], %mul3A_348 {strides = array<i32>} : memref<120x128xf32, #tpu.memory_space<vmem>>, vector<16xf32>,
      %add3A_354 = arith.constant 3 : i32
      %add3A_355 = arith.addi %add3A_220, %add3A_354 : i32
      %get3A_356 = arith.index_cast %add3A_355 : i32 to index
      %get3A_357 = arith.constant 32 : index
      %get3A_358 = tpu.vector_load %arg16[%get3A_356, %get3A_357] {strides = array<i32>} : memref<120x128xf32, #tpu.memory_space<vmem>>, vector<16xf32>,
      %mul3A_359 = arith.mulf %get3A_358, %gather3A_234 : vector<16xf32>
      %add3A_360 = arith.constant 3 : i32
      %add3A_361 = arith.addi %add3A_220, %add3A_360 : i32
      %swap3A_362 = arith.index_cast %add3A_361 : i32 to index
      %swap3A_363 = arith.constant 32 : index
      %swap3A_364 = tpu.vector_load %arg16[%swap3A_362, %swap3A_363] {strides = array<i32>} : memref<120x128xf32, #tpu.memory_space<vmem>>, vector<16xf32>,
      tpu.vector_store %arg16[%swap3A_362, %swap3A_363], %mul3A_359 {strides = array<i32>} : memref<120x128xf32, #tpu.memory_space<vmem>>, vector<16xf32>,
      %add3A_365 = arith.constant 0 : i32
      %add3A_366 = arith.addi %add3A_220, %add3A_365 : i32
      %get3A_367 = arith.index_cast %add3A_366 : i32 to index
      %get3A_368 = arith.constant 48 : index
      %get3A_369 = tpu.vector_load %arg16[%get3A_367, %get3A_368] {strides = array<i32>} : memref<120x128xf32, #tpu.memory_space<vmem>>, vector<16xf32>,
      %mul3A_370 = arith.mulf %get3A_369, %gather3A : vector<16xf32>
      %add3A_371 = arith.constant 0 : i32
      %add3A_372 = arith.addi %add3A_220, %add3A_371 : i32
      %swap3A_373 = arith.index_cast %add3A_372 : i32 to index
      %swap3A_374 = arith.constant 48 : index
      %swap3A_375 = tpu.vector_load %arg16[%swap3A_373, %swap3A_374] {strides = array<i32>} : memref<120x128xf32, #tpu.memory_space<vmem>>, vector<16xf32>,
      tpu.vector_store %arg16[%swap3A_373, %swap3A_374], %mul3A_370 {strides = array<i32>} : memref<120x128xf32, #tpu.memory_space<vmem>>, vector<16xf32>,
      %add3A_376 = arith.constant 1 : i32
      %add3A_377 = arith.addi %add3A_220, %add3A_376 : i32
      %get3A_378 = arith.index_cast %add3A_377 : i32 to index
      %get3A_379 = arith.constant 48 : index
      %get3A_380 = tpu.vector_load %arg16[%get3A_378, %get3A_379] {strides = array<i32>} : memref<120x128xf32, #tpu.memory_space<vmem>>, vector<16xf32>,
      %mul3A_381 = arith.mulf %get3A_380, %gather3A_226 : vector<16xf32>
      %add3A_382 = arith.constant 1 : i32
      %add3A_383 = arith.addi %add3A_220, %add3A_382 : i32
      %swap3A_384 = arith.index_cast %add3A_383 : i32 to index
      %swap3A_385 = arith.constant 48 : index
      %swap3A_386 = tpu.vector_load %arg16[%swap3A_384, %swap3A_385] {strides = array<i32>} : memref<120x128xf32, #tpu.memory_space<vmem>>, vector<16xf32>,
      tpu.vector_store %arg16[%swap3A_384, %swap3A_385], %mul3A_381 {strides = array<i32>} : memref<120x128xf32, #tpu.memory_space<vmem>>, vector<16xf32>,
      %add3A_387 = arith.constant 2 : i32
      %add3A_388 = arith.addi %add3A_220, %add3A_387 : i32
      %get3A_389 = arith.index_cast %add3A_388 : i32 to index
      %get3A_390 = arith.constant 48 : index
      %get3A_391 = tpu.vector_load %arg16[%get3A_389, %get3A_390] {strides = array<i32>} : memref<120x128xf32, #tpu.memory_space<vmem>>, vector<16xf32>,
      %mul3A_392 = arith.mulf %get3A_391, %gather3A_230 : vector<16xf32>
      %add3A_393 = arith.constant 2 : i32
      %add3A_394 = arith.addi %add3A_220, %add3A_393 : i32
      %swap3A_395 = arith.index_cast %add3A_394 : i32 to index
      %swap3A_396 = arith.constant 48 : index
      %swap3A_397 = tpu.vector_load %arg16[%swap3A_395, %swap3A_396] {strides = array<i32>} : memref<120x128xf32, #tpu.memory_space<vmem>>, vector<16xf32>,
      tpu.vector_store %arg16[%swap3A_395, %swap3A_396], %mul3A_392 {strides = array<i32>} : memref<120x128xf32, #tpu.memory_space<vmem>>, vector<16xf32>,
      %add3A_398 = arith.constant 3 : i32
      %add3A_399 = arith.addi %add3A_220, %add3A_398 : i32
      %get3A_400 = arith.index_cast %add3A_399 : i32 to index
      %get3A_401 = arith.constant 48 : index
      %get3A_402 = tpu.vector_load %arg16[%get3A_400, %get3A_401] {strides = array<i32>} : memref<120x128xf32, #tpu.memory_space<vmem>>, vector<16xf32>,
      %mul3A_403 = arith.mulf %get3A_402, %gather3A_234 : vector<16xf32>
      %add3A_404 = arith.constant 3 : i32
      %add3A_405 = arith.addi %add3A_220, %add3A_404 : i32
      %swap3A_406 = arith.index_cast %add3A_405 : i32 to index
      %swap3A_407 = arith.constant 48 : index
      %swap3A_408 = tpu.vector_load %arg16[%swap3A_406, %swap3A_407] {strides = array<i32>} : memref<120x128xf32, #tpu.memory_space<vmem>>, vector<16xf32>,
      tpu.vector_store %arg16[%swap3A_406, %swap3A_407], %mul3A_403 {strides = array<i32>} : memref<120x128xf32, #tpu.memory_space<vmem>>, vector<16xf32>,
      %add3A_409 = arith.constant 0 : i32
      %add3A_410 = arith.addi %add3A_220, %add3A_409 : i32
      %get3A_411 = arith.index_cast %add3A_410 : i32 to index
      %get3A_412 = arith.constant 64 : index
      %get3A_413 = tpu.vector_load %arg16[%get3A_411, %get3A_412] {strides = array<i32>} : memref<120x128xf32, #tpu.memory_space<vmem>>, vector<16xf32>,
      %mul3A_414 = arith.mulf %get3A_413, %gather3A : vector<16xf32>
      %add3A_415 = arith.constant 0 : i32
      %add3A_416 = arith.addi %add3A_220, %add3A_415 : i32
      %swap3A_417 = arith.index_cast %add3A_416 : i32 to index
      %swap3A_418 = arith.constant 64 : index
      %swap3A_419 = tpu.vector_load %arg16[%swap3A_417, %swap3A_418] {strides = array<i32>} : memref<120x128xf32, #tpu.memory_space<vmem>>, vector<16xf32>,
      tpu.vector_store %arg16[%swap3A_417, %swap3A_418], %mul3A_414 {strides = array<i32>} : memref<120x128xf32, #tpu.memory_space<vmem>>, vector<16xf32>,
      %add3A_420 = arith.constant 1 : i32
      %add3A_421 = arith.addi %add3A_220, %add3A_420 : i32
      %get3A_422 = arith.index_cast %add3A_421 : i32 to index
      %get3A_423 = arith.constant 64 : index
      %get3A_424 = tpu.vector_load %arg16[%get3A_422, %get3A_423] {strides = array<i32>} : memref<120x128xf32, #tpu.memory_space<vmem>>, vector<16xf32>,
      %mul3A_425 = arith.mulf %get3A_424, %gather3A_226 : vector<16xf32>
      %add3A_426 = arith.constant 1 : i32
      %add3A_427 = arith.addi %add3A_220, %add3A_426 : i32
      %swap3A_428 = arith.index_cast %add3A_427 : i32 to index
      %swap3A_429 = arith.constant 64 : index
      %swap3A_430 = tpu.vector_load %arg16[%swap3A_428, %swap3A_429] {strides = array<i32>} : memref<120x128xf32, #tpu.memory_space<vmem>>, vector<16xf32>,
      tpu.vector_store %arg16[%swap3A_428, %swap3A_429], %mul3A_425 {strides = array<i32>} : memref<120x128xf32, #tpu.memory_space<vmem>>, vector<16xf32>,
      %add3A_431 = arith.constant 2 : i32
      %add3A_432 = arith.addi %add3A_220, %add3A_431 : i32
      %get3A_433 = arith.index_cast %add3A_432 : i32 to index
      %get3A_434 = arith.constant 64 : index
      %get3A_435 = tpu.vector_load %arg16[%get3A_433, %get3A_434] {strides = array<i32>} : memref<120x128xf32, #tpu.memory_space<vmem>>, vector<16xf32>,
      %mul3A_436 = arith.mulf %get3A_435, %gather3A_230 : vector<16xf32>
      %add3A_437 = arith.constant 2 : i32
      %add3A_438 = arith.addi %add3A_220, %add3A_437 : i32
      %swap3A_439 = arith.index_cast %add3A_438 : i32 to index
      %swap3A_440 = arith.constant 64 : index
      %swap3A_441 = tpu.vector_load %arg16[%swap3A_439, %swap3A_440] {strides = array<i32>} : memref<120x128xf32, #tpu.memory_space<vmem>>, vector<16xf32>,
      tpu.vector_store %arg16[%swap3A_439, %swap3A_440], %mul3A_436 {strides = array<i32>} : memref<120x128xf32, #tpu.memory_space<vmem>>, vector<16xf32>,
      %add3A_442 = arith.constant 3 : i32
      %add3A_443 = arith.addi %add3A_220, %add3A_442 : i32
      %get3A_444 = arith.index_cast %add3A_443 : i32 to index
      %get3A_445 = arith.constant 64 : index
      %get3A_446 = tpu.vector_load %arg16[%get3A_444, %get3A_445] {strides = array<i32>} : memref<120x128xf32, #tpu.memory_space<vmem>>, vector<16xf32>,
      %mul3A_447 = arith.mulf %get3A_446, %gather3A_234 : vector<16xf32>
      %add3A_448 = arith.constant 3 : i32
      %add3A_449 = arith.addi %add3A_220, %add3A_448 : i32
      %swap3A_450 = arith.index_cast %add3A_449 : i32 to index
      %swap3A_451 = arith.constant 64 : index
      %swap3A_452 = tpu.vector_load %arg16[%swap3A_450, %swap3A_451] {strides = array<i32>} : memref<120x128xf32, #tpu.memory_space<vmem>>, vector<16xf32>,
      tpu.vector_store %arg16[%swap3A_450, %swap3A_451], %mul3A_447 {strides = array<i32>} : memref<120x128xf32, #tpu.memory_space<vmem>>, vector<16xf32>,
      %add3A_453 = arith.constant 0 : i32
      %add3A_454 = arith.addi %add3A_220, %add3A_453 : i32
      %get3A_455 = arith.index_cast %add3A_454 : i32 to index
      %get3A_456 = arith.constant 80 : index
      %get3A_457 = tpu.vector_load %arg16[%get3A_455, %get3A_456] {strides = array<i32>} : memref<120x128xf32, #tpu.memory_space<vmem>>, vector<16xf32>,
      %mul3A_458 = arith.mulf %get3A_457, %gather3A : vector<16xf32>
      %add3A_459 = arith.constant 0 : i32
      %add3A_460 = arith.addi %add3A_220, %add3A_459 : i32
      %swap3A_461 = arith.index_cast %add3A_460 : i32 to index
      %swap3A_462 = arith.constant 80 : index
      %swap3A_463 = tpu.vector_load %arg16[%swap3A_461, %swap3A_462] {strides = array<i32>} : memref<120x128xf32, #tpu.memory_space<vmem>>, vector<16xf32>,
      tpu.vector_store %arg16[%swap3A_461, %swap3A_462], %mul3A_458 {strides = array<i32>} : memref<120x128xf32, #tpu.memory_space<vmem>>, vector<16xf32>,
      %add3A_464 = arith.constant 1 : i32
      %add3A_465 = arith.addi %add3A_220, %add3A_464 : i32
      %get3A_466 = arith.index_cast %add3A_465 : i32 to index
      %get3A_467 = arith.constant 80 : index
      %get3A_468 = tpu.vector_load %arg16[%get3A_466, %get3A_467] {strides = array<i32>} : memref<120x128xf32, #tpu.memory_space<vmem>>, vector<16xf32>,
      %mul3A_469 = arith.mulf %get3A_468, %gather3A_226 : vector<16xf32>
      %add3A_470 = arith.constant 1 : i32
      %add3A_471 = arith.addi %add3A_220, %add3A_470 : i32
      %swap3A_472 = arith.index_cast %add3A_471 : i32 to index
      %swap3A_473 = arith.constant 80 : index
      %swap3A_474 = tpu.vector_load %arg16[%swap3A_472, %swap3A_473] {strides = array<i32>} : memref<120x128xf32, #tpu.memory_space<vmem>>, vector<16xf32>,
      tpu.vector_store %arg16[%swap3A_472, %swap3A_473], %mul3A_469 {strides = array<i32>} : memref<120x128xf32, #tpu.memory_space<vmem>>, vector<16xf32>,
      %add3A_475 = arith.constant 2 : i32
      %add3A_476 = arith.addi %add3A_220, %add3A_475 : i32
      %get3A_477 = arith.index_cast %add3A_476 : i32 to index
      %get3A_478 = arith.constant 80 : index
      %get3A_479 = tpu.vector_load %arg16[%get3A_477, %get3A_478] {strides = array<i32>} : memref<120x128xf32, #tpu.memory_space<vmem>>, vector<16xf32>,
      %mul3A_480 = arith.mulf %get3A_479, %gather3A_230 : vector<16xf32>
      %add3A_481 = arith.constant 2 : i32
      %add3A_482 = arith.addi %add3A_220, %add3A_481 : i32
      %swap3A_483 = arith.index_cast %add3A_482 : i32 to index
      %swap3A_484 = arith.constant 80 : index
      %swap3A_485 = tpu.vector_load %arg16[%swap3A_483, %swap3A_484] {strides = array<i32>} : memref<120x128xf32, #tpu.memory_space<vmem>>, vector<16xf32>,
      tpu.vector_store %arg16[%swap3A_483, %swap3A_484], %mul3A_480 {strides = array<i32>} : memref<120x128xf32, #tpu.memory_space<vmem>>, vector<16xf32>,
      %add3A_486 = arith.constant 3 : i32
      %add3A_487 = arith.addi %add3A_220, %add3A_486 : i32
      %get3A_488 = arith.index_cast %add3A_487 : i32 to index
      %get3A_489 = arith.constant 80 : index
      %get3A_490 = tpu.vector_load %arg16[%get3A_488, %get3A_489] {strides = array<i32>} : memref<120x128xf32, #tpu.memory_space<vmem>>, vector<16xf32>,
      %mul3A_491 = arith.mulf %get3A_490, %gather3A_234 : vector<16xf32>
      %add3A_492 = arith.constant 3 : i32
      %add3A_493 = arith.addi %add3A_220, %add3A_492 : i32
      %swap3A_494 = arith.index_cast %add3A_493 : i32 to index
      %swap3A_495 = arith.constant 80 : index
      %swap3A_496 = tpu.vector_load %arg16[%swap3A_494, %swap3A_495] {strides = array<i32>} : memref<120x128xf32, #tpu.memory_space<vmem>>, vector<16xf32>,
      tpu.vector_store %arg16[%swap3A_494, %swap3A_495], %mul3A_491 {strides = array<i32>} : memref<120x128xf32, #tpu.memory_space<vmem>>, vector<16xf32>,
      %add3A_497 = arith.constant 0 : i32
      %add3A_498 = arith.addi %add3A_220, %add3A_497 : i32
      %get3A_499 = arith.index_cast %add3A_498 : i32 to index
      %get3A_500 = arith.constant 96 : index
      %get3A_501 = tpu.vector_load %arg16[%get3A_499, %get3A_500] {strides = array<i32>} : memref<120x128xf32, #tpu.memory_space<vmem>>, vector<16xf32>,
      %mul3A_502 = arith.mulf %get3A_501, %gather3A : vector<16xf32>
      %add3A_503 = arith.constant 0 : i32
      %add3A_504 = arith.addi %add3A_220, %add3A_503 : i32
      %swap3A_505 = arith.index_cast %add3A_504 : i32 to index
      %swap3A_506 = arith.constant 96 : index
      %swap3A_507 = tpu.vector_load %arg16[%swap3A_505, %swap3A_506] {strides = array<i32>} : memref<120x128xf32, #tpu.memory_space<vmem>>, vector<16xf32>,
      tpu.vector_store %arg16[%swap3A_505, %swap3A_506], %mul3A_502 {strides = array<i32>} : memref<120x128xf32, #tpu.memory_space<vmem>>, vector<16xf32>,
      %add3A_508 = arith.constant 1 : i32
      %add3A_509 = arith.addi %add3A_220, %add3A_508 : i32
      %get3A_510 = arith.index_cast %add3A_509 : i32 to index
      %get3A_511 = arith.constant 96 : index
      %get3A_512 = tpu.vector_load %arg16[%get3A_510, %get3A_511] {strides = array<i32>} : memref<120x128xf32, #tpu.memory_space<vmem>>, vector<16xf32>,
      %mul3A_513 = arith.mulf %get3A_512, %gather3A_226 : vector<16xf32>
      %add3A_514 = arith.constant 1 : i32
      %add3A_515 = arith.addi %add3A_220, %add3A_514 : i32
      %swap3A_516 = arith.index_cast %add3A_515 : i32 to index
      %swap3A_517 = arith.constant 96 : index
      %swap3A_518 = tpu.vector_load %arg16[%swap3A_516, %swap3A_517] {strides = array<i32>} : memref<120x128xf32, #tpu.memory_space<vmem>>, vector<16xf32>,
      tpu.vector_store %arg16[%swap3A_516, %swap3A_517], %mul3A_513 {strides = array<i32>} : memref<120x128xf32, #tpu.memory_space<vmem>>, vector<16xf32>,
      %add3A_519 = arith.constant 2 : i32
      %add3A_520 = arith.addi %add3A_220, %add3A_519 : i32
      %get3A_521 = arith.index_cast %add3A_520 : i32 to index
      %get3A_522 = arith.constant 96 : index
      %get3A_523 = tpu.vector_load %arg16[%get3A_521, %get3A_522] {strides = array<i32>} : memref<120x128xf32, #tpu.memory_space<vmem>>, vector<16xf32>,
      %mul3A_524 = arith.mulf %get3A_523, %gather3A_230 : vector<16xf32>
      %add3A_525 = arith.constant 2 : i32
      %add3A_526 = arith.addi %add3A_220, %add3A_525 : i32
      %swap3A_527 = arith.index_cast %add3A_526 : i32 to index
      %swap3A_528 = arith.constant 96 : index
      %swap3A_529 = tpu.vector_load %arg16[%swap3A_527, %swap3A_528] {strides = array<i32>} : memref<120x128xf32, #tpu.memory_space<vmem>>, vector<16xf32>,
      tpu.vector_store %arg16[%swap3A_527, %swap3A_528], %mul3A_524 {strides = array<i32>} : memref<120x128xf32, #tpu.memory_space<vmem>>, vector<16xf32>,
      %add3A_530 = arith.constant 3 : i32
      %add3A_531 = arith.addi %add3A_220, %add3A_530 : i32
      %get3A_532 = arith.index_cast %add3A_531 : i32 to index
      %get3A_533 = arith.constant 96 : index
      %get3A_534 = tpu.vector_load %arg16[%get3A_532, %get3A_533] {strides = array<i32>} : memref<120x128xf32, #tpu.memory_space<vmem>>, vector<16xf32>,
      %mul3A_535 = arith.mulf %get3A_534, %gather3A_234 : vector<16xf32>
      %add3A_536 = arith.constant 3 : i32
      %add3A_537 = arith.addi %add3A_220, %add3A_536 : i32
      %swap3A_538 = arith.index_cast %add3A_537 : i32 to index
      %swap3A_539 = arith.constant 96 : index
      %swap3A_540 = tpu.vector_load %arg16[%swap3A_538, %swap3A_539] {strides = array<i32>} : memref<120x128xf32, #tpu.memory_space<vmem>>, vector<16xf32>,
      tpu.vector_store %arg16[%swap3A_538, %swap3A_539], %mul3A_535 {strides = array<i32>} : memref<120x128xf32, #tpu.memory_space<vmem>>, vector<16xf32>,
      %add3A_541 = arith.constant 0 : i32
      %add3A_542 = arith.addi %add3A_220, %add3A_541 : i32
      %get3A_543 = arith.index_cast %add3A_542 : i32 to index
      %get3A_544 = arith.constant 112 : index
      %get3A_545 = tpu.vector_load %arg16[%get3A_543, %get3A_544] {strides = array<i32>} : memref<120x128xf32, #tpu.memory_space<vmem>>, vector<16xf32>,
      %mul3A_546 = arith.mulf %get3A_545, %gather3A : vector<16xf32>
      %add3A_547 = arith.constant 0 : i32
      %add3A_548 = arith.addi %add3A_220, %add3A_547 : i32
      %swap3A_549 = arith.index_cast %add3A_548 : i32 to index
      %swap3A_550 = arith.constant 112 : index
      %swap3A_551 = tpu.vector_load %arg16[%swap3A_549, %swap3A_550] {strides = array<i32>} : memref<120x128xf32, #tpu.memory_space<vmem>>, vector<16xf32>,
      tpu.vector_store %arg16[%swap3A_549, %swap3A_550], %mul3A_546 {strides = array<i32>} : memref<120x128xf32, #tpu.memory_space<vmem>>, vector<16xf32>,
      %add3A_552 = arith.constant 1 : i32
      %add3A_553 = arith.addi %add3A_220, %add3A_552 : i32
      %get3A_554 = arith.index_cast %add3A_553 : i32 to index
      %get3A_555 = arith.constant 112 : index
      %get3A_556 = tpu.vector_load %arg16[%get3A_554, %get3A_555] {strides = array<i32>} : memref<120x128xf32, #tpu.memory_space<vmem>>, vector<16xf32>,
      %mul3A_557 = arith.mulf %get3A_556, %gather3A_226 : vector<16xf32>
      %add3A_558 = arith.constant 1 : i32
      %add3A_559 = arith.addi %add3A_220, %add3A_558 : i32
      %swap3A_560 = arith.index_cast %add3A_559 : i32 to index
      %swap3A_561 = arith.constant 112 : index
      %swap3A_562 = tpu.vector_load %arg16[%swap3A_560, %swap3A_561] {strides = array<i32>} : memref<120x128xf32, #tpu.memory_space<vmem>>, vector<16xf32>,
      tpu.vector_store %arg16[%swap3A_560, %swap3A_561], %mul3A_557 {strides = array<i32>} : memref<120x128xf32, #tpu.memory_space<vmem>>, vector<16xf32>,
      %add3A_563 = arith.constant 2 : i32
      %add3A_564 = arith.addi %add3A_220, %add3A_563 : i32
      %get3A_565 = arith.index_cast %add3A_564 : i32 to index
      %get3A_566 = arith.constant 112 : index
      %get3A_567 = tpu.vector_load %arg16[%get3A_565, %get3A_566] {strides = array<i32>} : memref<120x128xf32, #tpu.memory_space<vmem>>, vector<16xf32>,
      %mul3A_568 = arith.mulf %get3A_567, %gather3A_230 : vector<16xf32>
      %add3A_569 = arith.constant 2 : i32
      %add3A_570 = arith.addi %add3A_220, %add3A_569 : i32
      %swap3A_571 = arith.index_cast %add3A_570 : i32 to index
      %swap3A_572 = arith.constant 112 : index
      %swap3A_573 = tpu.vector_load %arg16[%swap3A_571, %swap3A_572] {strides = array<i32>} : memref<120x128xf32, #tpu.memory_space<vmem>>, vector<16xf32>,
      tpu.vector_store %arg16[%swap3A_571, %swap3A_572], %mul3A_568 {strides = array<i32>} : memref<120x128xf32, #tpu.memory_space<vmem>>, vector<16xf32>,
      %add3A_574 = arith.constant 3 : i32
      %add3A_575 = arith.addi %add3A_220, %add3A_574 : i32
      %get3A_576 = arith.index_cast %add3A_575 : i32 to index
      %get3A_577 = arith.constant 112 : index
      %get3A_578 = tpu.vector_load %arg16[%get3A_576, %get3A_577] {strides = array<i32>} : memref<120x128xf32, #tpu.memory_space<vmem>>, vector<16xf32>,
      %mul3A_579 = arith.mulf %get3A_578, %gather3A_234 : vector<16xf32>
      %add3A_580 = arith.constant 3 : i32
      %add3A_581 = arith.addi %add3A_220, %add3A_580 : i32
      %swap3A_582 = arith.index_cast %add3A_581 : i32 to index
      %swap3A_583 = arith.constant 112 : index
      %swap3A_584 = tpu.vector_load %arg16[%swap3A_582, %swap3A_583] {strides = array<i32>} : memref<120x128xf32, #tpu.memory_space<vmem>>, vector<16xf32>,
      tpu.vector_store %arg16[%swap3A_582, %swap3A_583], %mul3A_579 {strides = array<i32>} : memref<120x128xf32, #tpu.memory_space<vmem>>, vector<16xf32>,
    }
    %scan3A_93 = arith.constant 30 : i32
    %dma_start3A_94 = arith.constant 0 : i32
    %dma_start3A_95 = arith.constant 0 : i32
    %dma_start3A_96 = tpu.memref_slice %arg32[%dma_start3A_94, %dma_start3A_95] : memref<10112x128xf32, #tpu.memory_space<vmem_shared>> -> memref<10112x128xf32, #tpu.memory_space<vmem_shared>>
    tpu.enqueue_indirect_dma source(%arg16 : memref<120x128xf32, #tpu.memory_space<vmem>>) target(%dma_start3A_96 : memref<10112x128xf32, #tpu.memory_space<vmem_shared>>) offsets(%arg10 : memref<120xi32, #tpu.memory_space<vmem>>) semaphore(%arg28 : memref<!tpu.dma_semaphore, #tpu.memory_space<semaphore_mem>>) {add = true}
    %dma_wait3A_97 = arith.constant 0 : i32
    %dma_wait3A_98 = arith.constant 0 : i32
    %dma_wait3A_99 = tpu.memref_slice %arg3[%dma_wait3A_97, %dma_wait3A_98] : memref<10000x128xf32, #tpu.memory_space<hbm>> -> memref<10000x128xf32, #tpu.memory_space<hbm>>
    tpu.wait_indirect_dma semaphore(%arg26 : memref<!tpu.dma_semaphore, #tpu.memory_space<semaphore_mem>>) src(%dma_wait3A_99 : memref<10000x128xf32, #tpu.memory_space<hbm>>) dst(%arg17 : memref<120x128xf32, #tpu.memory_space<vmem>>)
    %scan3A_100 = arith.constant 0 : i32
    %scan3A_101 = arith.constant 30 : i32
    %scan3A_102 = arith.addi %scan3A_100, %scan3A_101 : i32
    %scan3A_103 = arith.constant 1 : i32
    scf.for %scan3A_216 = %scan3A_100 to %scan3A_102 step %scan3A_103  : i32 {
      %mul3A_217 = arith.constant 4 : i32
      %mul3A_218 = arith.muli %scan3A_216, %mul3A_217 : i32
      %add3A_219 = arith.constant 0 : i32
      %add3A_220 = arith.addi %add3A_219, %mul3A_218 : i32
      %add3A_221 = arith.constant 0 : i32
      %add3A_222 = arith.addi %add3A_220, %add3A_221 : i32
      %broadcast_in_dim3A = vector.broadcast %add3A_222 : i32 to vector<16xi32>
      %gather3A = tpu.vector_load_idx %arg14[%broadcast_in_dim3A] : memref<120xf32, #tpu.memory_space<vmem>>[vector<16xi32>], vector<16xf32>,
      %add3A_223 = arith.constant 1 : i32
      %add3A_224 = arith.addi %add3A_220, %add3A_223 : i32
      %broadcast_in_dim3A_225 = vector.broadcast %add3A_224 : i32 to vector<16xi32>
      %gather3A_226 = tpu.vector_load_idx %arg14[%broadcast_in_dim3A_225] : memref<120xf32, #tpu.memory_space<vmem>>[vector<16xi32>], vector<16xf32>,
      %add3A_227 = arith.constant 2 : i32
      %add3A_228 = arith.addi %add3A_220, %add3A_227 : i32
      %broadcast_in_dim3A_229 = vector.broadcast %add3A_228 : i32 to vector<16xi32>
      %gather3A_230 = tpu.vector_load_idx %arg14[%broadcast_in_dim3A_229] : memref<120xf32, #tpu.memory_space<vmem>>[vector<16xi32>], vector<16xf32>,
      %add3A_231 = arith.constant 3 : i32
      %add3A_232 = arith.addi %add3A_220, %add3A_231 : i32
      %broadcast_in_dim3A_233 = vector.broadcast %add3A_232 : i32 to vector<16xi32>
      %gather3A_234 = tpu.vector_load_idx %arg14[%broadcast_in_dim3A_233] : memref<120xf32, #tpu.memory_space<vmem>>[vector<16xi32>], vector<16xf32>,
      %add3A_235 = arith.constant 0 : i32
      %add3A_236 = arith.addi %add3A_220, %add3A_235 : i32
      %get3A = arith.index_cast %add3A_236 : i32 to index
      %get3A_237 = arith.constant 0 : index
      %get3A_238 = tpu.vector_load %arg17[%get3A, %get3A_237] {strides = array<i32>} : memref<120x128xf32, #tpu.memory_space<vmem>>, vector<16xf32>,
      %mul3A_239 = arith.mulf %get3A_238, %gather3A : vector<16xf32>
      %add3A_240 = arith.constant 0 : i32
      %add3A_241 = arith.addi %add3A_220, %add3A_240 : i32
      %swap3A = arith.index_cast %add3A_241 : i32 to index
      %swap3A_242 = arith.constant 0 : index
      %swap3A_243 = tpu.vector_load %arg17[%swap3A, %swap3A_242] {strides = array<i32>} : memref<120x128xf32, #tpu.memory_space<vmem>>, vector<16xf32>,
      tpu.vector_store %arg17[%swap3A, %swap3A_242], %mul3A_239 {strides = array<i32>} : memref<120x128xf32, #tpu.memory_space<vmem>>, vector<16xf32>,
      %add3A_244 = arith.constant 1 : i32
      %add3A_245 = arith.addi %add3A_220, %add3A_244 : i32
      %get3A_246 = arith.index_cast %add3A_245 : i32 to index
      %get3A_247 = arith.constant 0 : index
      %get3A_248 = tpu.vector_load %arg17[%get3A_246, %get3A_247] {strides = array<i32>} : memref<120x128xf32, #tpu.memory_space<vmem>>, vector<16xf32>,
      %mul3A_249 = arith.mulf %get3A_248, %gather3A_226 : vector<16xf32>
      %add3A_250 = arith.constant 1 : i32
      %add3A_251 = arith.addi %add3A_220, %add3A_250 : i32
      %swap3A_252 = arith.index_cast %add3A_251 : i32 to index
      %swap3A_253 = arith.constant 0 : index
      %swap3A_254 = tpu.vector_load %arg17[%swap3A_252, %swap3A_253] {strides = array<i32>} : memref<120x128xf32, #tpu.memory_space<vmem>>, vector<16xf32>,
      tpu.vector_store %arg17[%swap3A_252, %swap3A_253], %mul3A_249 {strides = array<i32>} : memref<120x128xf32, #tpu.memory_space<vmem>>, vector<16xf32>,
      %add3A_255 = arith.constant 2 : i32
      %add3A_256 = arith.addi %add3A_220, %add3A_255 : i32
      %get3A_257 = arith.index_cast %add3A_256 : i32 to index
      %get3A_258 = arith.constant 0 : index
      %get3A_259 = tpu.vector_load %arg17[%get3A_257, %get3A_258] {strides = array<i32>} : memref<120x128xf32, #tpu.memory_space<vmem>>, vector<16xf32>,
      %mul3A_260 = arith.mulf %get3A_259, %gather3A_230 : vector<16xf32>
      %add3A_261 = arith.constant 2 : i32
      %add3A_262 = arith.addi %add3A_220, %add3A_261 : i32
      %swap3A_263 = arith.index_cast %add3A_262 : i32 to index
      %swap3A_264 = arith.constant 0 : index
      %swap3A_265 = tpu.vector_load %arg17[%swap3A_263, %swap3A_264] {strides = array<i32>} : memref<120x128xf32, #tpu.memory_space<vmem>>, vector<16xf32>,
      tpu.vector_store %arg17[%swap3A_263, %swap3A_264], %mul3A_260 {strides = array<i32>} : memref<120x128xf32, #tpu.memory_space<vmem>>, vector<16xf32>,
      %add3A_266 = arith.constant 3 : i32
      %add3A_267 = arith.addi %add3A_220, %add3A_266 : i32
      %get3A_268 = arith.index_cast %add3A_267 : i32 to index
      %get3A_269 = arith.constant 0 : index
      %get3A_270 = tpu.vector_load %arg17[%get3A_268, %get3A_269] {strides = array<i32>} : memref<120x128xf32, #tpu.memory_space<vmem>>, vector<16xf32>,
      %mul3A_271 = arith.mulf %get3A_270, %gather3A_234 : vector<16xf32>
      %add3A_272 = arith.constant 3 : i32
      %add3A_273 = arith.addi %add3A_220, %add3A_272 : i32
      %swap3A_274 = arith.index_cast %add3A_273 : i32 to index
      %swap3A_275 = arith.constant 0 : index
      %swap3A_276 = tpu.vector_load %arg17[%swap3A_274, %swap3A_275] {strides = array<i32>} : memref<120x128xf32, #tpu.memory_space<vmem>>, vector<16xf32>,
      tpu.vector_store %arg17[%swap3A_274, %swap3A_275], %mul3A_271 {strides = array<i32>} : memref<120x128xf32, #tpu.memory_space<vmem>>, vector<16xf32>,
      %add3A_277 = arith.constant 0 : i32
      %add3A_278 = arith.addi %add3A_220, %add3A_277 : i32
      %get3A_279 = arith.index_cast %add3A_278 : i32 to index
      %get3A_280 = arith.constant 16 : index
      %get3A_281 = tpu.vector_load %arg17[%get3A_279, %get3A_280] {strides = array<i32>} : memref<120x128xf32, #tpu.memory_space<vmem>>, vector<16xf32>,
      %mul3A_282 = arith.mulf %get3A_281, %gather3A : vector<16xf32>
      %add3A_283 = arith.constant 0 : i32
      %add3A_284 = arith.addi %add3A_220, %add3A_283 : i32
      %swap3A_285 = arith.index_cast %add3A_284 : i32 to index
      %swap3A_286 = arith.constant 16 : index
      %swap3A_287 = tpu.vector_load %arg17[%swap3A_285, %swap3A_286] {strides = array<i32>} : memref<120x128xf32, #tpu.memory_space<vmem>>, vector<16xf32>,
      tpu.vector_store %arg17[%swap3A_285, %swap3A_286], %mul3A_282 {strides = array<i32>} : memref<120x128xf32, #tpu.memory_space<vmem>>, vector<16xf32>,
      %add3A_288 = arith.constant 1 : i32
      %add3A_289 = arith.addi %add3A_220, %add3A_288 : i32
      %get3A_290 = arith.index_cast %add3A_289 : i32 to index
      %get3A_291 = arith.constant 16 : index
      %get3A_292 = tpu.vector_load %arg17[%get3A_290, %get3A_291] {strides = array<i32>} : memref<120x128xf32, #tpu.memory_space<vmem>>, vector<16xf32>,
      %mul3A_293 = arith.mulf %get3A_292, %gather3A_226 : vector<16xf32>
      %add3A_294 = arith.constant 1 : i32
      %add3A_295 = arith.addi %add3A_220, %add3A_294 : i32
      %swap3A_296 = arith.index_cast %add3A_295 : i32 to index
      %swap3A_297 = arith.constant 16 : index
      %swap3A_298 = tpu.vector_load %arg17[%swap3A_296, %swap3A_297] {strides = array<i32>} : memref<120x128xf32, #tpu.memory_space<vmem>>, vector<16xf32>,
      tpu.vector_store %arg17[%swap3A_296, %swap3A_297], %mul3A_293 {strides = array<i32>} : memref<120x128xf32, #tpu.memory_space<vmem>>, vector<16xf32>,
      %add3A_299 = arith.constant 2 : i32
      %add3A_300 = arith.addi %add3A_220, %add3A_299 : i32
      %get3A_301 = arith.index_cast %add3A_300 : i32 to index
      %get3A_302 = arith.constant 16 : index
      %get3A_303 = tpu.vector_load %arg17[%get3A_301, %get3A_302] {strides = array<i32>} : memref<120x128xf32, #tpu.memory_space<vmem>>, vector<16xf32>,
      %mul3A_304 = arith.mulf %get3A_303, %gather3A_230 : vector<16xf32>
      %add3A_305 = arith.constant 2 : i32
      %add3A_306 = arith.addi %add3A_220, %add3A_305 : i32
      %swap3A_307 = arith.index_cast %add3A_306 : i32 to index
      %swap3A_308 = arith.constant 16 : index
      %swap3A_309 = tpu.vector_load %arg17[%swap3A_307, %swap3A_308] {strides = array<i32>} : memref<120x128xf32, #tpu.memory_space<vmem>>, vector<16xf32>,
      tpu.vector_store %arg17[%swap3A_307, %swap3A_308], %mul3A_304 {strides = array<i32>} : memref<120x128xf32, #tpu.memory_space<vmem>>, vector<16xf32>,
      %add3A_310 = arith.constant 3 : i32
      %add3A_311 = arith.addi %add3A_220, %add3A_310 : i32
      %get3A_312 = arith.index_cast %add3A_311 : i32 to index
      %get3A_313 = arith.constant 16 : index
      %get3A_314 = tpu.vector_load %arg17[%get3A_312, %get3A_313] {strides = array<i32>} : memref<120x128xf32, #tpu.memory_space<vmem>>, vector<16xf32>,
      %mul3A_315 = arith.mulf %get3A_314, %gather3A_234 : vector<16xf32>
      %add3A_316 = arith.constant 3 : i32
      %add3A_317 = arith.addi %add3A_220, %add3A_316 : i32
      %swap3A_318 = arith.index_cast %add3A_317 : i32 to index
      %swap3A_319 = arith.constant 16 : index
      %swap3A_320 = tpu.vector_load %arg17[%swap3A_318, %swap3A_319] {strides = array<i32>} : memref<120x128xf32, #tpu.memory_space<vmem>>, vector<16xf32>,
      tpu.vector_store %arg17[%swap3A_318, %swap3A_319], %mul3A_315 {strides = array<i32>} : memref<120x128xf32, #tpu.memory_space<vmem>>, vector<16xf32>,
      %add3A_321 = arith.constant 0 : i32
      %add3A_322 = arith.addi %add3A_220, %add3A_321 : i32
      %get3A_323 = arith.index_cast %add3A_322 : i32 to index
      %get3A_324 = arith.constant 32 : index
      %get3A_325 = tpu.vector_load %arg17[%get3A_323, %get3A_324] {strides = array<i32>} : memref<120x128xf32, #tpu.memory_space<vmem>>, vector<16xf32>,
      %mul3A_326 = arith.mulf %get3A_325, %gather3A : vector<16xf32>
      %add3A_327 = arith.constant 0 : i32
      %add3A_328 = arith.addi %add3A_220, %add3A_327 : i32
      %swap3A_329 = arith.index_cast %add3A_328 : i32 to index
      %swap3A_330 = arith.constant 32 : index
      %swap3A_331 = tpu.vector_load %arg17[%swap3A_329, %swap3A_330] {strides = array<i32>} : memref<120x128xf32, #tpu.memory_space<vmem>>, vector<16xf32>,
      tpu.vector_store %arg17[%swap3A_329, %swap3A_330], %mul3A_326 {strides = array<i32>} : memref<120x128xf32, #tpu.memory_space<vmem>>, vector<16xf32>,
      %add3A_332 = arith.constant 1 : i32
      %add3A_333 = arith.addi %add3A_220, %add3A_332 : i32
      %get3A_334 = arith.index_cast %add3A_333 : i32 to index
      %get3A_335 = arith.constant 32 : index
      %get3A_336 = tpu.vector_load %arg17[%get3A_334, %get3A_335] {strides = array<i32>} : memref<120x128xf32, #tpu.memory_space<vmem>>, vector<16xf32>,
      %mul3A_337 = arith.mulf %get3A_336, %gather3A_226 : vector<16xf32>
      %add3A_338 = arith.constant 1 : i32
      %add3A_339 = arith.addi %add3A_220, %add3A_338 : i32
      %swap3A_340 = arith.index_cast %add3A_339 : i32 to index
      %swap3A_341 = arith.constant 32 : index
      %swap3A_342 = tpu.vector_load %arg17[%swap3A_340, %swap3A_341] {strides = array<i32>} : memref<120x128xf32, #tpu.memory_space<vmem>>, vector<16xf32>,
      tpu.vector_store %arg17[%swap3A_340, %swap3A_341], %mul3A_337 {strides = array<i32>} : memref<120x128xf32, #tpu.memory_space<vmem>>, vector<16xf32>,
      %add3A_343 = arith.constant 2 : i32
      %add3A_344 = arith.addi %add3A_220, %add3A_343 : i32
      %get3A_345 = arith.index_cast %add3A_344 : i32 to index
      %get3A_346 = arith.constant 32 : index
      %get3A_347 = tpu.vector_load %arg17[%get3A_345, %get3A_346] {strides = array<i32>} : memref<120x128xf32, #tpu.memory_space<vmem>>, vector<16xf32>,
      %mul3A_348 = arith.mulf %get3A_347, %gather3A_230 : vector<16xf32>
      %add3A_349 = arith.constant 2 : i32
      %add3A_350 = arith.addi %add3A_220, %add3A_349 : i32
      %swap3A_351 = arith.index_cast %add3A_350 : i32 to index
      %swap3A_352 = arith.constant 32 : index
      %swap3A_353 = tpu.vector_load %arg17[%swap3A_351, %swap3A_352] {strides = array<i32>} : memref<120x128xf32, #tpu.memory_space<vmem>>, vector<16xf32>,
      tpu.vector_store %arg17[%swap3A_351, %swap3A_352], %mul3A_348 {strides = array<i32>} : memref<120x128xf32, #tpu.memory_space<vmem>>, vector<16xf32>,
      %add3A_354 = arith.constant 3 : i32
      %add3A_355 = arith.addi %add3A_220, %add3A_354 : i32
      %get3A_356 = arith.index_cast %add3A_355 : i32 to index
      %get3A_357 = arith.constant 32 : index
      %get3A_358 = tpu.vector_load %arg17[%get3A_356, %get3A_357] {strides = array<i32>} : memref<120x128xf32, #tpu.memory_space<vmem>>, vector<16xf32>,
      %mul3A_359 = arith.mulf %get3A_358, %gather3A_234 : vector<16xf32>
      %add3A_360 = arith.constant 3 : i32
      %add3A_361 = arith.addi %add3A_220, %add3A_360 : i32
      %swap3A_362 = arith.index_cast %add3A_361 : i32 to index
      %swap3A_363 = arith.constant 32 : index
      %swap3A_364 = tpu.vector_load %arg17[%swap3A_362, %swap3A_363] {strides = array<i32>} : memref<120x128xf32, #tpu.memory_space<vmem>>, vector<16xf32>,
      tpu.vector_store %arg17[%swap3A_362, %swap3A_363], %mul3A_359 {strides = array<i32>} : memref<120x128xf32, #tpu.memory_space<vmem>>, vector<16xf32>,
      %add3A_365 = arith.constant 0 : i32
      %add3A_366 = arith.addi %add3A_220, %add3A_365 : i32
      %get3A_367 = arith.index_cast %add3A_366 : i32 to index
      %get3A_368 = arith.constant 48 : index
      %get3A_369 = tpu.vector_load %arg17[%get3A_367, %get3A_368] {strides = array<i32>} : memref<120x128xf32, #tpu.memory_space<vmem>>, vector<16xf32>,
      %mul3A_370 = arith.mulf %get3A_369, %gather3A : vector<16xf32>
      %add3A_371 = arith.constant 0 : i32
      %add3A_372 = arith.addi %add3A_220, %add3A_371 : i32
      %swap3A_373 = arith.index_cast %add3A_372 : i32 to index
      %swap3A_374 = arith.constant 48 : index
      %swap3A_375 = tpu.vector_load %arg17[%swap3A_373, %swap3A_374] {strides = array<i32>} : memref<120x128xf32, #tpu.memory_space<vmem>>, vector<16xf32>,
      tpu.vector_store %arg17[%swap3A_373, %swap3A_374], %mul3A_370 {strides = array<i32>} : memref<120x128xf32, #tpu.memory_space<vmem>>, vector<16xf32>,
      %add3A_376 = arith.constant 1 : i32
      %add3A_377 = arith.addi %add3A_220, %add3A_376 : i32
      %get3A_378 = arith.index_cast %add3A_377 : i32 to index
      %get3A_379 = arith.constant 48 : index
      %get3A_380 = tpu.vector_load %arg17[%get3A_378, %get3A_379] {strides = array<i32>} : memref<120x128xf32, #tpu.memory_space<vmem>>, vector<16xf32>,
      %mul3A_381 = arith.mulf %get3A_380, %gather3A_226 : vector<16xf32>
      %add3A_382 = arith.constant 1 : i32
      %add3A_383 = arith.addi %add3A_220, %add3A_382 : i32
      %swap3A_384 = arith.index_cast %add3A_383 : i32 to index
      %swap3A_385 = arith.constant 48 : index
      %swap3A_386 = tpu.vector_load %arg17[%swap3A_384, %swap3A_385] {strides = array<i32>} : memref<120x128xf32, #tpu.memory_space<vmem>>, vector<16xf32>,
      tpu.vector_store %arg17[%swap3A_384, %swap3A_385], %mul3A_381 {strides = array<i32>} : memref<120x128xf32, #tpu.memory_space<vmem>>, vector<16xf32>,
      %add3A_387 = arith.constant 2 : i32
      %add3A_388 = arith.addi %add3A_220, %add3A_387 : i32
      %get3A_389 = arith.index_cast %add3A_388 : i32 to index
      %get3A_390 = arith.constant 48 : index
      %get3A_391 = tpu.vector_load %arg17[%get3A_389, %get3A_390] {strides = array<i32>} : memref<120x128xf32, #tpu.memory_space<vmem>>, vector<16xf32>,
      %mul3A_392 = arith.mulf %get3A_391, %gather3A_230 : vector<16xf32>
      %add3A_393 = arith.constant 2 : i32
      %add3A_394 = arith.addi %add3A_220, %add3A_393 : i32
      %swap3A_395 = arith.index_cast %add3A_394 : i32 to index
      %swap3A_396 = arith.constant 48 : index
      %swap3A_397 = tpu.vector_load %arg17[%swap3A_395, %swap3A_396] {strides = array<i32>} : memref<120x128xf32, #tpu.memory_space<vmem>>, vector<16xf32>,
      tpu.vector_store %arg17[%swap3A_395, %swap3A_396], %mul3A_392 {strides = array<i32>} : memref<120x128xf32, #tpu.memory_space<vmem>>, vector<16xf32>,
      %add3A_398 = arith.constant 3 : i32
      %add3A_399 = arith.addi %add3A_220, %add3A_398 : i32
      %get3A_400 = arith.index_cast %add3A_399 : i32 to index
      %get3A_401 = arith.constant 48 : index
      %get3A_402 = tpu.vector_load %arg17[%get3A_400, %get3A_401] {strides = array<i32>} : memref<120x128xf32, #tpu.memory_space<vmem>>, vector<16xf32>,
      %mul3A_403 = arith.mulf %get3A_402, %gather3A_234 : vector<16xf32>
      %add3A_404 = arith.constant 3 : i32
      %add3A_405 = arith.addi %add3A_220, %add3A_404 : i32
      %swap3A_406 = arith.index_cast %add3A_405 : i32 to index
      %swap3A_407 = arith.constant 48 : index
      %swap3A_408 = tpu.vector_load %arg17[%swap3A_406, %swap3A_407] {strides = array<i32>} : memref<120x128xf32, #tpu.memory_space<vmem>>, vector<16xf32>,
      tpu.vector_store %arg17[%swap3A_406, %swap3A_407], %mul3A_403 {strides = array<i32>} : memref<120x128xf32, #tpu.memory_space<vmem>>, vector<16xf32>,
      %add3A_409 = arith.constant 0 : i32
      %add3A_410 = arith.addi %add3A_220, %add3A_409 : i32
      %get3A_411 = arith.index_cast %add3A_410 : i32 to index
      %get3A_412 = arith.constant 64 : index
      %get3A_413 = tpu.vector_load %arg17[%get3A_411, %get3A_412] {strides = array<i32>} : memref<120x128xf32, #tpu.memory_space<vmem>>, vector<16xf32>,
      %mul3A_414 = arith.mulf %get3A_413, %gather3A : vector<16xf32>
      %add3A_415 = arith.constant 0 : i32
      %add3A_416 = arith.addi %add3A_220, %add3A_415 : i32
      %swap3A_417 = arith.index_cast %add3A_416 : i32 to index
      %swap3A_418 = arith.constant 64 : index
      %swap3A_419 = tpu.vector_load %arg17[%swap3A_417, %swap3A_418] {strides = array<i32>} : memref<120x128xf32, #tpu.memory_space<vmem>>, vector<16xf32>,
      tpu.vector_store %arg17[%swap3A_417, %swap3A_418], %mul3A_414 {strides = array<i32>} : memref<120x128xf32, #tpu.memory_space<vmem>>, vector<16xf32>,
      %add3A_420 = arith.constant 1 : i32
      %add3A_421 = arith.addi %add3A_220, %add3A_420 : i32
      %get3A_422 = arith.index_cast %add3A_421 : i32 to index
      %get3A_423 = arith.constant 64 : index
      %get3A_424 = tpu.vector_load %arg17[%get3A_422, %get3A_423] {strides = array<i32>} : memref<120x128xf32, #tpu.memory_space<vmem>>, vector<16xf32>,
      %mul3A_425 = arith.mulf %get3A_424, %gather3A_226 : vector<16xf32>
      %add3A_426 = arith.constant 1 : i32
      %add3A_427 = arith.addi %add3A_220, %add3A_426 : i32
      %swap3A_428 = arith.index_cast %add3A_427 : i32 to index
      %swap3A_429 = arith.constant 64 : index
      %swap3A_430 = tpu.vector_load %arg17[%swap3A_428, %swap3A_429] {strides = array<i32>} : memref<120x128xf32, #tpu.memory_space<vmem>>, vector<16xf32>,
      tpu.vector_store %arg17[%swap3A_428, %swap3A_429], %mul3A_425 {strides = array<i32>} : memref<120x128xf32, #tpu.memory_space<vmem>>, vector<16xf32>,
      %add3A_431 = arith.constant 2 : i32
      %add3A_432 = arith.addi %add3A_220, %add3A_431 : i32
      %get3A_433 = arith.index_cast %add3A_432 : i32 to index
      %get3A_434 = arith.constant 64 : index
      %get3A_435 = tpu.vector_load %arg17[%get3A_433, %get3A_434] {strides = array<i32>} : memref<120x128xf32, #tpu.memory_space<vmem>>, vector<16xf32>,
      %mul3A_436 = arith.mulf %get3A_435, %gather3A_230 : vector<16xf32>
      %add3A_437 = arith.constant 2 : i32
      %add3A_438 = arith.addi %add3A_220, %add3A_437 : i32
      %swap3A_439 = arith.index_cast %add3A_438 : i32 to index
      %swap3A_440 = arith.constant 64 : index
      %swap3A_441 = tpu.vector_load %arg17[%swap3A_439, %swap3A_440] {strides = array<i32>} : memref<120x128xf32, #tpu.memory_space<vmem>>, vector<16xf32>,
      tpu.vector_store %arg17[%swap3A_439, %swap3A_440], %mul3A_436 {strides = array<i32>} : memref<120x128xf32, #tpu.memory_space<vmem>>, vector<16xf32>,
      %add3A_442 = arith.constant 3 : i32
      %add3A_443 = arith.addi %add3A_220, %add3A_442 : i32
      %get3A_444 = arith.index_cast %add3A_443 : i32 to index
      %get3A_445 = arith.constant 64 : index
      %get3A_446 = tpu.vector_load %arg17[%get3A_444, %get3A_445] {strides = array<i32>} : memref<120x128xf32, #tpu.memory_space<vmem>>, vector<16xf32>,
      %mul3A_447 = arith.mulf %get3A_446, %gather3A_234 : vector<16xf32>
      %add3A_448 = arith.constant 3 : i32
      %add3A_449 = arith.addi %add3A_220, %add3A_448 : i32
      %swap3A_450 = arith.index_cast %add3A_449 : i32 to index
      %swap3A_451 = arith.constant 64 : index
      %swap3A_452 = tpu.vector_load %arg17[%swap3A_450, %swap3A_451] {strides = array<i32>} : memref<120x128xf32, #tpu.memory_space<vmem>>, vector<16xf32>,
      tpu.vector_store %arg17[%swap3A_450, %swap3A_451], %mul3A_447 {strides = array<i32>} : memref<120x128xf32, #tpu.memory_space<vmem>>, vector<16xf32>,
      %add3A_453 = arith.constant 0 : i32
      %add3A_454 = arith.addi %add3A_220, %add3A_453 : i32
      %get3A_455 = arith.index_cast %add3A_454 : i32 to index
      %get3A_456 = arith.constant 80 : index
      %get3A_457 = tpu.vector_load %arg17[%get3A_455, %get3A_456] {strides = array<i32>} : memref<120x128xf32, #tpu.memory_space<vmem>>, vector<16xf32>,
      %mul3A_458 = arith.mulf %get3A_457, %gather3A : vector<16xf32>
      %add3A_459 = arith.constant 0 : i32
      %add3A_460 = arith.addi %add3A_220, %add3A_459 : i32
      %swap3A_461 = arith.index_cast %add3A_460 : i32 to index
      %swap3A_462 = arith.constant 80 : index
      %swap3A_463 = tpu.vector_load %arg17[%swap3A_461, %swap3A_462] {strides = array<i32>} : memref<120x128xf32, #tpu.memory_space<vmem>>, vector<16xf32>,
      tpu.vector_store %arg17[%swap3A_461, %swap3A_462], %mul3A_458 {strides = array<i32>} : memref<120x128xf32, #tpu.memory_space<vmem>>, vector<16xf32>,
      %add3A_464 = arith.constant 1 : i32
      %add3A_465 = arith.addi %add3A_220, %add3A_464 : i32
      %get3A_466 = arith.index_cast %add3A_465 : i32 to index
      %get3A_467 = arith.constant 80 : index
      %get3A_468 = tpu.vector_load %arg17[%get3A_466, %get3A_467] {strides = array<i32>} : memref<120x128xf32, #tpu.memory_space<vmem>>, vector<16xf32>,
      %mul3A_469 = arith.mulf %get3A_468, %gather3A_226 : vector<16xf32>
      %add3A_470 = arith.constant 1 : i32
      %add3A_471 = arith.addi %add3A_220, %add3A_470 : i32
      %swap3A_472 = arith.index_cast %add3A_471 : i32 to index
      %swap3A_473 = arith.constant 80 : index
      %swap3A_474 = tpu.vector_load %arg17[%swap3A_472, %swap3A_473] {strides = array<i32>} : memref<120x128xf32, #tpu.memory_space<vmem>>, vector<16xf32>,
      tpu.vector_store %arg17[%swap3A_472, %swap3A_473], %mul3A_469 {strides = array<i32>} : memref<120x128xf32, #tpu.memory_space<vmem>>, vector<16xf32>,
      %add3A_475 = arith.constant 2 : i32
      %add3A_476 = arith.addi %add3A_220, %add3A_475 : i32
      %get3A_477 = arith.index_cast %add3A_476 : i32 to index
      %get3A_478 = arith.constant 80 : index
      %get3A_479 = tpu.vector_load %arg17[%get3A_477, %get3A_478] {strides = array<i32>} : memref<120x128xf32, #tpu.memory_space<vmem>>, vector<16xf32>,
      %mul3A_480 = arith.mulf %get3A_479, %gather3A_230 : vector<16xf32>
      %add3A_481 = arith.constant 2 : i32
      %add3A_482 = arith.addi %add3A_220, %add3A_481 : i32
      %swap3A_483 = arith.index_cast %add3A_482 : i32 to index
      %swap3A_484 = arith.constant 80 : index
      %swap3A_485 = tpu.vector_load %arg17[%swap3A_483, %swap3A_484] {strides = array<i32>} : memref<120x128xf32, #tpu.memory_space<vmem>>, vector<16xf32>,
      tpu.vector_store %arg17[%swap3A_483, %swap3A_484], %mul3A_480 {strides = array<i32>} : memref<120x128xf32, #tpu.memory_space<vmem>>, vector<16xf32>,
      %add3A_486 = arith.constant 3 : i32
      %add3A_487 = arith.addi %add3A_220, %add3A_486 : i32
      %get3A_488 = arith.index_cast %add3A_487 : i32 to index
      %get3A_489 = arith.constant 80 : index
      %get3A_490 = tpu.vector_load %arg17[%get3A_488, %get3A_489] {strides = array<i32>} : memref<120x128xf32, #tpu.memory_space<vmem>>, vector<16xf32>,
      %mul3A_491 = arith.mulf %get3A_490, %gather3A_234 : vector<16xf32>
      %add3A_492 = arith.constant 3 : i32
      %add3A_493 = arith.addi %add3A_220, %add3A_492 : i32
      %swap3A_494 = arith.index_cast %add3A_493 : i32 to index
      %swap3A_495 = arith.constant 80 : index
      %swap3A_496 = tpu.vector_load %arg17[%swap3A_494, %swap3A_495] {strides = array<i32>} : memref<120x128xf32, #tpu.memory_space<vmem>>, vector<16xf32>,
      tpu.vector_store %arg17[%swap3A_494, %swap3A_495], %mul3A_491 {strides = array<i32>} : memref<120x128xf32, #tpu.memory_space<vmem>>, vector<16xf32>,
      %add3A_497 = arith.constant 0 : i32
      %add3A_498 = arith.addi %add3A_220, %add3A_497 : i32
      %get3A_499 = arith.index_cast %add3A_498 : i32 to index
      %get3A_500 = arith.constant 96 : index
      %get3A_501 = tpu.vector_load %arg17[%get3A_499, %get3A_500] {strides = array<i32>} : memref<120x128xf32, #tpu.memory_space<vmem>>, vector<16xf32>,
      %mul3A_502 = arith.mulf %get3A_501, %gather3A : vector<16xf32>
      %add3A_503 = arith.constant 0 : i32
      %add3A_504 = arith.addi %add3A_220, %add3A_503 : i32
      %swap3A_505 = arith.index_cast %add3A_504 : i32 to index
      %swap3A_506 = arith.constant 96 : index
      %swap3A_507 = tpu.vector_load %arg17[%swap3A_505, %swap3A_506] {strides = array<i32>} : memref<120x128xf32, #tpu.memory_space<vmem>>, vector<16xf32>,
      tpu.vector_store %arg17[%swap3A_505, %swap3A_506], %mul3A_502 {strides = array<i32>} : memref<120x128xf32, #tpu.memory_space<vmem>>, vector<16xf32>,
      %add3A_508 = arith.constant 1 : i32
      %add3A_509 = arith.addi %add3A_220, %add3A_508 : i32
      %get3A_510 = arith.index_cast %add3A_509 : i32 to index
      %get3A_511 = arith.constant 96 : index
      %get3A_512 = tpu.vector_load %arg17[%get3A_510, %get3A_511] {strides = array<i32>} : memref<120x128xf32, #tpu.memory_space<vmem>>, vector<16xf32>,
      %mul3A_513 = arith.mulf %get3A_512, %gather3A_226 : vector<16xf32>
      %add3A_514 = arith.constant 1 : i32
      %add3A_515 = arith.addi %add3A_220, %add3A_514 : i32
      %swap3A_516 = arith.index_cast %add3A_515 : i32 to index
      %swap3A_517 = arith.constant 96 : index
      %swap3A_518 = tpu.vector_load %arg17[%swap3A_516, %swap3A_517] {strides = array<i32>} : memref<120x128xf32, #tpu.memory_space<vmem>>, vector<16xf32>,
      tpu.vector_store %arg17[%swap3A_516, %swap3A_517], %mul3A_513 {strides = array<i32>} : memref<120x128xf32, #tpu.memory_space<vmem>>, vector<16xf32>,
      %add3A_519 = arith.constant 2 : i32
      %add3A_520 = arith.addi %add3A_220, %add3A_519 : i32
      %get3A_521 = arith.index_cast %add3A_520 : i32 to index
      %get3A_522 = arith.constant 96 : index
      %get3A_523 = tpu.vector_load %arg17[%get3A_521, %get3A_522] {strides = array<i32>} : memref<120x128xf32, #tpu.memory_space<vmem>>, vector<16xf32>,
      %mul3A_524 = arith.mulf %get3A_523, %gather3A_230 : vector<16xf32>
      %add3A_525 = arith.constant 2 : i32
      %add3A_526 = arith.addi %add3A_220, %add3A_525 : i32
      %swap3A_527 = arith.index_cast %add3A_526 : i32 to index
      %swap3A_528 = arith.constant 96 : index
      %swap3A_529 = tpu.vector_load %arg17[%swap3A_527, %swap3A_528] {strides = array<i32>} : memref<120x128xf32, #tpu.memory_space<vmem>>, vector<16xf32>,
      tpu.vector_store %arg17[%swap3A_527, %swap3A_528], %mul3A_524 {strides = array<i32>} : memref<120x128xf32, #tpu.memory_space<vmem>>, vector<16xf32>,
      %add3A_530 = arith.constant 3 : i32
      %add3A_531 = arith.addi %add3A_220, %add3A_530 : i32
      %get3A_532 = arith.index_cast %add3A_531 : i32 to index
      %get3A_533 = arith.constant 96 : index
      %get3A_534 = tpu.vector_load %arg17[%get3A_532, %get3A_533] {strides = array<i32>} : memref<120x128xf32, #tpu.memory_space<vmem>>, vector<16xf32>,
      %mul3A_535 = arith.mulf %get3A_534, %gather3A_234 : vector<16xf32>
      %add3A_536 = arith.constant 3 : i32
      %add3A_537 = arith.addi %add3A_220, %add3A_536 : i32
      %swap3A_538 = arith.index_cast %add3A_537 : i32 to index
      %swap3A_539 = arith.constant 96 : index
      %swap3A_540 = tpu.vector_load %arg17[%swap3A_538, %swap3A_539] {strides = array<i32>} : memref<120x128xf32, #tpu.memory_space<vmem>>, vector<16xf32>,
      tpu.vector_store %arg17[%swap3A_538, %swap3A_539], %mul3A_535 {strides = array<i32>} : memref<120x128xf32, #tpu.memory_space<vmem>>, vector<16xf32>,
      %add3A_541 = arith.constant 0 : i32
      %add3A_542 = arith.addi %add3A_220, %add3A_541 : i32
      %get3A_543 = arith.index_cast %add3A_542 : i32 to index
      %get3A_544 = arith.constant 112 : index
      %get3A_545 = tpu.vector_load %arg17[%get3A_543, %get3A_544] {strides = array<i32>} : memref<120x128xf32, #tpu.memory_space<vmem>>, vector<16xf32>,
      %mul3A_546 = arith.mulf %get3A_545, %gather3A : vector<16xf32>
      %add3A_547 = arith.constant 0 : i32
      %add3A_548 = arith.addi %add3A_220, %add3A_547 : i32
      %swap3A_549 = arith.index_cast %add3A_548 : i32 to index
      %swap3A_550 = arith.constant 112 : index
      %swap3A_551 = tpu.vector_load %arg17[%swap3A_549, %swap3A_550] {strides = array<i32>} : memref<120x128xf32, #tpu.memory_space<vmem>>, vector<16xf32>,
      tpu.vector_store %arg17[%swap3A_549, %swap3A_550], %mul3A_546 {strides = array<i32>} : memref<120x128xf32, #tpu.memory_space<vmem>>, vector<16xf32>,
      %add3A_552 = arith.constant 1 : i32
      %add3A_553 = arith.addi %add3A_220, %add3A_552 : i32
      %get3A_554 = arith.index_cast %add3A_553 : i32 to index
      %get3A_555 = arith.constant 112 : index
      %get3A_556 = tpu.vector_load %arg17[%get3A_554, %get3A_555] {strides = array<i32>} : memref<120x128xf32, #tpu.memory_space<vmem>>, vector<16xf32>,
      %mul3A_557 = arith.mulf %get3A_556, %gather3A_226 : vector<16xf32>
      %add3A_558 = arith.constant 1 : i32
      %add3A_559 = arith.addi %add3A_220, %add3A_558 : i32
      %swap3A_560 = arith.index_cast %add3A_559 : i32 to index
      %swap3A_561 = arith.constant 112 : index
      %swap3A_562 = tpu.vector_load %arg17[%swap3A_560, %swap3A_561] {strides = array<i32>} : memref<120x128xf32, #tpu.memory_space<vmem>>, vector<16xf32>,
      tpu.vector_store %arg17[%swap3A_560, %swap3A_561], %mul3A_557 {strides = array<i32>} : memref<120x128xf32, #tpu.memory_space<vmem>>, vector<16xf32>,
      %add3A_563 = arith.constant 2 : i32
      %add3A_564 = arith.addi %add3A_220, %add3A_563 : i32
      %get3A_565 = arith.index_cast %add3A_564 : i32 to index
      %get3A_566 = arith.constant 112 : index
      %get3A_567 = tpu.vector_load %arg17[%get3A_565, %get3A_566] {strides = array<i32>} : memref<120x128xf32, #tpu.memory_space<vmem>>, vector<16xf32>,
      %mul3A_568 = arith.mulf %get3A_567, %gather3A_230 : vector<16xf32>
      %add3A_569 = arith.constant 2 : i32
      %add3A_570 = arith.addi %add3A_220, %add3A_569 : i32
      %swap3A_571 = arith.index_cast %add3A_570 : i32 to index
      %swap3A_572 = arith.constant 112 : index
      %swap3A_573 = tpu.vector_load %arg17[%swap3A_571, %swap3A_572] {strides = array<i32>} : memref<120x128xf32, #tpu.memory_space<vmem>>, vector<16xf32>,
      tpu.vector_store %arg17[%swap3A_571, %swap3A_572], %mul3A_568 {strides = array<i32>} : memref<120x128xf32, #tpu.memory_space<vmem>>, vector<16xf32>,
      %add3A_574 = arith.constant 3 : i32
      %add3A_575 = arith.addi %add3A_220, %add3A_574 : i32
      %get3A_576 = arith.index_cast %add3A_575 : i32 to index
      %get3A_577 = arith.constant 112 : index
      %get3A_578 = tpu.vector_load %arg17[%get3A_576, %get3A_577] {strides = array<i32>} : memref<120x128xf32, #tpu.memory_space<vmem>>, vector<16xf32>,
      %mul3A_579 = arith.mulf %get3A_578, %gather3A_234 : vector<16xf32>
      %add3A_580 = arith.constant 3 : i32
      %add3A_581 = arith.addi %add3A_220, %add3A_580 : i32
      %swap3A_582 = arith.index_cast %add3A_581 : i32 to index
      %swap3A_583 = arith.constant 112 : index
      %swap3A_584 = tpu.vector_load %arg17[%swap3A_582, %swap3A_583] {strides = array<i32>} : memref<120x128xf32, #tpu.memory_space<vmem>>, vector<16xf32>,
      tpu.vector_store %arg17[%swap3A_582, %swap3A_583], %mul3A_579 {strides = array<i32>} : memref<120x128xf32, #tpu.memory_space<vmem>>, vector<16xf32>,
    }
    %scan3A_104 = arith.constant 30 : i32
    %dma_start3A_105 = arith.constant 0 : i32
    %dma_start3A_106 = arith.constant 0 : i32
    %dma_start3A_107 = tpu.memref_slice %arg32[%dma_start3A_105, %dma_start3A_106] : memref<10112x128xf32, #tpu.memory_space<vmem_shared>> -> memref<10112x128xf32, #tpu.memory_space<vmem_shared>>
    tpu.enqueue_indirect_dma source(%arg17 : memref<120x128xf32, #tpu.memory_space<vmem>>) target(%dma_start3A_107 : memref<10112x128xf32, #tpu.memory_space<vmem_shared>>) offsets(%arg11 : memref<120xi32, #tpu.memory_space<vmem>>) semaphore(%arg29 : memref<!tpu.dma_semaphore, #tpu.memory_space<semaphore_mem>>) {add = true}
    %dma_wait3A_108 = arith.constant 0 : i32
    %dma_wait3A_109 = arith.constant 0 : i32
    %dma_wait3A_110 = tpu.memref_slice %arg3[%dma_wait3A_108, %dma_wait3A_109] : memref<10000x128xf32, #tpu.memory_space<hbm>> -> memref<10000x128xf32, #tpu.memory_space<hbm>>
    tpu.wait_indirect_dma semaphore(%arg27 : memref<!tpu.dma_semaphore, #tpu.memory_space<semaphore_mem>>) src(%dma_wait3A_110 : memref<10000x128xf32, #tpu.memory_space<hbm>>) dst(%arg18 : memref<120x128xf32, #tpu.memory_space<vmem>>)
    %scan3A_111 = arith.constant 0 : i32
    %scan3A_112 = arith.constant 30 : i32
    %scan3A_113 = arith.addi %scan3A_111, %scan3A_112 : i32
    %scan3A_114 = arith.constant 1 : i32
    scf.for %scan3A_216 = %scan3A_111 to %scan3A_113 step %scan3A_114  : i32 {
      %mul3A_217 = arith.constant 4 : i32
      %mul3A_218 = arith.muli %scan3A_216, %mul3A_217 : i32
      %add3A_219 = arith.constant 0 : i32
      %add3A_220 = arith.addi %add3A_219, %mul3A_218 : i32
      %add3A_221 = arith.constant 0 : i32
      %add3A_222 = arith.addi %add3A_220, %add3A_221 : i32
      %broadcast_in_dim3A = vector.broadcast %add3A_222 : i32 to vector<16xi32>
      %gather3A = tpu.vector_load_idx %arg15[%broadcast_in_dim3A] : memref<120xf32, #tpu.memory_space<vmem>>[vector<16xi32>], vector<16xf32>,
      %add3A_223 = arith.constant 1 : i32
      %add3A_224 = arith.addi %add3A_220, %add3A_223 : i32
      %broadcast_in_dim3A_225 = vector.broadcast %add3A_224 : i32 to vector<16xi32>
      %gather3A_226 = tpu.vector_load_idx %arg15[%broadcast_in_dim3A_225] : memref<120xf32, #tpu.memory_space<vmem>>[vector<16xi32>], vector<16xf32>,
      %add3A_227 = arith.constant 2 : i32
      %add3A_228 = arith.addi %add3A_220, %add3A_227 : i32
      %broadcast_in_dim3A_229 = vector.broadcast %add3A_228 : i32 to vector<16xi32>
      %gather3A_230 = tpu.vector_load_idx %arg15[%broadcast_in_dim3A_229] : memref<120xf32, #tpu.memory_space<vmem>>[vector<16xi32>], vector<16xf32>,
      %add3A_231 = arith.constant 3 : i32
      %add3A_232 = arith.addi %add3A_220, %add3A_231 : i32
      %broadcast_in_dim3A_233 = vector.broadcast %add3A_232 : i32 to vector<16xi32>
      %gather3A_234 = tpu.vector_load_idx %arg15[%broadcast_in_dim3A_233] : memref<120xf32, #tpu.memory_space<vmem>>[vector<16xi32>], vector<16xf32>,
      %add3A_235 = arith.constant 0 : i32
      %add3A_236 = arith.addi %add3A_220, %add3A_235 : i32
      %get3A = arith.index_cast %add3A_236 : i32 to index
      %get3A_237 = arith.constant 0 : index
      %get3A_238 = tpu.vector_load %arg18[%get3A, %get3A_237] {strides = array<i32>} : memref<120x128xf32, #tpu.memory_space<vmem>>, vector<16xf32>,
      %mul3A_239 = arith.mulf %get3A_238, %gather3A : vector<16xf32>
      %add3A_240 = arith.constant 0 : i32
      %add3A_241 = arith.addi %add3A_220, %add3A_240 : i32
      %swap3A = arith.index_cast %add3A_241 : i32 to index
      %swap3A_242 = arith.constant 0 : index
      %swap3A_243 = tpu.vector_load %arg18[%swap3A, %swap3A_242] {strides = array<i32>} : memref<120x128xf32, #tpu.memory_space<vmem>>, vector<16xf32>,
      tpu.vector_store %arg18[%swap3A, %swap3A_242], %mul3A_239 {strides = array<i32>} : memref<120x128xf32, #tpu.memory_space<vmem>>, vector<16xf32>,
      %add3A_244 = arith.constant 1 : i32
      %add3A_245 = arith.addi %add3A_220, %add3A_244 : i32
      %get3A_246 = arith.index_cast %add3A_245 : i32 to index
      %get3A_247 = arith.constant 0 : index
      %get3A_248 = tpu.vector_load %arg18[%get3A_246, %get3A_247] {strides = array<i32>} : memref<120x128xf32, #tpu.memory_space<vmem>>, vector<16xf32>,
      %mul3A_249 = arith.mulf %get3A_248, %gather3A_226 : vector<16xf32>
      %add3A_250 = arith.constant 1 : i32
      %add3A_251 = arith.addi %add3A_220, %add3A_250 : i32
      %swap3A_252 = arith.index_cast %add3A_251 : i32 to index
      %swap3A_253 = arith.constant 0 : index
      %swap3A_254 = tpu.vector_load %arg18[%swap3A_252, %swap3A_253] {strides = array<i32>} : memref<120x128xf32, #tpu.memory_space<vmem>>, vector<16xf32>,
      tpu.vector_store %arg18[%swap3A_252, %swap3A_253], %mul3A_249 {strides = array<i32>} : memref<120x128xf32, #tpu.memory_space<vmem>>, vector<16xf32>,
      %add3A_255 = arith.constant 2 : i32
      %add3A_256 = arith.addi %add3A_220, %add3A_255 : i32
      %get3A_257 = arith.index_cast %add3A_256 : i32 to index
      %get3A_258 = arith.constant 0 : index
      %get3A_259 = tpu.vector_load %arg18[%get3A_257, %get3A_258] {strides = array<i32>} : memref<120x128xf32, #tpu.memory_space<vmem>>, vector<16xf32>,
      %mul3A_260 = arith.mulf %get3A_259, %gather3A_230 : vector<16xf32>
      %add3A_261 = arith.constant 2 : i32
      %add3A_262 = arith.addi %add3A_220, %add3A_261 : i32
      %swap3A_263 = arith.index_cast %add3A_262 : i32 to index
      %swap3A_264 = arith.constant 0 : index
      %swap3A_265 = tpu.vector_load %arg18[%swap3A_263, %swap3A_264] {strides = array<i32>} : memref<120x128xf32, #tpu.memory_space<vmem>>, vector<16xf32>,
      tpu.vector_store %arg18[%swap3A_263, %swap3A_264], %mul3A_260 {strides = array<i32>} : memref<120x128xf32, #tpu.memory_space<vmem>>, vector<16xf32>,
      %add3A_266 = arith.constant 3 : i32
      %add3A_267 = arith.addi %add3A_220, %add3A_266 : i32
      %get3A_268 = arith.index_cast %add3A_267 : i32 to index
      %get3A_269 = arith.constant 0 : index
      %get3A_270 = tpu.vector_load %arg18[%get3A_268, %get3A_269] {strides = array<i32>} : memref<120x128xf32, #tpu.memory_space<vmem>>, vector<16xf32>,
      %mul3A_271 = arith.mulf %get3A_270, %gather3A_234 : vector<16xf32>
      %add3A_272 = arith.constant 3 : i32
      %add3A_273 = arith.addi %add3A_220, %add3A_272 : i32
      %swap3A_274 = arith.index_cast %add3A_273 : i32 to index
      %swap3A_275 = arith.constant 0 : index
      %swap3A_276 = tpu.vector_load %arg18[%swap3A_274, %swap3A_275] {strides = array<i32>} : memref<120x128xf32, #tpu.memory_space<vmem>>, vector<16xf32>,
      tpu.vector_store %arg18[%swap3A_274, %swap3A_275], %mul3A_271 {strides = array<i32>} : memref<120x128xf32, #tpu.memory_space<vmem>>, vector<16xf32>,
      %add3A_277 = arith.constant 0 : i32
      %add3A_278 = arith.addi %add3A_220, %add3A_277 : i32
      %get3A_279 = arith.index_cast %add3A_278 : i32 to index
      %get3A_280 = arith.constant 16 : index
      %get3A_281 = tpu.vector_load %arg18[%get3A_279, %get3A_280] {strides = array<i32>} : memref<120x128xf32, #tpu.memory_space<vmem>>, vector<16xf32>,
      %mul3A_282 = arith.mulf %get3A_281, %gather3A : vector<16xf32>
      %add3A_283 = arith.constant 0 : i32
      %add3A_284 = arith.addi %add3A_220, %add3A_283 : i32
      %swap3A_285 = arith.index_cast %add3A_284 : i32 to index
      %swap3A_286 = arith.constant 16 : index
      %swap3A_287 = tpu.vector_load %arg18[%swap3A_285, %swap3A_286] {strides = array<i32>} : memref<120x128xf32, #tpu.memory_space<vmem>>, vector<16xf32>,
      tpu.vector_store %arg18[%swap3A_285, %swap3A_286], %mul3A_282 {strides = array<i32>} : memref<120x128xf32, #tpu.memory_space<vmem>>, vector<16xf32>,
      %add3A_288 = arith.constant 1 : i32
      %add3A_289 = arith.addi %add3A_220, %add3A_288 : i32
      %get3A_290 = arith.index_cast %add3A_289 : i32 to index
      %get3A_291 = arith.constant 16 : index
      %get3A_292 = tpu.vector_load %arg18[%get3A_290, %get3A_291] {strides = array<i32>} : memref<120x128xf32, #tpu.memory_space<vmem>>, vector<16xf32>,
      %mul3A_293 = arith.mulf %get3A_292, %gather3A_226 : vector<16xf32>
      %add3A_294 = arith.constant 1 : i32
      %add3A_295 = arith.addi %add3A_220, %add3A_294 : i32
      %swap3A_296 = arith.index_cast %add3A_295 : i32 to index
      %swap3A_297 = arith.constant 16 : index
      %swap3A_298 = tpu.vector_load %arg18[%swap3A_296, %swap3A_297] {strides = array<i32>} : memref<120x128xf32, #tpu.memory_space<vmem>>, vector<16xf32>,
      tpu.vector_store %arg18[%swap3A_296, %swap3A_297], %mul3A_293 {strides = array<i32>} : memref<120x128xf32, #tpu.memory_space<vmem>>, vector<16xf32>,
      %add3A_299 = arith.constant 2 : i32
      %add3A_300 = arith.addi %add3A_220, %add3A_299 : i32
      %get3A_301 = arith.index_cast %add3A_300 : i32 to index
      %get3A_302 = arith.constant 16 : index
      %get3A_303 = tpu.vector_load %arg18[%get3A_301, %get3A_302] {strides = array<i32>} : memref<120x128xf32, #tpu.memory_space<vmem>>, vector<16xf32>,
      %mul3A_304 = arith.mulf %get3A_303, %gather3A_230 : vector<16xf32>
      %add3A_305 = arith.constant 2 : i32
      %add3A_306 = arith.addi %add3A_220, %add3A_305 : i32
      %swap3A_307 = arith.index_cast %add3A_306 : i32 to index
      %swap3A_308 = arith.constant 16 : index
      %swap3A_309 = tpu.vector_load %arg18[%swap3A_307, %swap3A_308] {strides = array<i32>} : memref<120x128xf32, #tpu.memory_space<vmem>>, vector<16xf32>,
      tpu.vector_store %arg18[%swap3A_307, %swap3A_308], %mul3A_304 {strides = array<i32>} : memref<120x128xf32, #tpu.memory_space<vmem>>, vector<16xf32>,
      %add3A_310 = arith.constant 3 : i32
      %add3A_311 = arith.addi %add3A_220, %add3A_310 : i32
      %get3A_312 = arith.index_cast %add3A_311 : i32 to index
      %get3A_313 = arith.constant 16 : index
      %get3A_314 = tpu.vector_load %arg18[%get3A_312, %get3A_313] {strides = array<i32>} : memref<120x128xf32, #tpu.memory_space<vmem>>, vector<16xf32>,
      %mul3A_315 = arith.mulf %get3A_314, %gather3A_234 : vector<16xf32>
      %add3A_316 = arith.constant 3 : i32
      %add3A_317 = arith.addi %add3A_220, %add3A_316 : i32
      %swap3A_318 = arith.index_cast %add3A_317 : i32 to index
      %swap3A_319 = arith.constant 16 : index
      %swap3A_320 = tpu.vector_load %arg18[%swap3A_318, %swap3A_319] {strides = array<i32>} : memref<120x128xf32, #tpu.memory_space<vmem>>, vector<16xf32>,
      tpu.vector_store %arg18[%swap3A_318, %swap3A_319], %mul3A_315 {strides = array<i32>} : memref<120x128xf32, #tpu.memory_space<vmem>>, vector<16xf32>,
      %add3A_321 = arith.constant 0 : i32
      %add3A_322 = arith.addi %add3A_220, %add3A_321 : i32
      %get3A_323 = arith.index_cast %add3A_322 : i32 to index
      %get3A_324 = arith.constant 32 : index
      %get3A_325 = tpu.vector_load %arg18[%get3A_323, %get3A_324] {strides = array<i32>} : memref<120x128xf32, #tpu.memory_space<vmem>>, vector<16xf32>,
      %mul3A_326 = arith.mulf %get3A_325, %gather3A : vector<16xf32>
      %add3A_327 = arith.constant 0 : i32
      %add3A_328 = arith.addi %add3A_220, %add3A_327 : i32
      %swap3A_329 = arith.index_cast %add3A_328 : i32 to index
      %swap3A_330 = arith.constant 32 : index
      %swap3A_331 = tpu.vector_load %arg18[%swap3A_329, %swap3A_330] {strides = array<i32>} : memref<120x128xf32, #tpu.memory_space<vmem>>, vector<16xf32>,
      tpu.vector_store %arg18[%swap3A_329, %swap3A_330], %mul3A_326 {strides = array<i32>} : memref<120x128xf32, #tpu.memory_space<vmem>>, vector<16xf32>,
      %add3A_332 = arith.constant 1 : i32
      %add3A_333 = arith.addi %add3A_220, %add3A_332 : i32
      %get3A_334 = arith.index_cast %add3A_333 : i32 to index
      %get3A_335 = arith.constant 32 : index
      %get3A_336 = tpu.vector_load %arg18[%get3A_334, %get3A_335] {strides = array<i32>} : memref<120x128xf32, #tpu.memory_space<vmem>>, vector<16xf32>,
      %mul3A_337 = arith.mulf %get3A_336, %gather3A_226 : vector<16xf32>
      %add3A_338 = arith.constant 1 : i32
      %add3A_339 = arith.addi %add3A_220, %add3A_338 : i32
      %swap3A_340 = arith.index_cast %add3A_339 : i32 to index
      %swap3A_341 = arith.constant 32 : index
      %swap3A_342 = tpu.vector_load %arg18[%swap3A_340, %swap3A_341] {strides = array<i32>} : memref<120x128xf32, #tpu.memory_space<vmem>>, vector<16xf32>,
      tpu.vector_store %arg18[%swap3A_340, %swap3A_341], %mul3A_337 {strides = array<i32>} : memref<120x128xf32, #tpu.memory_space<vmem>>, vector<16xf32>,
      %add3A_343 = arith.constant 2 : i32
      %add3A_344 = arith.addi %add3A_220, %add3A_343 : i32
      %get3A_345 = arith.index_cast %add3A_344 : i32 to index
      %get3A_346 = arith.constant 32 : index
      %get3A_347 = tpu.vector_load %arg18[%get3A_345, %get3A_346] {strides = array<i32>} : memref<120x128xf32, #tpu.memory_space<vmem>>, vector<16xf32>,
      %mul3A_348 = arith.mulf %get3A_347, %gather3A_230 : vector<16xf32>
      %add3A_349 = arith.constant 2 : i32
      %add3A_350 = arith.addi %add3A_220, %add3A_349 : i32
      %swap3A_351 = arith.index_cast %add3A_350 : i32 to index
      %swap3A_352 = arith.constant 32 : index
      %swap3A_353 = tpu.vector_load %arg18[%swap3A_351, %swap3A_352] {strides = array<i32>} : memref<120x128xf32, #tpu.memory_space<vmem>>, vector<16xf32>,
      tpu.vector_store %arg18[%swap3A_351, %swap3A_352], %mul3A_348 {strides = array<i32>} : memref<120x128xf32, #tpu.memory_space<vmem>>, vector<16xf32>,
      %add3A_354 = arith.constant 3 : i32
      %add3A_355 = arith.addi %add3A_220, %add3A_354 : i32
      %get3A_356 = arith.index_cast %add3A_355 : i32 to index
      %get3A_357 = arith.constant 32 : index
      %get3A_358 = tpu.vector_load %arg18[%get3A_356, %get3A_357] {strides = array<i32>} : memref<120x128xf32, #tpu.memory_space<vmem>>, vector<16xf32>,
      %mul3A_359 = arith.mulf %get3A_358, %gather3A_234 : vector<16xf32>
      %add3A_360 = arith.constant 3 : i32
      %add3A_361 = arith.addi %add3A_220, %add3A_360 : i32
      %swap3A_362 = arith.index_cast %add3A_361 : i32 to index
      %swap3A_363 = arith.constant 32 : index
      %swap3A_364 = tpu.vector_load %arg18[%swap3A_362, %swap3A_363] {strides = array<i32>} : memref<120x128xf32, #tpu.memory_space<vmem>>, vector<16xf32>,
      tpu.vector_store %arg18[%swap3A_362, %swap3A_363], %mul3A_359 {strides = array<i32>} : memref<120x128xf32, #tpu.memory_space<vmem>>, vector<16xf32>,
      %add3A_365 = arith.constant 0 : i32
      %add3A_366 = arith.addi %add3A_220, %add3A_365 : i32
      %get3A_367 = arith.index_cast %add3A_366 : i32 to index
      %get3A_368 = arith.constant 48 : index
      %get3A_369 = tpu.vector_load %arg18[%get3A_367, %get3A_368] {strides = array<i32>} : memref<120x128xf32, #tpu.memory_space<vmem>>, vector<16xf32>,
      %mul3A_370 = arith.mulf %get3A_369, %gather3A : vector<16xf32>
      %add3A_371 = arith.constant 0 : i32
      %add3A_372 = arith.addi %add3A_220, %add3A_371 : i32
      %swap3A_373 = arith.index_cast %add3A_372 : i32 to index
      %swap3A_374 = arith.constant 48 : index
      %swap3A_375 = tpu.vector_load %arg18[%swap3A_373, %swap3A_374] {strides = array<i32>} : memref<120x128xf32, #tpu.memory_space<vmem>>, vector<16xf32>,
      tpu.vector_store %arg18[%swap3A_373, %swap3A_374], %mul3A_370 {strides = array<i32>} : memref<120x128xf32, #tpu.memory_space<vmem>>, vector<16xf32>,
      %add3A_376 = arith.constant 1 : i32
      %add3A_377 = arith.addi %add3A_220, %add3A_376 : i32
      %get3A_378 = arith.index_cast %add3A_377 : i32 to index
      %get3A_379 = arith.constant 48 : index
      %get3A_380 = tpu.vector_load %arg18[%get3A_378, %get3A_379] {strides = array<i32>} : memref<120x128xf32, #tpu.memory_space<vmem>>, vector<16xf32>,
      %mul3A_381 = arith.mulf %get3A_380, %gather3A_226 : vector<16xf32>
      %add3A_382 = arith.constant 1 : i32
      %add3A_383 = arith.addi %add3A_220, %add3A_382 : i32
      %swap3A_384 = arith.index_cast %add3A_383 : i32 to index
      %swap3A_385 = arith.constant 48 : index
      %swap3A_386 = tpu.vector_load %arg18[%swap3A_384, %swap3A_385] {strides = array<i32>} : memref<120x128xf32, #tpu.memory_space<vmem>>, vector<16xf32>,
      tpu.vector_store %arg18[%swap3A_384, %swap3A_385], %mul3A_381 {strides = array<i32>} : memref<120x128xf32, #tpu.memory_space<vmem>>, vector<16xf32>,
      %add3A_387 = arith.constant 2 : i32
      %add3A_388 = arith.addi %add3A_220, %add3A_387 : i32
      %get3A_389 = arith.index_cast %add3A_388 : i32 to index
      %get3A_390 = arith.constant 48 : index
      %get3A_391 = tpu.vector_load %arg18[%get3A_389, %get3A_390] {strides = array<i32>} : memref<120x128xf32, #tpu.memory_space<vmem>>, vector<16xf32>,
      %mul3A_392 = arith.mulf %get3A_391, %gather3A_230 : vector<16xf32>
      %add3A_393 = arith.constant 2 : i32
      %add3A_394 = arith.addi %add3A_220, %add3A_393 : i32
      %swap3A_395 = arith.index_cast %add3A_394 : i32 to index
      %swap3A_396 = arith.constant 48 : index
      %swap3A_397 = tpu.vector_load %arg18[%swap3A_395, %swap3A_396] {strides = array<i32>} : memref<120x128xf32, #tpu.memory_space<vmem>>, vector<16xf32>,
      tpu.vector_store %arg18[%swap3A_395, %swap3A_396], %mul3A_392 {strides = array<i32>} : memref<120x128xf32, #tpu.memory_space<vmem>>, vector<16xf32>,
      %add3A_398 = arith.constant 3 : i32
      %add3A_399 = arith.addi %add3A_220, %add3A_398 : i32
      %get3A_400 = arith.index_cast %add3A_399 : i32 to index
      %get3A_401 = arith.constant 48 : index
      %get3A_402 = tpu.vector_load %arg18[%get3A_400, %get3A_401] {strides = array<i32>} : memref<120x128xf32, #tpu.memory_space<vmem>>, vector<16xf32>,
      %mul3A_403 = arith.mulf %get3A_402, %gather3A_234 : vector<16xf32>
      %add3A_404 = arith.constant 3 : i32
      %add3A_405 = arith.addi %add3A_220, %add3A_404 : i32
      %swap3A_406 = arith.index_cast %add3A_405 : i32 to index
      %swap3A_407 = arith.constant 48 : index
      %swap3A_408 = tpu.vector_load %arg18[%swap3A_406, %swap3A_407] {strides = array<i32>} : memref<120x128xf32, #tpu.memory_space<vmem>>, vector<16xf32>,
      tpu.vector_store %arg18[%swap3A_406, %swap3A_407], %mul3A_403 {strides = array<i32>} : memref<120x128xf32, #tpu.memory_space<vmem>>, vector<16xf32>,
      %add3A_409 = arith.constant 0 : i32
      %add3A_410 = arith.addi %add3A_220, %add3A_409 : i32
      %get3A_411 = arith.index_cast %add3A_410 : i32 to index
      %get3A_412 = arith.constant 64 : index
      %get3A_413 = tpu.vector_load %arg18[%get3A_411, %get3A_412] {strides = array<i32>} : memref<120x128xf32, #tpu.memory_space<vmem>>, vector<16xf32>,
      %mul3A_414 = arith.mulf %get3A_413, %gather3A : vector<16xf32>
      %add3A_415 = arith.constant 0 : i32
      %add3A_416 = arith.addi %add3A_220, %add3A_415 : i32
      %swap3A_417 = arith.index_cast %add3A_416 : i32 to index
      %swap3A_418 = arith.constant 64 : index
      %swap3A_419 = tpu.vector_load %arg18[%swap3A_417, %swap3A_418] {strides = array<i32>} : memref<120x128xf32, #tpu.memory_space<vmem>>, vector<16xf32>,
      tpu.vector_store %arg18[%swap3A_417, %swap3A_418], %mul3A_414 {strides = array<i32>} : memref<120x128xf32, #tpu.memory_space<vmem>>, vector<16xf32>,
      %add3A_420 = arith.constant 1 : i32
      %add3A_421 = arith.addi %add3A_220, %add3A_420 : i32
      %get3A_422 = arith.index_cast %add3A_421 : i32 to index
      %get3A_423 = arith.constant 64 : index
      %get3A_424 = tpu.vector_load %arg18[%get3A_422, %get3A_423] {strides = array<i32>} : memref<120x128xf32, #tpu.memory_space<vmem>>, vector<16xf32>,
      %mul3A_425 = arith.mulf %get3A_424, %gather3A_226 : vector<16xf32>
      %add3A_426 = arith.constant 1 : i32
      %add3A_427 = arith.addi %add3A_220, %add3A_426 : i32
      %swap3A_428 = arith.index_cast %add3A_427 : i32 to index
      %swap3A_429 = arith.constant 64 : index
      %swap3A_430 = tpu.vector_load %arg18[%swap3A_428, %swap3A_429] {strides = array<i32>} : memref<120x128xf32, #tpu.memory_space<vmem>>, vector<16xf32>,
      tpu.vector_store %arg18[%swap3A_428, %swap3A_429], %mul3A_425 {strides = array<i32>} : memref<120x128xf32, #tpu.memory_space<vmem>>, vector<16xf32>,
      %add3A_431 = arith.constant 2 : i32
      %add3A_432 = arith.addi %add3A_220, %add3A_431 : i32
      %get3A_433 = arith.index_cast %add3A_432 : i32 to index
      %get3A_434 = arith.constant 64 : index
      %get3A_435 = tpu.vector_load %arg18[%get3A_433, %get3A_434] {strides = array<i32>} : memref<120x128xf32, #tpu.memory_space<vmem>>, vector<16xf32>,
      %mul3A_436 = arith.mulf %get3A_435, %gather3A_230 : vector<16xf32>
      %add3A_437 = arith.constant 2 : i32
      %add3A_438 = arith.addi %add3A_220, %add3A_437 : i32
      %swap3A_439 = arith.index_cast %add3A_438 : i32 to index
      %swap3A_440 = arith.constant 64 : index
      %swap3A_441 = tpu.vector_load %arg18[%swap3A_439, %swap3A_440] {strides = array<i32>} : memref<120x128xf32, #tpu.memory_space<vmem>>, vector<16xf32>,
      tpu.vector_store %arg18[%swap3A_439, %swap3A_440], %mul3A_436 {strides = array<i32>} : memref<120x128xf32, #tpu.memory_space<vmem>>, vector<16xf32>,
      %add3A_442 = arith.constant 3 : i32
      %add3A_443 = arith.addi %add3A_220, %add3A_442 : i32
      %get3A_444 = arith.index_cast %add3A_443 : i32 to index
      %get3A_445 = arith.constant 64 : index
      %get3A_446 = tpu.vector_load %arg18[%get3A_444, %get3A_445] {strides = array<i32>} : memref<120x128xf32, #tpu.memory_space<vmem>>, vector<16xf32>,
      %mul3A_447 = arith.mulf %get3A_446, %gather3A_234 : vector<16xf32>
      %add3A_448 = arith.constant 3 : i32
      %add3A_449 = arith.addi %add3A_220, %add3A_448 : i32
      %swap3A_450 = arith.index_cast %add3A_449 : i32 to index
      %swap3A_451 = arith.constant 64 : index
      %swap3A_452 = tpu.vector_load %arg18[%swap3A_450, %swap3A_451] {strides = array<i32>} : memref<120x128xf32, #tpu.memory_space<vmem>>, vector<16xf32>,
      tpu.vector_store %arg18[%swap3A_450, %swap3A_451], %mul3A_447 {strides = array<i32>} : memref<120x128xf32, #tpu.memory_space<vmem>>, vector<16xf32>,
      %add3A_453 = arith.constant 0 : i32
      %add3A_454 = arith.addi %add3A_220, %add3A_453 : i32
      %get3A_455 = arith.index_cast %add3A_454 : i32 to index
      %get3A_456 = arith.constant 80 : index
      %get3A_457 = tpu.vector_load %arg18[%get3A_455, %get3A_456] {strides = array<i32>} : memref<120x128xf32, #tpu.memory_space<vmem>>, vector<16xf32>,
      %mul3A_458 = arith.mulf %get3A_457, %gather3A : vector<16xf32>
      %add3A_459 = arith.constant 0 : i32
      %add3A_460 = arith.addi %add3A_220, %add3A_459 : i32
      %swap3A_461 = arith.index_cast %add3A_460 : i32 to index
      %swap3A_462 = arith.constant 80 : index
      %swap3A_463 = tpu.vector_load %arg18[%swap3A_461, %swap3A_462] {strides = array<i32>} : memref<120x128xf32, #tpu.memory_space<vmem>>, vector<16xf32>,
      tpu.vector_store %arg18[%swap3A_461, %swap3A_462], %mul3A_458 {strides = array<i32>} : memref<120x128xf32, #tpu.memory_space<vmem>>, vector<16xf32>,
      %add3A_464 = arith.constant 1 : i32
      %add3A_465 = arith.addi %add3A_220, %add3A_464 : i32
      %get3A_466 = arith.index_cast %add3A_465 : i32 to index
      %get3A_467 = arith.constant 80 : index
      %get3A_468 = tpu.vector_load %arg18[%get3A_466, %get3A_467] {strides = array<i32>} : memref<120x128xf32, #tpu.memory_space<vmem>>, vector<16xf32>,
      %mul3A_469 = arith.mulf %get3A_468, %gather3A_226 : vector<16xf32>
      %add3A_470 = arith.constant 1 : i32
      %add3A_471 = arith.addi %add3A_220, %add3A_470 : i32
      %swap3A_472 = arith.index_cast %add3A_471 : i32 to index
      %swap3A_473 = arith.constant 80 : index
      %swap3A_474 = tpu.vector_load %arg18[%swap3A_472, %swap3A_473] {strides = array<i32>} : memref<120x128xf32, #tpu.memory_space<vmem>>, vector<16xf32>,
      tpu.vector_store %arg18[%swap3A_472, %swap3A_473], %mul3A_469 {strides = array<i32>} : memref<120x128xf32, #tpu.memory_space<vmem>>, vector<16xf32>,
      %add3A_475 = arith.constant 2 : i32
      %add3A_476 = arith.addi %add3A_220, %add3A_475 : i32
      %get3A_477 = arith.index_cast %add3A_476 : i32 to index
      %get3A_478 = arith.constant 80 : index
      %get3A_479 = tpu.vector_load %arg18[%get3A_477, %get3A_478] {strides = array<i32>} : memref<120x128xf32, #tpu.memory_space<vmem>>, vector<16xf32>,
      %mul3A_480 = arith.mulf %get3A_479, %gather3A_230 : vector<16xf32>
      %add3A_481 = arith.constant 2 : i32
      %add3A_482 = arith.addi %add3A_220, %add3A_481 : i32
      %swap3A_483 = arith.index_cast %add3A_482 : i32 to index
      %swap3A_484 = arith.constant 80 : index
      %swap3A_485 = tpu.vector_load %arg18[%swap3A_483, %swap3A_484] {strides = array<i32>} : memref<120x128xf32, #tpu.memory_space<vmem>>, vector<16xf32>,
      tpu.vector_store %arg18[%swap3A_483, %swap3A_484], %mul3A_480 {strides = array<i32>} : memref<120x128xf32, #tpu.memory_space<vmem>>, vector<16xf32>,
      %add3A_486 = arith.constant 3 : i32
      %add3A_487 = arith.addi %add3A_220, %add3A_486 : i32
      %get3A_488 = arith.index_cast %add3A_487 : i32 to index
      %get3A_489 = arith.constant 80 : index
      %get3A_490 = tpu.vector_load %arg18[%get3A_488, %get3A_489] {strides = array<i32>} : memref<120x128xf32, #tpu.memory_space<vmem>>, vector<16xf32>,
      %mul3A_491 = arith.mulf %get3A_490, %gather3A_234 : vector<16xf32>
      %add3A_492 = arith.constant 3 : i32
      %add3A_493 = arith.addi %add3A_220, %add3A_492 : i32
      %swap3A_494 = arith.index_cast %add3A_493 : i32 to index
      %swap3A_495 = arith.constant 80 : index
      %swap3A_496 = tpu.vector_load %arg18[%swap3A_494, %swap3A_495] {strides = array<i32>} : memref<120x128xf32, #tpu.memory_space<vmem>>, vector<16xf32>,
      tpu.vector_store %arg18[%swap3A_494, %swap3A_495], %mul3A_491 {strides = array<i32>} : memref<120x128xf32, #tpu.memory_space<vmem>>, vector<16xf32>,
      %add3A_497 = arith.constant 0 : i32
      %add3A_498 = arith.addi %add3A_220, %add3A_497 : i32
      %get3A_499 = arith.index_cast %add3A_498 : i32 to index
      %get3A_500 = arith.constant 96 : index
      %get3A_501 = tpu.vector_load %arg18[%get3A_499, %get3A_500] {strides = array<i32>} : memref<120x128xf32, #tpu.memory_space<vmem>>, vector<16xf32>,
      %mul3A_502 = arith.mulf %get3A_501, %gather3A : vector<16xf32>
      %add3A_503 = arith.constant 0 : i32
      %add3A_504 = arith.addi %add3A_220, %add3A_503 : i32
      %swap3A_505 = arith.index_cast %add3A_504 : i32 to index
      %swap3A_506 = arith.constant 96 : index
      %swap3A_507 = tpu.vector_load %arg18[%swap3A_505, %swap3A_506] {strides = array<i32>} : memref<120x128xf32, #tpu.memory_space<vmem>>, vector<16xf32>,
      tpu.vector_store %arg18[%swap3A_505, %swap3A_506], %mul3A_502 {strides = array<i32>} : memref<120x128xf32, #tpu.memory_space<vmem>>, vector<16xf32>,
      %add3A_508 = arith.constant 1 : i32
      %add3A_509 = arith.addi %add3A_220, %add3A_508 : i32
      %get3A_510 = arith.index_cast %add3A_509 : i32 to index
      %get3A_511 = arith.constant 96 : index
      %get3A_512 = tpu.vector_load %arg18[%get3A_510, %get3A_511] {strides = array<i32>} : memref<120x128xf32, #tpu.memory_space<vmem>>, vector<16xf32>,
      %mul3A_513 = arith.mulf %get3A_512, %gather3A_226 : vector<16xf32>
      %add3A_514 = arith.constant 1 : i32
      %add3A_515 = arith.addi %add3A_220, %add3A_514 : i32
      %swap3A_516 = arith.index_cast %add3A_515 : i32 to index
      %swap3A_517 = arith.constant 96 : index
      %swap3A_518 = tpu.vector_load %arg18[%swap3A_516, %swap3A_517] {strides = array<i32>} : memref<120x128xf32, #tpu.memory_space<vmem>>, vector<16xf32>,
      tpu.vector_store %arg18[%swap3A_516, %swap3A_517], %mul3A_513 {strides = array<i32>} : memref<120x128xf32, #tpu.memory_space<vmem>>, vector<16xf32>,
      %add3A_519 = arith.constant 2 : i32
      %add3A_520 = arith.addi %add3A_220, %add3A_519 : i32
      %get3A_521 = arith.index_cast %add3A_520 : i32 to index
      %get3A_522 = arith.constant 96 : index
      %get3A_523 = tpu.vector_load %arg18[%get3A_521, %get3A_522] {strides = array<i32>} : memref<120x128xf32, #tpu.memory_space<vmem>>, vector<16xf32>,
      %mul3A_524 = arith.mulf %get3A_523, %gather3A_230 : vector<16xf32>
      %add3A_525 = arith.constant 2 : i32
      %add3A_526 = arith.addi %add3A_220, %add3A_525 : i32
      %swap3A_527 = arith.index_cast %add3A_526 : i32 to index
      %swap3A_528 = arith.constant 96 : index
      %swap3A_529 = tpu.vector_load %arg18[%swap3A_527, %swap3A_528] {strides = array<i32>} : memref<120x128xf32, #tpu.memory_space<vmem>>, vector<16xf32>,
      tpu.vector_store %arg18[%swap3A_527, %swap3A_528], %mul3A_524 {strides = array<i32>} : memref<120x128xf32, #tpu.memory_space<vmem>>, vector<16xf32>,
      %add3A_530 = arith.constant 3 : i32
      %add3A_531 = arith.addi %add3A_220, %add3A_530 : i32
      %get3A_532 = arith.index_cast %add3A_531 : i32 to index
      %get3A_533 = arith.constant 96 : index
      %get3A_534 = tpu.vector_load %arg18[%get3A_532, %get3A_533] {strides = array<i32>} : memref<120x128xf32, #tpu.memory_space<vmem>>, vector<16xf32>,
      %mul3A_535 = arith.mulf %get3A_534, %gather3A_234 : vector<16xf32>
      %add3A_536 = arith.constant 3 : i32
      %add3A_537 = arith.addi %add3A_220, %add3A_536 : i32
      %swap3A_538 = arith.index_cast %add3A_537 : i32 to index
      %swap3A_539 = arith.constant 96 : index
      %swap3A_540 = tpu.vector_load %arg18[%swap3A_538, %swap3A_539] {strides = array<i32>} : memref<120x128xf32, #tpu.memory_space<vmem>>, vector<16xf32>,
      tpu.vector_store %arg18[%swap3A_538, %swap3A_539], %mul3A_535 {strides = array<i32>} : memref<120x128xf32, #tpu.memory_space<vmem>>, vector<16xf32>,
      %add3A_541 = arith.constant 0 : i32
      %add3A_542 = arith.addi %add3A_220, %add3A_541 : i32
      %get3A_543 = arith.index_cast %add3A_542 : i32 to index
      %get3A_544 = arith.constant 112 : index
      %get3A_545 = tpu.vector_load %arg18[%get3A_543, %get3A_544] {strides = array<i32>} : memref<120x128xf32, #tpu.memory_space<vmem>>, vector<16xf32>,
      %mul3A_546 = arith.mulf %get3A_545, %gather3A : vector<16xf32>
      %add3A_547 = arith.constant 0 : i32
      %add3A_548 = arith.addi %add3A_220, %add3A_547 : i32
      %swap3A_549 = arith.index_cast %add3A_548 : i32 to index
      %swap3A_550 = arith.constant 112 : index
      %swap3A_551 = tpu.vector_load %arg18[%swap3A_549, %swap3A_550] {strides = array<i32>} : memref<120x128xf32, #tpu.memory_space<vmem>>, vector<16xf32>,
      tpu.vector_store %arg18[%swap3A_549, %swap3A_550], %mul3A_546 {strides = array<i32>} : memref<120x128xf32, #tpu.memory_space<vmem>>, vector<16xf32>,
      %add3A_552 = arith.constant 1 : i32
      %add3A_553 = arith.addi %add3A_220, %add3A_552 : i32
      %get3A_554 = arith.index_cast %add3A_553 : i32 to index
      %get3A_555 = arith.constant 112 : index
      %get3A_556 = tpu.vector_load %arg18[%get3A_554, %get3A_555] {strides = array<i32>} : memref<120x128xf32, #tpu.memory_space<vmem>>, vector<16xf32>,
      %mul3A_557 = arith.mulf %get3A_556, %gather3A_226 : vector<16xf32>
      %add3A_558 = arith.constant 1 : i32
      %add3A_559 = arith.addi %add3A_220, %add3A_558 : i32
      %swap3A_560 = arith.index_cast %add3A_559 : i32 to index
      %swap3A_561 = arith.constant 112 : index
      %swap3A_562 = tpu.vector_load %arg18[%swap3A_560, %swap3A_561] {strides = array<i32>} : memref<120x128xf32, #tpu.memory_space<vmem>>, vector<16xf32>,
      tpu.vector_store %arg18[%swap3A_560, %swap3A_561], %mul3A_557 {strides = array<i32>} : memref<120x128xf32, #tpu.memory_space<vmem>>, vector<16xf32>,
      %add3A_563 = arith.constant 2 : i32
      %add3A_564 = arith.addi %add3A_220, %add3A_563 : i32
      %get3A_565 = arith.index_cast %add3A_564 : i32 to index
      %get3A_566 = arith.constant 112 : index
      %get3A_567 = tpu.vector_load %arg18[%get3A_565, %get3A_566] {strides = array<i32>} : memref<120x128xf32, #tpu.memory_space<vmem>>, vector<16xf32>,
      %mul3A_568 = arith.mulf %get3A_567, %gather3A_230 : vector<16xf32>
      %add3A_569 = arith.constant 2 : i32
      %add3A_570 = arith.addi %add3A_220, %add3A_569 : i32
      %swap3A_571 = arith.index_cast %add3A_570 : i32 to index
      %swap3A_572 = arith.constant 112 : index
      %swap3A_573 = tpu.vector_load %arg18[%swap3A_571, %swap3A_572] {strides = array<i32>} : memref<120x128xf32, #tpu.memory_space<vmem>>, vector<16xf32>,
      tpu.vector_store %arg18[%swap3A_571, %swap3A_572], %mul3A_568 {strides = array<i32>} : memref<120x128xf32, #tpu.memory_space<vmem>>, vector<16xf32>,
      %add3A_574 = arith.constant 3 : i32
      %add3A_575 = arith.addi %add3A_220, %add3A_574 : i32
      %get3A_576 = arith.index_cast %add3A_575 : i32 to index
      %get3A_577 = arith.constant 112 : index
      %get3A_578 = tpu.vector_load %arg18[%get3A_576, %get3A_577] {strides = array<i32>} : memref<120x128xf32, #tpu.memory_space<vmem>>, vector<16xf32>,
      %mul3A_579 = arith.mulf %get3A_578, %gather3A_234 : vector<16xf32>
      %add3A_580 = arith.constant 3 : i32
      %add3A_581 = arith.addi %add3A_220, %add3A_580 : i32
      %swap3A_582 = arith.index_cast %add3A_581 : i32 to index
      %swap3A_583 = arith.constant 112 : index
      %swap3A_584 = tpu.vector_load %arg18[%swap3A_582, %swap3A_583] {strides = array<i32>} : memref<120x128xf32, #tpu.memory_space<vmem>>, vector<16xf32>,
      tpu.vector_store %arg18[%swap3A_582, %swap3A_583], %mul3A_579 {strides = array<i32>} : memref<120x128xf32, #tpu.memory_space<vmem>>, vector<16xf32>,
    }
    %scan3A_115 = arith.constant 30 : i32
    %dma_start3A_116 = arith.constant 0 : i32
    %dma_start3A_117 = arith.constant 0 : i32
    %dma_start3A_118 = tpu.memref_slice %arg32[%dma_start3A_116, %dma_start3A_117] : memref<10112x128xf32, #tpu.memory_space<vmem_shared>> -> memref<10112x128xf32, #tpu.memory_space<vmem_shared>>
    tpu.enqueue_indirect_dma source(%arg18 : memref<120x128xf32, #tpu.memory_space<vmem>>) target(%dma_start3A_118 : memref<10112x128xf32, #tpu.memory_space<vmem_shared>>) offsets(%arg12 : memref<120xi32, #tpu.memory_space<vmem>>) semaphore(%arg30 : memref<!tpu.dma_semaphore, #tpu.memory_space<semaphore_mem>>) {add = true}
    %dma_wait3A_119 = arith.constant 0 : i32
    %dma_wait3A_120 = arith.constant 0 : i32
    %dma_wait3A_121 = tpu.memref_slice %arg32[%dma_wait3A_119, %dma_wait3A_120] : memref<10112x128xf32, #tpu.memory_space<vmem_shared>> -> memref<10112x128xf32, #tpu.memory_space<vmem_shared>>
    tpu.wait_indirect_dma semaphore(%arg28 : memref<!tpu.dma_semaphore, #tpu.memory_space<semaphore_mem>>) src(%arg16 : memref<120x128xf32, #tpu.memory_space<vmem>>) dst(%dma_wait3A_121 : memref<10112x128xf32, #tpu.memory_space<vmem_shared>>)
    %add3A_122 = arith.constant 9720 : i32
    %add3A_123 = arith.addi %mul3A_2, %add3A_122 : i32
    %dma_start3A_124 = tpu.memref_slice %arg2[%add3A_123] : memref<640000xi32, #tpu.memory_space<hbm>> -> memref<120xi32, #tpu.memory_space<hbm>>
    %dma_start3A_125 = tpu.memref_slice %arg2[%add3A_123] : memref<640000xi32, #tpu.memory_space<hbm>> -> memref<120xi32, #tpu.memory_space<hbm>>
    tpu.enqueue_dma source(%dma_start3A_125 : memref<120xi32, #tpu.memory_space<hbm>>) target(%arg7 : memref<120xi32, #tpu.memory_space<vmem>>) target_semaphore(%arg22 : memref<!tpu.dma_semaphore, #tpu.memory_space<semaphore_mem>>)
    %add3A_126 = arith.constant 320000 : i32
    %add3A_127 = arith.addi %add3A_126, %add3A_123 : i32
    %dma_start3A_128 = tpu.memref_slice %arg2[%add3A_127] : memref<640000xi32, #tpu.memory_space<hbm>> -> memref<120xi32, #tpu.memory_space<hbm>>
    %dma_start3A_129 = tpu.memref_slice %arg2[%add3A_127] : memref<640000xi32, #tpu.memory_space<hbm>> -> memref<120xi32, #tpu.memory_space<hbm>>
    tpu.enqueue_dma source(%dma_start3A_129 : memref<120xi32, #tpu.memory_space<hbm>>) target(%arg10 : memref<120xi32, #tpu.memory_space<vmem>>) target_semaphore(%arg22 : memref<!tpu.dma_semaphore, #tpu.memory_space<semaphore_mem>>)
    %dma_start3A_130 = tpu.memref_slice %arg4[%add3A_123] : memref<320000xf32, #tpu.memory_space<hbm>> -> memref<120xf32, #tpu.memory_space<hbm>>
    %dma_start3A_131 = tpu.memref_slice %arg4[%add3A_123] : memref<320000xf32, #tpu.memory_space<hbm>> -> memref<120xf32, #tpu.memory_space<hbm>>
    tpu.enqueue_dma source(%dma_start3A_131 : memref<120xf32, #tpu.memory_space<hbm>>) target(%arg13 : memref<120xf32, #tpu.memory_space<vmem>>) target_semaphore(%arg22 : memref<!tpu.dma_semaphore, #tpu.memory_space<semaphore_mem>>)
    %dma_wait3A_132 = arith.constant 0 : i32
    %dma_wait3A_133 = tpu.memref_slice %arg2[%dma_wait3A_132] : memref<640000xi32, #tpu.memory_space<hbm>> -> memref<120xi32, #tpu.memory_space<hbm>>
    %dma_wait3A_134 = arith.constant 0 : i32
    %dma_wait3A_135 = tpu.memref_slice %arg2[%dma_wait3A_134] : memref<640000xi32, #tpu.memory_space<hbm>> -> memref<120xi32, #tpu.memory_space<hbm>>
    tpu.wait_dma2 semaphore(%arg22 : memref<!tpu.dma_semaphore, #tpu.memory_space<semaphore_mem>>) src(%dma_wait3A_135 : memref<120xi32, #tpu.memory_space<hbm>>) dst(%arg7 : memref<120xi32, #tpu.memory_space<vmem>>)
    %dma_wait3A_136 = arith.constant 0 : i32
    %dma_wait3A_137 = tpu.memref_slice %arg2[%dma_wait3A_136] : memref<640000xi32, #tpu.memory_space<hbm>> -> memref<120xi32, #tpu.memory_space<hbm>>
    %dma_wait3A_138 = arith.constant 0 : i32
    %dma_wait3A_139 = tpu.memref_slice %arg2[%dma_wait3A_138] : memref<640000xi32, #tpu.memory_space<hbm>> -> memref<120xi32, #tpu.memory_space<hbm>>
    tpu.wait_dma2 semaphore(%arg22 : memref<!tpu.dma_semaphore, #tpu.memory_space<semaphore_mem>>) src(%dma_wait3A_139 : memref<120xi32, #tpu.memory_space<hbm>>) dst(%arg10 : memref<120xi32, #tpu.memory_space<vmem>>)
    %dma_wait3A_140 = arith.constant 0 : i32
    %dma_wait3A_141 = tpu.memref_slice %arg4[%dma_wait3A_140] : memref<320000xf32, #tpu.memory_space<hbm>> -> memref<120xf32, #tpu.memory_space<hbm>>
    %dma_wait3A_142 = arith.constant 0 : i32
    %dma_wait3A_143 = tpu.memref_slice %arg4[%dma_wait3A_142] : memref<320000xf32, #tpu.memory_space<hbm>> -> memref<120xf32, #tpu.memory_space<hbm>>
    tpu.wait_dma2 semaphore(%arg22 : memref<!tpu.dma_semaphore, #tpu.memory_space<semaphore_mem>>) src(%dma_wait3A_143 : memref<120xf32, #tpu.memory_space<hbm>>) dst(%arg13 : memref<120xf32, #tpu.memory_space<vmem>>)
    %dma_start3A_144 = arith.constant 0 : i32
    %dma_start3A_145 = arith.constant 0 : i32
    %dma_start3A_146 = tpu.memref_slice %arg3[%dma_start3A_144, %dma_start3A_145] : memref<10000x128xf32, #tpu.memory_space<hbm>> -> memref<10000x128xf32, #tpu.memory_space<hbm>>
    tpu.enqueue_indirect_dma source(%dma_start3A_146 : memref<10000x128xf32, #tpu.memory_space<hbm>>) target(%arg16 : memref<120x128xf32, #tpu.memory_space<vmem>>) offsets(%arg7 : memref<120xi32, #tpu.memory_space<vmem>>) semaphore(%arg25 : memref<!tpu.dma_semaphore, #tpu.memory_space<semaphore_mem>>)
    %dma_wait3A_147 = arith.constant 0 : i32
    %dma_wait3A_148 = arith.constant 0 : i32
    %dma_wait3A_149 = tpu.memref_slice %arg32[%dma_wait3A_147, %dma_wait3A_148] : memref<10112x128xf32, #tpu.memory_space<vmem_shared>> -> memref<10112x128xf32, #tpu.memory_space<vmem_shared>>
    tpu.wait_indirect_dma semaphore(%arg29 : memref<!tpu.dma_semaphore, #tpu.memory_space<semaphore_mem>>) src(%arg17 : memref<120x128xf32, #tpu.memory_space<vmem>>) dst(%dma_wait3A_149 : memref<10112x128xf32, #tpu.memory_space<vmem_shared>>)
    %add3A_150 = arith.constant 9840 : i32
    %add3A_151 = arith.addi %mul3A_2, %add3A_150 : i32
    %dma_start3A_152 = tpu.memref_slice %arg2[%add3A_151] : memref<640000xi32, #tpu.memory_space<hbm>> -> memref<120xi32, #tpu.memory_space<hbm>>
    %dma_start3A_153 = tpu.memref_slice %arg2[%add3A_151] : memref<640000xi32, #tpu.memory_space<hbm>> -> memref<120xi32, #tpu.memory_space<hbm>>
    tpu.enqueue_dma source(%dma_start3A_153 : memref<120xi32, #tpu.memory_space<hbm>>) target(%arg8 : memref<120xi32, #tpu.memory_space<vmem>>) target_semaphore(%arg23 : memref<!tpu.dma_semaphore, #tpu.memory_space<semaphore_mem>>)
    %add3A_154 = arith.constant 320000 : i32
    %add3A_155 = arith.addi %add3A_154, %add3A_151 : i32
    %dma_start3A_156 = tpu.memref_slice %arg2[%add3A_155] : memref<640000xi32, #tpu.memory_space<hbm>> -> memref<120xi32, #tpu.memory_space<hbm>>
    %dma_start3A_157 = tpu.memref_slice %arg2[%add3A_155] : memref<640000xi32, #tpu.memory_space<hbm>> -> memref<120xi32, #tpu.memory_space<hbm>>
    tpu.enqueue_dma source(%dma_start3A_157 : memref<120xi32, #tpu.memory_space<hbm>>) target(%arg11 : memref<120xi32, #tpu.memory_space<vmem>>) target_semaphore(%arg23 : memref<!tpu.dma_semaphore, #tpu.memory_space<semaphore_mem>>)
    %dma_start3A_158 = tpu.memref_slice %arg4[%add3A_151] : memref<320000xf32, #tpu.memory_space<hbm>> -> memref<120xf32, #tpu.memory_space<hbm>>
    %dma_start3A_159 = tpu.memref_slice %arg4[%add3A_151] : memref<320000xf32, #tpu.memory_space<hbm>> -> memref<120xf32, #tpu.memory_space<hbm>>
    tpu.enqueue_dma source(%dma_start3A_159 : memref<120xf32, #tpu.memory_space<hbm>>) target(%arg14 : memref<120xf32, #tpu.memory_space<vmem>>) target_semaphore(%arg23 : memref<!tpu.dma_semaphore, #tpu.memory_space<semaphore_mem>>)
    %dma_wait3A_160 = arith.constant 0 : i32
    %dma_wait3A_161 = tpu.memref_slice %arg2[%dma_wait3A_160] : memref<640000xi32, #tpu.memory_space<hbm>> -> memref<120xi32, #tpu.memory_space<hbm>>
    %dma_wait3A_162 = arith.constant 0 : i32
    %dma_wait3A_163 = tpu.memref_slice %arg2[%dma_wait3A_162] : memref<640000xi32, #tpu.memory_space<hbm>> -> memref<120xi32, #tpu.memory_space<hbm>>
    tpu.wait_dma2 semaphore(%arg23 : memref<!tpu.dma_semaphore, #tpu.memory_space<semaphore_mem>>) src(%dma_wait3A_163 : memref<120xi32, #tpu.memory_space<hbm>>) dst(%arg8 : memref<120xi32, #tpu.memory_space<vmem>>)
    %dma_wait3A_164 = arith.constant 0 : i32
    %dma_wait3A_165 = tpu.memref_slice %arg2[%dma_wait3A_164] : memref<640000xi32, #tpu.memory_space<hbm>> -> memref<120xi32, #tpu.memory_space<hbm>>
    %dma_wait3A_166 = arith.constant 0 : i32
    %dma_wait3A_167 = tpu.memref_slice %arg2[%dma_wait3A_166] : memref<640000xi32, #tpu.memory_space<hbm>> -> memref<120xi32, #tpu.memory_space<hbm>>
    tpu.wait_dma2 semaphore(%arg23 : memref<!tpu.dma_semaphore, #tpu.memory_space<semaphore_mem>>) src(%dma_wait3A_167 : memref<120xi32, #tpu.memory_space<hbm>>) dst(%arg11 : memref<120xi32, #tpu.memory_space<vmem>>)
    %dma_wait3A_168 = arith.constant 0 : i32
    %dma_wait3A_169 = tpu.memref_slice %arg4[%dma_wait3A_168] : memref<320000xf32, #tpu.memory_space<hbm>> -> memref<120xf32, #tpu.memory_space<hbm>>
    %dma_wait3A_170 = arith.constant 0 : i32
    %dma_wait3A_171 = tpu.memref_slice %arg4[%dma_wait3A_170] : memref<320000xf32, #tpu.memory_space<hbm>> -> memref<120xf32, #tpu.memory_space<hbm>>
    tpu.wait_dma2 semaphore(%arg23 : memref<!tpu.dma_semaphore, #tpu.memory_space<semaphore_mem>>) src(%dma_wait3A_171 : memref<120xf32, #tpu.memory_space<hbm>>) dst(%arg14 : memref<120xf32, #tpu.memory_space<vmem>>)
    %dma_start3A_172 = arith.constant 0 : i32
    %dma_start3A_173 = arith.constant 0 : i32
    %dma_start3A_174 = tpu.memref_slice %arg3[%dma_start3A_172, %dma_start3A_173] : memref<10000x128xf32, #tpu.memory_space<hbm>> -> memref<10000x128xf32, #tpu.memory_space<hbm>>
    tpu.enqueue_indirect_dma source(%dma_start3A_174 : memref<10000x128xf32, #tpu.memory_space<hbm>>) target(%arg17 : memref<120x128xf32, #tpu.memory_space<vmem>>) offsets(%arg8 : memref<120xi32, #tpu.memory_space<vmem>>) semaphore(%arg26 : memref<!tpu.dma_semaphore, #tpu.memory_space<semaphore_mem>>)
    %dma_wait3A_175 = arith.constant 0 : i32
    %dma_wait3A_176 = arith.constant 0 : i32
    %dma_wait3A_177 = tpu.memref_slice %arg3[%dma_wait3A_175, %dma_wait3A_176] : memref<10000x128xf32, #tpu.memory_space<hbm>> -> memref<10000x128xf32, #tpu.memory_space<hbm>>
    tpu.wait_indirect_dma semaphore(%arg25 : memref<!tpu.dma_semaphore, #tpu.memory_space<semaphore_mem>>) src(%dma_wait3A_177 : memref<10000x128xf32, #tpu.memory_space<hbm>>) dst(%arg16 : memref<120x128xf32, #tpu.memory_space<vmem>>)
    %scan3A_178 = arith.constant 0 : i32
    %scan3A_179 = arith.constant 30 : i32
    %scan3A_180 = arith.addi %scan3A_178, %scan3A_179 : i32
    %scan3A_181 = arith.constant 1 : i32
    scf.for %scan3A_216 = %scan3A_178 to %scan3A_180 step %scan3A_181  : i32 {
      %mul3A_217 = arith.constant 4 : i32
      %mul3A_218 = arith.muli %scan3A_216, %mul3A_217 : i32
      %add3A_219 = arith.constant 0 : i32
      %add3A_220 = arith.addi %add3A_219, %mul3A_218 : i32
      %add3A_221 = arith.constant 0 : i32
      %add3A_222 = arith.addi %add3A_220, %add3A_221 : i32
      %broadcast_in_dim3A = vector.broadcast %add3A_222 : i32 to vector<16xi32>
      %gather3A = tpu.vector_load_idx %arg13[%broadcast_in_dim3A] : memref<120xf32, #tpu.memory_space<vmem>>[vector<16xi32>], vector<16xf32>,
      %add3A_223 = arith.constant 1 : i32
      %add3A_224 = arith.addi %add3A_220, %add3A_223 : i32
      %broadcast_in_dim3A_225 = vector.broadcast %add3A_224 : i32 to vector<16xi32>
      %gather3A_226 = tpu.vector_load_idx %arg13[%broadcast_in_dim3A_225] : memref<120xf32, #tpu.memory_space<vmem>>[vector<16xi32>], vector<16xf32>,
      %add3A_227 = arith.constant 2 : i32
      %add3A_228 = arith.addi %add3A_220, %add3A_227 : i32
      %broadcast_in_dim3A_229 = vector.broadcast %add3A_228 : i32 to vector<16xi32>
      %gather3A_230 = tpu.vector_load_idx %arg13[%broadcast_in_dim3A_229] : memref<120xf32, #tpu.memory_space<vmem>>[vector<16xi32>], vector<16xf32>,
      %add3A_231 = arith.constant 3 : i32
      %add3A_232 = arith.addi %add3A_220, %add3A_231 : i32
      %broadcast_in_dim3A_233 = vector.broadcast %add3A_232 : i32 to vector<16xi32>
      %gather3A_234 = tpu.vector_load_idx %arg13[%broadcast_in_dim3A_233] : memref<120xf32, #tpu.memory_space<vmem>>[vector<16xi32>], vector<16xf32>,
      %add3A_235 = arith.constant 0 : i32
      %add3A_236 = arith.addi %add3A_220, %add3A_235 : i32
      %get3A = arith.index_cast %add3A_236 : i32 to index
      %get3A_237 = arith.constant 0 : index
      %get3A_238 = tpu.vector_load %arg16[%get3A, %get3A_237] {strides = array<i32>} : memref<120x128xf32, #tpu.memory_space<vmem>>, vector<16xf32>,
      %mul3A_239 = arith.mulf %get3A_238, %gather3A : vector<16xf32>
      %add3A_240 = arith.constant 0 : i32
      %add3A_241 = arith.addi %add3A_220, %add3A_240 : i32
      %swap3A = arith.index_cast %add3A_241 : i32 to index
      %swap3A_242 = arith.constant 0 : index
      %swap3A_243 = tpu.vector_load %arg16[%swap3A, %swap3A_242] {strides = array<i32>} : memref<120x128xf32, #tpu.memory_space<vmem>>, vector<16xf32>,
      tpu.vector_store %arg16[%swap3A, %swap3A_242], %mul3A_239 {strides = array<i32>} : memref<120x128xf32, #tpu.memory_space<vmem>>, vector<16xf32>,
      %add3A_244 = arith.constant 1 : i32
      %add3A_245 = arith.addi %add3A_220, %add3A_244 : i32
      %get3A_246 = arith.index_cast %add3A_245 : i32 to index
      %get3A_247 = arith.constant 0 : index
      %get3A_248 = tpu.vector_load %arg16[%get3A_246, %get3A_247] {strides = array<i32>} : memref<120x128xf32, #tpu.memory_space<vmem>>, vector<16xf32>,
      %mul3A_249 = arith.mulf %get3A_248, %gather3A_226 : vector<16xf32>
      %add3A_250 = arith.constant 1 : i32
      %add3A_251 = arith.addi %add3A_220, %add3A_250 : i32
      %swap3A_252 = arith.index_cast %add3A_251 : i32 to index
      %swap3A_253 = arith.constant 0 : index
      %swap3A_254 = tpu.vector_load %arg16[%swap3A_252, %swap3A_253] {strides = array<i32>} : memref<120x128xf32, #tpu.memory_space<vmem>>, vector<16xf32>,
      tpu.vector_store %arg16[%swap3A_252, %swap3A_253], %mul3A_249 {strides = array<i32>} : memref<120x128xf32, #tpu.memory_space<vmem>>, vector<16xf32>,
      %add3A_255 = arith.constant 2 : i32
      %add3A_256 = arith.addi %add3A_220, %add3A_255 : i32
      %get3A_257 = arith.index_cast %add3A_256 : i32 to index
      %get3A_258 = arith.constant 0 : index
      %get3A_259 = tpu.vector_load %arg16[%get3A_257, %get3A_258] {strides = array<i32>} : memref<120x128xf32, #tpu.memory_space<vmem>>, vector<16xf32>,
      %mul3A_260 = arith.mulf %get3A_259, %gather3A_230 : vector<16xf32>
      %add3A_261 = arith.constant 2 : i32
      %add3A_262 = arith.addi %add3A_220, %add3A_261 : i32
      %swap3A_263 = arith.index_cast %add3A_262 : i32 to index
      %swap3A_264 = arith.constant 0 : index
      %swap3A_265 = tpu.vector_load %arg16[%swap3A_263, %swap3A_264] {strides = array<i32>} : memref<120x128xf32, #tpu.memory_space<vmem>>, vector<16xf32>,
      tpu.vector_store %arg16[%swap3A_263, %swap3A_264], %mul3A_260 {strides = array<i32>} : memref<120x128xf32, #tpu.memory_space<vmem>>, vector<16xf32>,
      %add3A_266 = arith.constant 3 : i32
      %add3A_267 = arith.addi %add3A_220, %add3A_266 : i32
      %get3A_268 = arith.index_cast %add3A_267 : i32 to index
      %get3A_269 = arith.constant 0 : index
      %get3A_270 = tpu.vector_load %arg16[%get3A_268, %get3A_269] {strides = array<i32>} : memref<120x128xf32, #tpu.memory_space<vmem>>, vector<16xf32>,
      %mul3A_271 = arith.mulf %get3A_270, %gather3A_234 : vector<16xf32>
      %add3A_272 = arith.constant 3 : i32
      %add3A_273 = arith.addi %add3A_220, %add3A_272 : i32
      %swap3A_274 = arith.index_cast %add3A_273 : i32 to index
      %swap3A_275 = arith.constant 0 : index
      %swap3A_276 = tpu.vector_load %arg16[%swap3A_274, %swap3A_275] {strides = array<i32>} : memref<120x128xf32, #tpu.memory_space<vmem>>, vector<16xf32>,
      tpu.vector_store %arg16[%swap3A_274, %swap3A_275], %mul3A_271 {strides = array<i32>} : memref<120x128xf32, #tpu.memory_space<vmem>>, vector<16xf32>,
      %add3A_277 = arith.constant 0 : i32
      %add3A_278 = arith.addi %add3A_220, %add3A_277 : i32
      %get3A_279 = arith.index_cast %add3A_278 : i32 to index
      %get3A_280 = arith.constant 16 : index
      %get3A_281 = tpu.vector_load %arg16[%get3A_279, %get3A_280] {strides = array<i32>} : memref<120x128xf32, #tpu.memory_space<vmem>>, vector<16xf32>,
      %mul3A_282 = arith.mulf %get3A_281, %gather3A : vector<16xf32>
      %add3A_283 = arith.constant 0 : i32
      %add3A_284 = arith.addi %add3A_220, %add3A_283 : i32
      %swap3A_285 = arith.index_cast %add3A_284 : i32 to index
      %swap3A_286 = arith.constant 16 : index
      %swap3A_287 = tpu.vector_load %arg16[%swap3A_285, %swap3A_286] {strides = array<i32>} : memref<120x128xf32, #tpu.memory_space<vmem>>, vector<16xf32>,
      tpu.vector_store %arg16[%swap3A_285, %swap3A_286], %mul3A_282 {strides = array<i32>} : memref<120x128xf32, #tpu.memory_space<vmem>>, vector<16xf32>,
      %add3A_288 = arith.constant 1 : i32
      %add3A_289 = arith.addi %add3A_220, %add3A_288 : i32
      %get3A_290 = arith.index_cast %add3A_289 : i32 to index
      %get3A_291 = arith.constant 16 : index
      %get3A_292 = tpu.vector_load %arg16[%get3A_290, %get3A_291] {strides = array<i32>} : memref<120x128xf32, #tpu.memory_space<vmem>>, vector<16xf32>,
      %mul3A_293 = arith.mulf %get3A_292, %gather3A_226 : vector<16xf32>
      %add3A_294 = arith.constant 1 : i32
      %add3A_295 = arith.addi %add3A_220, %add3A_294 : i32
      %swap3A_296 = arith.index_cast %add3A_295 : i32 to index
      %swap3A_297 = arith.constant 16 : index
      %swap3A_298 = tpu.vector_load %arg16[%swap3A_296, %swap3A_297] {strides = array<i32>} : memref<120x128xf32, #tpu.memory_space<vmem>>, vector<16xf32>,
      tpu.vector_store %arg16[%swap3A_296, %swap3A_297], %mul3A_293 {strides = array<i32>} : memref<120x128xf32, #tpu.memory_space<vmem>>, vector<16xf32>,
      %add3A_299 = arith.constant 2 : i32
      %add3A_300 = arith.addi %add3A_220, %add3A_299 : i32
      %get3A_301 = arith.index_cast %add3A_300 : i32 to index
      %get3A_302 = arith.constant 16 : index
      %get3A_303 = tpu.vector_load %arg16[%get3A_301, %get3A_302] {strides = array<i32>} : memref<120x128xf32, #tpu.memory_space<vmem>>, vector<16xf32>,
      %mul3A_304 = arith.mulf %get3A_303, %gather3A_230 : vector<16xf32>
      %add3A_305 = arith.constant 2 : i32
      %add3A_306 = arith.addi %add3A_220, %add3A_305 : i32
      %swap3A_307 = arith.index_cast %add3A_306 : i32 to index
      %swap3A_308 = arith.constant 16 : index
      %swap3A_309 = tpu.vector_load %arg16[%swap3A_307, %swap3A_308] {strides = array<i32>} : memref<120x128xf32, #tpu.memory_space<vmem>>, vector<16xf32>,
      tpu.vector_store %arg16[%swap3A_307, %swap3A_308], %mul3A_304 {strides = array<i32>} : memref<120x128xf32, #tpu.memory_space<vmem>>, vector<16xf32>,
      %add3A_310 = arith.constant 3 : i32
      %add3A_311 = arith.addi %add3A_220, %add3A_310 : i32
      %get3A_312 = arith.index_cast %add3A_311 : i32 to index
      %get3A_313 = arith.constant 16 : index
      %get3A_314 = tpu.vector_load %arg16[%get3A_312, %get3A_313] {strides = array<i32>} : memref<120x128xf32, #tpu.memory_space<vmem>>, vector<16xf32>,
      %mul3A_315 = arith.mulf %get3A_314, %gather3A_234 : vector<16xf32>
      %add3A_316 = arith.constant 3 : i32
      %add3A_317 = arith.addi %add3A_220, %add3A_316 : i32
      %swap3A_318 = arith.index_cast %add3A_317 : i32 to index
      %swap3A_319 = arith.constant 16 : index
      %swap3A_320 = tpu.vector_load %arg16[%swap3A_318, %swap3A_319] {strides = array<i32>} : memref<120x128xf32, #tpu.memory_space<vmem>>, vector<16xf32>,
      tpu.vector_store %arg16[%swap3A_318, %swap3A_319], %mul3A_315 {strides = array<i32>} : memref<120x128xf32, #tpu.memory_space<vmem>>, vector<16xf32>,
      %add3A_321 = arith.constant 0 : i32
      %add3A_322 = arith.addi %add3A_220, %add3A_321 : i32
      %get3A_323 = arith.index_cast %add3A_322 : i32 to index
      %get3A_324 = arith.constant 32 : index
      %get3A_325 = tpu.vector_load %arg16[%get3A_323, %get3A_324] {strides = array<i32>} : memref<120x128xf32, #tpu.memory_space<vmem>>, vector<16xf32>,
      %mul3A_326 = arith.mulf %get3A_325, %gather3A : vector<16xf32>
      %add3A_327 = arith.constant 0 : i32
      %add3A_328 = arith.addi %add3A_220, %add3A_327 : i32
      %swap3A_329 = arith.index_cast %add3A_328 : i32 to index
      %swap3A_330 = arith.constant 32 : index
      %swap3A_331 = tpu.vector_load %arg16[%swap3A_329, %swap3A_330] {strides = array<i32>} : memref<120x128xf32, #tpu.memory_space<vmem>>, vector<16xf32>,
      tpu.vector_store %arg16[%swap3A_329, %swap3A_330], %mul3A_326 {strides = array<i32>} : memref<120x128xf32, #tpu.memory_space<vmem>>, vector<16xf32>,
      %add3A_332 = arith.constant 1 : i32
      %add3A_333 = arith.addi %add3A_220, %add3A_332 : i32
      %get3A_334 = arith.index_cast %add3A_333 : i32 to index
      %get3A_335 = arith.constant 32 : index
      %get3A_336 = tpu.vector_load %arg16[%get3A_334, %get3A_335] {strides = array<i32>} : memref<120x128xf32, #tpu.memory_space<vmem>>, vector<16xf32>,
      %mul3A_337 = arith.mulf %get3A_336, %gather3A_226 : vector<16xf32>
      %add3A_338 = arith.constant 1 : i32
      %add3A_339 = arith.addi %add3A_220, %add3A_338 : i32
      %swap3A_340 = arith.index_cast %add3A_339 : i32 to index
      %swap3A_341 = arith.constant 32 : index
      %swap3A_342 = tpu.vector_load %arg16[%swap3A_340, %swap3A_341] {strides = array<i32>} : memref<120x128xf32, #tpu.memory_space<vmem>>, vector<16xf32>,
      tpu.vector_store %arg16[%swap3A_340, %swap3A_341], %mul3A_337 {strides = array<i32>} : memref<120x128xf32, #tpu.memory_space<vmem>>, vector<16xf32>,
      %add3A_343 = arith.constant 2 : i32
      %add3A_344 = arith.addi %add3A_220, %add3A_343 : i32
      %get3A_345 = arith.index_cast %add3A_344 : i32 to index
      %get3A_346 = arith.constant 32 : index
      %get3A_347 = tpu.vector_load %arg16[%get3A_345, %get3A_346] {strides = array<i32>} : memref<120x128xf32, #tpu.memory_space<vmem>>, vector<16xf32>,
      %mul3A_348 = arith.mulf %get3A_347, %gather3A_230 : vector<16xf32>
      %add3A_349 = arith.constant 2 : i32
      %add3A_350 = arith.addi %add3A_220, %add3A_349 : i32
      %swap3A_351 = arith.index_cast %add3A_350 : i32 to index
      %swap3A_352 = arith.constant 32 : index
      %swap3A_353 = tpu.vector_load %arg16[%swap3A_351, %swap3A_352] {strides = array<i32>} : memref<120x128xf32, #tpu.memory_space<vmem>>, vector<16xf32>,
      tpu.vector_store %arg16[%swap3A_351, %swap3A_352], %mul3A_348 {strides = array<i32>} : memref<120x128xf32, #tpu.memory_space<vmem>>, vector<16xf32>,
      %add3A_354 = arith.constant 3 : i32
      %add3A_355 = arith.addi %add3A_220, %add3A_354 : i32
      %get3A_356 = arith.index_cast %add3A_355 : i32 to index
      %get3A_357 = arith.constant 32 : index
      %get3A_358 = tpu.vector_load %arg16[%get3A_356, %get3A_357] {strides = array<i32>} : memref<120x128xf32, #tpu.memory_space<vmem>>, vector<16xf32>,
      %mul3A_359 = arith.mulf %get3A_358, %gather3A_234 : vector<16xf32>
      %add3A_360 = arith.constant 3 : i32
      %add3A_361 = arith.addi %add3A_220, %add3A_360 : i32
      %swap3A_362 = arith.index_cast %add3A_361 : i32 to index
      %swap3A_363 = arith.constant 32 : index
      %swap3A_364 = tpu.vector_load %arg16[%swap3A_362, %swap3A_363] {strides = array<i32>} : memref<120x128xf32, #tpu.memory_space<vmem>>, vector<16xf32>,
      tpu.vector_store %arg16[%swap3A_362, %swap3A_363], %mul3A_359 {strides = array<i32>} : memref<120x128xf32, #tpu.memory_space<vmem>>, vector<16xf32>,
      %add3A_365 = arith.constant 0 : i32
      %add3A_366 = arith.addi %add3A_220, %add3A_365 : i32
      %get3A_367 = arith.index_cast %add3A_366 : i32 to index
      %get3A_368 = arith.constant 48 : index
      %get3A_369 = tpu.vector_load %arg16[%get3A_367, %get3A_368] {strides = array<i32>} : memref<120x128xf32, #tpu.memory_space<vmem>>, vector<16xf32>,
      %mul3A_370 = arith.mulf %get3A_369, %gather3A : vector<16xf32>
      %add3A_371 = arith.constant 0 : i32
      %add3A_372 = arith.addi %add3A_220, %add3A_371 : i32
      %swap3A_373 = arith.index_cast %add3A_372 : i32 to index
      %swap3A_374 = arith.constant 48 : index
      %swap3A_375 = tpu.vector_load %arg16[%swap3A_373, %swap3A_374] {strides = array<i32>} : memref<120x128xf32, #tpu.memory_space<vmem>>, vector<16xf32>,
      tpu.vector_store %arg16[%swap3A_373, %swap3A_374], %mul3A_370 {strides = array<i32>} : memref<120x128xf32, #tpu.memory_space<vmem>>, vector<16xf32>,
      %add3A_376 = arith.constant 1 : i32
      %add3A_377 = arith.addi %add3A_220, %add3A_376 : i32
      %get3A_378 = arith.index_cast %add3A_377 : i32 to index
      %get3A_379 = arith.constant 48 : index
      %get3A_380 = tpu.vector_load %arg16[%get3A_378, %get3A_379] {strides = array<i32>} : memref<120x128xf32, #tpu.memory_space<vmem>>, vector<16xf32>,
      %mul3A_381 = arith.mulf %get3A_380, %gather3A_226 : vector<16xf32>
      %add3A_382 = arith.constant 1 : i32
      %add3A_383 = arith.addi %add3A_220, %add3A_382 : i32
      %swap3A_384 = arith.index_cast %add3A_383 : i32 to index
      %swap3A_385 = arith.constant 48 : index
      %swap3A_386 = tpu.vector_load %arg16[%swap3A_384, %swap3A_385] {strides = array<i32>} : memref<120x128xf32, #tpu.memory_space<vmem>>, vector<16xf32>,
      tpu.vector_store %arg16[%swap3A_384, %swap3A_385], %mul3A_381 {strides = array<i32>} : memref<120x128xf32, #tpu.memory_space<vmem>>, vector<16xf32>,
      %add3A_387 = arith.constant 2 : i32
      %add3A_388 = arith.addi %add3A_220, %add3A_387 : i32
      %get3A_389 = arith.index_cast %add3A_388 : i32 to index
      %get3A_390 = arith.constant 48 : index
      %get3A_391 = tpu.vector_load %arg16[%get3A_389, %get3A_390] {strides = array<i32>} : memref<120x128xf32, #tpu.memory_space<vmem>>, vector<16xf32>,
      %mul3A_392 = arith.mulf %get3A_391, %gather3A_230 : vector<16xf32>
      %add3A_393 = arith.constant 2 : i32
      %add3A_394 = arith.addi %add3A_220, %add3A_393 : i32
      %swap3A_395 = arith.index_cast %add3A_394 : i32 to index
      %swap3A_396 = arith.constant 48 : index
      %swap3A_397 = tpu.vector_load %arg16[%swap3A_395, %swap3A_396] {strides = array<i32>} : memref<120x128xf32, #tpu.memory_space<vmem>>, vector<16xf32>,
      tpu.vector_store %arg16[%swap3A_395, %swap3A_396], %mul3A_392 {strides = array<i32>} : memref<120x128xf32, #tpu.memory_space<vmem>>, vector<16xf32>,
      %add3A_398 = arith.constant 3 : i32
      %add3A_399 = arith.addi %add3A_220, %add3A_398 : i32
      %get3A_400 = arith.index_cast %add3A_399 : i32 to index
      %get3A_401 = arith.constant 48 : index
      %get3A_402 = tpu.vector_load %arg16[%get3A_400, %get3A_401] {strides = array<i32>} : memref<120x128xf32, #tpu.memory_space<vmem>>, vector<16xf32>,
      %mul3A_403 = arith.mulf %get3A_402, %gather3A_234 : vector<16xf32>
      %add3A_404 = arith.constant 3 : i32
      %add3A_405 = arith.addi %add3A_220, %add3A_404 : i32
      %swap3A_406 = arith.index_cast %add3A_405 : i32 to index
      %swap3A_407 = arith.constant 48 : index
      %swap3A_408 = tpu.vector_load %arg16[%swap3A_406, %swap3A_407] {strides = array<i32>} : memref<120x128xf32, #tpu.memory_space<vmem>>, vector<16xf32>,
      tpu.vector_store %arg16[%swap3A_406, %swap3A_407], %mul3A_403 {strides = array<i32>} : memref<120x128xf32, #tpu.memory_space<vmem>>, vector<16xf32>,
      %add3A_409 = arith.constant 0 : i32
      %add3A_410 = arith.addi %add3A_220, %add3A_409 : i32
      %get3A_411 = arith.index_cast %add3A_410 : i32 to index
      %get3A_412 = arith.constant 64 : index
      %get3A_413 = tpu.vector_load %arg16[%get3A_411, %get3A_412] {strides = array<i32>} : memref<120x128xf32, #tpu.memory_space<vmem>>, vector<16xf32>,
      %mul3A_414 = arith.mulf %get3A_413, %gather3A : vector<16xf32>
      %add3A_415 = arith.constant 0 : i32
      %add3A_416 = arith.addi %add3A_220, %add3A_415 : i32
      %swap3A_417 = arith.index_cast %add3A_416 : i32 to index
      %swap3A_418 = arith.constant 64 : index
      %swap3A_419 = tpu.vector_load %arg16[%swap3A_417, %swap3A_418] {strides = array<i32>} : memref<120x128xf32, #tpu.memory_space<vmem>>, vector<16xf32>,
      tpu.vector_store %arg16[%swap3A_417, %swap3A_418], %mul3A_414 {strides = array<i32>} : memref<120x128xf32, #tpu.memory_space<vmem>>, vector<16xf32>,
      %add3A_420 = arith.constant 1 : i32
      %add3A_421 = arith.addi %add3A_220, %add3A_420 : i32
      %get3A_422 = arith.index_cast %add3A_421 : i32 to index
      %get3A_423 = arith.constant 64 : index
      %get3A_424 = tpu.vector_load %arg16[%get3A_422, %get3A_423] {strides = array<i32>} : memref<120x128xf32, #tpu.memory_space<vmem>>, vector<16xf32>,
      %mul3A_425 = arith.mulf %get3A_424, %gather3A_226 : vector<16xf32>
      %add3A_426 = arith.constant 1 : i32
      %add3A_427 = arith.addi %add3A_220, %add3A_426 : i32
      %swap3A_428 = arith.index_cast %add3A_427 : i32 to index
      %swap3A_429 = arith.constant 64 : index
      %swap3A_430 = tpu.vector_load %arg16[%swap3A_428, %swap3A_429] {strides = array<i32>} : memref<120x128xf32, #tpu.memory_space<vmem>>, vector<16xf32>,
      tpu.vector_store %arg16[%swap3A_428, %swap3A_429], %mul3A_425 {strides = array<i32>} : memref<120x128xf32, #tpu.memory_space<vmem>>, vector<16xf32>,
      %add3A_431 = arith.constant 2 : i32
      %add3A_432 = arith.addi %add3A_220, %add3A_431 : i32
      %get3A_433 = arith.index_cast %add3A_432 : i32 to index
      %get3A_434 = arith.constant 64 : index
      %get3A_435 = tpu.vector_load %arg16[%get3A_433, %get3A_434] {strides = array<i32>} : memref<120x128xf32, #tpu.memory_space<vmem>>, vector<16xf32>,
      %mul3A_436 = arith.mulf %get3A_435, %gather3A_230 : vector<16xf32>
      %add3A_437 = arith.constant 2 : i32
      %add3A_438 = arith.addi %add3A_220, %add3A_437 : i32
      %swap3A_439 = arith.index_cast %add3A_438 : i32 to index
      %swap3A_440 = arith.constant 64 : index
      %swap3A_441 = tpu.vector_load %arg16[%swap3A_439, %swap3A_440] {strides = array<i32>} : memref<120x128xf32, #tpu.memory_space<vmem>>, vector<16xf32>,
      tpu.vector_store %arg16[%swap3A_439, %swap3A_440], %mul3A_436 {strides = array<i32>} : memref<120x128xf32, #tpu.memory_space<vmem>>, vector<16xf32>,
      %add3A_442 = arith.constant 3 : i32
      %add3A_443 = arith.addi %add3A_220, %add3A_442 : i32
      %get3A_444 = arith.index_cast %add3A_443 : i32 to index
      %get3A_445 = arith.constant 64 : index
      %get3A_446 = tpu.vector_load %arg16[%get3A_444, %get3A_445] {strides = array<i32>} : memref<120x128xf32, #tpu.memory_space<vmem>>, vector<16xf32>,
      %mul3A_447 = arith.mulf %get3A_446, %gather3A_234 : vector<16xf32>
      %add3A_448 = arith.constant 3 : i32
      %add3A_449 = arith.addi %add3A_220, %add3A_448 : i32
      %swap3A_450 = arith.index_cast %add3A_449 : i32 to index
      %swap3A_451 = arith.constant 64 : index
      %swap3A_452 = tpu.vector_load %arg16[%swap3A_450, %swap3A_451] {strides = array<i32>} : memref<120x128xf32, #tpu.memory_space<vmem>>, vector<16xf32>,
      tpu.vector_store %arg16[%swap3A_450, %swap3A_451], %mul3A_447 {strides = array<i32>} : memref<120x128xf32, #tpu.memory_space<vmem>>, vector<16xf32>,
      %add3A_453 = arith.constant 0 : i32
      %add3A_454 = arith.addi %add3A_220, %add3A_453 : i32
      %get3A_455 = arith.index_cast %add3A_454 : i32 to index
      %get3A_456 = arith.constant 80 : index
      %get3A_457 = tpu.vector_load %arg16[%get3A_455, %get3A_456] {strides = array<i32>} : memref<120x128xf32, #tpu.memory_space<vmem>>, vector<16xf32>,
      %mul3A_458 = arith.mulf %get3A_457, %gather3A : vector<16xf32>
      %add3A_459 = arith.constant 0 : i32
      %add3A_460 = arith.addi %add3A_220, %add3A_459 : i32
      %swap3A_461 = arith.index_cast %add3A_460 : i32 to index
      %swap3A_462 = arith.constant 80 : index
      %swap3A_463 = tpu.vector_load %arg16[%swap3A_461, %swap3A_462] {strides = array<i32>} : memref<120x128xf32, #tpu.memory_space<vmem>>, vector<16xf32>,
      tpu.vector_store %arg16[%swap3A_461, %swap3A_462], %mul3A_458 {strides = array<i32>} : memref<120x128xf32, #tpu.memory_space<vmem>>, vector<16xf32>,
      %add3A_464 = arith.constant 1 : i32
      %add3A_465 = arith.addi %add3A_220, %add3A_464 : i32
      %get3A_466 = arith.index_cast %add3A_465 : i32 to index
      %get3A_467 = arith.constant 80 : index
      %get3A_468 = tpu.vector_load %arg16[%get3A_466, %get3A_467] {strides = array<i32>} : memref<120x128xf32, #tpu.memory_space<vmem>>, vector<16xf32>,
      %mul3A_469 = arith.mulf %get3A_468, %gather3A_226 : vector<16xf32>
      %add3A_470 = arith.constant 1 : i32
      %add3A_471 = arith.addi %add3A_220, %add3A_470 : i32
      %swap3A_472 = arith.index_cast %add3A_471 : i32 to index
      %swap3A_473 = arith.constant 80 : index
      %swap3A_474 = tpu.vector_load %arg16[%swap3A_472, %swap3A_473] {strides = array<i32>} : memref<120x128xf32, #tpu.memory_space<vmem>>, vector<16xf32>,
      tpu.vector_store %arg16[%swap3A_472, %swap3A_473], %mul3A_469 {strides = array<i32>} : memref<120x128xf32, #tpu.memory_space<vmem>>, vector<16xf32>,
      %add3A_475 = arith.constant 2 : i32
      %add3A_476 = arith.addi %add3A_220, %add3A_475 : i32
      %get3A_477 = arith.index_cast %add3A_476 : i32 to index
      %get3A_478 = arith.constant 80 : index
      %get3A_479 = tpu.vector_load %arg16[%get3A_477, %get3A_478] {strides = array<i32>} : memref<120x128xf32, #tpu.memory_space<vmem>>, vector<16xf32>,
      %mul3A_480 = arith.mulf %get3A_479, %gather3A_230 : vector<16xf32>
      %add3A_481 = arith.constant 2 : i32
      %add3A_482 = arith.addi %add3A_220, %add3A_481 : i32
      %swap3A_483 = arith.index_cast %add3A_482 : i32 to index
      %swap3A_484 = arith.constant 80 : index
      %swap3A_485 = tpu.vector_load %arg16[%swap3A_483, %swap3A_484] {strides = array<i32>} : memref<120x128xf32, #tpu.memory_space<vmem>>, vector<16xf32>,
      tpu.vector_store %arg16[%swap3A_483, %swap3A_484], %mul3A_480 {strides = array<i32>} : memref<120x128xf32, #tpu.memory_space<vmem>>, vector<16xf32>,
      %add3A_486 = arith.constant 3 : i32
      %add3A_487 = arith.addi %add3A_220, %add3A_486 : i32
      %get3A_488 = arith.index_cast %add3A_487 : i32 to index
      %get3A_489 = arith.constant 80 : index
      %get3A_490 = tpu.vector_load %arg16[%get3A_488, %get3A_489] {strides = array<i32>} : memref<120x128xf32, #tpu.memory_space<vmem>>, vector<16xf32>,
      %mul3A_491 = arith.mulf %get3A_490, %gather3A_234 : vector<16xf32>
      %add3A_492 = arith.constant 3 : i32
      %add3A_493 = arith.addi %add3A_220, %add3A_492 : i32
      %swap3A_494 = arith.index_cast %add3A_493 : i32 to index
      %swap3A_495 = arith.constant 80 : index
      %swap3A_496 = tpu.vector_load %arg16[%swap3A_494, %swap3A_495] {strides = array<i32>} : memref<120x128xf32, #tpu.memory_space<vmem>>, vector<16xf32>,
      tpu.vector_store %arg16[%swap3A_494, %swap3A_495], %mul3A_491 {strides = array<i32>} : memref<120x128xf32, #tpu.memory_space<vmem>>, vector<16xf32>,
      %add3A_497 = arith.constant 0 : i32
      %add3A_498 = arith.addi %add3A_220, %add3A_497 : i32
      %get3A_499 = arith.index_cast %add3A_498 : i32 to index
      %get3A_500 = arith.constant 96 : index
      %get3A_501 = tpu.vector_load %arg16[%get3A_499, %get3A_500] {strides = array<i32>} : memref<120x128xf32, #tpu.memory_space<vmem>>, vector<16xf32>,
      %mul3A_502 = arith.mulf %get3A_501, %gather3A : vector<16xf32>
      %add3A_503 = arith.constant 0 : i32
      %add3A_504 = arith.addi %add3A_220, %add3A_503 : i32
      %swap3A_505 = arith.index_cast %add3A_504 : i32 to index
      %swap3A_506 = arith.constant 96 : index
      %swap3A_507 = tpu.vector_load %arg16[%swap3A_505, %swap3A_506] {strides = array<i32>} : memref<120x128xf32, #tpu.memory_space<vmem>>, vector<16xf32>,
      tpu.vector_store %arg16[%swap3A_505, %swap3A_506], %mul3A_502 {strides = array<i32>} : memref<120x128xf32, #tpu.memory_space<vmem>>, vector<16xf32>,
      %add3A_508 = arith.constant 1 : i32
      %add3A_509 = arith.addi %add3A_220, %add3A_508 : i32
      %get3A_510 = arith.index_cast %add3A_509 : i32 to index
      %get3A_511 = arith.constant 96 : index
      %get3A_512 = tpu.vector_load %arg16[%get3A_510, %get3A_511] {strides = array<i32>} : memref<120x128xf32, #tpu.memory_space<vmem>>, vector<16xf32>,
      %mul3A_513 = arith.mulf %get3A_512, %gather3A_226 : vector<16xf32>
      %add3A_514 = arith.constant 1 : i32
      %add3A_515 = arith.addi %add3A_220, %add3A_514 : i32
      %swap3A_516 = arith.index_cast %add3A_515 : i32 to index
      %swap3A_517 = arith.constant 96 : index
      %swap3A_518 = tpu.vector_load %arg16[%swap3A_516, %swap3A_517] {strides = array<i32>} : memref<120x128xf32, #tpu.memory_space<vmem>>, vector<16xf32>,
      tpu.vector_store %arg16[%swap3A_516, %swap3A_517], %mul3A_513 {strides = array<i32>} : memref<120x128xf32, #tpu.memory_space<vmem>>, vector<16xf32>,
      %add3A_519 = arith.constant 2 : i32
      %add3A_520 = arith.addi %add3A_220, %add3A_519 : i32
      %get3A_521 = arith.index_cast %add3A_520 : i32 to index
      %get3A_522 = arith.constant 96 : index
      %get3A_523 = tpu.vector_load %arg16[%get3A_521, %get3A_522] {strides = array<i32>} : memref<120x128xf32, #tpu.memory_space<vmem>>, vector<16xf32>,
      %mul3A_524 = arith.mulf %get3A_523, %gather3A_230 : vector<16xf32>
      %add3A_525 = arith.constant 2 : i32
      %add3A_526 = arith.addi %add3A_220, %add3A_525 : i32
      %swap3A_527 = arith.index_cast %add3A_526 : i32 to index
      %swap3A_528 = arith.constant 96 : index
      %swap3A_529 = tpu.vector_load %arg16[%swap3A_527, %swap3A_528] {strides = array<i32>} : memref<120x128xf32, #tpu.memory_space<vmem>>, vector<16xf32>,
      tpu.vector_store %arg16[%swap3A_527, %swap3A_528], %mul3A_524 {strides = array<i32>} : memref<120x128xf32, #tpu.memory_space<vmem>>, vector<16xf32>,
      %add3A_530 = arith.constant 3 : i32
      %add3A_531 = arith.addi %add3A_220, %add3A_530 : i32
      %get3A_532 = arith.index_cast %add3A_531 : i32 to index
      %get3A_533 = arith.constant 96 : index
      %get3A_534 = tpu.vector_load %arg16[%get3A_532, %get3A_533] {strides = array<i32>} : memref<120x128xf32, #tpu.memory_space<vmem>>, vector<16xf32>,
      %mul3A_535 = arith.mulf %get3A_534, %gather3A_234 : vector<16xf32>
      %add3A_536 = arith.constant 3 : i32
      %add3A_537 = arith.addi %add3A_220, %add3A_536 : i32
      %swap3A_538 = arith.index_cast %add3A_537 : i32 to index
      %swap3A_539 = arith.constant 96 : index
      %swap3A_540 = tpu.vector_load %arg16[%swap3A_538, %swap3A_539] {strides = array<i32>} : memref<120x128xf32, #tpu.memory_space<vmem>>, vector<16xf32>,
      tpu.vector_store %arg16[%swap3A_538, %swap3A_539], %mul3A_535 {strides = array<i32>} : memref<120x128xf32, #tpu.memory_space<vmem>>, vector<16xf32>,
      %add3A_541 = arith.constant 0 : i32
      %add3A_542 = arith.addi %add3A_220, %add3A_541 : i32
      %get3A_543 = arith.index_cast %add3A_542 : i32 to index
      %get3A_544 = arith.constant 112 : index
      %get3A_545 = tpu.vector_load %arg16[%get3A_543, %get3A_544] {strides = array<i32>} : memref<120x128xf32, #tpu.memory_space<vmem>>, vector<16xf32>,
      %mul3A_546 = arith.mulf %get3A_545, %gather3A : vector<16xf32>
      %add3A_547 = arith.constant 0 : i32
      %add3A_548 = arith.addi %add3A_220, %add3A_547 : i32
      %swap3A_549 = arith.index_cast %add3A_548 : i32 to index
      %swap3A_550 = arith.constant 112 : index
      %swap3A_551 = tpu.vector_load %arg16[%swap3A_549, %swap3A_550] {strides = array<i32>} : memref<120x128xf32, #tpu.memory_space<vmem>>, vector<16xf32>,
      tpu.vector_store %arg16[%swap3A_549, %swap3A_550], %mul3A_546 {strides = array<i32>} : memref<120x128xf32, #tpu.memory_space<vmem>>, vector<16xf32>,
      %add3A_552 = arith.constant 1 : i32
      %add3A_553 = arith.addi %add3A_220, %add3A_552 : i32
      %get3A_554 = arith.index_cast %add3A_553 : i32 to index
      %get3A_555 = arith.constant 112 : index
      %get3A_556 = tpu.vector_load %arg16[%get3A_554, %get3A_555] {strides = array<i32>} : memref<120x128xf32, #tpu.memory_space<vmem>>, vector<16xf32>,
      %mul3A_557 = arith.mulf %get3A_556, %gather3A_226 : vector<16xf32>
      %add3A_558 = arith.constant 1 : i32
      %add3A_559 = arith.addi %add3A_220, %add3A_558 : i32
      %swap3A_560 = arith.index_cast %add3A_559 : i32 to index
      %swap3A_561 = arith.constant 112 : index
      %swap3A_562 = tpu.vector_load %arg16[%swap3A_560, %swap3A_561] {strides = array<i32>} : memref<120x128xf32, #tpu.memory_space<vmem>>, vector<16xf32>,
      tpu.vector_store %arg16[%swap3A_560, %swap3A_561], %mul3A_557 {strides = array<i32>} : memref<120x128xf32, #tpu.memory_space<vmem>>, vector<16xf32>,
      %add3A_563 = arith.constant 2 : i32
      %add3A_564 = arith.addi %add3A_220, %add3A_563 : i32
      %get3A_565 = arith.index_cast %add3A_564 : i32 to index
      %get3A_566 = arith.constant 112 : index
      %get3A_567 = tpu.vector_load %arg16[%get3A_565, %get3A_566] {strides = array<i32>} : memref<120x128xf32, #tpu.memory_space<vmem>>, vector<16xf32>,
      %mul3A_568 = arith.mulf %get3A_567, %gather3A_230 : vector<16xf32>
      %add3A_569 = arith.constant 2 : i32
      %add3A_570 = arith.addi %add3A_220, %add3A_569 : i32
      %swap3A_571 = arith.index_cast %add3A_570 : i32 to index
      %swap3A_572 = arith.constant 112 : index
      %swap3A_573 = tpu.vector_load %arg16[%swap3A_571, %swap3A_572] {strides = array<i32>} : memref<120x128xf32, #tpu.memory_space<vmem>>, vector<16xf32>,
      tpu.vector_store %arg16[%swap3A_571, %swap3A_572], %mul3A_568 {strides = array<i32>} : memref<120x128xf32, #tpu.memory_space<vmem>>, vector<16xf32>,
      %add3A_574 = arith.constant 3 : i32
      %add3A_575 = arith.addi %add3A_220, %add3A_574 : i32
      %get3A_576 = arith.index_cast %add3A_575 : i32 to index
      %get3A_577 = arith.constant 112 : index
      %get3A_578 = tpu.vector_load %arg16[%get3A_576, %get3A_577] {strides = array<i32>} : memref<120x128xf32, #tpu.memory_space<vmem>>, vector<16xf32>,
      %mul3A_579 = arith.mulf %get3A_578, %gather3A_234 : vector<16xf32>
      %add3A_580 = arith.constant 3 : i32
      %add3A_581 = arith.addi %add3A_220, %add3A_580 : i32
      %swap3A_582 = arith.index_cast %add3A_581 : i32 to index
      %swap3A_583 = arith.constant 112 : index
      %swap3A_584 = tpu.vector_load %arg16[%swap3A_582, %swap3A_583] {strides = array<i32>} : memref<120x128xf32, #tpu.memory_space<vmem>>, vector<16xf32>,
      tpu.vector_store %arg16[%swap3A_582, %swap3A_583], %mul3A_579 {strides = array<i32>} : memref<120x128xf32, #tpu.memory_space<vmem>>, vector<16xf32>,
    }
    %scan3A_182 = arith.constant 30 : i32
    %dma_start3A_183 = arith.constant 0 : i32
    %dma_start3A_184 = arith.constant 0 : i32
    %dma_start3A_185 = tpu.memref_slice %arg32[%dma_start3A_183, %dma_start3A_184] : memref<10112x128xf32, #tpu.memory_space<vmem_shared>> -> memref<10112x128xf32, #tpu.memory_space<vmem_shared>>
    tpu.enqueue_indirect_dma source(%arg16 : memref<120x128xf32, #tpu.memory_space<vmem>>) target(%dma_start3A_185 : memref<10112x128xf32, #tpu.memory_space<vmem_shared>>) offsets(%arg10 : memref<120xi32, #tpu.memory_space<vmem>>) semaphore(%arg28 : memref<!tpu.dma_semaphore, #tpu.memory_space<semaphore_mem>>) {add = true}
    %dma_wait3A_186 = arith.constant 0 : i32
    %dma_wait3A_187 = arith.constant 0 : i32
    %dma_wait3A_188 = tpu.memref_slice %arg3[%dma_wait3A_186, %dma_wait3A_187] : memref<10000x128xf32, #tpu.memory_space<hbm>> -> memref<10000x128xf32, #tpu.memory_space<hbm>>
    tpu.wait_indirect_dma semaphore(%arg26 : memref<!tpu.dma_semaphore, #tpu.memory_space<semaphore_mem>>) src(%dma_wait3A_188 : memref<10000x128xf32, #tpu.memory_space<hbm>>) dst(%arg17 : memref<120x128xf32, #tpu.memory_space<vmem>>)
    %scan3A_189 = arith.constant 0 : i32
    %scan3A_190 = arith.constant 30 : i32
    %scan3A_191 = arith.addi %scan3A_189, %scan3A_190 : i32
    %scan3A_192 = arith.constant 1 : i32
    scf.for %scan3A_216 = %scan3A_189 to %scan3A_191 step %scan3A_192  : i32 {
      %mul3A_217 = arith.constant 4 : i32
      %mul3A_218 = arith.muli %scan3A_216, %mul3A_217 : i32
      %add3A_219 = arith.constant 0 : i32
      %add3A_220 = arith.addi %add3A_219, %mul3A_218 : i32
      %add3A_221 = arith.constant 0 : i32
      %add3A_222 = arith.addi %add3A_220, %add3A_221 : i32
      %broadcast_in_dim3A = vector.broadcast %add3A_222 : i32 to vector<16xi32>
      %gather3A = tpu.vector_load_idx %arg14[%broadcast_in_dim3A] : memref<120xf32, #tpu.memory_space<vmem>>[vector<16xi32>], vector<16xf32>,
      %add3A_223 = arith.constant 1 : i32
      %add3A_224 = arith.addi %add3A_220, %add3A_223 : i32
      %broadcast_in_dim3A_225 = vector.broadcast %add3A_224 : i32 to vector<16xi32>
      %gather3A_226 = tpu.vector_load_idx %arg14[%broadcast_in_dim3A_225] : memref<120xf32, #tpu.memory_space<vmem>>[vector<16xi32>], vector<16xf32>,
      %add3A_227 = arith.constant 2 : i32
      %add3A_228 = arith.addi %add3A_220, %add3A_227 : i32
      %broadcast_in_dim3A_229 = vector.broadcast %add3A_228 : i32 to vector<16xi32>
      %gather3A_230 = tpu.vector_load_idx %arg14[%broadcast_in_dim3A_229] : memref<120xf32, #tpu.memory_space<vmem>>[vector<16xi32>], vector<16xf32>,
      %add3A_231 = arith.constant 3 : i32
      %add3A_232 = arith.addi %add3A_220, %add3A_231 : i32
      %broadcast_in_dim3A_233 = vector.broadcast %add3A_232 : i32 to vector<16xi32>
      %gather3A_234 = tpu.vector_load_idx %arg14[%broadcast_in_dim3A_233] : memref<120xf32, #tpu.memory_space<vmem>>[vector<16xi32>], vector<16xf32>,
      %add3A_235 = arith.constant 0 : i32
      %add3A_236 = arith.addi %add3A_220, %add3A_235 : i32
      %get3A = arith.index_cast %add3A_236 : i32 to index
      %get3A_237 = arith.constant 0 : index
      %get3A_238 = tpu.vector_load %arg17[%get3A, %get3A_237] {strides = array<i32>} : memref<120x128xf32, #tpu.memory_space<vmem>>, vector<16xf32>,
      %mul3A_239 = arith.mulf %get3A_238, %gather3A : vector<16xf32>
      %add3A_240 = arith.constant 0 : i32
      %add3A_241 = arith.addi %add3A_220, %add3A_240 : i32
      %swap3A = arith.index_cast %add3A_241 : i32 to index
      %swap3A_242 = arith.constant 0 : index
      %swap3A_243 = tpu.vector_load %arg17[%swap3A, %swap3A_242] {strides = array<i32>} : memref<120x128xf32, #tpu.memory_space<vmem>>, vector<16xf32>,
      tpu.vector_store %arg17[%swap3A, %swap3A_242], %mul3A_239 {strides = array<i32>} : memref<120x128xf32, #tpu.memory_space<vmem>>, vector<16xf32>,
      %add3A_244 = arith.constant 1 : i32
      %add3A_245 = arith.addi %add3A_220, %add3A_244 : i32
      %get3A_246 = arith.index_cast %add3A_245 : i32 to index
      %get3A_247 = arith.constant 0 : index
      %get3A_248 = tpu.vector_load %arg17[%get3A_246, %get3A_247] {strides = array<i32>} : memref<120x128xf32, #tpu.memory_space<vmem>>, vector<16xf32>,
      %mul3A_249 = arith.mulf %get3A_248, %gather3A_226 : vector<16xf32>
      %add3A_250 = arith.constant 1 : i32
      %add3A_251 = arith.addi %add3A_220, %add3A_250 : i32
      %swap3A_252 = arith.index_cast %add3A_251 : i32 to index
      %swap3A_253 = arith.constant 0 : index
      %swap3A_254 = tpu.vector_load %arg17[%swap3A_252, %swap3A_253] {strides = array<i32>} : memref<120x128xf32, #tpu.memory_space<vmem>>, vector<16xf32>,
      tpu.vector_store %arg17[%swap3A_252, %swap3A_253], %mul3A_249 {strides = array<i32>} : memref<120x128xf32, #tpu.memory_space<vmem>>, vector<16xf32>,
      %add3A_255 = arith.constant 2 : i32
      %add3A_256 = arith.addi %add3A_220, %add3A_255 : i32
      %get3A_257 = arith.index_cast %add3A_256 : i32 to index
      %get3A_258 = arith.constant 0 : index
      %get3A_259 = tpu.vector_load %arg17[%get3A_257, %get3A_258] {strides = array<i32>} : memref<120x128xf32, #tpu.memory_space<vmem>>, vector<16xf32>,
      %mul3A_260 = arith.mulf %get3A_259, %gather3A_230 : vector<16xf32>
      %add3A_261 = arith.constant 2 : i32
      %add3A_262 = arith.addi %add3A_220, %add3A_261 : i32
      %swap3A_263 = arith.index_cast %add3A_262 : i32 to index
      %swap3A_264 = arith.constant 0 : index
      %swap3A_265 = tpu.vector_load %arg17[%swap3A_263, %swap3A_264] {strides = array<i32>} : memref<120x128xf32, #tpu.memory_space<vmem>>, vector<16xf32>,
      tpu.vector_store %arg17[%swap3A_263, %swap3A_264], %mul3A_260 {strides = array<i32>} : memref<120x128xf32, #tpu.memory_space<vmem>>, vector<16xf32>,
      %add3A_266 = arith.constant 3 : i32
      %add3A_267 = arith.addi %add3A_220, %add3A_266 : i32
      %get3A_268 = arith.index_cast %add3A_267 : i32 to index
      %get3A_269 = arith.constant 0 : index
      %get3A_270 = tpu.vector_load %arg17[%get3A_268, %get3A_269] {strides = array<i32>} : memref<120x128xf32, #tpu.memory_space<vmem>>, vector<16xf32>,
      %mul3A_271 = arith.mulf %get3A_270, %gather3A_234 : vector<16xf32>
      %add3A_272 = arith.constant 3 : i32
      %add3A_273 = arith.addi %add3A_220, %add3A_272 : i32
      %swap3A_274 = arith.index_cast %add3A_273 : i32 to index
      %swap3A_275 = arith.constant 0 : index
      %swap3A_276 = tpu.vector_load %arg17[%swap3A_274, %swap3A_275] {strides = array<i32>} : memref<120x128xf32, #tpu.memory_space<vmem>>, vector<16xf32>,
      tpu.vector_store %arg17[%swap3A_274, %swap3A_275], %mul3A_271 {strides = array<i32>} : memref<120x128xf32, #tpu.memory_space<vmem>>, vector<16xf32>,
      %add3A_277 = arith.constant 0 : i32
      %add3A_278 = arith.addi %add3A_220, %add3A_277 : i32
      %get3A_279 = arith.index_cast %add3A_278 : i32 to index
      %get3A_280 = arith.constant 16 : index
      %get3A_281 = tpu.vector_load %arg17[%get3A_279, %get3A_280] {strides = array<i32>} : memref<120x128xf32, #tpu.memory_space<vmem>>, vector<16xf32>,
      %mul3A_282 = arith.mulf %get3A_281, %gather3A : vector<16xf32>
      %add3A_283 = arith.constant 0 : i32
      %add3A_284 = arith.addi %add3A_220, %add3A_283 : i32
      %swap3A_285 = arith.index_cast %add3A_284 : i32 to index
      %swap3A_286 = arith.constant 16 : index
      %swap3A_287 = tpu.vector_load %arg17[%swap3A_285, %swap3A_286] {strides = array<i32>} : memref<120x128xf32, #tpu.memory_space<vmem>>, vector<16xf32>,
      tpu.vector_store %arg17[%swap3A_285, %swap3A_286], %mul3A_282 {strides = array<i32>} : memref<120x128xf32, #tpu.memory_space<vmem>>, vector<16xf32>,
      %add3A_288 = arith.constant 1 : i32
      %add3A_289 = arith.addi %add3A_220, %add3A_288 : i32
      %get3A_290 = arith.index_cast %add3A_289 : i32 to index
      %get3A_291 = arith.constant 16 : index
      %get3A_292 = tpu.vector_load %arg17[%get3A_290, %get3A_291] {strides = array<i32>} : memref<120x128xf32, #tpu.memory_space<vmem>>, vector<16xf32>,
      %mul3A_293 = arith.mulf %get3A_292, %gather3A_226 : vector<16xf32>
      %add3A_294 = arith.constant 1 : i32
      %add3A_295 = arith.addi %add3A_220, %add3A_294 : i32
      %swap3A_296 = arith.index_cast %add3A_295 : i32 to index
      %swap3A_297 = arith.constant 16 : index
      %swap3A_298 = tpu.vector_load %arg17[%swap3A_296, %swap3A_297] {strides = array<i32>} : memref<120x128xf32, #tpu.memory_space<vmem>>, vector<16xf32>,
      tpu.vector_store %arg17[%swap3A_296, %swap3A_297], %mul3A_293 {strides = array<i32>} : memref<120x128xf32, #tpu.memory_space<vmem>>, vector<16xf32>,
      %add3A_299 = arith.constant 2 : i32
      %add3A_300 = arith.addi %add3A_220, %add3A_299 : i32
      %get3A_301 = arith.index_cast %add3A_300 : i32 to index
      %get3A_302 = arith.constant 16 : index
      %get3A_303 = tpu.vector_load %arg17[%get3A_301, %get3A_302] {strides = array<i32>} : memref<120x128xf32, #tpu.memory_space<vmem>>, vector<16xf32>,
      %mul3A_304 = arith.mulf %get3A_303, %gather3A_230 : vector<16xf32>
      %add3A_305 = arith.constant 2 : i32
      %add3A_306 = arith.addi %add3A_220, %add3A_305 : i32
      %swap3A_307 = arith.index_cast %add3A_306 : i32 to index
      %swap3A_308 = arith.constant 16 : index
      %swap3A_309 = tpu.vector_load %arg17[%swap3A_307, %swap3A_308] {strides = array<i32>} : memref<120x128xf32, #tpu.memory_space<vmem>>, vector<16xf32>,
      tpu.vector_store %arg17[%swap3A_307, %swap3A_308], %mul3A_304 {strides = array<i32>} : memref<120x128xf32, #tpu.memory_space<vmem>>, vector<16xf32>,
      %add3A_310 = arith.constant 3 : i32
      %add3A_311 = arith.addi %add3A_220, %add3A_310 : i32
      %get3A_312 = arith.index_cast %add3A_311 : i32 to index
      %get3A_313 = arith.constant 16 : index
      %get3A_314 = tpu.vector_load %arg17[%get3A_312, %get3A_313] {strides = array<i32>} : memref<120x128xf32, #tpu.memory_space<vmem>>, vector<16xf32>,
      %mul3A_315 = arith.mulf %get3A_314, %gather3A_234 : vector<16xf32>
      %add3A_316 = arith.constant 3 : i32
      %add3A_317 = arith.addi %add3A_220, %add3A_316 : i32
      %swap3A_318 = arith.index_cast %add3A_317 : i32 to index
      %swap3A_319 = arith.constant 16 : index
      %swap3A_320 = tpu.vector_load %arg17[%swap3A_318, %swap3A_319] {strides = array<i32>} : memref<120x128xf32, #tpu.memory_space<vmem>>, vector<16xf32>,
      tpu.vector_store %arg17[%swap3A_318, %swap3A_319], %mul3A_315 {strides = array<i32>} : memref<120x128xf32, #tpu.memory_space<vmem>>, vector<16xf32>,
      %add3A_321 = arith.constant 0 : i32
      %add3A_322 = arith.addi %add3A_220, %add3A_321 : i32
      %get3A_323 = arith.index_cast %add3A_322 : i32 to index
      %get3A_324 = arith.constant 32 : index
      %get3A_325 = tpu.vector_load %arg17[%get3A_323, %get3A_324] {strides = array<i32>} : memref<120x128xf32, #tpu.memory_space<vmem>>, vector<16xf32>,
      %mul3A_326 = arith.mulf %get3A_325, %gather3A : vector<16xf32>
      %add3A_327 = arith.constant 0 : i32
      %add3A_328 = arith.addi %add3A_220, %add3A_327 : i32
      %swap3A_329 = arith.index_cast %add3A_328 : i32 to index
      %swap3A_330 = arith.constant 32 : index
      %swap3A_331 = tpu.vector_load %arg17[%swap3A_329, %swap3A_330] {strides = array<i32>} : memref<120x128xf32, #tpu.memory_space<vmem>>, vector<16xf32>,
      tpu.vector_store %arg17[%swap3A_329, %swap3A_330], %mul3A_326 {strides = array<i32>} : memref<120x128xf32, #tpu.memory_space<vmem>>, vector<16xf32>,
      %add3A_332 = arith.constant 1 : i32
      %add3A_333 = arith.addi %add3A_220, %add3A_332 : i32
      %get3A_334 = arith.index_cast %add3A_333 : i32 to index
      %get3A_335 = arith.constant 32 : index
      %get3A_336 = tpu.vector_load %arg17[%get3A_334, %get3A_335] {strides = array<i32>} : memref<120x128xf32, #tpu.memory_space<vmem>>, vector<16xf32>,
      %mul3A_337 = arith.mulf %get3A_336, %gather3A_226 : vector<16xf32>
      %add3A_338 = arith.constant 1 : i32
      %add3A_339 = arith.addi %add3A_220, %add3A_338 : i32
      %swap3A_340 = arith.index_cast %add3A_339 : i32 to index
      %swap3A_341 = arith.constant 32 : index
      %swap3A_342 = tpu.vector_load %arg17[%swap3A_340, %swap3A_341] {strides = array<i32>} : memref<120x128xf32, #tpu.memory_space<vmem>>, vector<16xf32>,
      tpu.vector_store %arg17[%swap3A_340, %swap3A_341], %mul3A_337 {strides = array<i32>} : memref<120x128xf32, #tpu.memory_space<vmem>>, vector<16xf32>,
      %add3A_343 = arith.constant 2 : i32
      %add3A_344 = arith.addi %add3A_220, %add3A_343 : i32
      %get3A_345 = arith.index_cast %add3A_344 : i32 to index
      %get3A_346 = arith.constant 32 : index
      %get3A_347 = tpu.vector_load %arg17[%get3A_345, %get3A_346] {strides = array<i32>} : memref<120x128xf32, #tpu.memory_space<vmem>>, vector<16xf32>,
      %mul3A_348 = arith.mulf %get3A_347, %gather3A_230 : vector<16xf32>
      %add3A_349 = arith.constant 2 : i32
      %add3A_350 = arith.addi %add3A_220, %add3A_349 : i32
      %swap3A_351 = arith.index_cast %add3A_350 : i32 to index
      %swap3A_352 = arith.constant 32 : index
      %swap3A_353 = tpu.vector_load %arg17[%swap3A_351, %swap3A_352] {strides = array<i32>} : memref<120x128xf32, #tpu.memory_space<vmem>>, vector<16xf32>,
      tpu.vector_store %arg17[%swap3A_351, %swap3A_352], %mul3A_348 {strides = array<i32>} : memref<120x128xf32, #tpu.memory_space<vmem>>, vector<16xf32>,
      %add3A_354 = arith.constant 3 : i32
      %add3A_355 = arith.addi %add3A_220, %add3A_354 : i32
      %get3A_356 = arith.index_cast %add3A_355 : i32 to index
      %get3A_357 = arith.constant 32 : index
      %get3A_358 = tpu.vector_load %arg17[%get3A_356, %get3A_357] {strides = array<i32>} : memref<120x128xf32, #tpu.memory_space<vmem>>, vector<16xf32>,
      %mul3A_359 = arith.mulf %get3A_358, %gather3A_234 : vector<16xf32>
      %add3A_360 = arith.constant 3 : i32
      %add3A_361 = arith.addi %add3A_220, %add3A_360 : i32
      %swap3A_362 = arith.index_cast %add3A_361 : i32 to index
      %swap3A_363 = arith.constant 32 : index
      %swap3A_364 = tpu.vector_load %arg17[%swap3A_362, %swap3A_363] {strides = array<i32>} : memref<120x128xf32, #tpu.memory_space<vmem>>, vector<16xf32>,
      tpu.vector_store %arg17[%swap3A_362, %swap3A_363], %mul3A_359 {strides = array<i32>} : memref<120x128xf32, #tpu.memory_space<vmem>>, vector<16xf32>,
      %add3A_365 = arith.constant 0 : i32
      %add3A_366 = arith.addi %add3A_220, %add3A_365 : i32
      %get3A_367 = arith.index_cast %add3A_366 : i32 to index
      %get3A_368 = arith.constant 48 : index
      %get3A_369 = tpu.vector_load %arg17[%get3A_367, %get3A_368] {strides = array<i32>} : memref<120x128xf32, #tpu.memory_space<vmem>>, vector<16xf32>,
      %mul3A_370 = arith.mulf %get3A_369, %gather3A : vector<16xf32>
      %add3A_371 = arith.constant 0 : i32
      %add3A_372 = arith.addi %add3A_220, %add3A_371 : i32
      %swap3A_373 = arith.index_cast %add3A_372 : i32 to index
      %swap3A_374 = arith.constant 48 : index
      %swap3A_375 = tpu.vector_load %arg17[%swap3A_373, %swap3A_374] {strides = array<i32>} : memref<120x128xf32, #tpu.memory_space<vmem>>, vector<16xf32>,
      tpu.vector_store %arg17[%swap3A_373, %swap3A_374], %mul3A_370 {strides = array<i32>} : memref<120x128xf32, #tpu.memory_space<vmem>>, vector<16xf32>,
      %add3A_376 = arith.constant 1 : i32
      %add3A_377 = arith.addi %add3A_220, %add3A_376 : i32
      %get3A_378 = arith.index_cast %add3A_377 : i32 to index
      %get3A_379 = arith.constant 48 : index
      %get3A_380 = tpu.vector_load %arg17[%get3A_378, %get3A_379] {strides = array<i32>} : memref<120x128xf32, #tpu.memory_space<vmem>>, vector<16xf32>,
      %mul3A_381 = arith.mulf %get3A_380, %gather3A_226 : vector<16xf32>
      %add3A_382 = arith.constant 1 : i32
      %add3A_383 = arith.addi %add3A_220, %add3A_382 : i32
      %swap3A_384 = arith.index_cast %add3A_383 : i32 to index
      %swap3A_385 = arith.constant 48 : index
      %swap3A_386 = tpu.vector_load %arg17[%swap3A_384, %swap3A_385] {strides = array<i32>} : memref<120x128xf32, #tpu.memory_space<vmem>>, vector<16xf32>,
      tpu.vector_store %arg17[%swap3A_384, %swap3A_385], %mul3A_381 {strides = array<i32>} : memref<120x128xf32, #tpu.memory_space<vmem>>, vector<16xf32>,
      %add3A_387 = arith.constant 2 : i32
      %add3A_388 = arith.addi %add3A_220, %add3A_387 : i32
      %get3A_389 = arith.index_cast %add3A_388 : i32 to index
      %get3A_390 = arith.constant 48 : index
      %get3A_391 = tpu.vector_load %arg17[%get3A_389, %get3A_390] {strides = array<i32>} : memref<120x128xf32, #tpu.memory_space<vmem>>, vector<16xf32>,
      %mul3A_392 = arith.mulf %get3A_391, %gather3A_230 : vector<16xf32>
      %add3A_393 = arith.constant 2 : i32
      %add3A_394 = arith.addi %add3A_220, %add3A_393 : i32
      %swap3A_395 = arith.index_cast %add3A_394 : i32 to index
      %swap3A_396 = arith.constant 48 : index
      %swap3A_397 = tpu.vector_load %arg17[%swap3A_395, %swap3A_396] {strides = array<i32>} : memref<120x128xf32, #tpu.memory_space<vmem>>, vector<16xf32>,
      tpu.vector_store %arg17[%swap3A_395, %swap3A_396], %mul3A_392 {strides = array<i32>} : memref<120x128xf32, #tpu.memory_space<vmem>>, vector<16xf32>,
      %add3A_398 = arith.constant 3 : i32
      %add3A_399 = arith.addi %add3A_220, %add3A_398 : i32
      %get3A_400 = arith.index_cast %add3A_399 : i32 to index
      %get3A_401 = arith.constant 48 : index
      %get3A_402 = tpu.vector_load %arg17[%get3A_400, %get3A_401] {strides = array<i32>} : memref<120x128xf32, #tpu.memory_space<vmem>>, vector<16xf32>,
      %mul3A_403 = arith.mulf %get3A_402, %gather3A_234 : vector<16xf32>
      %add3A_404 = arith.constant 3 : i32
      %add3A_405 = arith.addi %add3A_220, %add3A_404 : i32
      %swap3A_406 = arith.index_cast %add3A_405 : i32 to index
      %swap3A_407 = arith.constant 48 : index
      %swap3A_408 = tpu.vector_load %arg17[%swap3A_406, %swap3A_407] {strides = array<i32>} : memref<120x128xf32, #tpu.memory_space<vmem>>, vector<16xf32>,
      tpu.vector_store %arg17[%swap3A_406, %swap3A_407], %mul3A_403 {strides = array<i32>} : memref<120x128xf32, #tpu.memory_space<vmem>>, vector<16xf32>,
      %add3A_409 = arith.constant 0 : i32
      %add3A_410 = arith.addi %add3A_220, %add3A_409 : i32
      %get3A_411 = arith.index_cast %add3A_410 : i32 to index
      %get3A_412 = arith.constant 64 : index
      %get3A_413 = tpu.vector_load %arg17[%get3A_411, %get3A_412] {strides = array<i32>} : memref<120x128xf32, #tpu.memory_space<vmem>>, vector<16xf32>,
      %mul3A_414 = arith.mulf %get3A_413, %gather3A : vector<16xf32>
      %add3A_415 = arith.constant 0 : i32
      %add3A_416 = arith.addi %add3A_220, %add3A_415 : i32
      %swap3A_417 = arith.index_cast %add3A_416 : i32 to index
      %swap3A_418 = arith.constant 64 : index
      %swap3A_419 = tpu.vector_load %arg17[%swap3A_417, %swap3A_418] {strides = array<i32>} : memref<120x128xf32, #tpu.memory_space<vmem>>, vector<16xf32>,
      tpu.vector_store %arg17[%swap3A_417, %swap3A_418], %mul3A_414 {strides = array<i32>} : memref<120x128xf32, #tpu.memory_space<vmem>>, vector<16xf32>,
      %add3A_420 = arith.constant 1 : i32
      %add3A_421 = arith.addi %add3A_220, %add3A_420 : i32
      %get3A_422 = arith.index_cast %add3A_421 : i32 to index
      %get3A_423 = arith.constant 64 : index
      %get3A_424 = tpu.vector_load %arg17[%get3A_422, %get3A_423] {strides = array<i32>} : memref<120x128xf32, #tpu.memory_space<vmem>>, vector<16xf32>,
      %mul3A_425 = arith.mulf %get3A_424, %gather3A_226 : vector<16xf32>
      %add3A_426 = arith.constant 1 : i32
      %add3A_427 = arith.addi %add3A_220, %add3A_426 : i32
      %swap3A_428 = arith.index_cast %add3A_427 : i32 to index
      %swap3A_429 = arith.constant 64 : index
      %swap3A_430 = tpu.vector_load %arg17[%swap3A_428, %swap3A_429] {strides = array<i32>} : memref<120x128xf32, #tpu.memory_space<vmem>>, vector<16xf32>,
      tpu.vector_store %arg17[%swap3A_428, %swap3A_429], %mul3A_425 {strides = array<i32>} : memref<120x128xf32, #tpu.memory_space<vmem>>, vector<16xf32>,
      %add3A_431 = arith.constant 2 : i32
      %add3A_432 = arith.addi %add3A_220, %add3A_431 : i32
      %get3A_433 = arith.index_cast %add3A_432 : i32 to index
      %get3A_434 = arith.constant 64 : index
      %get3A_435 = tpu.vector_load %arg17[%get3A_433, %get3A_434] {strides = array<i32>} : memref<120x128xf32, #tpu.memory_space<vmem>>, vector<16xf32>,
      %mul3A_436 = arith.mulf %get3A_435, %gather3A_230 : vector<16xf32>
      %add3A_437 = arith.constant 2 : i32
      %add3A_438 = arith.addi %add3A_220, %add3A_437 : i32
      %swap3A_439 = arith.index_cast %add3A_438 : i32 to index
      %swap3A_440 = arith.constant 64 : index
      %swap3A_441 = tpu.vector_load %arg17[%swap3A_439, %swap3A_440] {strides = array<i32>} : memref<120x128xf32, #tpu.memory_space<vmem>>, vector<16xf32>,
      tpu.vector_store %arg17[%swap3A_439, %swap3A_440], %mul3A_436 {strides = array<i32>} : memref<120x128xf32, #tpu.memory_space<vmem>>, vector<16xf32>,
      %add3A_442 = arith.constant 3 : i32
      %add3A_443 = arith.addi %add3A_220, %add3A_442 : i32
      %get3A_444 = arith.index_cast %add3A_443 : i32 to index
      %get3A_445 = arith.constant 64 : index
      %get3A_446 = tpu.vector_load %arg17[%get3A_444, %get3A_445] {strides = array<i32>} : memref<120x128xf32, #tpu.memory_space<vmem>>, vector<16xf32>,
      %mul3A_447 = arith.mulf %get3A_446, %gather3A_234 : vector<16xf32>
      %add3A_448 = arith.constant 3 : i32
      %add3A_449 = arith.addi %add3A_220, %add3A_448 : i32
      %swap3A_450 = arith.index_cast %add3A_449 : i32 to index
      %swap3A_451 = arith.constant 64 : index
      %swap3A_452 = tpu.vector_load %arg17[%swap3A_450, %swap3A_451] {strides = array<i32>} : memref<120x128xf32, #tpu.memory_space<vmem>>, vector<16xf32>,
      tpu.vector_store %arg17[%swap3A_450, %swap3A_451], %mul3A_447 {strides = array<i32>} : memref<120x128xf32, #tpu.memory_space<vmem>>, vector<16xf32>,
      %add3A_453 = arith.constant 0 : i32
      %add3A_454 = arith.addi %add3A_220, %add3A_453 : i32
      %get3A_455 = arith.index_cast %add3A_454 : i32 to index
      %get3A_456 = arith.constant 80 : index
      %get3A_457 = tpu.vector_load %arg17[%get3A_455, %get3A_456] {strides = array<i32>} : memref<120x128xf32, #tpu.memory_space<vmem>>, vector<16xf32>,
      %mul3A_458 = arith.mulf %get3A_457, %gather3A : vector<16xf32>
      %add3A_459 = arith.constant 0 : i32
      %add3A_460 = arith.addi %add3A_220, %add3A_459 : i32
      %swap3A_461 = arith.index_cast %add3A_460 : i32 to index
      %swap3A_462 = arith.constant 80 : index
      %swap3A_463 = tpu.vector_load %arg17[%swap3A_461, %swap3A_462] {strides = array<i32>} : memref<120x128xf32, #tpu.memory_space<vmem>>, vector<16xf32>,
      tpu.vector_store %arg17[%swap3A_461, %swap3A_462], %mul3A_458 {strides = array<i32>} : memref<120x128xf32, #tpu.memory_space<vmem>>, vector<16xf32>,
      %add3A_464 = arith.constant 1 : i32
      %add3A_465 = arith.addi %add3A_220, %add3A_464 : i32
      %get3A_466 = arith.index_cast %add3A_465 : i32 to index
      %get3A_467 = arith.constant 80 : index
      %get3A_468 = tpu.vector_load %arg17[%get3A_466, %get3A_467] {strides = array<i32>} : memref<120x128xf32, #tpu.memory_space<vmem>>, vector<16xf32>,
      %mul3A_469 = arith.mulf %get3A_468, %gather3A_226 : vector<16xf32>
      %add3A_470 = arith.constant 1 : i32
      %add3A_471 = arith.addi %add3A_220, %add3A_470 : i32
      %swap3A_472 = arith.index_cast %add3A_471 : i32 to index
      %swap3A_473 = arith.constant 80 : index
      %swap3A_474 = tpu.vector_load %arg17[%swap3A_472, %swap3A_473] {strides = array<i32>} : memref<120x128xf32, #tpu.memory_space<vmem>>, vector<16xf32>,
      tpu.vector_store %arg17[%swap3A_472, %swap3A_473], %mul3A_469 {strides = array<i32>} : memref<120x128xf32, #tpu.memory_space<vmem>>, vector<16xf32>,
      %add3A_475 = arith.constant 2 : i32
      %add3A_476 = arith.addi %add3A_220, %add3A_475 : i32
      %get3A_477 = arith.index_cast %add3A_476 : i32 to index
      %get3A_478 = arith.constant 80 : index
      %get3A_479 = tpu.vector_load %arg17[%get3A_477, %get3A_478] {strides = array<i32>} : memref<120x128xf32, #tpu.memory_space<vmem>>, vector<16xf32>,
      %mul3A_480 = arith.mulf %get3A_479, %gather3A_230 : vector<16xf32>
      %add3A_481 = arith.constant 2 : i32
      %add3A_482 = arith.addi %add3A_220, %add3A_481 : i32
      %swap3A_483 = arith.index_cast %add3A_482 : i32 to index
      %swap3A_484 = arith.constant 80 : index
      %swap3A_485 = tpu.vector_load %arg17[%swap3A_483, %swap3A_484] {strides = array<i32>} : memref<120x128xf32, #tpu.memory_space<vmem>>, vector<16xf32>,
      tpu.vector_store %arg17[%swap3A_483, %swap3A_484], %mul3A_480 {strides = array<i32>} : memref<120x128xf32, #tpu.memory_space<vmem>>, vector<16xf32>,
      %add3A_486 = arith.constant 3 : i32
      %add3A_487 = arith.addi %add3A_220, %add3A_486 : i32
      %get3A_488 = arith.index_cast %add3A_487 : i32 to index
      %get3A_489 = arith.constant 80 : index
      %get3A_490 = tpu.vector_load %arg17[%get3A_488, %get3A_489] {strides = array<i32>} : memref<120x128xf32, #tpu.memory_space<vmem>>, vector<16xf32>,
      %mul3A_491 = arith.mulf %get3A_490, %gather3A_234 : vector<16xf32>
      %add3A_492 = arith.constant 3 : i32
      %add3A_493 = arith.addi %add3A_220, %add3A_492 : i32
      %swap3A_494 = arith.index_cast %add3A_493 : i32 to index
      %swap3A_495 = arith.constant 80 : index
      %swap3A_496 = tpu.vector_load %arg17[%swap3A_494, %swap3A_495] {strides = array<i32>} : memref<120x128xf32, #tpu.memory_space<vmem>>, vector<16xf32>,
      tpu.vector_store %arg17[%swap3A_494, %swap3A_495], %mul3A_491 {strides = array<i32>} : memref<120x128xf32, #tpu.memory_space<vmem>>, vector<16xf32>,
      %add3A_497 = arith.constant 0 : i32
      %add3A_498 = arith.addi %add3A_220, %add3A_497 : i32
      %get3A_499 = arith.index_cast %add3A_498 : i32 to index
      %get3A_500 = arith.constant 96 : index
      %get3A_501 = tpu.vector_load %arg17[%get3A_499, %get3A_500] {strides = array<i32>} : memref<120x128xf32, #tpu.memory_space<vmem>>, vector<16xf32>,
      %mul3A_502 = arith.mulf %get3A_501, %gather3A : vector<16xf32>
      %add3A_503 = arith.constant 0 : i32
      %add3A_504 = arith.addi %add3A_220, %add3A_503 : i32
      %swap3A_505 = arith.index_cast %add3A_504 : i32 to index
      %swap3A_506 = arith.constant 96 : index
      %swap3A_507 = tpu.vector_load %arg17[%swap3A_505, %swap3A_506] {strides = array<i32>} : memref<120x128xf32, #tpu.memory_space<vmem>>, vector<16xf32>,
      tpu.vector_store %arg17[%swap3A_505, %swap3A_506], %mul3A_502 {strides = array<i32>} : memref<120x128xf32, #tpu.memory_space<vmem>>, vector<16xf32>,
      %add3A_508 = arith.constant 1 : i32
      %add3A_509 = arith.addi %add3A_220, %add3A_508 : i32
      %get3A_510 = arith.index_cast %add3A_509 : i32 to index
      %get3A_511 = arith.constant 96 : index
      %get3A_512 = tpu.vector_load %arg17[%get3A_510, %get3A_511] {strides = array<i32>} : memref<120x128xf32, #tpu.memory_space<vmem>>, vector<16xf32>,
      %mul3A_513 = arith.mulf %get3A_512, %gather3A_226 : vector<16xf32>
      %add3A_514 = arith.constant 1 : i32
      %add3A_515 = arith.addi %add3A_220, %add3A_514 : i32
      %swap3A_516 = arith.index_cast %add3A_515 : i32 to index
      %swap3A_517 = arith.constant 96 : index
      %swap3A_518 = tpu.vector_load %arg17[%swap3A_516, %swap3A_517] {strides = array<i32>} : memref<120x128xf32, #tpu.memory_space<vmem>>, vector<16xf32>,
      tpu.vector_store %arg17[%swap3A_516, %swap3A_517], %mul3A_513 {strides = array<i32>} : memref<120x128xf32, #tpu.memory_space<vmem>>, vector<16xf32>,
      %add3A_519 = arith.constant 2 : i32
      %add3A_520 = arith.addi %add3A_220, %add3A_519 : i32
      %get3A_521 = arith.index_cast %add3A_520 : i32 to index
      %get3A_522 = arith.constant 96 : index
      %get3A_523 = tpu.vector_load %arg17[%get3A_521, %get3A_522] {strides = array<i32>} : memref<120x128xf32, #tpu.memory_space<vmem>>, vector<16xf32>,
      %mul3A_524 = arith.mulf %get3A_523, %gather3A_230 : vector<16xf32>
      %add3A_525 = arith.constant 2 : i32
      %add3A_526 = arith.addi %add3A_220, %add3A_525 : i32
      %swap3A_527 = arith.index_cast %add3A_526 : i32 to index
      %swap3A_528 = arith.constant 96 : index
      %swap3A_529 = tpu.vector_load %arg17[%swap3A_527, %swap3A_528] {strides = array<i32>} : memref<120x128xf32, #tpu.memory_space<vmem>>, vector<16xf32>,
      tpu.vector_store %arg17[%swap3A_527, %swap3A_528], %mul3A_524 {strides = array<i32>} : memref<120x128xf32, #tpu.memory_space<vmem>>, vector<16xf32>,
      %add3A_530 = arith.constant 3 : i32
      %add3A_531 = arith.addi %add3A_220, %add3A_530 : i32
      %get3A_532 = arith.index_cast %add3A_531 : i32 to index
      %get3A_533 = arith.constant 96 : index
      %get3A_534 = tpu.vector_load %arg17[%get3A_532, %get3A_533] {strides = array<i32>} : memref<120x128xf32, #tpu.memory_space<vmem>>, vector<16xf32>,
      %mul3A_535 = arith.mulf %get3A_534, %gather3A_234 : vector<16xf32>
      %add3A_536 = arith.constant 3 : i32
      %add3A_537 = arith.addi %add3A_220, %add3A_536 : i32
      %swap3A_538 = arith.index_cast %add3A_537 : i32 to index
      %swap3A_539 = arith.constant 96 : index
      %swap3A_540 = tpu.vector_load %arg17[%swap3A_538, %swap3A_539] {strides = array<i32>} : memref<120x128xf32, #tpu.memory_space<vmem>>, vector<16xf32>,
      tpu.vector_store %arg17[%swap3A_538, %swap3A_539], %mul3A_535 {strides = array<i32>} : memref<120x128xf32, #tpu.memory_space<vmem>>, vector<16xf32>,
      %add3A_541 = arith.constant 0 : i32
      %add3A_542 = arith.addi %add3A_220, %add3A_541 : i32
      %get3A_543 = arith.index_cast %add3A_542 : i32 to index
      %get3A_544 = arith.constant 112 : index
      %get3A_545 = tpu.vector_load %arg17[%get3A_543, %get3A_544] {strides = array<i32>} : memref<120x128xf32, #tpu.memory_space<vmem>>, vector<16xf32>,
      %mul3A_546 = arith.mulf %get3A_545, %gather3A : vector<16xf32>
      %add3A_547 = arith.constant 0 : i32
      %add3A_548 = arith.addi %add3A_220, %add3A_547 : i32
      %swap3A_549 = arith.index_cast %add3A_548 : i32 to index
      %swap3A_550 = arith.constant 112 : index
      %swap3A_551 = tpu.vector_load %arg17[%swap3A_549, %swap3A_550] {strides = array<i32>} : memref<120x128xf32, #tpu.memory_space<vmem>>, vector<16xf32>,
      tpu.vector_store %arg17[%swap3A_549, %swap3A_550], %mul3A_546 {strides = array<i32>} : memref<120x128xf32, #tpu.memory_space<vmem>>, vector<16xf32>,
      %add3A_552 = arith.constant 1 : i32
      %add3A_553 = arith.addi %add3A_220, %add3A_552 : i32
      %get3A_554 = arith.index_cast %add3A_553 : i32 to index
      %get3A_555 = arith.constant 112 : index
      %get3A_556 = tpu.vector_load %arg17[%get3A_554, %get3A_555] {strides = array<i32>} : memref<120x128xf32, #tpu.memory_space<vmem>>, vector<16xf32>,
      %mul3A_557 = arith.mulf %get3A_556, %gather3A_226 : vector<16xf32>
      %add3A_558 = arith.constant 1 : i32
      %add3A_559 = arith.addi %add3A_220, %add3A_558 : i32
      %swap3A_560 = arith.index_cast %add3A_559 : i32 to index
      %swap3A_561 = arith.constant 112 : index
      %swap3A_562 = tpu.vector_load %arg17[%swap3A_560, %swap3A_561] {strides = array<i32>} : memref<120x128xf32, #tpu.memory_space<vmem>>, vector<16xf32>,
      tpu.vector_store %arg17[%swap3A_560, %swap3A_561], %mul3A_557 {strides = array<i32>} : memref<120x128xf32, #tpu.memory_space<vmem>>, vector<16xf32>,
      %add3A_563 = arith.constant 2 : i32
      %add3A_564 = arith.addi %add3A_220, %add3A_563 : i32
      %get3A_565 = arith.index_cast %add3A_564 : i32 to index
      %get3A_566 = arith.constant 112 : index
      %get3A_567 = tpu.vector_load %arg17[%get3A_565, %get3A_566] {strides = array<i32>} : memref<120x128xf32, #tpu.memory_space<vmem>>, vector<16xf32>,
      %mul3A_568 = arith.mulf %get3A_567, %gather3A_230 : vector<16xf32>
      %add3A_569 = arith.constant 2 : i32
      %add3A_570 = arith.addi %add3A_220, %add3A_569 : i32
      %swap3A_571 = arith.index_cast %add3A_570 : i32 to index
      %swap3A_572 = arith.constant 112 : index
      %swap3A_573 = tpu.vector_load %arg17[%swap3A_571, %swap3A_572] {strides = array<i32>} : memref<120x128xf32, #tpu.memory_space<vmem>>, vector<16xf32>,
      tpu.vector_store %arg17[%swap3A_571, %swap3A_572], %mul3A_568 {strides = array<i32>} : memref<120x128xf32, #tpu.memory_space<vmem>>, vector<16xf32>,
      %add3A_574 = arith.constant 3 : i32
      %add3A_575 = arith.addi %add3A_220, %add3A_574 : i32
      %get3A_576 = arith.index_cast %add3A_575 : i32 to index
      %get3A_577 = arith.constant 112 : index
      %get3A_578 = tpu.vector_load %arg17[%get3A_576, %get3A_577] {strides = array<i32>} : memref<120x128xf32, #tpu.memory_space<vmem>>, vector<16xf32>,
      %mul3A_579 = arith.mulf %get3A_578, %gather3A_234 : vector<16xf32>
      %add3A_580 = arith.constant 3 : i32
      %add3A_581 = arith.addi %add3A_220, %add3A_580 : i32
      %swap3A_582 = arith.index_cast %add3A_581 : i32 to index
      %swap3A_583 = arith.constant 112 : index
      %swap3A_584 = tpu.vector_load %arg17[%swap3A_582, %swap3A_583] {strides = array<i32>} : memref<120x128xf32, #tpu.memory_space<vmem>>, vector<16xf32>,
      tpu.vector_store %arg17[%swap3A_582, %swap3A_583], %mul3A_579 {strides = array<i32>} : memref<120x128xf32, #tpu.memory_space<vmem>>, vector<16xf32>,
    }
    %scan3A_193 = arith.constant 30 : i32
    %dma_start3A_194 = arith.constant 0 : i32
    %dma_start3A_195 = arith.constant 0 : i32
    %dma_start3A_196 = tpu.memref_slice %arg32[%dma_start3A_194, %dma_start3A_195] : memref<10112x128xf32, #tpu.memory_space<vmem_shared>> -> memref<10112x128xf32, #tpu.memory_space<vmem_shared>>
    tpu.enqueue_indirect_dma source(%arg17 : memref<120x128xf32, #tpu.memory_space<vmem>>) target(%dma_start3A_196 : memref<10112x128xf32, #tpu.memory_space<vmem_shared>>) offsets(%arg11 : memref<120xi32, #tpu.memory_space<vmem>>) semaphore(%arg29 : memref<!tpu.dma_semaphore, #tpu.memory_space<semaphore_mem>>) {add = true}
    %dma_wait3A_197 = arith.constant 0 : i32
    %dma_wait3A_198 = arith.constant 0 : i32
    %dma_wait3A_199 = tpu.memref_slice %arg32[%dma_wait3A_197, %dma_wait3A_198] : memref<10112x128xf32, #tpu.memory_space<vmem_shared>> -> memref<10112x128xf32, #tpu.memory_space<vmem_shared>>
    tpu.wait_indirect_dma semaphore(%arg28 : memref<!tpu.dma_semaphore, #tpu.memory_space<semaphore_mem>>) src(%arg16 : memref<120x128xf32, #tpu.memory_space<vmem>>) dst(%dma_wait3A_199 : memref<10112x128xf32, #tpu.memory_space<vmem_shared>>)
    %dma_wait3A_200 = arith.constant 0 : i32
    %dma_wait3A_201 = arith.constant 0 : i32
    %dma_wait3A_202 = tpu.memref_slice %arg32[%dma_wait3A_200, %dma_wait3A_201] : memref<10112x128xf32, #tpu.memory_space<vmem_shared>> -> memref<10112x128xf32, #tpu.memory_space<vmem_shared>>
    tpu.wait_indirect_dma semaphore(%arg29 : memref<!tpu.dma_semaphore, #tpu.memory_space<semaphore_mem>>) src(%arg17 : memref<120x128xf32, #tpu.memory_space<vmem>>) dst(%dma_wait3A_202 : memref<10112x128xf32, #tpu.memory_space<vmem_shared>>)
    %dma_wait3A_203 = arith.constant 0 : i32
    %dma_wait3A_204 = arith.constant 0 : i32
    %dma_wait3A_205 = tpu.memref_slice %arg32[%dma_wait3A_203, %dma_wait3A_204] : memref<10112x128xf32, #tpu.memory_space<vmem_shared>> -> memref<10112x128xf32, #tpu.memory_space<vmem_shared>>
    tpu.wait_indirect_dma semaphore(%arg30 : memref<!tpu.dma_semaphore, #tpu.memory_space<semaphore_mem>>) src(%arg18 : memref<120x128xf32, #tpu.memory_space<vmem>>) dst(%dma_wait3A_205 : memref<10112x128xf32, #tpu.memory_space<vmem_shared>>)
    %add3A_206 = arith.constant 9960 : i32
    %add3A_207 = arith.addi %mul3A_2, %add3A_206 : i32
    "tpu.region"() ({
      %run_scoped3A = tpu.sem_alloc : memref<!tpu.dma_semaphore, #tpu.memory_space<semaphore_mem>>
      %dma_start3A_216 = tpu.memref_slice %arg2[%add3A_207] : memref<640000xi32, #tpu.memory_space<hbm>> -> memref<40xi32, #tpu.memory_space<hbm>>
      %dma_start3A_217 = tpu.memref_slice %arg2[%add3A_207] : memref<640000xi32, #tpu.memory_space<hbm>> -> memref<40xi32, #tpu.memory_space<hbm>>
      tpu.enqueue_dma source(%dma_start3A_217 : memref<40xi32, #tpu.memory_space<hbm>>) target(%arg19 : memref<40xi32, #tpu.memory_space<vmem>>) target_semaphore(%run_scoped3A : memref<!tpu.dma_semaphore, #tpu.memory_space<semaphore_mem>>)
      %dma_wait3A_218 = tpu.memref_slice %arg2[%add3A_207] : memref<640000xi32, #tpu.memory_space<hbm>> -> memref<40xi32, #tpu.memory_space<hbm>>
      %dma_wait3A_219 = tpu.memref_slice %arg2[%add3A_207] : memref<640000xi32, #tpu.memory_space<hbm>> -> memref<40xi32, #tpu.memory_space<hbm>>
      tpu.wait_dma2 semaphore(%run_scoped3A : memref<!tpu.dma_semaphore, #tpu.memory_space<semaphore_mem>>) src(%dma_wait3A_219 : memref<40xi32, #tpu.memory_space<hbm>>) dst(%arg19 : memref<40xi32, #tpu.memory_space<vmem>>)
      tpu.yield
    }) : () -> ()
    %add3A_208 = arith.constant 320000 : i32
    %add3A_209 = arith.addi %add3A_208, %add3A_207 : i32
    "tpu.region"() ({
      %run_scoped3A = tpu.sem_alloc : memref<!tpu.dma_semaphore, #tpu.memory_space<semaphore_mem>>
      %dma_start3A_216 = tpu.memref_slice %arg2[%add3A_209] : memref<640000xi32, #tpu.memory_space<hbm>> -> memref<40xi32, #tpu.memory_space<hbm>>
      %dma_start3A_217 = tpu.memref_slice %arg2[%add3A_209] : memref<640000xi32, #tpu.memory_space<hbm>> -> memref<40xi32, #tpu.memory_space<hbm>>
      tpu.enqueue_dma source(%dma_start3A_217 : memref<40xi32, #tpu.memory_space<hbm>>) target(%arg20 : memref<40xi32, #tpu.memory_space<vmem>>) target_semaphore(%run_scoped3A : memref<!tpu.dma_semaphore, #tpu.memory_space<semaphore_mem>>)
      %dma_wait3A_218 = tpu.memref_slice %arg2[%add3A_209] : memref<640000xi32, #tpu.memory_space<hbm>> -> memref<40xi32, #tpu.memory_space<hbm>>
      %dma_wait3A_219 = tpu.memref_slice %arg2[%add3A_209] : memref<640000xi32, #tpu.memory_space<hbm>> -> memref<40xi32, #tpu.memory_space<hbm>>
      tpu.wait_dma2 semaphore(%run_scoped3A : memref<!tpu.dma_semaphore, #tpu.memory_space<semaphore_mem>>) src(%dma_wait3A_219 : memref<40xi32, #tpu.memory_space<hbm>>) dst(%arg20 : memref<40xi32, #tpu.memory_space<vmem>>)
      tpu.yield
    }) : () -> ()
    "tpu.region"() ({
      %run_scoped3A = tpu.sem_alloc : memref<!tpu.dma_semaphore, #tpu.memory_space<semaphore_mem>>
      %dma_start3A_216 = tpu.memref_slice %arg4[%add3A_207] : memref<320000xf32, #tpu.memory_space<hbm>> -> memref<40xf32, #tpu.memory_space<hbm>>
      %dma_start3A_217 = tpu.memref_slice %arg4[%add3A_207] : memref<320000xf32, #tpu.memory_space<hbm>> -> memref<40xf32, #tpu.memory_space<hbm>>
      tpu.enqueue_dma source(%dma_start3A_217 : memref<40xf32, #tpu.memory_space<hbm>>) target(%arg21 : memref<40xf32, #tpu.memory_space<vmem>>) target_semaphore(%run_scoped3A : memref<!tpu.dma_semaphore, #tpu.memory_space<semaphore_mem>>)
      %dma_wait3A_218 = tpu.memref_slice %arg4[%add3A_207] : memref<320000xf32, #tpu.memory_space<hbm>> -> memref<40xf32, #tpu.memory_space<hbm>>
      %dma_wait3A_219 = tpu.memref_slice %arg4[%add3A_207] : memref<320000xf32, #tpu.memory_space<hbm>> -> memref<40xf32, #tpu.memory_space<hbm>>
      tpu.wait_dma2 semaphore(%run_scoped3A : memref<!tpu.dma_semaphore, #tpu.memory_space<semaphore_mem>>) src(%dma_wait3A_219 : memref<40xf32, #tpu.memory_space<hbm>>) dst(%arg21 : memref<40xf32, #tpu.memory_space<vmem>>)
      tpu.yield
    }) : () -> ()
    "tpu.region"() ({
      %run_scoped3A = tpu.sem_alloc : memref<!tpu.dma_semaphore, #tpu.memory_space<semaphore_mem>>
      %dma_start3A_216 = arith.constant 0 : i32
      %dma_start3A_217 = arith.constant 0 : i32
      %dma_start3A_218 = tpu.memref_slice %arg16[%dma_start3A_216, %dma_start3A_217] : memref<120x128xf32, #tpu.memory_space<vmem>> -> memref<40x128xf32, #tpu.memory_space<vmem>>
      %dma_start3A_219 = arith.constant 0 : i32
      %dma_start3A_220 = arith.constant 0 : i32
      %dma_start3A_221 = tpu.memref_slice %arg3[%dma_start3A_219, %dma_start3A_220] : memref<10000x128xf32, #tpu.memory_space<hbm>> -> memref<10000x128xf32, #tpu.memory_space<hbm>>
      tpu.enqueue_indirect_dma source(%dma_start3A_221 : memref<10000x128xf32, #tpu.memory_space<hbm>>) target(%dma_start3A_218 : memref<40x128xf32, #tpu.memory_space<vmem>>) offsets(%arg19 : memref<40xi32, #tpu.memory_space<vmem>>) semaphore(%run_scoped3A : memref<!tpu.dma_semaphore, #tpu.memory_space<semaphore_mem>>)
      %dma_wait3A_222 = arith.constant 0 : i32
      %dma_wait3A_223 = arith.constant 0 : i32
      %dma_wait3A_224 = tpu.memref_slice %arg16[%dma_wait3A_222, %dma_wait3A_223] : memref<120x128xf32, #tpu.memory_space<vmem>> -> memref<40x128xf32, #tpu.memory_space<vmem>>
      %dma_wait3A_225 = arith.constant 0 : i32
      %dma_wait3A_226 = arith.constant 0 : i32
      %dma_wait3A_227 = tpu.memref_slice %arg3[%dma_wait3A_225, %dma_wait3A_226] : memref<10000x128xf32, #tpu.memory_space<hbm>> -> memref<10000x128xf32, #tpu.memory_space<hbm>>
      tpu.wait_indirect_dma semaphore(%run_scoped3A : memref<!tpu.dma_semaphore, #tpu.memory_space<semaphore_mem>>) src(%dma_wait3A_227 : memref<10000x128xf32, #tpu.memory_space<hbm>>) dst(%dma_wait3A_224 : memref<40x128xf32, #tpu.memory_space<vmem>>)
      tpu.yield
    }) : () -> ()
    %scan3A_210 = arith.constant 0 : i32
    %scan3A_211 = arith.constant 40 : i32
    %scan3A_212 = arith.addi %scan3A_210, %scan3A_211 : i32
    %scan3A_213 = arith.constant 1 : i32
    scf.for %scan3A_216 = %scan3A_210 to %scan3A_212 step %scan3A_213  : i32 {
      %mul3A_217 = arith.constant 1 : i32
      %mul3A_218 = arith.muli %scan3A_216, %mul3A_217 : i32
      %add3A_219 = arith.constant 0 : i32
      %add3A_220 = arith.addi %add3A_219, %mul3A_218 : i32
      %broadcast_in_dim3A = vector.broadcast %add3A_220 : i32 to vector<16xi32>
      %gather3A = tpu.vector_load_idx %arg21[%broadcast_in_dim3A] : memref<40xf32, #tpu.memory_space<vmem>>[vector<16xi32>], vector<16xf32>,
      %get3A = arith.index_cast %add3A_220 : i32 to index
      %get3A_221 = arith.constant 0 : index
      %get3A_222 = tpu.vector_load %arg16[%get3A, %get3A_221] {strides = array<i32>} : memref<120x128xf32, #tpu.memory_space<vmem>>, vector<16xf32>,
      %mul3A_223 = arith.mulf %get3A_222, %gather3A : vector<16xf32>
      %swap3A = arith.index_cast %add3A_220 : i32 to index
      %swap3A_224 = arith.constant 0 : index
      %swap3A_225 = tpu.vector_load %arg16[%swap3A, %swap3A_224] {strides = array<i32>} : memref<120x128xf32, #tpu.memory_space<vmem>>, vector<16xf32>,
      tpu.vector_store %arg16[%swap3A, %swap3A_224], %mul3A_223 {strides = array<i32>} : memref<120x128xf32, #tpu.memory_space<vmem>>, vector<16xf32>,
      %get3A_226 = arith.index_cast %add3A_220 : i32 to index
      %get3A_227 = arith.constant 16 : index
      %get3A_228 = tpu.vector_load %arg16[%get3A_226, %get3A_227] {strides = array<i32>} : memref<120x128xf32, #tpu.memory_space<vmem>>, vector<16xf32>,
      %mul3A_229 = arith.mulf %get3A_228, %gather3A : vector<16xf32>
      %swap3A_230 = arith.index_cast %add3A_220 : i32 to index
      %swap3A_231 = arith.constant 16 : index
      %swap3A_232 = tpu.vector_load %arg16[%swap3A_230, %swap3A_231] {strides = array<i32>} : memref<120x128xf32, #tpu.memory_space<vmem>>, vector<16xf32>,
      tpu.vector_store %arg16[%swap3A_230, %swap3A_231], %mul3A_229 {strides = array<i32>} : memref<120x128xf32, #tpu.memory_space<vmem>>, vector<16xf32>,
      %get3A_233 = arith.index_cast %add3A_220 : i32 to index
      %get3A_234 = arith.constant 32 : index
      %get3A_235 = tpu.vector_load %arg16[%get3A_233, %get3A_234] {strides = array<i32>} : memref<120x128xf32, #tpu.memory_space<vmem>>, vector<16xf32>,
      %mul3A_236 = arith.mulf %get3A_235, %gather3A : vector<16xf32>
      %swap3A_237 = arith.index_cast %add3A_220 : i32 to index
      %swap3A_238 = arith.constant 32 : index
      %swap3A_239 = tpu.vector_load %arg16[%swap3A_237, %swap3A_238] {strides = array<i32>} : memref<120x128xf32, #tpu.memory_space<vmem>>, vector<16xf32>,
      tpu.vector_store %arg16[%swap3A_237, %swap3A_238], %mul3A_236 {strides = array<i32>} : memref<120x128xf32, #tpu.memory_space<vmem>>, vector<16xf32>,
      %get3A_240 = arith.index_cast %add3A_220 : i32 to index
      %get3A_241 = arith.constant 48 : index
      %get3A_242 = tpu.vector_load %arg16[%get3A_240, %get3A_241] {strides = array<i32>} : memref<120x128xf32, #tpu.memory_space<vmem>>, vector<16xf32>,
      %mul3A_243 = arith.mulf %get3A_242, %gather3A : vector<16xf32>
      %swap3A_244 = arith.index_cast %add3A_220 : i32 to index
      %swap3A_245 = arith.constant 48 : index
      %swap3A_246 = tpu.vector_load %arg16[%swap3A_244, %swap3A_245] {strides = array<i32>} : memref<120x128xf32, #tpu.memory_space<vmem>>, vector<16xf32>,
      tpu.vector_store %arg16[%swap3A_244, %swap3A_245], %mul3A_243 {strides = array<i32>} : memref<120x128xf32, #tpu.memory_space<vmem>>, vector<16xf32>,
      %get3A_247 = arith.index_cast %add3A_220 : i32 to index
      %get3A_248 = arith.constant 64 : index
      %get3A_249 = tpu.vector_load %arg16[%get3A_247, %get3A_248] {strides = array<i32>} : memref<120x128xf32, #tpu.memory_space<vmem>>, vector<16xf32>,
      %mul3A_250 = arith.mulf %get3A_249, %gather3A : vector<16xf32>
      %swap3A_251 = arith.index_cast %add3A_220 : i32 to index
      %swap3A_252 = arith.constant 64 : index
      %swap3A_253 = tpu.vector_load %arg16[%swap3A_251, %swap3A_252] {strides = array<i32>} : memref<120x128xf32, #tpu.memory_space<vmem>>, vector<16xf32>,
      tpu.vector_store %arg16[%swap3A_251, %swap3A_252], %mul3A_250 {strides = array<i32>} : memref<120x128xf32, #tpu.memory_space<vmem>>, vector<16xf32>,
      %get3A_254 = arith.index_cast %add3A_220 : i32 to index
      %get3A_255 = arith.constant 80 : index
      %get3A_256 = tpu.vector_load %arg16[%get3A_254, %get3A_255] {strides = array<i32>} : memref<120x128xf32, #tpu.memory_space<vmem>>, vector<16xf32>,
      %mul3A_257 = arith.mulf %get3A_256, %gather3A : vector<16xf32>
      %swap3A_258 = arith.index_cast %add3A_220 : i32 to index
      %swap3A_259 = arith.constant 80 : index
      %swap3A_260 = tpu.vector_load %arg16[%swap3A_258, %swap3A_259] {strides = array<i32>} : memref<120x128xf32, #tpu.memory_space<vmem>>, vector<16xf32>,
      tpu.vector_store %arg16[%swap3A_258, %swap3A_259], %mul3A_257 {strides = array<i32>} : memref<120x128xf32, #tpu.memory_space<vmem>>, vector<16xf32>,
      %get3A_261 = arith.index_cast %add3A_220 : i32 to index
      %get3A_262 = arith.constant 96 : index
      %get3A_263 = tpu.vector_load %arg16[%get3A_261, %get3A_262] {strides = array<i32>} : memref<120x128xf32, #tpu.memory_space<vmem>>, vector<16xf32>,
      %mul3A_264 = arith.mulf %get3A_263, %gather3A : vector<16xf32>
      %swap3A_265 = arith.index_cast %add3A_220 : i32 to index
      %swap3A_266 = arith.constant 96 : index
      %swap3A_267 = tpu.vector_load %arg16[%swap3A_265, %swap3A_266] {strides = array<i32>} : memref<120x128xf32, #tpu.memory_space<vmem>>, vector<16xf32>,
      tpu.vector_store %arg16[%swap3A_265, %swap3A_266], %mul3A_264 {strides = array<i32>} : memref<120x128xf32, #tpu.memory_space<vmem>>, vector<16xf32>,
      %get3A_268 = arith.index_cast %add3A_220 : i32 to index
      %get3A_269 = arith.constant 112 : index
      %get3A_270 = tpu.vector_load %arg16[%get3A_268, %get3A_269] {strides = array<i32>} : memref<120x128xf32, #tpu.memory_space<vmem>>, vector<16xf32>,
      %mul3A_271 = arith.mulf %get3A_270, %gather3A : vector<16xf32>
      %swap3A_272 = arith.index_cast %add3A_220 : i32 to index
      %swap3A_273 = arith.constant 112 : index
      %swap3A_274 = tpu.vector_load %arg16[%swap3A_272, %swap3A_273] {strides = array<i32>} : memref<120x128xf32, #tpu.memory_space<vmem>>, vector<16xf32>,
      tpu.vector_store %arg16[%swap3A_272, %swap3A_273], %mul3A_271 {strides = array<i32>} : memref<120x128xf32, #tpu.memory_space<vmem>>, vector<16xf32>,
    }
    %scan3A_214 = arith.constant 40 : i32
    "tpu.region"() ({
      %run_scoped3A = tpu.sem_alloc : memref<!tpu.dma_semaphore, #tpu.memory_space<semaphore_mem>>
      %dma_start3A_216 = arith.constant 0 : i32
      %dma_start3A_217 = arith.constant 0 : i32
      %dma_start3A_218 = tpu.memref_slice %arg16[%dma_start3A_216, %dma_start3A_217] : memref<120x128xf32, #tpu.memory_space<vmem>> -> memref<40x128xf32, #tpu.memory_space<vmem>>
      %dma_start3A_219 = arith.constant 0 : i32
      %dma_start3A_220 = arith.constant 0 : i32
      %dma_start3A_221 = tpu.memref_slice %arg32[%dma_start3A_219, %dma_start3A_220] : memref<10112x128xf32, #tpu.memory_space<vmem_shared>> -> memref<10112x128xf32, #tpu.memory_space<vmem_shared>>
      tpu.enqueue_indirect_dma source(%dma_start3A_218 : memref<40x128xf32, #tpu.memory_space<vmem>>) target(%dma_start3A_221 : memref<10112x128xf32, #tpu.memory_space<vmem_shared>>) offsets(%arg20 : memref<40xi32, #tpu.memory_space<vmem>>) semaphore(%run_scoped3A : memref<!tpu.dma_semaphore, #tpu.memory_space<semaphore_mem>>) {add = true}
      %dma_wait3A_222 = arith.constant 0 : i32
      %dma_wait3A_223 = arith.constant 0 : i32
      %dma_wait3A_224 = tpu.memref_slice %arg16[%dma_wait3A_222, %dma_wait3A_223] : memref<120x128xf32, #tpu.memory_space<vmem>> -> memref<40x128xf32, #tpu.memory_space<vmem>>
      %dma_wait3A_225 = arith.constant 0 : i32
      %dma_wait3A_226 = arith.constant 0 : i32
      %dma_wait3A_227 = tpu.memref_slice %arg32[%dma_wait3A_225, %dma_wait3A_226] : memref<10112x128xf32, #tpu.memory_space<vmem_shared>> -> memref<10112x128xf32, #tpu.memory_space<vmem_shared>>
      tpu.wait_indirect_dma semaphore(%run_scoped3A : memref<!tpu.dma_semaphore, #tpu.memory_space<semaphore_mem>>) src(%dma_wait3A_224 : memref<40x128xf32, #tpu.memory_space<vmem>>) dst(%dma_wait3A_227 : memref<10112x128xf32, #tpu.memory_space<vmem_shared>>)
      tpu.yield
    }) : () -> ()
    %barrier3A_215 = arith.constant 0 : index
    tpu.barrier barrier_id(%barrier3A_215)
    "tpu.region"() ({
      %run_scoped3A = tpu.sem_alloc : memref<!tpu.dma_semaphore, #tpu.memory_space<semaphore_mem>>
      %dma_start3A_216 = arith.constant 0 : i32
      %dma_start3A_217 = tpu.memref_slice %arg6[%arg0, %mul3A_4, %dma_start3A_216] : memref<2x10112x128xf32, #tpu.memory_space<hbm>> -> memref<1x632x128xf32, #tpu.memory_space<hbm>>
      %dma_start3A_218 = tpu.memref_squeeze %dma_start3A_217 : memref<1x632x128xf32, #tpu.memory_space<hbm>> -> memref<632x128xf32, #tpu.memory_space<hbm>>
      %dma_start3A_219 = arith.constant 0 : i32
      %dma_start3A_220 = tpu.memref_slice %arg32[%mul3A_4, %dma_start3A_219] : memref<10112x128xf32, #tpu.memory_space<vmem_shared>> -> memref<632x128xf32, #tpu.memory_space<vmem_shared>>
      tpu.enqueue_dma source(%dma_start3A_220 : memref<632x128xf32, #tpu.memory_space<vmem_shared>>) target(%dma_start3A_218 : memref<632x128xf32, #tpu.memory_space<hbm>>) target_semaphore(%run_scoped3A : memref<!tpu.dma_semaphore, #tpu.memory_space<semaphore_mem>>)
      %dma_wait3A_221 = arith.constant 0 : i32
      %dma_wait3A_222 = tpu.memref_slice %arg6[%arg0, %mul3A_4, %dma_wait3A_221] : memref<2x10112x128xf32, #tpu.memory_space<hbm>> -> memref<1x632x128xf32, #tpu.memory_space<hbm>>
      %dma_wait3A_223 = tpu.memref_squeeze %dma_wait3A_222 : memref<1x632x128xf32, #tpu.memory_space<hbm>> -> memref<632x128xf32, #tpu.memory_space<hbm>>
      %dma_wait3A_224 = arith.constant 0 : i32
      %dma_wait3A_225 = tpu.memref_slice %arg32[%mul3A_4, %dma_wait3A_224] : memref<10112x128xf32, #tpu.memory_space<vmem_shared>> -> memref<632x128xf32, #tpu.memory_space<vmem_shared>>
      tpu.wait_dma2 semaphore(%run_scoped3A : memref<!tpu.dma_semaphore, #tpu.memory_space<semaphore_mem>>) src(%dma_wait3A_225 : memref<632x128xf32, #tpu.memory_space<vmem_shared>>) dst(%dma_wait3A_223 : memref<632x128xf32, #tpu.memory_space<hbm>>)
      tpu.yield
    }) : () -> ()
    return
  }
}

module attributes {stable_mosaic.version = 14 : i64} {
  func.func @_tables_body(%arg0: memref<10000x128xf32, #tpu.memory_space<vmem>>, %arg1: memref<10000x128xf32, #tpu.memory_space<vmem>>, %arg2: memref<128x2xf32, #tpu.memory_space<vmem>>, %arg3: memref<10000xf32, #tpu.memory_space<vmem>>, %arg4: memref<10000xi32, #tpu.memory_space<vmem>>, %arg5: memref<10000xi32, #tpu.memory_space<vmem>>, %arg6: memref<40000xf32, #tpu.memory_space<vmem>>) attributes {dimension_semantics = [], scalar_prefetch = 0 : i64, scratch_operands = 0 : i64, tpu.core_type = #tpu.core_type<tc>} {
    %get3A = arith.constant 0 : index
    %get3A_0 = arith.constant 0 : index
    %get3A_1 = vector.load %arg2[%get3A, %get3A_0] : memref<128x2xf32, #tpu.memory_space<vmem>>, vector<128x2xf32>
    %get3A_2 = arith.constant 0 : index
    %get3A_3 = arith.constant 0 : index
    %get3A_4 = vector.load %arg0[%get3A_2, %get3A_3] : memref<10000x128xf32, #tpu.memory_space<vmem>>, vector<10000x128xf32>
    %slice3A = vector.extract_strided_slice %get3A_1 {offsets = [0, 0], sizes = [128, 1], strides = [1, 1]} : vector<128x2xf32> to vector<128x1xf32>
    %squeeze3A = vector.shape_cast %slice3A : vector<128x1xf32> to vector<128xf32>
    %broadcast_in_dim3A = vector.shape_cast %squeeze3A : vector<128xf32> to vector<1x128xf32>
    %mul3A = vector.broadcast %broadcast_in_dim3A : vector<1x128xf32> to vector<10000x128xf32>
    %mul3A_5 = arith.mulf %get3A_4, %mul3A : vector<10000x128xf32>
    %reduce_sum3A = arith.constant dense<0.000000e+00> : vector<10000xf32>
    %reduce_sum3A_6 = vector.multi_reduction <add>, %mul3A_5, %reduce_sum3A [1] : vector<10000x128xf32> to vector<10000xf32>
    %get3A_7 = arith.constant 0 : index
    %get3A_8 = arith.constant 0 : index
    %get3A_9 = vector.load %arg1[%get3A_7, %get3A_8] : memref<10000x128xf32, #tpu.memory_space<vmem>>, vector<10000x128xf32>
    %slice3A_10 = vector.extract_strided_slice %get3A_1 {offsets = [0, 1], sizes = [128, 1], strides = [1, 1]} : vector<128x2xf32> to vector<128x1xf32>
    %squeeze3A_11 = vector.shape_cast %slice3A_10 : vector<128x1xf32> to vector<128xf32>
    %broadcast_in_dim3A_12 = vector.shape_cast %squeeze3A_11 : vector<128xf32> to vector<1x128xf32>
    %mul3A_13 = vector.broadcast %broadcast_in_dim3A_12 : vector<1x128xf32> to vector<10000x128xf32>
    %mul3A_14 = arith.mulf %get3A_9, %mul3A_13 : vector<10000x128xf32>
    %reduce_sum3A_15 = arith.constant dense<0.000000e+00> : vector<10000xf32>
    %reduce_sum3A_16 = vector.multi_reduction <add>, %mul3A_14, %reduce_sum3A_15 [1] : vector<10000x128xf32> to vector<10000xf32>
    %get3A_17 = arith.constant 0 : index
    %get3A_18 = vector.load %arg4[%get3A_17] : memref<10000xi32, #tpu.memory_space<vmem>>, vector<10000xi32>
    %convert_element_type3A = arith.sitofp %get3A_18 : vector<10000xi32> to vector<10000xf32>
    %add3A = arith.constant 1.000000e+00 : f32
    %add3A_19 = vector.broadcast %add3A : f32 to vector<10000xf32>
    %add3A_20 = arith.addf %convert_element_type3A, %add3A_19 : vector<10000xf32>
    %rsqrt3A = math.rsqrt %add3A_20 : vector<10000xf32>
    %get3A_21 = arith.constant 0 : index
    %get3A_22 = vector.load %arg3[%get3A_21] : memref<10000xf32, #tpu.memory_space<vmem>>, vector<10000xf32>
    %mul3A_23 = arith.constant 3.200000e+05 : f32
    %mul3A_24 = vector.broadcast %mul3A_23 : f32 to vector<10000xf32>
    %mul3A_25 = arith.mulf %get3A_22, %mul3A_24 : vector<10000xf32>
    %div3A = arith.divf %rsqrt3A, %mul3A_25 : vector<10000xf32>
    %get3A_26 = arith.constant 0 : index
    %get3A_27 = vector.load %arg5[%get3A_26] : memref<10000xi32, #tpu.memory_space<vmem>>, vector<10000xi32>
    %convert_element_type3A_28 = arith.sitofp %get3A_27 : vector<10000xi32> to vector<10000xf32>
    %add3A_29 = arith.constant 1.000000e+00 : f32
    %add3A_30 = vector.broadcast %add3A_29 : f32 to vector<10000xf32>
    %add3A_31 = arith.addf %convert_element_type3A_28, %add3A_30 : vector<10000xf32>
    %rsqrt3A_32 = math.rsqrt %add3A_31 : vector<10000xf32>
    %swap3A = arith.constant 0 : index
    %swap3A_33 = vector.load %arg6[%swap3A] : memref<40000xf32, #tpu.memory_space<vmem>>, vector<10000xf32>
    tpu.vector_store %arg6[%swap3A], %div3A {strides = array<i32>} : memref<40000xf32, #tpu.memory_space<vmem>>, vector<10000xf32>,
    %swap3A_34 = arith.constant 10000 : index
    %swap3A_35 = vector.load %arg6[%swap3A_34] : memref<40000xf32, #tpu.memory_space<vmem>>, vector<10000xf32>
    tpu.vector_store %arg6[%swap3A_34], %reduce_sum3A_6 {strides = array<i32>} : memref<40000xf32, #tpu.memory_space<vmem>>, vector<10000xf32>,
    %swap3A_36 = arith.constant 20000 : index
    %swap3A_37 = vector.load %arg6[%swap3A_36] : memref<40000xf32, #tpu.memory_space<vmem>>, vector<10000xf32>
    tpu.vector_store %arg6[%swap3A_36], %rsqrt3A_32 {strides = array<i32>} : memref<40000xf32, #tpu.memory_space<vmem>>, vector<10000xf32>,
    %swap3A_38 = arith.constant 30000 : index
    %swap3A_39 = vector.load %arg6[%swap3A_38] : memref<40000xf32, #tpu.memory_space<vmem>>, vector<10000xf32>
    tpu.vector_store %arg6[%swap3A_38], %reduce_sum3A_16 {strides = array<i32>} : memref<40000xf32, #tpu.memory_space<vmem>>, vector<10000xf32>,
    return
  }
}

module attributes {stable_mosaic.version = 14 : i64} {
  func.func @_final_body(%arg0: memref<2x10112x128xf32, #tpu.memory_space<vmem>>, %arg1: memref<128x128xf32, #tpu.memory_space<vmem>>, %arg2: memref<128xf32, #tpu.memory_space<vmem>>, %arg3: memref<10000x128xf32, #tpu.memory_space<vmem>>) attributes {dimension_semantics = [], scalar_prefetch = 0 : i64, scratch_operands = 0 : i64, tpu.core_type = #tpu.core_type<tc>} {
    %get3A = arith.constant 0 : index
    %get3A_0 = arith.constant 0 : index
    %get3A_1 = arith.constant 0 : index
    %get3A_2 = vector.load %arg0[%get3A, %get3A_0, %get3A_1] : memref<2x10112x128xf32, #tpu.memory_space<vmem>>, vector<1x10000x128xf32>
    %get3A_3 = vector.shape_cast %get3A_2 : vector<1x10000x128xf32> to vector<10000x128xf32>
    %get3A_4 = arith.constant 1 : index
    %get3A_5 = arith.constant 0 : index
    %get3A_6 = arith.constant 0 : index
    %get3A_7 = vector.load %arg0[%get3A_4, %get3A_5, %get3A_6] : memref<2x10112x128xf32, #tpu.memory_space<vmem>>, vector<1x10000x128xf32>
    %get3A_8 = vector.shape_cast %get3A_7 : vector<1x10000x128xf32> to vector<10000x128xf32>
    %add3A = arith.addf %get3A_3, %get3A_8 : vector<10000x128xf32>
    %get3A_9 = arith.constant 0 : index
    %get3A_10 = arith.constant 0 : index
    %get3A_11 = vector.load %arg1[%get3A_9, %get3A_10] : memref<128x128xf32, #tpu.memory_space<vmem>>, vector<128x128xf32>
    %dot_general3A = arith.constant dense<0.000000e+00> : vector<10000x128xf32>
    %dot_general3A_12 = tpu.matmul %add3A, %get3A_11, %dot_general3A {dimension_numbers = #tpu.dot_dimension_numbers<[1], [1], [0], [0], [0, 0, 1, 0], [], []>, precision = #tpu.contract_precision<fp32>, transpose_lhs_hint = false} : vector<10000x128xf32>, vector<128x128xf32>, vector<10000x128xf32> -> vector<10000x128xf32>
    %get3A_13 = arith.constant 0 : index
    %get3A_14 = vector.load %arg2[%get3A_13] : memref<128xf32, #tpu.memory_space<vmem>>, vector<128xf32>
    %broadcast_in_dim3A = vector.shape_cast %get3A_14 : vector<128xf32> to vector<1x128xf32>
    %add3A_15 = vector.broadcast %broadcast_in_dim3A : vector<1x128xf32> to vector<10000x128xf32>
    %add3A_16 = arith.addf %dot_general3A_12, %add3A_15 : vector<10000x128xf32>
    %swap3A = arith.constant 0 : index
    %swap3A_17 = arith.constant 0 : index
    %swap3A_18 = vector.load %arg3[%swap3A, %swap3A_17] : memref<10000x128xf32, #tpu.memory_space<vmem>>, vector<10000x128xf32>
    tpu.vector_store %arg3[%swap3A, %swap3A_17], %add3A_16 {strides = array<i32>} : memref<10000x128xf32, #tpu.memory_space<vmem>>, vector<10000x128xf32>,
    return
  }
}

</mosaic_0001>

<sc_bundles>
// kernel: kernel.6.cloned.1.call-start
scs
__scs_entry_jumppad:
0x0: {  	(pc) =	sbr.rel $0x88, $3  }
0x1: {  	(tag) =	ssettag $0x0;
	lr =	simm.s32 $0x1  }
0x2: {  	[smem:$0x3F97] =	sst lr;
	_ =	strace $0xD0000000  }
0x3: {  	_ = 	snop  }
0x4: {  	_ = 	snop  }
0x5: {  	_ = 	snop  }
0x6: {  	_ = 	snop  }
0x7: {  	_ = 	snop  }
__scs_overlays_trampoline_lowered:
0x8: {  	[smem:$0x3FA6] =	sst s0  }
0x9: {  	[smem:$0x3FA7] =	sst s1  }
0xa: {  	[smem:$0x3FA8] =	sst s2  }
0xb: {  	[smem:$0x3FA9] =	sst s3  }
0xc: {  	[smem:$0x3FAA] =	sst s4  }
0xd: {  	[smem:$0x3FAB] =	sst s5  }
0xe: {  	[smem:$0x3FAC] =	sst s6  }
0xf: {  	[smem:$0x3FAD] =	sst s7  }
0x10: {  	[smem:$0x3FAE] =	sst s8  }
0x11: {  	[smem:$0x3FAF] =	sst s9;
	s0 =	simm.s32 @!p0 $0x0  }
0x12: {  	s1 =	sld [smem:$0x3F95];
	s0 =	simm.s32 @p0 $0x1  }
0x13: {  	[smem:$0x3FB0] =	sst s0;
	s0 =	simm.s32 @!p1 $0x0  }
0x14: {  	s2 =	sld [smem:$0x3F94];
	s0 =	simm.s32 @p1 $0x1  }
0x15: {  	[smem:$0x3FB1] =	sst s0;
	s0 =	simm.s32 @!p2 $0x0  }
0x16: {  	s3 =	sld [smem:$0x3FDB];
	s0 =	simm.s32 @p2 $0x1  }
0x17: {  	s4 =	simm.s32 $0x1BF5;
	[smem:$0x3FB3] =	sst s0  }
0x18: {  	s0 =	sld [smem:$0x3F96];
	_ =	swait.ge [sflag:s4], $0x0  }
0x19: {  	s7 =	sld [smem:$0x3F97]  }
0x1a: {  	s8 =	sadd.s32 $0xFFFFE003, lr  }
0x1b: {  	s9 =	sadd.s32 $0xFFFFFEF7, lr;
	s5 =	simm.s32 $0xFFFFFFFF;
	p2 =	slt.u32 s8, $0xFFFFF086  }
0x1c: {  	p1 =	slt.u32 s9, $0xF7A;
	s5 =	simm.s32 @!p2 $0x0  }
0x1d: {  	s5 =	simm.s32 @p1 $0x1;
	p0 =	seq.s32 s7, s2  }
0x1e: {  	s7 =	smul.u32 @!p0 $0xF7A, s2;
	p2 =	seq.s32 @!p0 s5, $0x0  }
0x1f: {  	s9 =	smul.u32 $0xF7A, s1;
	s8 =	simm.s32 @!p0 $0x1BF5;
	p2 =	por !p2, p0  }
0x20: {  	[sflag:s8] =	ssyncset.s32 @!p0 $0xFFFFF086;
	s6 =	sadd.s32 @!p0 s3, s7;
	s7 =	simm.s32 @!p0 $0x108  }
0x21: {  	s3 =	sadd.s32 s3, s9;
	s6 =	sadd.s32 @!p0 $0x88, s6;
	s7 =	simm.s32 @p2 $0x1082  }
0x22: {  	[simem:s7], [sflag:s8] =	dma.local @!p0 [hbm:s6], $0xF7A  }
0x23: {  	s9 =	sor.u32 $0xD0000000, s2;
	s6 =	simm.s32 $0x108;
	_ =	swait.ge @!p0 [sflag:s8], $0x0  }
0x24: {  	s3 =	sadd.s32 $0x88, s3;
	s6 =	simm.s32 @!p1 $0x1082;
	[sflag:s4] =	ssyncset.s32 $0xFFFFF086  }
0x25: {  	[simem:s6], [sflag:s4] =	dma.local [hbm:s3], $0xF7A  }
0x26: {  	[smem:$0x3F97] =	sst s1;
	(tag) =	ssettag s2;
	_ =	strace s9  }
0x27: {  	s1 =	sld [smem:$0x3FA7]  }
0x28: {  	s2 =	sld [smem:$0x3FA8]  }
0x29: {  	s4 =	sld [smem:$0x3FAA]  }
0x2a: {  	p0 =	seq.s32 s5, $0x0;
	s5 =	sld [smem:$0x3FAB]  }
0x2b: {  	s6 =	sld [smem:$0x3FAC]  }
0x2c: {  	s7 =	sld [smem:$0x3FAD]  }
0x2d: {  	s3 =	simm.s32 $0x108;
	s8 =	sld [smem:$0x3FAE]  }
0x2e: {  	s3 =	simm.s32 @!p0 $0x1082;
	s9 =	sld [smem:$0x3FAF]  }
0x2f: {  	lr =	sadd.s32 s0, s3;
	s0 =	sld [smem:$0x3FA6]  }
0x30: {  	s3 =	sld [smem:$0x3FA9]  }
0x31: {  	[smem:$0x3FB2] =	sst s10  }
0x32: {  	s10 =	sld [smem:$0x3FB0];
	_ =	sdelay $0x3  }
0x33: {  	p0 =	seq.s32 s10, $0x1;
	s10 =	sld [smem:$0x3FB2];
	_ =	sdelay $0x3  }
0x34: {  	[smem:$0x3FB2] =	sst s10  }
0x35: {  	s10 =	sld [smem:$0x3FB1];
	_ =	sdelay $0x3  }
0x36: {  	p1 =	seq.s32 s10, $0x1;
	s10 =	sld [smem:$0x3FB2];
	_ =	sdelay $0x3  }
0x37: {  	[smem:$0x3FB2] =	sst s10  }
0x38: {  	s10 =	sld [smem:$0x3FB3]  }
0x39: {  	_ = 	snop;
	(pc) =	sbr.ind lr, $3  }
0x3a: {  	_ = 	snop  }
0x3b: {  	_ = 	snop  }
0x3c: {  	p2 =	seq.s32 s10, $0x1;
	s10 =	sld [smem:$0x3FB2]  }
0x3d: {  	_ =	shalt  }
0x3e: {  	_ =	shalt  }
0x3f: {  	_ =	shalt  }
0x40: {  	_ =	shalt  }
0x41: {  	_ =	shalt  }
0x42: {  	_ =	shalt  }
0x43: {  	_ =	shalt  }
0x44: {  	_ =	shalt  }
0x45: {  	_ =	shalt  }
0x46: {  	_ =	shalt  }
0x47: {  	_ =	shalt  }
0x48: {  	_ =	shalt  }
0x49: {  	_ =	shalt  }
0x4a: {  	_ =	shalt  }
0x4b: {  	_ =	shalt  }
0x4c: {  	_ =	shalt  }
0x4d: {  	_ =	shalt  }
0x4e: {  	_ =	shalt  }
0x4f: {  	_ =	shalt  }
0x50: {  	_ =	shalt  }
0x51: {  	_ =	shalt  }
0x52: {  	_ =	shalt  }
0x53: {  	_ =	shalt  }
0x54: {  	_ =	shalt  }
0x55: {  	_ =	shalt  }
0x56: {  	_ =	shalt  }
0x57: {  	_ =	shalt  }
0x58: {  	_ =	shalt  }
0x59: {  	_ =	shalt  }
0x5a: {  	_ =	shalt  }
0x5b: {  	_ =	shalt  }
0x5c: {  	_ =	shalt  }
0x5d: {  	_ =	shalt  }
0x5e: {  	_ =	shalt  }
0x5f: {  	_ =	shalt  }
0x60: {  	_ =	shalt  }
0x61: {  	_ =	shalt  }
0x62: {  	_ =	shalt  }
0x63: {  	_ =	shalt  }
0x64: {  	_ =	shalt  }
0x65: {  	_ =	shalt  }
0x66: {  	_ =	shalt  }
0x67: {  	_ =	shalt  }
0x68: {  	_ =	shalt  }
0x69: {  	_ =	shalt  }
0x6a: {  	_ =	shalt  }
0x6b: {  	_ =	shalt  }
0x6c: {  	_ =	shalt  }
0x6d: {  	_ =	shalt  }
0x6e: {  	_ =	shalt  }
0x6f: {  	_ =	shalt  }
0x70: {  	_ =	shalt  }
0x71: {  	_ =	shalt  }
0x72: {  	_ =	shalt  }
0x73: {  	_ =	shalt  }
0x74: {  	_ =	shalt  }
0x75: {  	_ =	shalt  }
0x76: {  	_ =	shalt  }
0x77: {  	_ =	shalt  }
0x78: {  	_ =	shalt  }
0x79: {  	_ =	shalt  }
0x7a: {  	_ =	shalt  }
0x7b: {  	_ =	shalt  }
0x7c: {  	_ =	shalt  }
0x7d: {  	_ =	shalt  }
0x7e: {  	_ =	shalt  }
0x7f: {  	_ =	shalt  }
0x80: {  	_ =	shalt  }
0x81: {  	_ =	shalt  }
0x82: {  	_ =	shalt  }
0x83: {  	_ =	shalt  }
0x84: {  	_ =	shalt  }
0x85: {  	_ =	shalt  }
0x86: {  	_ =	shalt  }
0x87: {  	_ =	shalt  }
.Lfunc_end0:
.L_simem_size_0:
called_computation_lowered:
.L_overlay_start_0:
0x88: {  	s2 =	sld [smem:$0x3FD9]  }
0x89: {  	s3 =	sld [smem:$0x3FFE];
	_ =	sdelay $0x1  }
0x8a: {  	s1 =	srdreg.scid  }
0x8b: {  	s0 =	sand.u32 $0x1, s1  }
0x8c: {  	s17 =	sshll.u32 s0, $0xA;
	s2 =	sadd.s32 s3, s2  }
0x8d: {  	s2 =	sadd.s32 s2, s17  }
0x8e: {  	[smem:$0x3FBE] =	sst s2  }
0x8f: {  	_ = 	snop  }
0x90: {  	s2 =	sld [smem:$0x3FD0];
	(tm) =	ssettm $0x1  }
0x91: {  	s18 =	sld [smem:$0x3FFB];
	_ =	sdelay $0x3  }
0x92: {  	_ =	strace s18  }
0x93: {  	s3 =	sld [smem:$0x3FFC];
	_ =	sdelay $0x3  }
0x94: {  	_ =	strace s3  }
0x95: {  	s3 =	sld [smem:$0x3FFD];
	_ =	sdelay $0x3  }
0x96: {  	_ =	strace s3  }
0x97: {  	_ =	strace $0x8FFFFFFF  }
0x98: {  	s19 =	sld [smem:$0x3FDB];
	_ =	sdelay $0x1  }
0x99: {  	s4 =	simm.s32 $_scs_section_size  }
0x9a: {  	s5 =	simm.s32 $_size__tile_overlayer_lowered;
	s6 =	simm.s32 $_tile_overlayer_lowered  }
0x9b: {  	s22 =	simm.s32 $0x1BFF;
	s21 =	sshll.u32 s6, $0x1;
	s3 =	sadd.s32 s4, s19  }
0x9c: {  	s7 =	simm.s32 $0x0;
	s20 =	sshll.u32 s5, $0x1;
	s5 =	sadd.s32 s21, s3  }
0x9d: {  	[timem:s7], [sflag:s22] =	dma.local [hbm:s5], s20  }
0x9e: {  	_ =	swait.ge [sflag:s22], s20  }
0x9f: {  	s4 =	ssub.s32 $0x0, s20;
	[sflag:s22] =	ssyncset.done $0x0  }
0xa0: {  	[sflag:s22] =	ssyncadd.s32 s4;
	_ =	sdelay $0x1  }
0xa1: {  	s23 =	simm.s32 $0x1B8B  }
0xa2: {  	_ =	swait.ge [sflag:s23], $0x1  }
0xa3: {  	[sflag:s23] =	ssyncset.done $0x0  }
0xa4: {  	s25 =	simm.s32 $0x1B8E;
	s24 =	sld [smem:$0x3FFE];
	[sflag:s23] =	ssyncadd.s32 $0xFFFFFFFF  }
0xa5: {  	s26 =	simm.s32 $execute0_lowered;
	[smem:$0x3FD2] =	sst s25  }
0xa6: {  	s5 =	sshll.u32 s26, $0x1;
	_ =	strace $0x80000046;
	[dreg:$0x1] =	wrdreg $0xFFFFFFFF  }
0xa7: {  	s28 =	simm.s32 $_size_execute0_lowered;
	s3 =	sadd.s32 s3, s5;
	[dreg:$0x0] =	wrdreg $0x0  }
0xa8: {  	s5 =	sshll.u32 s28, $0x1;
	[dreg:$0x2] =	wrdreg s3  }
0xa9: {  	[dreg:$0x3] =	wrdreg s5  }
0xaa: {  	[dreg:$0x4] =	wrdreg $0xC0  }
0xab: {  	_ =	task [dreg:s7], $0x5FFFF  }
0xac: {  	[dreg:$0x1] =	wrdreg $0xFFFFFFFF  }
0xad: {  	[dreg:$0x0] =	wrdreg $0x60  }
0xae: {  	[dreg:$0x2] =	wrdreg s2  }
0xaf: {  	[dreg:$0x3] =	wrdreg s24  }
0xb0: {  	[dreg:$0x4] =	wrdreg $0x9  }
0xb1: {  	_ =	task.clear_ibuf [dreg:s7], $0x5FFFF;
	_ =	strace $0x90000046  }
0xb2: {  	s29 =	simm.s32 $0x9;
	_ =	strace $0x80000048  }
0xb3: {  	_ =	swait.ge [sflag:s29], $0x1  }
0xb4: {  	[sflag:s29] =	ssyncadd.s32 $0xFFFFFFFF  }
0xb5: {  	_ =	strace $0x90000048  }
0xb6: {  	_ =	sfence  }
0xb7: {  	s30 =	sld [smem:$0x0];
	_ =	sdelay $0x2  }
0xb8: {  	s31 =	sshll.u32 s1, $0xD;
	s1 =	sshrl.u32 s1, $0x2  }
0xb9: {  	s3 =	sand.u32 $0x4000, s31;
	s1 =	sadd.s32 s1, s30  }
0xba: {  	s0 =	sor.u32 s3, s0;
	s1 =	sshll.u32 s1, $0x11  }
0xbb: {  	s0 =	sor.u32 s1, s0  }
0xbc: {  	s0 =	sadd.s32 $0x8F2B, s0  }
0xbd: {  	[sflag:s0] =	ssyncadd.remote.s32 $0x1  }
0xbe: {  	_ =	sfence.sel $0xFFFF  }
0xbf: {  	[dreg:$0x0] =	wrdreg $0xFFFFFFFF;
	(pc) =	sbr.abs _section_cstart, $3  }
0xc0: {  	[dreg:$0x1] =	wrdreg $0xFFFFFFFF  }
0xc1: {  	_ =	task.clear_ibuf [dreg:s7], $0x2FFFF;
	_ =	strace $0x9FFFFFFF  }
0xc2: {  	(tm) =	ssettm $0x7FFFFFFF  }
0xc3: {  	_ =	shalt  }
tec
execute0_lowered:
.L_overlay_start_1:
0x0: {  	(tag) =	ssettag $0x1  }
0x1: {  	s0 =	srdreg.scid;
	s7 =	rddreg [dreg:$0x0]  }
0x2: {  	s6 =	rddreg [dreg:$0x1];
	s1 =	stileid.u32  }
0x3: {  	s2 =	simm.s32 $0x0;
	s11 =	simm.s32 $0x2780;
	s12 =	simm.s32 $0x4F00  }
0x4: {  	s13 =	simm.s32 $0x7680;
	s14 =	simm.s32 $0x9E00;
	s15 =	simm.s32 $0xC580  }
0x5: {  	s16 =	simm.s32 $0x1;
	s17 =	simm.s32 $0xED00;
	s3 =	sand.u32 $0x1, s0  }
0x6: {  	s18 =	simm.s32 $0x2;
	s19 =	simm.s32 $0x0;
	s4 =	sshll.u32 s3, $0x4  }
0x7: {  	s0 =	rddreg [dreg:$0x2];
	s5 =	ssub.s32 $0x2, s3;
	s4 =	sor.u32 s1, s4  }
0x8: {  	[smem:$0x7FF] =	sst s2;
	s31 =	sshrl.u32 s5, $0x1;
	s4 =	smul.u32 $0x2710, s4  }
0x9: {  	_ =	strace $0x80000047;
	s3 =	sadd.s32 $0x1A00, s6;
	s10 =	ssub.s32 s5, s31  }
0xa: {  	s5 =	sadd.s32 $0x23C4, s6;
	s10 =	smax.u32 s10, $0x1;
	s8 =	sshrl.u32 s4, $0x3  }
0xb: {  	s4 =	sadd.s32 $0x1EE2, s6;
	s9 =	sadd.s32 s8, s6;
	s7 =	sadd.s32 s7, s8  }
0xc: {  	s6 =	sadd.s32 $0x28A6, s6;
	s8 =	sadd.s32 $0x9C40, s7;
	s9 =	sadd.s32 $0x2E00, s9  }
.LBB2_1:
0xd: {  	[tilespmem:s2], [sflag:$0x1] =	stream.linear.gather [hbm4b:s3+s2], $0x2710, $0x38;
	[tilespmem:$0x11480] =	vst v63  }
0xe: {  	_ = 	snop  }
0xf: {  	[tilespmem:s11], [sflag:$0x1] =	stream.linear.gather [hbm4b:s4+s2], $0x2710, $0x38;
	[tilespmem:$0x11480] =	vst v63  }
0x10: {  	_ = 	snop  }
0x11: {  	[tilespmem:s12], [sflag:$0x1] =	stream.linear.gather [hbm4b:s5+s2], $0x2710, $0x38;
	[tilespmem:$0x11480] =	vst v63  }
0x12: {  	_ = 	snop  }
0x13: {  	[tilespmem:s13], [sflag:$0x1] =	stream.linear.gather [hbm4b:s6+s2], $0x2710, $0x38;
	[tilespmem:$0x11480] =	vst v63  }
0x14: {  	_ = 	snop  }
0x15: {  	[tilespmem:s14], [sflag:$0x1] =	stream.linear.gather [hbm4b:s7+s2], $0x2710, $0x38;
	[tilespmem:$0x11480] =	vst v63  }
0x16: {  	_ = 	snop  }
0x17: {  	[tilespmem:s15], [sflag:$0x1] =	stream.linear.gather [hbm4b:s8+s2], $0x2710, $0x38;
	[tilespmem:$0x11480] =	vst v63  }
0x18: {  	_ =	swait.ge [sflag:s16], $0x2710  }
0x19: {  	[sflag:s16] =	ssyncset.done $0x0  }
0x1a: {  	[sflag:s16] =	ssyncadd.s32 $0xFFFFD8F0  }
0x1b: {  	_ =	swait.ge [sflag:s16], $0x2710  }
0x1c: {  	[sflag:s16] =	ssyncset.done $0x0  }
0x1d: {  	[sflag:s16] =	ssyncadd.s32 $0xFFFFD8F0  }
0x1e: {  	_ =	swait.ge [sflag:s16], $0x2710  }
0x1f: {  	[sflag:s16] =	ssyncset.done $0x0  }
0x20: {  	[sflag:s16] =	ssyncadd.s32 $0xFFFFD8F0  }
0x21: {  	_ =	swait.ge [sflag:s16], $0x2710  }
0x22: {  	[sflag:s16] =	ssyncset.done $0x0  }
0x23: {  	[sflag:s16] =	ssyncadd.s32 $0xFFFFD8F0  }
0x24: {  	_ =	swait.ge [sflag:s16], $0x2710  }
0x25: {  	[sflag:s16] =	ssyncset.done $0x0  }
0x26: {  	[sflag:s16] =	ssyncadd.s32 $0xFFFFD8F0  }
0x27: {  	_ =	swait.ge [sflag:s16], $0x2710  }
0x28: {  	[sflag:s16] =	ssyncset.done $0x0  }
0x29: {  	s20 =	simm.s32 $0x0;
	[sflag:s16] =	ssyncadd.s32 $0xFFFFD8F0  }
0x2a: {  	v0 =	vld [tilespmem:s20+$0xC580]  }
0x2b: {  	v1 =	vld [tilespmem:s20+$0x9E00];
	_ =	sdelay $0x6  }
0x2c: {  	v2 =	vld.idx.msk [tilespmem:v0+s13+$0x0], $0xffff  }
0x2d: {  	v3 =	vld.idx.msk [tilespmem:v1+s11+$0x0], $0xffff;
	_ =	sdelay $0x1  }
0x2e: {  	v0 =	vld.idx.msk [tilespmem:v0+s12+$0x0], $0xffff  }
0x2f: {  	v1 =	vld.idx.msk [tilespmem:v1+s2+$0x0], $0xffff;
	_ =	sdelay $0x1  }
0x30: {  	v2 =	vadd.f32 v2, v3;
	v3 =	vld [tilespmem:s20+$0x9E10]  }
0x31: {  	v4 =	vld [tilespmem:s20+$0xC590]  }
0x32: {  	v2 =	vmax.f32 v2, $0.0e+00  }
0x33: {  	v0 =	vmul.f32 v0, v1;
	v1 =	vadd.f32 $1.000000010e-01, v2;
	_ =	sdelay $0x1  }
0x34: {  	v0 =	vmul.f32 v1, v0;
	_ =	sdelay $0x1  }
0x35: {  	[tilespmem:s20+$0xED00] =	vst v0  }
0x36: {  	v0 =	vld.idx.msk [tilespmem:v3+s11+$0x0], $0xffff  }
0x37: {  	v1 =	vld.idx.msk [tilespmem:v4+s13+$0x0], $0xffff;
	_ =	sdelay $0x1  }
0x38: {  	v2 =	vld.idx.msk [tilespmem:v4+s12+$0x0], $0xffff  }
0x39: {  	v3 =	vld.idx.msk [tilespmem:v3+s2+$0x0], $0xffff;
	_ =	sdelay $0x1  }
0x3a: {  	v0 =	vadd.f32 v1, v0;
	v1 =	vld [tilespmem:s20+$0x9E20]  }
0x3b: {  	v4 =	vld [tilespmem:s20+$0xC5A0]  }
0x3c: {  	v0 =	vmax.f32 v0, $0.0e+00  }
0x3d: {  	v2 =	vmul.f32 v2, v3;
	v0 =	vadd.f32 $1.000000010e-01, v0;
	_ =	sdelay $0x1  }
0x3e: {  	v0 =	vmul.f32 v0, v2;
	_ =	sdelay $0x1  }
0x3f: {  	[tilespmem:s20+$0xED10] =	vst v0  }
0x40: {  	v0 =	vld.idx.msk [tilespmem:v1+s11+$0x0], $0xffff  }
0x41: {  	v2 =	vld.idx.msk [tilespmem:v4+s13+$0x0], $0xffff;
	_ =	sdelay $0x1  }
0x42: {  	v3 =	vld.idx.msk [tilespmem:v4+s12+$0x0], $0xffff  }
0x43: {  	v1 =	vld.idx.msk [tilespmem:v1+s2+$0x0], $0xffff;
	_ =	sdelay $0x1  }
0x44: {  	v0 =	vadd.f32 v2, v0;
	v2 =	vld [tilespmem:s20+$0x9E30]  }
0x45: {  	v4 =	vld [tilespmem:s20+$0xC5B0]  }
0x46: {  	v0 =	vmax.f32 v0, $0.0e+00  }
0x47: {  	v1 =	vmul.f32 v3, v1;
	v0 =	vadd.f32 $1.000000010e-01, v0;
	_ =	sdelay $0x1  }
0x48: {  	v0 =	vmul.f32 v0, v1;
	_ =	sdelay $0x1  }
0x49: {  	[tilespmem:s20+$0xED20] =	vst v0  }
0x4a: {  	v0 =	vld.idx.msk [tilespmem:v2+s11+$0x0], $0xffff  }
0x4b: {  	v1 =	vld.idx.msk [tilespmem:v4+s13+$0x0], $0xffff;
	_ =	sdelay $0x1  }
0x4c: {  	v2 =	vld.idx.msk [tilespmem:v2+s2+$0x0], $0xffff  }
0x4d: {  	v3 =	vld.idx.msk [tilespmem:v4+s12+$0x0], $0xffff;
	_ =	sdelay $0x1  }
0x4e: {  	v0 =	vadd.f32 v1, v0;
	v1 =	vld [tilespmem:s20+$0x9E40]  }
0x4f: {  	v4 =	vld [tilespmem:s20+$0xC5C0]  }
0x50: {  	v0 =	vmax.f32 v0, $0.0e+00  }
0x51: {  	v2 =	vmul.f32 v3, v2;
	v0 =	vadd.f32 $1.000000010e-01, v0;
	_ =	sdelay $0x1  }
0x52: {  	v0 =	vmul.f32 v0, v2;
	_ =	sdelay $0x1  }
0x53: {  	[tilespmem:s20+$0xED30] =	vst v0  }
0x54: {  	v5 =	vld.idx.msk [tilespmem:v1+s11+$0x0], $0xffff  }
0x55: {  	v6 =	vld.idx.msk [tilespmem:v4+s13+$0x0], $0xffff  }
0x56: {  	v2 =	vld.idx.msk [tilespmem:v1+s2+$0x0], $0xffff  }
0x57: {  	v3 =	vld.idx.msk [tilespmem:v4+s12+$0x0], $0xffff  }
0x58: {  	s23 =	simm.s32 $0x50  }
0x59: {  	v0 =	vld [tilespmem:s23+$0x9E00]  }
0x5a: {  	s21 =	simm.s32 $0x280;
	v1 =	vld [tilespmem:s23+$0xC580];
	v4 =	vadd.f32 v6, v5  }
.LBB2_2:
0x5b: {  	p0 =	sne.s32 s21, $0x9B00;
	s22 =	smov.u32 s21;
	s21 =	sadd.s32 $0x140, s21  }
0x5c: {  	v2 =	vmul.f32 v3, v2;
	v3 =	vmax.f32 v4, $0.0e+00  }
0x5d: {  	v3 =	vadd.f32 $1.000000010e-01, v3;
	_ =	sdelay $0x1  }
0x5e: {  	v2 =	vmul.f32 v3, v2;
	_ =	sdelay $0x1  }
0x5f: {  	[tilespmem:s20+$0xED40] =	vst v2;
	s20 =	smov.u32 s23  }
0x60: {  	v2 =	vld.idx.msk [tilespmem:v1+s13+$0x0], $0xffff  }
0x61: {  	v3 =	vld.idx.msk [tilespmem:v0+s11+$0x0], $0xffff;
	_ =	sdelay $0x1  }
0x62: {  	v1 =	vld.idx.msk [tilespmem:v1+s12+$0x0], $0xffff  }
0x63: {  	v0 =	vld.idx.msk [tilespmem:v0+s2+$0x0], $0xffff;
	_ =	sdelay $0x2  }
0x64: {  	v2 =	vadd.f32 v2, v3;
	v3 =	vld [tilespmem:s20+$0x9E10]  }
0x65: {  	v4 =	vld [tilespmem:s20+$0xC590]  }
0x66: {  	v2 =	vmax.f32 v2, $0.0e+00  }
0x67: {  	v0 =	vmul.f32 v1, v0;
	v1 =	vadd.f32 $1.000000010e-01, v2;
	_ =	sdelay $0x1  }
0x68: {  	v0 =	vmul.f32 v1, v0;
	_ =	sdelay $0x1  }
0x69: {  	[tilespmem:s20+$0xED00] =	vst v0  }
0x6a: {  	v0 =	vld.idx.msk [tilespmem:v3+s11+$0x0], $0xffff  }
0x6b: {  	v1 =	vld.idx.msk [tilespmem:v4+s13+$0x0], $0xffff;
	_ =	sdelay $0x1  }
0x6c: {  	v2 =	vld.idx.msk [tilespmem:v4+s12+$0x0], $0xffff  }
0x6d: {  	v3 =	vld.idx.msk [tilespmem:v3+s2+$0x0], $0xffff;
	_ =	sdelay $0x2  }
0x6e: {  	v0 =	vadd.f32 v1, v0;
	v1 =	vld [tilespmem:s20+$0x9E20]  }
0x6f: {  	v4 =	vld [tilespmem:s20+$0xC5A0]  }
0x70: {  	v0 =	vmax.f32 v0, $0.0e+00  }
0x71: {  	v2 =	vmul.f32 v2, v3;
	v0 =	vadd.f32 $1.000000010e-01, v0;
	_ =	sdelay $0x1  }
0x72: {  	v0 =	vmul.f32 v0, v2;
	_ =	sdelay $0x1  }
0x73: {  	[tilespmem:s20+$0xED10] =	vst v0  }
0x74: {  	v0 =	vld.idx.msk [tilespmem:v1+s11+$0x0], $0xffff  }
0x75: {  	v2 =	vld.idx.msk [tilespmem:v4+s13+$0x0], $0xffff;
	_ =	sdelay $0x1  }
0x76: {  	v3 =	vld.idx.msk [tilespmem:v4+s12+$0x0], $0xffff  }
0x77: {  	v1 =	vld.idx.msk [tilespmem:v1+s2+$0x0], $0xffff;
	_ =	sdelay $0x2  }
0x78: {  	v0 =	vadd.f32 v2, v0;
	v2 =	vld [tilespmem:s20+$0x9E30]  }
0x79: {  	v4 =	vld [tilespmem:s20+$0xC5B0]  }
0x7a: {  	v0 =	vmax.f32 v0, $0.0e+00  }
0x7b: {  	v1 =	vmul.f32 v3, v1;
	v0 =	vadd.f32 $1.000000010e-01, v0;
	_ =	sdelay $0x1  }
0x7c: {  	v0 =	vmul.f32 v0, v1;
	_ =	sdelay $0x1  }
0x7d: {  	[tilespmem:s20+$0xED20] =	vst v0  }
0x7e: {  	v0 =	vld.idx.msk [tilespmem:v2+s11+$0x0], $0xffff  }
0x7f: {  	v1 =	vld.idx.msk [tilespmem:v4+s13+$0x0], $0xffff  }
0x80: {  	v2 =	vld.idx.msk [tilespmem:v2+s2+$0x0], $0xffff  }
0x81: {  	v3 =	vld.idx.msk [tilespmem:v4+s12+$0x0], $0xffff;
	_ =	sdelay $0x3  }
0x82: {  	v0 =	vadd.f32 v1, v0;
	v1 =	vld [tilespmem:s20+$0x9E40]  }
0x83: {  	v4 =	vld [tilespmem:s20+$0xC5C0]  }
0x84: {  	v2 =	vmul.f32 v3, v2;
	v0 =	vmax.f32 v0, $0.0e+00  }
0x85: {  	v0 =	vadd.f32 $1.000000010e-01, v0;
	_ =	sdelay $0x1  }
0x86: {  	v0 =	vmul.f32 v0, v2;
	_ =	sdelay $0x1  }
0x87: {  	[tilespmem:s20+$0xED30] =	vst v0  }
0x88: {  	v5 =	vld.idx.msk [tilespmem:v1+s11+$0x0], $0xffff  }
0x89: {  	v6 =	vld.idx.msk [tilespmem:v4+s13+$0x0], $0xffff  }
0x8a: {  	v2 =	vld.idx.msk [tilespmem:v1+s2+$0x0], $0xffff  }
.Ltmp0:
0x8b: {  	v3 =	vld.idx.msk [tilespmem:v4+s12+$0x0], $0xffff;
	(pc) =	sbr.rel @p0 .LBB2_2-.Ltmp0, $4  }
0x8c: {  	_ = 	snop  }
0x8d: {  	s23 =	sshra.s32 s22, $0x2  }
0x8e: {  	v0 =	vld [tilespmem:s23+$0x9E00]  }
0x8f: {  	v4 =	vadd.f32 v6, v5;
	v1 =	vld [tilespmem:s23+$0xC580]  }
0x90: {  	_ =	sdelay $0x1  }
0x91: {  	v4 =	vmax.f32 v4, $0.0e+00  }
0x92: {  	v2 =	vmul.f32 v3, v2;
	v43 =	vadd.f32 $1.000000010e-01, v4;
	_ =	sdelay $0x1  }
0x93: {  	v2 =	vmul.f32 v43, v2;
	_ =	sdelay $0x1  }
0x94: {  	[tilespmem:s20+$0xED40] =	vst v2  }
0x95: {  	v2 =	vld.idx.msk [tilespmem:v1+s13+$0x0], $0xffff  }
0x96: {  	v44 =	vld.idx.msk [tilespmem:v0+s11+$0x0], $0xffff;
	_ =	sdelay $0x1  }
0x97: {  	v45 =	vld.idx.msk [tilespmem:v1+s12+$0x0], $0xffff  }
0x98: {  	v46 =	vld.idx.msk [tilespmem:v0+s2+$0x0], $0xffff;
	_ =	sdelay $0x1  }
0x99: {  	v47 =	vld [tilespmem:s23+$0x9E10];
	v2 =	vadd.f32 v2, v44  }
0x9a: {  	v48 =	vld [tilespmem:s23+$0xC590]  }
0x9b: {  	v2 =	vmax.f32 v2, $0.0e+00  }
0x9c: {  	v0 =	vmul.f32 v45, v46;
	v49 =	vadd.f32 $1.000000010e-01, v2;
	_ =	sdelay $0x1  }
0x9d: {  	v0 =	vmul.f32 v49, v0;
	_ =	sdelay $0x1  }
0x9e: {  	[tilespmem:s23+$0xED00] =	vst v0  }
0x9f: {  	v0 =	vld.idx.msk [tilespmem:v47+s11+$0x0], $0xffff  }
0xa0: {  	v50 =	vld.idx.msk [tilespmem:v48+s13+$0x0], $0xffff;
	_ =	sdelay $0x1  }
0xa1: {  	v51 =	vld.idx.msk [tilespmem:v48+s12+$0x0], $0xffff  }
0xa2: {  	v3 =	vld.idx.msk [tilespmem:v47+s2+$0x0], $0xffff;
	_ =	sdelay $0x1  }
0xa3: {  	v52 =	vld [tilespmem:s23+$0x9E20];
	v0 =	vadd.f32 v50, v0  }
0xa4: {  	v53 =	vld [tilespmem:s23+$0xC5A0]  }
0xa5: {  	v0 =	vmax.f32 v0, $0.0e+00  }
0xa6: {  	v2 =	vmul.f32 v51, v3;
	v0 =	vadd.f32 $1.000000010e-01, v0;
	_ =	sdelay $0x1  }
0xa7: {  	v0 =	vmul.f32 v0, v2;
	_ =	sdelay $0x1  }
0xa8: {  	[tilespmem:s23+$0xED10] =	vst v0  }
0xa9: {  	v0 =	vld.idx.msk [tilespmem:v52+s11+$0x0], $0xffff  }
0xaa: {  	v54 =	vld.idx.msk [tilespmem:v53+s13+$0x0], $0xffff;
	_ =	sdelay $0x1  }
0xab: {  	v55 =	vld.idx.msk [tilespmem:v53+s12+$0x0], $0xffff  }
0xac: {  	v1 =	vld.idx.msk [tilespmem:v52+s2+$0x0], $0xffff;
	_ =	sdelay $0x1  }
0xad: {  	v56 =	vld [tilespmem:s23+$0x9E30];
	v0 =	vadd.f32 v54, v0  }
0xae: {  	v57 =	vld [tilespmem:s23+$0xC5B0]  }
0xaf: {  	v0 =	vmax.f32 v0, $0.0e+00  }
0xb0: {  	v1 =	vmul.f32 v55, v1;
	v0 =	vadd.f32 $1.000000010e-01, v0;
	_ =	sdelay $0x1  }
0xb1: {  	v0 =	vmul.f32 v0, v1;
	_ =	sdelay $0x1  }
0xb2: {  	[tilespmem:s23+$0xED20] =	vst v0  }
0xb3: {  	v0 =	vld.idx.msk [tilespmem:v56+s11+$0x0], $0xffff  }
0xb4: {  	v58 =	vld.idx.msk [tilespmem:v57+s13+$0x0], $0xffff;
	_ =	sdelay $0x1  }
0xb5: {  	v2 =	vld.idx.msk [tilespmem:v56+s2+$0x0], $0xffff  }
0xb6: {  	v59 =	vld.idx.msk [tilespmem:v57+s12+$0x0], $0xffff;
	_ =	sdelay $0x1  }
0xb7: {  	v60 =	vld [tilespmem:s23+$0x9E40];
	v0 =	vadd.f32 v58, v0  }
0xb8: {  	v61 =	vld [tilespmem:s23+$0xC5C0]  }
0xb9: {  	v0 =	vmax.f32 v0, $0.0e+00  }
0xba: {  	v2 =	vmul.f32 v59, v2;
	v0 =	vadd.f32 $1.000000010e-01, v0;
	_ =	sdelay $0x1  }
0xbb: {  	v0 =	vmul.f32 v0, v2;
	_ =	sdelay $0x1  }
0xbc: {  	[tilespmem:s23+$0xED30] =	vst v0  }
0xbd: {  	v0 =	vld.idx.msk [tilespmem:v60+s11+$0x0], $0xffff  }
0xbe: {  	v62 =	vld.idx.msk [tilespmem:v61+s13+$0x0], $0xffff;
	_ =	sdelay $0x1  }
0xbf: {  	v1 =	vld.idx.msk [tilespmem:v60+s2+$0x0], $0xffff  }
0xc0: {  	v63 =	vld.idx.msk [tilespmem:v61+s12+$0x0], $0xffff;
	_ =	sdelay $0x1  }
0xc1: {  	v0 =	vadd.f32 v62, v0;
	_ =	sdelay $0x1  }
0xc2: {  	v0 =	vmax.f32 v0, $0.0e+00  }
0xc3: {  	v1 =	vmul.f32 v63, v1;
	v0 =	vadd.f32 $1.000000010e-01, v0;
	_ =	sdelay $0x1  }
0xc4: {  	s19 =	sadd.s32 $0x1, s19;
	v0 =	vmul.f32 v0, v1  }
0xc5: {  	p0 =	sne.s32 s19, s10  }
.Ltmp1:
0xc6: {  	[tilespmem:s23+$0xED40] =	vst v0;
	(pc) =	sbr.rel @p0 .LBB2_1-.Ltmp1, $4  }
0xc7: {  	[hbm4b:s9+s2] =	stream.linear.scatter [tilespmem:s17], [sflag:$0x2], $0x2710, $0x38;
	[tilespmem:$0x11480] =	vst v63  }
0xc8: {  	_ =	swait.ge [sflag:s18], $0x2710  }
0xc9: {  	[sflag:s18] =	ssyncset.done $0x0  }
0xca: {  	[sflag:s18] =	ssyncadd.s32 $0xFFFFD8F0  }
0xcb: {  	_ =	sfence.sel $0x180000  }
0xcc: {  	[bflag:$0x0] =	sbarrier.arrive $0xFFFF  }
0xcd: {  	p0 =	sne.s32 s1, $0x0;
	_ =	strace $0x90000047  }
0xce: {  	s0 =	sadd.s32 @!p0 $0x100000, s0;
	[bflag:$0x2] =	sbarrier.arrive $0xFFFF  }
0xcf: {  	[sflag:s0] =	ssyncadd.tile.s32 @!p0 $0x1;
	_ =	shalt  }
.Lfunc_end2:
_tile_overlayer_lowered:
.L_overlay_start_2:
0xd0: {  	(tag) =	ssettag $0x2  }
0xd1: {  	s0 =	rddreg [dreg:$0x0];
	s2 =	stileid.u32  }
0xd2: {  	s1 =	rddreg [dreg:$0x1];
	p0 =	sne.s32 s2, $0x0  }
0xd3: {  	s3 =	rddreg [dreg:$0x2];
	[bflag:$0x3] =	sbarrier.arrive $0xFFFF;
	s2 =	simm.s32 @!p0 $0x1C02  }
0xd4: {  	[timem:s3], [sflag:s2] =	dma.local @!p0 [hbm:s0], s1  }
0xd5: {  	s0 =	simm.s32 @!p0 $0x2  }
0xd6: {  	_ =	swait.ge @!p0 [sflag:s0], s1  }
0xd7: {  	s1 =	ssub.s32 @!p0 $0x0, s1;
	[sflag:s0] =	ssyncset.done @!p0 $0x0  }
0xd8: {  	[sflag:s0] =	ssyncadd.s32 @!p0 s1  }
0xd9: {  	[bflag:$0x3] =	sbarrier.arrive $0xFFFF  }
0xda: {  	_ =	shalt  }

// kernel: kernel.9.cloned.1.call-start
scs
__scs_entry_jumppad:
0x0: {  	(pc) =	sbr.rel $0x88, $3  }
0x1: {  	(tag) =	ssettag $0x0;
	lr =	simm.s32 $0x1  }
0x2: {  	[smem:$0x3F97] =	sst lr;
	_ =	strace $0xD0000000  }
0x3: {  	_ = 	snop  }
0x4: {  	_ = 	snop  }
0x5: {  	_ = 	snop  }
0x6: {  	_ = 	snop  }
0x7: {  	_ = 	snop  }
__scs_overlays_trampoline_lowered:
0x8: {  	[smem:$0x3FA6] =	sst s0  }
0x9: {  	[smem:$0x3FA7] =	sst s1  }
0xa: {  	[smem:$0x3FA8] =	sst s2  }
0xb: {  	[smem:$0x3FA9] =	sst s3  }
0xc: {  	[smem:$0x3FAA] =	sst s4  }
0xd: {  	[smem:$0x3FAB] =	sst s5  }
0xe: {  	[smem:$0x3FAC] =	sst s6  }
0xf: {  	[smem:$0x3FAD] =	sst s7  }
0x10: {  	[smem:$0x3FAE] =	sst s8  }
0x11: {  	[smem:$0x3FAF] =	sst s9;
	s0 =	simm.s32 @!p0 $0x0  }
0x12: {  	s1 =	sld [smem:$0x3F95];
	s0 =	simm.s32 @p0 $0x1  }
0x13: {  	[smem:$0x3FB0] =	sst s0;
	s0 =	simm.s32 @!p1 $0x0  }
0x14: {  	s2 =	sld [smem:$0x3F94];
	s0 =	simm.s32 @p1 $0x1  }
0x15: {  	[smem:$0x3FB1] =	sst s0;
	s0 =	simm.s32 @!p2 $0x0  }
0x16: {  	s3 =	sld [smem:$0x3FDB];
	s0 =	simm.s32 @p2 $0x1  }
0x17: {  	s4 =	simm.s32 $0x1BF5;
	[smem:$0x3FB3] =	sst s0  }
0x18: {  	s0 =	sld [smem:$0x3F96];
	_ =	swait.ge [sflag:s4], $0x0  }
0x19: {  	s7 =	sld [smem:$0x3F97]  }
0x1a: {  	s8 =	sadd.s32 $0xFFFFE003, lr  }
0x1b: {  	s9 =	sadd.s32 $0xFFFFFEF7, lr;
	s5 =	simm.s32 $0xFFFFFFFF;
	p2 =	slt.u32 s8, $0xFFFFF086  }
0x1c: {  	p1 =	slt.u32 s9, $0xF7A;
	s5 =	simm.s32 @!p2 $0x0  }
0x1d: {  	s5 =	simm.s32 @p1 $0x1;
	p0 =	seq.s32 s7, s2  }
0x1e: {  	s7 =	smul.u32 @!p0 $0xF7A, s2;
	p2 =	seq.s32 @!p0 s5, $0x0  }
0x1f: {  	s9 =	smul.u32 $0xF7A, s1;
	s8 =	simm.s32 @!p0 $0x1BF5;
	p2 =	por !p2, p0  }
0x20: {  	[sflag:s8] =	ssyncset.s32 @!p0 $0xFFFFF086;
	s6 =	sadd.s32 @!p0 s3, s7;
	s7 =	simm.s32 @!p0 $0x108  }
0x21: {  	s3 =	sadd.s32 s3, s9;
	s6 =	sadd.s32 @!p0 $0x88, s6;
	s7 =	simm.s32 @p2 $0x1082  }
0x22: {  	[simem:s7], [sflag:s8] =	dma.local @!p0 [hbm:s6], $0xF7A  }
0x23: {  	s9 =	sor.u32 $0xD0000000, s2;
	s6 =	simm.s32 $0x108;
	_ =	swait.ge @!p0 [sflag:s8], $0x0  }
0x24: {  	s3 =	sadd.s32 $0x88, s3;
	s6 =	simm.s32 @!p1 $0x1082;
	[sflag:s4] =	ssyncset.s32 $0xFFFFF086  }
0x25: {  	[simem:s6], [sflag:s4] =	dma.local [hbm:s3], $0xF7A  }
0x26: {  	[smem:$0x3F97] =	sst s1;
	(tag) =	ssettag s2;
	_ =	strace s9  }
0x27: {  	s1 =	sld [smem:$0x3FA7]  }
0x28: {  	s2 =	sld [smem:$0x3FA8]  }
0x29: {  	s4 =	sld [smem:$0x3FAA]  }
0x2a: {  	p0 =	seq.s32 s5, $0x0;
	s5 =	sld [smem:$0x3FAB]  }
0x2b: {  	s6 =	sld [smem:$0x3FAC]  }
0x2c: {  	s7 =	sld [smem:$0x3FAD]  }
0x2d: {  	s3 =	simm.s32 $0x108;
	s8 =	sld [smem:$0x3FAE]  }
0x2e: {  	s3 =	simm.s32 @!p0 $0x1082;
	s9 =	sld [smem:$0x3FAF]  }
0x2f: {  	lr =	sadd.s32 s0, s3;
	s0 =	sld [smem:$0x3FA6]  }
0x30: {  	s3 =	sld [smem:$0x3FA9]  }
0x31: {  	[smem:$0x3FB2] =	sst s10  }
0x32: {  	s10 =	sld [smem:$0x3FB0];
	_ =	sdelay $0x3  }
0x33: {  	p0 =	seq.s32 s10, $0x1;
	s10 =	sld [smem:$0x3FB2];
	_ =	sdelay $0x3  }
0x34: {  	[smem:$0x3FB2] =	sst s10  }
0x35: {  	s10 =	sld [smem:$0x3FB1];
	_ =	sdelay $0x3  }
0x36: {  	p1 =	seq.s32 s10, $0x1;
	s10 =	sld [smem:$0x3FB2];
	_ =	sdelay $0x3  }
0x37: {  	[smem:$0x3FB2] =	sst s10  }
0x38: {  	s10 =	sld [smem:$0x3FB3]  }
0x39: {  	_ = 	snop;
	(pc) =	sbr.ind lr, $3  }
0x3a: {  	_ = 	snop  }
0x3b: {  	_ = 	snop  }
0x3c: {  	p2 =	seq.s32 s10, $0x1;
	s10 =	sld [smem:$0x3FB2]  }
0x3d: {  	_ =	shalt  }
0x3e: {  	_ =	shalt  }
0x3f: {  	_ =	shalt  }
0x40: {  	_ =	shalt  }
0x41: {  	_ =	shalt  }
0x42: {  	_ =	shalt  }
0x43: {  	_ =	shalt  }
0x44: {  	_ =	shalt  }
0x45: {  	_ =	shalt  }
0x46: {  	_ =	shalt  }
0x47: {  	_ =	shalt  }
0x48: {  	_ =	shalt  }
0x49: {  	_ =	shalt  }
0x4a: {  	_ =	shalt  }
0x4b: {  	_ =	shalt  }
0x4c: {  	_ =	shalt  }
0x4d: {  	_ =	shalt  }
0x4e: {  	_ =	shalt  }
0x4f: {  	_ =	shalt  }
0x50: {  	_ =	shalt  }
0x51: {  	_ =	shalt  }
0x52: {  	_ =	shalt  }
0x53: {  	_ =	shalt  }
0x54: {  	_ =	shalt  }
0x55: {  	_ =	shalt  }
0x56: {  	_ =	shalt  }
0x57: {  	_ =	shalt  }
0x58: {  	_ =	shalt  }
0x59: {  	_ =	shalt  }
0x5a: {  	_ =	shalt  }
0x5b: {  	_ =	shalt  }
0x5c: {  	_ =	shalt  }
0x5d: {  	_ =	shalt  }
0x5e: {  	_ =	shalt  }
0x5f: {  	_ =	shalt  }
0x60: {  	_ =	shalt  }
0x61: {  	_ =	shalt  }
0x62: {  	_ =	shalt  }
0x63: {  	_ =	shalt  }
0x64: {  	_ =	shalt  }
0x65: {  	_ =	shalt  }
0x66: {  	_ =	shalt  }
0x67: {  	_ =	shalt  }
0x68: {  	_ =	shalt  }
0x69: {  	_ =	shalt  }
0x6a: {  	_ =	shalt  }
0x6b: {  	_ =	shalt  }
0x6c: {  	_ =	shalt  }
0x6d: {  	_ =	shalt  }
0x6e: {  	_ =	shalt  }
0x6f: {  	_ =	shalt  }
0x70: {  	_ =	shalt  }
0x71: {  	_ =	shalt  }
0x72: {  	_ =	shalt  }
0x73: {  	_ =	shalt  }
0x74: {  	_ =	shalt  }
0x75: {  	_ =	shalt  }
0x76: {  	_ =	shalt  }
0x77: {  	_ =	shalt  }
0x78: {  	_ =	shalt  }
0x79: {  	_ =	shalt  }
0x7a: {  	_ =	shalt  }
0x7b: {  	_ =	shalt  }
0x7c: {  	_ =	shalt  }
0x7d: {  	_ =	shalt  }
0x7e: {  	_ =	shalt  }
0x7f: {  	_ =	shalt  }
0x80: {  	_ =	shalt  }
0x81: {  	_ =	shalt  }
0x82: {  	_ =	shalt  }
0x83: {  	_ =	shalt  }
0x84: {  	_ =	shalt  }
0x85: {  	_ =	shalt  }
0x86: {  	_ =	shalt  }
0x87: {  	_ =	shalt  }
.Lfunc_end0:
.L_simem_size_0:
called_computation.1_lowered:
.L_overlay_start_0:
0x88: {  	s2 =	sld [smem:$0x3FD9]  }
0x89: {  	s3 =	sld [smem:$0x3FFE];
	_ =	sdelay $0x1  }
0x8a: {  	s1 =	srdreg.scid  }
0x8b: {  	s0 =	sand.u32 $0x1, s1  }
0x8c: {  	s17 =	sshll.u32 s0, $0xA;
	s2 =	sadd.s32 s3, s2  }
0x8d: {  	s2 =	sadd.s32 s2, s17  }
0x8e: {  	[smem:$0x3FBE] =	sst s2  }
0x8f: {  	_ = 	snop  }
0x90: {  	s2 =	sld [smem:$0x3FC9]  }
0x91: {  	s18 =	sld [smem:$0x3FD0];
	(tm) =	ssettm $0x1  }
0x92: {  	s4 =	sld [smem:$0x3FFB];
	_ =	sdelay $0x3  }
0x93: {  	_ =	strace s4  }
0x94: {  	s4 =	sld [smem:$0x3FFC];
	_ =	sdelay $0x3  }
0x95: {  	_ =	strace s4  }
0x96: {  	s4 =	sld [smem:$0x3FFD];
	_ =	sdelay $0x3  }
0x97: {  	_ =	strace s4  }
0x98: {  	_ =	strace $0x8FFFFFFF  }
0x99: {  	s19 =	sld [smem:$0x3FDB];
	_ =	sdelay $0x1  }
0x9a: {  	s5 =	simm.s32 $_scs_section_size  }
0x9b: {  	s6 =	simm.s32 $_size__tile_overlayer_lowered;
	s7 =	simm.s32 $_tile_overlayer_lowered  }
0x9c: {  	s22 =	simm.s32 $0x1BFF;
	s21 =	sshll.u32 s7, $0x1;
	s4 =	sadd.s32 s5, s19  }
0x9d: {  	s8 =	simm.s32 $0x0;
	s20 =	sshll.u32 s6, $0x1;
	s6 =	sadd.s32 s21, s4  }
0x9e: {  	[timem:s8], [sflag:s22] =	dma.local [hbm:s6], s20  }
0x9f: {  	_ =	swait.ge [sflag:s22], s20  }
0xa0: {  	s5 =	ssub.s32 $0x0, s20;
	[sflag:s22] =	ssyncset.done $0x0  }
0xa1: {  	[sflag:s22] =	ssyncadd.s32 s5;
	_ =	sdelay $0x1  }
0xa2: {  	s23 =	simm.s32 $0x1B8B  }
0xa3: {  	_ =	swait.ge [sflag:s23], $0x1  }
0xa4: {  	[sflag:s23] =	ssyncset.done $0x0  }
0xa5: {  	s25 =	simm.s32 $0x1B8E;
	s24 =	sld [smem:$0x3FFE];
	[sflag:s23] =	ssyncadd.s32 $0xFFFFFFFF  }
0xa6: {  	s26 =	simm.s32 $execute0_lowered;
	[smem:$0x3FD2] =	sst s25  }
0xa7: {  	s6 =	sshll.u32 s26, $0x1;
	_ =	strace $0x80000049;
	[dreg:$0x1] =	wrdreg $0xFFFFFFFF  }
0xa8: {  	s28 =	simm.s32 $_size_execute0_lowered;
	s4 =	sadd.s32 s4, s6;
	[dreg:$0x0] =	wrdreg $0x0  }
0xa9: {  	s6 =	sshll.u32 s28, $0x1;
	[dreg:$0x2] =	wrdreg s4  }
0xaa: {  	[dreg:$0x3] =	wrdreg s6  }
0xab: {  	[dreg:$0x4] =	wrdreg $0xC0  }
0xac: {  	_ =	task [dreg:s8], $0x5FFFF  }
0xad: {  	[dreg:$0x1] =	wrdreg $0xFFFFFFFF  }
0xae: {  	[dreg:$0x0] =	wrdreg $0x60  }
0xaf: {  	[dreg:$0x2] =	wrdreg s18  }
0xb0: {  	[dreg:$0x3] =	wrdreg s2  }
0xb1: {  	[dreg:$0x4] =	wrdreg s24  }
0xb2: {  	[dreg:$0x5] =	wrdreg $0xBA000  }
0xb3: {  	[dreg:$0x6] =	wrdreg $0x9  }
0xb4: {  	_ =	task.clear_ibuf [dreg:s8], $0x7FFFF;
	_ =	strace $0x90000049  }
0xb5: {  	s29 =	simm.s32 $0x9;
	_ =	strace $0x8000004B  }
0xb6: {  	_ =	swait.ge [sflag:s29], $0x1  }
0xb7: {  	[sflag:s29] =	ssyncadd.s32 $0xFFFFFFFF  }
0xb8: {  	_ =	strace $0x9000004B  }
0xb9: {  	_ =	sfence  }
0xba: {  	s30 =	sld [smem:$0x0];
	_ =	sdelay $0x2  }
0xbb: {  	s31 =	sshll.u32 s1, $0xD;
	s1 =	sshrl.u32 s1, $0x2  }
0xbc: {  	s3 =	sand.u32 $0x4000, s31;
	s1 =	sadd.s32 s1, s30  }
0xbd: {  	s0 =	sor.u32 s3, s0;
	s1 =	sshll.u32 s1, $0x11  }
0xbe: {  	s0 =	sor.u32 s1, s0  }
0xbf: {  	s0 =	sadd.s32 $0x8F2B, s0  }
0xc0: {  	[sflag:s0] =	ssyncadd.remote.s32 $0x1  }
0xc1: {  	_ =	sfence.sel $0xFFFF  }
0xc2: {  	[dreg:$0x0] =	wrdreg $0xFFFFFFFF;
	(pc) =	sbr.abs _section_cstart, $3  }
0xc3: {  	[dreg:$0x1] =	wrdreg $0xFFFFFFFF  }
0xc4: {  	_ =	task.clear_ibuf [dreg:s8], $0x2FFFF;
	_ =	strace $0x9FFFFFFF  }
0xc5: {  	(tm) =	ssettm $0x7FFFFFFF  }
tec
execute0_lowered:
.L_overlay_start_1:
0x0: {  	(tag) =	ssettag $0x1  }
0x1: {  	s1 =	rddreg [dreg:$0x0]  }
0x2: {  	s2 =	rddreg [dreg:$0x1]  }
0x3: {  	s0 =	rddreg [dreg:$0x2]  }
0x4: {  	s3 =	rddreg [dreg:$0x3]  }
0x5: {  	s4 =	srdreg.scid;
	s5 =	simm.s32 $0x0;
	s11 =	stileid.u32  }
0x6: {  	s30 =	simm.s32 $0x4;
	s31 =	simm.s32 $0x5;
	s29 =	simm.s32 $0x9  }
0x7: {  	s28 =	simm.s32 $0xB980;
	s4 =	sand.u32 $0x1, s4;
	s8 =	smul.u32 $0x13C00, s11  }
0x8: {  	[smem:$0x7FF] =	sst s5;
	s6 =	sadd.s32 $0x2E00, s0;
	s19 =	smul.u32 $0x4F000, s11  }
0x9: {  	s9 =	sadd.s32 $0xCC00, s0;
	s7 =	smul.u32 $0x13C000, s4;
	_ =	strace $0x8000004A  }
0xa: {  	[dreg:$0x5] =	wrdreg s9;
	s18 =	sshll.u32 s4, $0x4;
	s4 =	ssub.s32 $0x2, s4  }
0xb: {  	s10 =	sshrl.u32 s4, $0x1;
	s20 =	sshrl.u32 s19, $0x2;
	s7 =	sadd.s32 s8, s7  }
0xc: {  	s8 =	sor.u32 s11, s18;
	s4 =	ssub.s32 s4, s10;
	s7 =	sshrl.u32 s7, $0x3  }
0xd: {  	s8 =	smul.u32 $0x2710, s8;
	s4 =	smax.u32 s4, $0x1;
	s0 =	sadd.s32 s7, s0  }
0xe: {  	s7 =	sadd.s32 s20, s3;
	[dreg:$0x1b] =	wrdreg s4;
	s4 =	simm.s32 $0x7  }
0xf: {  	[dreg:$0x6] =	wrdreg s7;
	s21 =	sshrl.u32 s8, $0x3;
	s16 =	sadd.s32 $0x258, s8  }
0x10: {  	s22 =	sadd.s32 $0x78, s8;
	s0 =	sadd.s32 $0xF400, s0;
	[dreg:$0x10] =	wrdreg s16  }
0x11: {  	s23 =	sadd.s32 $0x4E278, s8;
	s13 =	sadd.s32 s6, s21;
	[dreg:$0x19] =	wrdreg s0  }
0x12: {  	s10 =	sshrl.u32 s23, $0x3;
	s23 =	sshll.u32 s11, $0x6;
	[dreg:$0x8] =	wrdreg s13  }
0x13: {  	s12 =	sadd.s32 s1, s21;
	s9 =	sshrl.u32 s22, $0x3;
	[dreg:$0x1a] =	wrdreg s23  }
0x14: {  	s14 =	sadd.s32 $0x25F8, s8;
	s24 =	sadd.s32 s1, s9;
	[dreg:$0x7] =	wrdreg s12  }
0x15: {  	s15 =	sadd.s32 $0x507F8, s8;
	s10 =	sadd.s32 s1, s10;
	[dreg:$0x9] =	wrdreg s24  }
0x16: {  	s25 =	sadd.s32 $0x1E, s21;
	s9 =	sadd.s32 s6, s9;
	[dreg:$0xa] =	wrdreg s10  }
0x17: {  	s18 =	sadd.s32 $0x26E8, s8;
	s26 =	sadd.s32 s1, s25;
	[dreg:$0xb] =	wrdreg s9  }
0x18: {  	s7 =	sadd.s32 $0x4CE, s21;
	s13 =	sadd.s32 $0x1E0, s8;
	[dreg:$0xc] =	wrdreg s26  }
0x19: {  	s11 =	simm.s32 $0x80;
	s19 =	sadd.s32 s1, s7;
	[dreg:$0xf] =	wrdreg s13  }
0x1a: {  	s7 =	sadd.s32 s6, s7;
	s0 =	sor.u32 $0x1C0A, s23;
	[dreg:$0x14] =	wrdreg s19  }
0x1b: {  	s23 =	simm.s32 $0x2;
	s9 =	sadd.s32 s6, s25;
	[dreg:$0x15] =	wrdreg s7  }
0x1c: {  	s10 =	sadd.s32 $0x168, s8;
	s8 =	sadd.s32 $0x508E8, s8;
	[dreg:$0x1c] =	wrdreg s0  }
0x1d: {  	s24 =	sadd.s32 $0x9C40, s12;
	s25 =	sadd.s32 $0x9C5E, s12;
	s26 =	sadd.s32 $0xA10E, s12  }
0x1e: {  	s12 =	simm.s32 $0x200;
	s13 =	simm.s32 $0x380;
	[dreg:$0xd] =	wrdreg s9  }
0x1f: {  	s19 =	simm.s32 $0x400;
	s0 =	simm.s32 $0x6;
	[dreg:$0xe] =	wrdreg s10  }
0x20: {  	s7 =	simm.s32 $0x8;
	s9 =	sshrl.u32 s14, $0x3;
	[dreg:$0x1d] =	wrdreg s24  }
0x21: {  	s10 =	sshrl.u32 s15, $0x3;
	s8 =	sshrl.u32 s8, $0x3;
	[dreg:$0x1e] =	wrdreg s25  }
0x22: {  	[dreg:$0x1f] =	wrdreg s26;
	s24 =	simm.s32 $0x4080;
	s17 =	sadd.s32 s1, s9  }
0x23: {  	s25 =	simm.s32 $0x3;
	s10 =	sadd.s32 s1, s10;
	[dreg:$0x11] =	wrdreg s17  }
0x24: {  	s26 =	simm.s32 $0x7C80;
	s9 =	sadd.s32 s6, s9;
	[dreg:$0x12] =	wrdreg s10  }
0x25: {  	s14 =	simm.s32 $0x0;
	s20 =	sadd.s32 s1, s8;
	[dreg:$0x13] =	wrdreg s9  }
0x26: {  	s8 =	simm.s32 $0x180;
	s9 =	sshrl.u32 s18, $0x3;
	[dreg:$0x16] =	wrdreg s20  }
0x27: {  	s10 =	simm.s32 $0x300;
	s18 =	simm.s32 $0x280;
	s21 =	sadd.s32 s1, s9  }
0x28: {  	s20 =	simm.s32 $0x1;
	s22 =	sadd.s32 s6, s9;
	[dreg:$0x17] =	wrdreg s21  }
0x29: {  	[dreg:$0x18] =	wrdreg s22;
	s21 =	simm.s32 $0x78;
	s22 =	simm.s32 $0x480  }
.LBB2_1:
0x2a: {  	[smem:$0x7FC] =	sst s14  }
0x2b: {  	s9 =	rddreg [dreg:$0x6]  }
0x2c: {  	s14 =	rddreg [dreg:$0x5]  }
0x2d: {  	s16 =	rddreg [dreg:$0x1c];
	s15 =	sshrl.u32 s9, $0x3  }
0x2e: {  	[smem:$0x7FD] =	sst s15  }
0x2f: {  	[spmem:s15], [sflag:s16] =	dma.local [hbm:s14], $0x2780  }
0x30: {  	s9 =	rddreg [dreg:$0x7]  }
0x31: {  	[tilespmem:s5], [sflag:$0x1] =	stream.linear.gather [hbm4b:s9+s5], $0x78, $0x38;
	[tilespmem:$0x1F600] =	vst v63  }
0x32: {  	s17 =	rddreg [dreg:$0x1d]  }
0x33: {  	[tilespmem:s8], [sflag:$0x1] =	stream.linear.gather [hbm4b:s17+s5], $0x78, $0x38;
	[tilespmem:$0x1F600] =	vst v63  }
0x34: {  	s14 =	rddreg [dreg:$0x8]  }
0x35: {  	[tilespmem:s10], [sflag:$0x1] =	stream.linear.gather [hbm4b:s14+s5], $0x78, $0x38;
	[tilespmem:$0x1F600] =	vst v63  }
0x36: {  	s15 =	rddreg [dreg:$0x9]  }
0x37: {  	[tilespmem:s11], [sflag:$0x2] =	stream.linear.gather [hbm4b:s15+s5], $0x78, $0x38;
	[tilespmem:$0x1F600] =	vst v63  }
0x38: {  	s16 =	rddreg [dreg:$0xa]  }
0x39: {  	[tilespmem:s12], [sflag:$0x2] =	stream.linear.gather [hbm4b:s16+s5], $0x78, $0x38;
	[tilespmem:$0x1F600] =	vst v63  }
0x3a: {  	s17 =	rddreg [dreg:$0xb]  }
0x3b: {  	[tilespmem:s13], [sflag:$0x2] =	stream.linear.gather [hbm4b:s17+s5], $0x78, $0x38;
	[tilespmem:$0x1F600] =	vst v63  }
0x3c: {  	s14 =	rddreg [dreg:$0xc];
	s15 =	simm.s32 $0x100  }
0x3d: {  	[tilespmem:s15], [sflag:$0x3] =	stream.linear.gather [hbm4b:s14+s5], $0x78, $0x38;
	[tilespmem:$0x1F600] =	vst v63  }
0x3e: {  	s16 =	rddreg [dreg:$0x1e]  }
0x3f: {  	[tilespmem:s18], [sflag:$0x3] =	stream.linear.gather [hbm4b:s16+s5], $0x78, $0x38;
	[tilespmem:$0x1F600] =	vst v63  }
0x40: {  	s17 =	rddreg [dreg:$0xd]  }
0x41: {  	[tilespmem:s19], [sflag:$0x3] =	stream.linear.gather [hbm4b:s17+s5], $0x78, $0x38;
	[tilespmem:$0x1F600] =	vst v63  }
0x42: {  	_ =	swait.ge [sflag:s20], $0x78  }
0x43: {  	[sflag:s20] =	ssyncset.done $0x0  }
0x44: {  	[sflag:s20] =	ssyncadd.s32 $0xFFFFFF88  }
0x45: {  	_ =	swait.ge [sflag:s20], $0x78  }
0x46: {  	[sflag:s20] =	ssyncset.done $0x0  }
0x47: {  	[sflag:s20] =	ssyncadd.s32 $0xFFFFFF88  }
0x48: {  	_ =	swait.ge [sflag:s20], $0x78  }
0x49: {  	[sflag:s20] =	ssyncset.done $0x0  }
0x4a: {  	[sflag:s20] =	ssyncadd.s32 $0xFFFFFF88  }
0x4b: {  	[tilespmem:s22], [sflag:$0x4] =	stream.indirect.gather [hbm4b:s2+s21], $0x80, s5, s21, $0xb8;
	[tilespmem:$0x1F600] =	vst v63  }
0x4c: {  	_ =	swait.ge [sflag:s23], $0x78  }
0x4d: {  	[sflag:s23] =	ssyncset.done $0x0  }
0x4e: {  	[sflag:s23] =	ssyncadd.s32 $0xFFFFFF88  }
0x4f: {  	_ =	swait.ge [sflag:s23], $0x78  }
0x50: {  	[sflag:s23] =	ssyncset.done $0x0  }
0x51: {  	[sflag:s23] =	ssyncadd.s32 $0xFFFFFF88  }
0x52: {  	_ =	swait.ge [sflag:s23], $0x78  }
0x53: {  	[sflag:s23] =	ssyncset.done $0x0  }
0x54: {  	[sflag:s23] =	ssyncadd.s32 $0xFFFFFF88  }
0x55: {  	[tilespmem:s24], [sflag:$0x5] =	stream.indirect.gather [hbm4b:s2+s21], $0x80, s11, s21, $0xb8;
	[tilespmem:$0x1F600] =	vst v63  }
0x56: {  	_ =	swait.ge [sflag:s25], $0x78  }
0x57: {  	[sflag:s25] =	ssyncset.done $0x0  }
0x58: {  	[sflag:s25] =	ssyncadd.s32 $0xFFFFFF88  }
0x59: {  	_ =	swait.ge [sflag:s25], $0x78  }
0x5a: {  	[sflag:s25] =	ssyncset.done $0x0  }
0x5b: {  	[sflag:s25] =	ssyncadd.s32 $0xFFFFFF88  }
0x5c: {  	_ =	swait.ge [sflag:s25], $0x78  }
0x5d: {  	[sflag:s25] =	ssyncset.done $0x0  }
0x5e: {  	s18 =	simm.s32 $0xA;
	[sflag:s25] =	ssyncadd.s32 $0xFFFFFF88  }
0x5f: {  	[tilespmem:s26], [sflag:$0x6] =	stream.indirect.gather [hbm4b:s2+s21], $0x80, s15, s21, $0xb8;
	[tilespmem:$0x1F600] =	vst v63  }
0x60: {  	_ =	swait.ge [sflag:s18], $0x2780  }
0x61: {  	[sflag:s18] =	ssyncset.done $0x0  }
0x62: {  	[sflag:s18] =	ssyncadd.s32 $0xFFFFD880  }
0x63: {  	s9 =	simm.s32 $0x0;
	[bflag:$0x0] =	sbarrier.arrive $0xFFFF  }
.LBB2_2:
0x64: {  	_ =	swait.ge [sflag:s30], $0x3C00  }
0x65: {  	[sflag:s30] =	ssyncset.done $0x0  }
0x66: {  	s16 =	simm.s32 $0x580;
	[sflag:s30] =	ssyncadd.s32 $0xFFFFC400  }
0x67: {  	v2 =	vld [tilespmem:s16+$0xFFFFFFF0]  }
0x68: {  	v3 =	vld [tilespmem:s16+$0xF0]  }
0x69: {  	v1 =	vld [tilespmem:s16+$0xB0]  }
0x6a: {  	v4 =	vld [tilespmem:s16+$0xFFFFFFC0]  }
0x6b: {  	v5 =	vld [tilespmem:s16+$0x40]  }
0x6c: {  	v6 =	vld [tilespmem:s16+$0xFFFFFF50]  }
0x6d: {  	v7 =	vld [tilespmem:s16+$0xFFFFFFD0]  }
0x6e: {  	v8 =	vld [tilespmem:s16+$0x50]  }
0x6f: {  	v11 =	vld [tilespmem:s16+$0xD0]  }
0x70: {  	s18 =	simm.s32 $0x3;
	v13 =	vld [tilespmem:s16+$0xFFFFFF60]  }
0x71: {  	s17 =	simm.s32 $0x0;
	v9 =	vmov s18;
	v16 =	vld [tilespmem:s16+$0x60]  }
0x72: {  	s15 =	simm.s32 $0x1;
	v0 =	vmov s17;
	v17 =	vld [tilespmem:s16+$0xE0]  }
0x73: {  	v10 =	vmov s15;
	s18 =	simm.s32 $0x2;
	v0 =	vand.u32 $0xFFFFFFFC, v0;
	v18 =	vld [tilespmem:s16+$0xFFFFFF70]  }
0x74: {  	v12 =	vbroadcast v0, $0x0;
	v0 =	vand.u32 $0xFFFFFFFD, v10;
	v10 =	vmov s18;
	v21 =	vld [tilespmem:s16+$0xA0]  }
0x75: {  	v22 =	vld [tilespmem:s16+$0xFFFFFF30];
	v14 =	vbroadcast v0, $0x0;
	v0 =	vand.u32 $0xFFFFFFFE, v10  }
0x76: {  	v15 =	vbroadcast v0, $0x0;
	v0 =	vld.idx.msk [tilespmem:v9+s10+$0x0], $0xffff  }
0x77: {  	v59 =	vld [tilespmem:s16+$0xFFFFFFA0]  }
0x78: {  	v23 =	vld [tilespmem:s16+$0xFFFFFF20]  }
0x79: {  	v24 =	vld [tilespmem:s16+$0x10]  }
0x7a: {  	v60 =	vld [tilespmem:s16+$0x80]  }
0x7b: {  	v19 =	vld.idx.msk [tilespmem:v12+s10+$0x0], $0xffff;
	v11 =	vmul.f32 v11, v0  }
0x7c: {  	v20 =	vld.idx.msk [tilespmem:v14+s10+$0x0], $0xffff;
	v17 =	vmul.f32 v17, v0  }
0x7d: {  	v15 =	vld.idx.msk [tilespmem:v15+s10+$0x0], $0xffff;
	v1 =	vmul.f32 v1, v0;
	[tilespmem:s16+$0xD0] =	vst v11  }
0x7e: {  	v10 =	vld [tilespmem:s16+$0xFFFFFFE0];
	v3 =	vmul.f32 v3, v0;
	[tilespmem:s16+$0xE0] =	vst v17  }
0x7f: {  	v61 =	vld [tilespmem:s16+$0xFFFFFF80];
	v21 =	vmul.f32 v21, v0;
	[tilespmem:s16+$0xB0] =	vst v1  }
0x80: {  	v62 =	vld [tilespmem:s16+$0xFFFFFF00];
	[tilespmem:s16+$0xF0] =	vst v3;
	v6 =	vmul.f32 v6, v19  }
0x81: {  	v14 =	vld [tilespmem:s16+$0xFFFFFFB0];
	[tilespmem:s16+$0xA0] =	vst v21;
	v11 =	vmul.f32 v13, v19  }
0x82: {  	v12 =	vld [tilespmem:s16+$0x30];
	v4 =	vmul.f32 v4, v20;
	[tilespmem:s16+$0xFFFFFF50] =	vst v6  }
0x83: {  	v9 =	vld [tilespmem:s16+$0x70];
	v10 =	vmul.f32 v10, v20;
	[tilespmem:s16+$0xFFFFFF60] =	vst v11  }
0x84: {  	v13 =	vld [tilespmem:s16+$0x20];
	v25 =	vmul.f32 v2, v20;
	v6 =	vmul.f32 v7, v20;
	[tilespmem:s16+$0xFFFFFFC0] =	vst v4  }
0x85: {  	v63 =	vld [tilespmem:s16+$0xFFFFFF40];
	v2 =	vmul.f32 v18, v19;
	v7 =	vmul.f32 v8, v15;
	[tilespmem:s16+$0xFFFFFFE0] =	vst v10  }
0x86: {  	v3 =	vmul.f32 v61, v20;
	v11 =	vld [tilespmem:s16+$0x90];
	v8 =	vmul.f32 v14, v20;
	[tilespmem:s16+$0xFFFFFFD0] =	vst v6  }
0x87: {  	v4 =	vmul.f32 v5, v15;
	v5 =	vmul.f32 v12, v15;
	v12 =	vld [tilespmem:s16+$0xFFFFFF10];
	[tilespmem:s16+$0x50] =	vst v7  }
0x88: {  	v1 =	vmul.f32 v16, v15;
	v9 =	vmul.f32 v9, v15;
	v6 =	vld [tilespmem:s16+$0xFFFFFF90];
	[tilespmem:s16+$0xFFFFFFB0] =	vst v8  }
0x89: {  	v10 =	vmul.f32 v24, v15;
	[tilespmem:s16+$0x30] =	vst v5;
	v5 =	vmul.f32 v13, v15;
	v13 =	vld [tilespmem:s16+$0x0]  }
0x8a: {  	v7 =	vmul.f32 v59, v20;
	[tilespmem:s16+$0x40] =	vst v4;
	v4 =	vmul.f32 v22, v19  }
0x8b: {  	v14 =	vld [tilespmem:s16+$0xC0];
	[tilespmem:s16+$0x70] =	vst v9;
	v9 =	vmul.f32 v23, v19;
	v8 =	vmul.f32 v11, v0  }
0x8c: {  	[tilespmem:s16+$0xFFFFFF30] =	vst v4;
	v4 =	vmul.f32 v62, v19;
	v12 =	vmul.f32 v12, v19  }
0x8d: {  	[tilespmem:s16+$0xFFFFFF70] =	vst v2;
	v11 =	vmul.f32 v6, v20;
	v6 =	vmul.f32 v60, v0  }
0x8e: {  	s17 =	simm.s32 $0x7;
	s18 =	simm.s32 $0x780;
	[tilespmem:s16+$0xFFFFFFF0] =	vst v25;
	v2 =	vmul.f32 v13, v15;
	v13 =	vmul.f32 v63, v19  }
.LBB2_3:
0x8f: {  	s14 =	sadd.s32 $0xFFFFFFFD, s17  }
0x90: {  	v15 =	vmov s17;
	v16 =	vld [tilespmem:s18+$0xFFFFFFF0];
	p0 =	sne.s32 s17, $0x77;
	[tilespmem:s16+$0x20] =	vst v5;
	v0 =	vmul.f32 v14, v0;
	s15 =	smov.u32 s17;
	s17 =	sadd.s32 $0x4, s17  }
0x91: {  	v5 =	vmov s14;
	s14 =	sadd.s32 $0xFFFFFFFE, s15;
	v14 =	vld [tilespmem:s18+$0xF0];
	[tilespmem:s16+$0xFFFFFFA0] =	vst v7  }
0x92: {  	v5 =	vand.u32 $0xFFFFFFFC, v5;
	v7 =	vmov s14;
	s14 =	sadd.s32 $0xFFFFFFFF, s15;
	v17 =	vld [tilespmem:s18+$0xB0];
	[tilespmem:s16+$0xFFFFFF20] =	vst v9  }
0x93: {  	v5 =	vbroadcast v5, $0x0;
	v7 =	vand.u32 $0xFFFFFFFD, v7;
	v9 =	vmov s14;
	v18 =	vld [tilespmem:s18+$0xFFFFFFC0];
	[tilespmem:s16+$0x90] =	vst v8  }
0x94: {  	v7 =	vbroadcast v7, $0x0;
	v8 =	vand.u32 $0xFFFFFFFE, v9;
	v9 =	vld [tilespmem:s18+$0x40];
	[tilespmem:s16+$0x10] =	vst v10  }
0x95: {  	v8 =	vbroadcast v8, $0x0;
	v10 =	vld [tilespmem:s18+$0xFFFFFF50];
	[tilespmem:s16+$0xFFFFFF90] =	vst v11  }
0x96: {  	v11 =	vld [tilespmem:s18+$0xFFFFFFD0];
	[tilespmem:s16+$0xFFFFFF10] =	vst v12  }
0x97: {  	v12 =	vld [tilespmem:s18+$0x50];
	[tilespmem:s16+$0xFFFFFF40] =	vst v13  }
0x98: {  	v13 =	vld [tilespmem:s18+$0xD0];
	[tilespmem:s16+$0x80] =	vst v6  }
0x99: {  	v6 =	vld [tilespmem:s18+$0xFFFFFF60];
	[tilespmem:s16+$0x60] =	vst v1  }
0x9a: {  	v19 =	vld [tilespmem:s18+$0xFFFFFFE0];
	[tilespmem:s16+$0xC0] =	vst v0  }
0x9b: {  	v1 =	vld [tilespmem:s18+$0x60];
	[tilespmem:s16+$0x0] =	vst v2  }
0x9c: {  	v2 =	vld [tilespmem:s18+$0xE0];
	[tilespmem:s16+$0xFFFFFF80] =	vst v3  }
0x9d: {  	v3 =	vld [tilespmem:s18+$0xFFFFFF70];
	[tilespmem:s16+$0xFFFFFF00] =	vst v4;
	s16 =	smov.u32 s18  }
0x9e: {  	v0 =	vld.idx.msk [tilespmem:v15+s10+$0x0], $0xffff  }
0x9f: {  	v15 =	vld.idx.msk [tilespmem:v5+s10+$0x0], $0xffff  }
0xa0: {  	v4 =	vld.idx.msk [tilespmem:v7+s10+$0x0], $0xffff  }
0xa1: {  	v20 =	vld.idx.msk [tilespmem:v8+s10+$0x0], $0xffff  }
0xa2: {  	v5 =	vld [tilespmem:s18+$0x70]  }
0xa3: {  	v7 =	vld [tilespmem:s18+$0x30]  }
0xa4: {  	v13 =	vmul.f32 v13, v0;
	v2 =	vmul.f32 v2, v0;
	v8 =	vld [tilespmem:s18+$0xFFFFFFB0]  }
0xa5: {  	v10 =	vmul.f32 v10, v15;
	v6 =	vmul.f32 v6, v15;
	v21 =	vld [tilespmem:s18+$0xFFFFFF30]  }
0xa6: {  	v18 =	vmul.f32 v18, v4;
	v11 =	vmul.f32 v11, v4;
	v22 =	vld [tilespmem:s18+$0xA0];
	[tilespmem:s18+$0xD0] =	vst v13  }
0xa7: {  	v17 =	vmul.f32 v17, v0;
	v9 =	vmul.f32 v9, v20;
	v13 =	vld [tilespmem:s18+$0x20];
	[tilespmem:s18+$0xE0] =	vst v2  }
0xa8: {  	v2 =	vld [tilespmem:s18+$0xFFFFFFA0];
	v23 =	vmul.f32 v7, v20;
	[tilespmem:s18+$0xFFFFFF50] =	vst v10;
	v10 =	vmul.f32 v12, v20  }
0xa9: {  	v1 =	vmul.f32 v1, v20;
	v12 =	vld [tilespmem:s18+$0xFFFFFF20];
	v24 =	vmul.f32 v8, v4;
	[tilespmem:s18+$0xFFFFFF60] =	vst v6  }
0xaa: {  	v6 =	vld [tilespmem:s18+$0x90];
	v21 =	vmul.f32 v21, v15;
	[tilespmem:s18+$0xFFFFFFC0] =	vst v18;
	v18 =	vmul.f32 v5, v20  }
0xab: {  	v19 =	vmul.f32 v19, v4;
	v25 =	vld [tilespmem:s18+$0x10];
	v22 =	vmul.f32 v22, v0;
	[tilespmem:s18+$0xFFFFFFD0] =	vst v11  }
0xac: {  	v11 =	vld [tilespmem:s18+$0xFFFFFF90];
	v5 =	vmul.f32 v13, v20;
	[tilespmem:s18+$0xB0] =	vst v17;
	v13 =	vmul.f32 v16, v4  }
0xad: {  	v16 =	vld [tilespmem:s18+$0xFFFFFF10];
	v7 =	vmul.f32 v2, v4;
	[tilespmem:s18+$0x40] =	vst v9;
	v2 =	vmul.f32 v3, v15  }
0xae: {  	v17 =	vmul.f32 v14, v0;
	v3 =	vld [tilespmem:s18+$0x80];
	v9 =	vmul.f32 v12, v15;
	[tilespmem:s18+$0x30] =	vst v23  }
0xaf: {  	v23 =	vld [tilespmem:s18+$0x0];
	v8 =	vmul.f32 v6, v0;
	[tilespmem:s18+$0x50] =	vst v10  }
0xb0: {  	v26 =	vld [tilespmem:s18+$0xFFFFFF80];
	v10 =	vmul.f32 v25, v20;
	[tilespmem:s18+$0xFFFFFFB0] =	vst v24  }
0xb1: {  	v24 =	vld [tilespmem:s18+$0xFFFFFF00];
	v11 =	vmul.f32 v11, v4;
	[tilespmem:s18+$0x70] =	vst v18  }
0xb2: {  	v12 =	vmul.f32 v16, v15;
	v16 =	vld [tilespmem:s18+$0xFFFFFF40];
	[tilespmem:s18+$0xFFFFFFE0] =	vst v19  }
.Ltmp0:
0xb3: {  	v6 =	vmul.f32 v3, v0;
	v14 =	vld [tilespmem:s18+$0xC0];
	[tilespmem:s18+$0xFFFFFF70] =	vst v2;
	(pc) =	sbr.rel @p0 .LBB2_3-.Ltmp0, $4  }
0xb4: {  	v2 =	vmul.f32 v23, v20;
	[tilespmem:s18+$0xF0] =	vst v17  }
0xb5: {  	v3 =	vmul.f32 v26, v4;
	[tilespmem:s18+$0xFFFFFF30] =	vst v21  }
0xb6: {  	v4 =	vmul.f32 v24, v15;
	[tilespmem:s18+$0xFFFFFFF0] =	vst v13  }
0xb7: {  	s18 =	sadd.s32 $0x200, s18;
	[tilespmem:s16+$0xA0] =	vst v22;
	v13 =	vmul.f32 v16, v15  }
0xb8: {  	[tilespmem:s16+$0x20] =	vst v5  }
0xb9: {  	[tilespmem:s16+$0xFFFFFFA0] =	vst v7  }
0xba: {  	[tilespmem:s16+$0xFFFFFF20] =	vst v9  }
0xbb: {  	[tilespmem:s16+$0x90] =	vst v8  }
0xbc: {  	[tilespmem:s16+$0x10] =	vst v10  }
0xbd: {  	[tilespmem:s16+$0xFFFFFF90] =	vst v11  }
0xbe: {  	[tilespmem:s16+$0xFFFFFF10] =	vst v12  }
0xbf: {  	[tilespmem:s16+$0x80] =	vst v6  }
0xc0: {  	[tilespmem:s16+$0x60] =	vst v1  }
0xc1: {  	[tilespmem:s16+$0x0] =	vst v2  }
0xc2: {  	[tilespmem:s16+$0xFFFFFF80] =	vst v3  }
0xc3: {  	v0 =	vmul.f32 v14, v0;
	[tilespmem:s16+$0xFFFFFF00] =	vst v4  }
0xc4: {  	[tilespmem:s16+$0xFFFFFF40] =	vst v13  }
0xc5: {  	[tilespmem:s16+$0xC0] =	vst v0  }
0xc6: {  	[spmem:s3] =	stream.indirect.scatter.add.f32 [tilespmem:s22], [sflag:$0x7], $0x80, s8, s21, $0xb8;
	[tilespmem:$0x1F600] =	vst v63  }
0xc7: {  	_ =	swait.ge [sflag:s31], $0x3C00  }
0xc8: {  	[sflag:s31] =	ssyncset.done $0x0  }
0xc9: {  	s16 =	simm.s32 $0x4180;
	[sflag:s31] =	ssyncadd.s32 $0xFFFFC400  }
0xca: {  	v2 =	vld [tilespmem:s16+$0xFFFFFFF0]  }
0xcb: {  	v3 =	vld [tilespmem:s16+$0xF0]  }
0xcc: {  	v1 =	vld [tilespmem:s16+$0xB0]  }
0xcd: {  	v4 =	vld [tilespmem:s16+$0xFFFFFFC0]  }
0xce: {  	v5 =	vld [tilespmem:s16+$0x40]  }
0xcf: {  	v6 =	vld [tilespmem:s16+$0xFFFFFF50]  }
0xd0: {  	s14 =	simm.s32 $0x0;
	v7 =	vld [tilespmem:s16+$0xFFFFFFD0]  }
0xd1: {  	s15 =	simm.s32 $0x3;
	s17 =	simm.s32 $0x1;
	v0 =	vmov s14;
	v8 =	vld [tilespmem:s16+$0x50]  }
0xd2: {  	s18 =	simm.s32 $0x2;
	v9 =	vmov s15;
	v10 =	vmov s17;
	v0 =	vand.u32 $0xFFFFFFFC, v0;
	v11 =	vld [tilespmem:s16+$0xD0]  }
0xd3: {  	v12 =	vbroadcast v0, $0x0;
	v0 =	vand.u32 $0xFFFFFFFD, v10;
	v10 =	vmov s18;
	v13 =	vld [tilespmem:s16+$0xFFFFFF60]  }
0xd4: {  	v14 =	vbroadcast v0, $0x0;
	v0 =	vand.u32 $0xFFFFFFFE, v10;
	v10 =	vld [tilespmem:s16+$0xFFFFFFE0]  }
0xd5: {  	v16 =	vld [tilespmem:s16+$0x60]  }
0xd6: {  	v17 =	vld [tilespmem:s16+$0xE0]  }
0xd7: {  	v18 =	vld [tilespmem:s16+$0xFFFFFF70]  }
0xd8: {  	v15 =	vbroadcast v0, $0x0;
	v0 =	vld.idx.msk [tilespmem:v9+s13+$0x0], $0xffff  }
0xd9: {  	v9 =	vld [tilespmem:s16+$0x70]  }
0xda: {  	v21 =	vld [tilespmem:s16+$0xA0]  }
0xdb: {  	v22 =	vld [tilespmem:s16+$0xFFFFFF30]  }
0xdc: {  	v59 =	vld [tilespmem:s16+$0xFFFFFFA0]  }
0xdd: {  	v23 =	vld [tilespmem:s16+$0xFFFFFF20]  }
0xde: {  	v19 =	vld.idx.msk [tilespmem:v12+s13+$0x0], $0xffff;
	v11 =	vmul.f32 v11, v0  }
0xdf: {  	v20 =	vld.idx.msk [tilespmem:v14+s13+$0x0], $0xffff;
	v17 =	vmul.f32 v17, v0  }
0xe0: {  	v15 =	vld.idx.msk [tilespmem:v15+s13+$0x0], $0xffff;
	v1 =	vmul.f32 v1, v0;
	[tilespmem:s16+$0xD0] =	vst v11  }
0xe1: {  	v24 =	vld [tilespmem:s16+$0x10];
	v3 =	vmul.f32 v3, v0;
	[tilespmem:s16+$0xE0] =	vst v17  }
0xe2: {  	v60 =	vld [tilespmem:s16+$0x80];
	v21 =	vmul.f32 v21, v0;
	[tilespmem:s16+$0xB0] =	vst v1  }
0xe3: {  	v61 =	vld [tilespmem:s16+$0xFFFFFF80];
	[tilespmem:s16+$0xF0] =	vst v3;
	v6 =	vmul.f32 v6, v19  }
0xe4: {  	v14 =	vld [tilespmem:s16+$0xFFFFFFB0];
	[tilespmem:s16+$0xA0] =	vst v21;
	v11 =	vmul.f32 v13, v19  }
0xe5: {  	v12 =	vld [tilespmem:s16+$0x30];
	v4 =	vmul.f32 v4, v20;
	[tilespmem:s16+$0xFFFFFF50] =	vst v6  }
0xe6: {  	v62 =	vld [tilespmem:s16+$0xFFFFFF00];
	v10 =	vmul.f32 v10, v20;
	[tilespmem:s16+$0xFFFFFF60] =	vst v11  }
0xe7: {  	v13 =	vld [tilespmem:s16+$0x20];
	v25 =	vmul.f32 v2, v20;
	v6 =	vmul.f32 v7, v20;
	[tilespmem:s16+$0xFFFFFFC0] =	vst v4  }
0xe8: {  	v63 =	vld [tilespmem:s16+$0xFFFFFF40];
	v2 =	vmul.f32 v18, v19;
	v7 =	vmul.f32 v8, v15;
	[tilespmem:s16+$0xFFFFFFE0] =	vst v10  }
0xe9: {  	v3 =	vmul.f32 v61, v20;
	v11 =	vld [tilespmem:s16+$0x90];
	v8 =	vmul.f32 v14, v20;
	[tilespmem:s16+$0xFFFFFFD0] =	vst v6  }
0xea: {  	v4 =	vmul.f32 v5, v15;
	v5 =	vmul.f32 v12, v15;
	v12 =	vld [tilespmem:s16+$0xFFFFFF10];
	[tilespmem:s16+$0x50] =	vst v7  }
0xeb: {  	v1 =	vmul.f32 v16, v15;
	v9 =	vmul.f32 v9, v15;
	v6 =	vld [tilespmem:s16+$0xFFFFFF90];
	[tilespmem:s16+$0xFFFFFFB0] =	vst v8  }
0xec: {  	v10 =	vmul.f32 v24, v15;
	[tilespmem:s16+$0x30] =	vst v5;
	v5 =	vmul.f32 v13, v15;
	v13 =	vld [tilespmem:s16+$0x0]  }
0xed: {  	v7 =	vmul.f32 v59, v20;
	[tilespmem:s16+$0x40] =	vst v4;
	v4 =	vmul.f32 v22, v19  }
0xee: {  	v14 =	vld [tilespmem:s16+$0xC0];
	[tilespmem:s16+$0x70] =	vst v9;
	v9 =	vmul.f32 v23, v19;
	v8 =	vmul.f32 v11, v0  }
0xef: {  	[tilespmem:s16+$0xFFFFFF30] =	vst v4;
	v4 =	vmul.f32 v62, v19;
	v12 =	vmul.f32 v12, v19  }
0xf0: {  	[tilespmem:s16+$0xFFFFFF70] =	vst v2;
	v11 =	vmul.f32 v6, v20;
	v6 =	vmul.f32 v60, v0  }
0xf1: {  	s17 =	simm.s32 $0x7;
	s18 =	simm.s32 $0x4380;
	[tilespmem:s16+$0xFFFFFFF0] =	vst v25;
	v2 =	vmul.f32 v13, v15;
	v13 =	vmul.f32 v63, v19  }
.LBB2_5:
0xf2: {  	s14 =	sadd.s32 $0xFFFFFFFD, s17  }
0xf3: {  	v15 =	vmov s17;
	v16 =	vld [tilespmem:s18+$0xFFFFFFF0];
	p0 =	sne.s32 s17, $0x77;
	[tilespmem:s16+$0x20] =	vst v5;
	v0 =	vmul.f32 v14, v0;
	s15 =	smov.u32 s17;
	s17 =	sadd.s32 $0x4, s17  }
0xf4: {  	v5 =	vmov s14;
	s14 =	sadd.s32 $0xFFFFFFFE, s15;
	v14 =	vld [tilespmem:s18+$0xF0];
	[tilespmem:s16+$0xFFFFFFA0] =	vst v7  }
0xf5: {  	v5 =	vand.u32 $0xFFFFFFFC, v5;
	v7 =	vmov s14;
	s14 =	sadd.s32 $0xFFFFFFFF, s15;
	v17 =	vld [tilespmem:s18+$0xB0];
	[tilespmem:s16+$0xFFFFFF20] =	vst v9  }
0xf6: {  	v5 =	vbroadcast v5, $0x0;
	v7 =	vand.u32 $0xFFFFFFFD, v7;
	v9 =	vmov s14;
	v18 =	vld [tilespmem:s18+$0xFFFFFFC0];
	[tilespmem:s16+$0x90] =	vst v8  }
0xf7: {  	v7 =	vbroadcast v7, $0x0;
	v8 =	vand.u32 $0xFFFFFFFE, v9;
	v9 =	vld [tilespmem:s18+$0x40];
	[tilespmem:s16+$0x10] =	vst v10  }
0xf8: {  	v8 =	vbroadcast v8, $0x0;
	v10 =	vld [tilespmem:s18+$0xFFFFFF50];
	[tilespmem:s16+$0xFFFFFF90] =	vst v11  }
0xf9: {  	v11 =	vld [tilespmem:s18+$0xFFFFFFD0];
	[tilespmem:s16+$0xFFFFFF10] =	vst v12  }
0xfa: {  	v12 =	vld [tilespmem:s18+$0x50];
	[tilespmem:s16+$0xFFFFFF40] =	vst v13  }
0xfb: {  	v13 =	vld [tilespmem:s18+$0xD0];
	[tilespmem:s16+$0x80] =	vst v6  }
0xfc: {  	v6 =	vld [tilespmem:s18+$0xFFFFFF60];
	[tilespmem:s16+$0x60] =	vst v1  }
0xfd: {  	v19 =	vld [tilespmem:s18+$0xFFFFFFE0];
	[tilespmem:s16+$0xC0] =	vst v0  }
0xfe: {  	v1 =	vld [tilespmem:s18+$0x60];
	[tilespmem:s16+$0x0] =	vst v2  }
0xff: {  	v2 =	vld [tilespmem:s18+$0xE0];
	[tilespmem:s16+$0xFFFFFF80] =	vst v3  }
0x100: {  	v3 =	vld [tilespmem:s18+$0xFFFFFF70];
	[tilespmem:s16+$0xFFFFFF00] =	vst v4;
	s16 =	smov.u32 s18  }
0x101: {  	v0 =	vld.idx.msk [tilespmem:v15+s13+$0x0], $0xffff  }
0x102: {  	v15 =	vld.idx.msk [tilespmem:v5+s13+$0x0], $0xffff  }
0x103: {  	v4 =	vld.idx.msk [tilespmem:v7+s13+$0x0], $0xffff  }
0x104: {  	v20 =	vld.idx.msk [tilespmem:v8+s13+$0x0], $0xffff  }
0x105: {  	v5 =	vld [tilespmem:s18+$0x70]  }
0x106: {  	v7 =	vld [tilespmem:s18+$0x30]  }
0x107: {  	v13 =	vmul.f32 v13, v0;
	v2 =	vmul.f32 v2, v0;
	v8 =	vld [tilespmem:s18+$0xFFFFFFB0]  }
0x108: {  	v10 =	vmul.f32 v10, v15;
	v6 =	vmul.f32 v6, v15;
	v21 =	vld [tilespmem:s18+$0xFFFFFF30]  }
0x109: {  	v18 =	vmul.f32 v18, v4;
	v11 =	vmul.f32 v11, v4;
	v22 =	vld [tilespmem:s18+$0xA0];
	[tilespmem:s18+$0xD0] =	vst v13  }
0x10a: {  	v17 =	vmul.f32 v17, v0;
	v9 =	vmul.f32 v9, v20;
	v13 =	vld [tilespmem:s18+$0x20];
	[tilespmem:s18+$0xE0] =	vst v2  }
0x10b: {  	v2 =	vld [tilespmem:s18+$0xFFFFFFA0];
	v23 =	vmul.f32 v7, v20;
	[tilespmem:s18+$0xFFFFFF50] =	vst v10;
	v10 =	vmul.f32 v12, v20  }
0x10c: {  	v1 =	vmul.f32 v1, v20;
	v12 =	vld [tilespmem:s18+$0xFFFFFF20];
	v24 =	vmul.f32 v8, v4;
	[tilespmem:s18+$0xFFFFFF60] =	vst v6  }
0x10d: {  	v6 =	vld [tilespmem:s18+$0x90];
	v21 =	vmul.f32 v21, v15;
	[tilespmem:s18+$0xFFFFFFC0] =	vst v18;
	v18 =	vmul.f32 v5, v20  }
0x10e: {  	v19 =	vmul.f32 v19, v4;
	v25 =	vld [tilespmem:s18+$0x10];
	v22 =	vmul.f32 v22, v0;
	[tilespmem:s18+$0xFFFFFFD0] =	vst v11  }
0x10f: {  	v11 =	vld [tilespmem:s18+$0xFFFFFF90];
	v5 =	vmul.f32 v13, v20;
	[tilespmem:s18+$0xB0] =	vst v17;
	v13 =	vmul.f32 v16, v4  }
0x110: {  	v16 =	vld [tilespmem:s18+$0xFFFFFF10];
	v7 =	vmul.f32 v2, v4;
	[tilespmem:s18+$0x40] =	vst v9;
	v2 =	vmul.f32 v3, v15  }
0x111: {  	v17 =	vmul.f32 v14, v0;
	v3 =	vld [tilespmem:s18+$0x80];
	v9 =	vmul.f32 v12, v15;
	[tilespmem:s18+$0x30] =	vst v23  }
0x112: {  	v23 =	vld [tilespmem:s18+$0x0];
	v8 =	vmul.f32 v6, v0;
	[tilespmem:s18+$0x50] =	vst v10  }
0x113: {  	v26 =	vld [tilespmem:s18+$0xFFFFFF80];
	v10 =	vmul.f32 v25, v20;
	[tilespmem:s18+$0xFFFFFFB0] =	vst v24  }
0x114: {  	v24 =	vld [tilespmem:s18+$0xFFFFFF00];
	v11 =	vmul.f32 v11, v4;
	[tilespmem:s18+$0x70] =	vst v18  }
0x115: {  	v12 =	vmul.f32 v16, v15;
	v16 =	vld [tilespmem:s18+$0xFFFFFF40];
	[tilespmem:s18+$0xFFFFFFE0] =	vst v19  }
.Ltmp1:
0x116: {  	v6 =	vmul.f32 v3, v0;
	v14 =	vld [tilespmem:s18+$0xC0];
	[tilespmem:s18+$0xFFFFFF70] =	vst v2;
	(pc) =	sbr.rel @p0 .LBB2_5-.Ltmp1, $4  }
0x117: {  	v2 =	vmul.f32 v23, v20;
	[tilespmem:s18+$0xF0] =	vst v17  }
0x118: {  	v3 =	vmul.f32 v26, v4;
	[tilespmem:s18+$0xFFFFFF30] =	vst v21  }
0x119: {  	v4 =	vmul.f32 v24, v15;
	[tilespmem:s18+$0xFFFFFFF0] =	vst v13  }
0x11a: {  	s18 =	sadd.s32 $0x200, s18;
	[tilespmem:s16+$0xA0] =	vst v22;
	v13 =	vmul.f32 v16, v15  }
0x11b: {  	[tilespmem:s16+$0x20] =	vst v5  }
0x11c: {  	[tilespmem:s16+$0xFFFFFFA0] =	vst v7  }
0x11d: {  	[tilespmem:s16+$0xFFFFFF20] =	vst v9  }
0x11e: {  	[tilespmem:s16+$0x90] =	vst v8  }
0x11f: {  	[tilespmem:s16+$0x10] =	vst v10  }
0x120: {  	[tilespmem:s16+$0xFFFFFF90] =	vst v11  }
0x121: {  	[tilespmem:s16+$0xFFFFFF10] =	vst v12  }
0x122: {  	[tilespmem:s16+$0x80] =	vst v6  }
0x123: {  	[tilespmem:s16+$0x60] =	vst v1  }
0x124: {  	[tilespmem:s16+$0x0] =	vst v2  }
0x125: {  	[tilespmem:s16+$0xFFFFFF80] =	vst v3  }
0x126: {  	v0 =	vmul.f32 v14, v0;
	[tilespmem:s16+$0xFFFFFF00] =	vst v4  }
0x127: {  	[tilespmem:s16+$0xFFFFFF40] =	vst v13  }
0x128: {  	[tilespmem:s16+$0xC0] =	vst v0  }
0x129: {  	[spmem:s3] =	stream.indirect.scatter.add.f32 [tilespmem:s24], [sflag:$0x8], $0x80, s12, s21, $0xb8;
	[tilespmem:$0x1F600] =	vst v63  }
0x12a: {  	_ =	swait.ge [sflag:s0], $0x3C00  }
0x12b: {  	[sflag:s0] =	ssyncset.done $0x0  }
0x12c: {  	s16 =	simm.s32 $0x7D80;
	[sflag:s0] =	ssyncadd.s32 $0xFFFFC400  }
0x12d: {  	v2 =	vld [tilespmem:s16+$0xFFFFFFF0]  }
0x12e: {  	v3 =	vld [tilespmem:s16+$0xF0]  }
0x12f: {  	v1 =	vld [tilespmem:s16+$0xB0]  }
0x130: {  	v4 =	vld [tilespmem:s16+$0xFFFFFFC0]  }
0x131: {  	v5 =	vld [tilespmem:s16+$0x40]  }
0x132: {  	v6 =	vld [tilespmem:s16+$0xFFFFFF50]  }
0x133: {  	s14 =	simm.s32 $0x0;
	v7 =	vld [tilespmem:s16+$0xFFFFFFD0]  }
0x134: {  	s15 =	simm.s32 $0x3;
	s17 =	simm.s32 $0x1;
	v0 =	vmov s14;
	v8 =	vld [tilespmem:s16+$0x50]  }
0x135: {  	s18 =	simm.s32 $0x2;
	v9 =	vmov s15;
	v10 =	vmov s17;
	v0 =	vand.u32 $0xFFFFFFFC, v0;
	v11 =	vld [tilespmem:s16+$0xD0]  }
0x136: {  	v12 =	vbroadcast v0, $0x0;
	v0 =	vand.u32 $0xFFFFFFFD, v10;
	v10 =	vmov s18;
	v13 =	vld [tilespmem:s16+$0xFFFFFF60]  }
0x137: {  	v14 =	vbroadcast v0, $0x0;
	v0 =	vand.u32 $0xFFFFFFFE, v10;
	v10 =	vld [tilespmem:s16+$0xFFFFFFE0]  }
0x138: {  	v16 =	vld [tilespmem:s16+$0x60]  }
0x139: {  	v17 =	vld [tilespmem:s16+$0xE0]  }
0x13a: {  	v18 =	vld [tilespmem:s16+$0xFFFFFF70]  }
0x13b: {  	v15 =	vbroadcast v0, $0x0;
	v0 =	vld.idx.msk [tilespmem:v9+s19+$0x0], $0xffff  }
0x13c: {  	v9 =	vld [tilespmem:s16+$0x70]  }
0x13d: {  	v21 =	vld [tilespmem:s16+$0xA0]  }
0x13e: {  	v22 =	vld [tilespmem:s16+$0xFFFFFF30]  }
0x13f: {  	v59 =	vld [tilespmem:s16+$0xFFFFFFA0]  }
0x140: {  	v23 =	vld [tilespmem:s16+$0xFFFFFF20]  }
0x141: {  	v19 =	vld.idx.msk [tilespmem:v12+s19+$0x0], $0xffff;
	v11 =	vmul.f32 v11, v0  }
0x142: {  	v20 =	vld.idx.msk [tilespmem:v14+s19+$0x0], $0xffff;
	v17 =	vmul.f32 v17, v0  }
0x143: {  	v15 =	vld.idx.msk [tilespmem:v15+s19+$0x0], $0xffff;
	v1 =	vmul.f32 v1, v0;
	[tilespmem:s16+$0xD0] =	vst v11  }
0x144: {  	v24 =	vld [tilespmem:s16+$0x10];
	v3 =	vmul.f32 v3, v0;
	[tilespmem:s16+$0xE0] =	vst v17  }
0x145: {  	v60 =	vld [tilespmem:s16+$0x80];
	v21 =	vmul.f32 v21, v0;
	[tilespmem:s16+$0xB0] =	vst v1  }
0x146: {  	v61 =	vld [tilespmem:s16+$0xFFFFFF80];
	[tilespmem:s16+$0xF0] =	vst v3;
	v6 =	vmul.f32 v6, v19  }
0x147: {  	v14 =	vld [tilespmem:s16+$0xFFFFFFB0];
	[tilespmem:s16+$0xA0] =	vst v21;
	v11 =	vmul.f32 v13, v19  }
0x148: {  	v12 =	vld [tilespmem:s16+$0x30];
	v4 =	vmul.f32 v4, v20;
	[tilespmem:s16+$0xFFFFFF50] =	vst v6  }
0x149: {  	v62 =	vld [tilespmem:s16+$0xFFFFFF00];
	v10 =	vmul.f32 v10, v20;
	[tilespmem:s16+$0xFFFFFF60] =	vst v11  }
0x14a: {  	v13 =	vld [tilespmem:s16+$0x20];
	v25 =	vmul.f32 v2, v20;
	v6 =	vmul.f32 v7, v20;
	[tilespmem:s16+$0xFFFFFFC0] =	vst v4  }
0x14b: {  	v63 =	vld [tilespmem:s16+$0xFFFFFF40];
	v2 =	vmul.f32 v18, v19;
	v7 =	vmul.f32 v8, v15;
	[tilespmem:s16+$0xFFFFFFE0] =	vst v10  }
0x14c: {  	v3 =	vmul.f32 v61, v20;
	v11 =	vld [tilespmem:s16+$0x90];
	v8 =	vmul.f32 v14, v20;
	[tilespmem:s16+$0xFFFFFFD0] =	vst v6  }
0x14d: {  	v4 =	vmul.f32 v5, v15;
	v5 =	vmul.f32 v12, v15;
	v12 =	vld [tilespmem:s16+$0xFFFFFF10];
	[tilespmem:s16+$0x50] =	vst v7  }
0x14e: {  	v1 =	vmul.f32 v16, v15;
	v9 =	vmul.f32 v9, v15;
	v6 =	vld [tilespmem:s16+$0xFFFFFF90];
	[tilespmem:s16+$0xFFFFFFB0] =	vst v8  }
0x14f: {  	v10 =	vmul.f32 v24, v15;
	[tilespmem:s16+$0x30] =	vst v5;
	v5 =	vmul.f32 v13, v15;
	v13 =	vld [tilespmem:s16+$0x0]  }
0x150: {  	v7 =	vmul.f32 v59, v20;
	[tilespmem:s16+$0x40] =	vst v4;
	v4 =	vmul.f32 v22, v19  }
0x151: {  	v14 =	vld [tilespmem:s16+$0xC0];
	[tilespmem:s16+$0x70] =	vst v9;
	v9 =	vmul.f32 v23, v19;
	v8 =	vmul.f32 v11, v0  }
0x152: {  	[tilespmem:s16+$0xFFFFFF30] =	vst v4;
	v4 =	vmul.f32 v62, v19;
	v12 =	vmul.f32 v12, v19  }
0x153: {  	[tilespmem:s16+$0xFFFFFF70] =	vst v2;
	v11 =	vmul.f32 v6, v20;
	v6 =	vmul.f32 v60, v0  }
0x154: {  	s17 =	simm.s32 $0x7;
	s18 =	simm.s32 $0x7F80;
	[tilespmem:s16+$0xFFFFFFF0] =	vst v25;
	v2 =	vmul.f32 v13, v15;
	v13 =	vmul.f32 v63, v19  }
.LBB2_7:
0x155: {  	s14 =	sadd.s32 $0xFFFFFFFD, s17  }
0x156: {  	v15 =	vmov s17;
	v16 =	vld [tilespmem:s18+$0xFFFFFFF0];
	p0 =	sne.s32 s17, $0x77;
	[tilespmem:s16+$0x20] =	vst v5;
	v0 =	vmul.f32 v14, v0;
	s15 =	smov.u32 s17;
	s17 =	sadd.s32 $0x4, s17  }
0x157: {  	v5 =	vmov s14;
	s14 =	sadd.s32 $0xFFFFFFFE, s15;
	v14 =	vld [tilespmem:s18+$0xF0];
	[tilespmem:s16+$0xFFFFFFA0] =	vst v7  }
0x158: {  	v5 =	vand.u32 $0xFFFFFFFC, v5;
	v7 =	vmov s14;
	s14 =	sadd.s32 $0xFFFFFFFF, s15;
	v17 =	vld [tilespmem:s18+$0xB0];
	[tilespmem:s16+$0xFFFFFF20] =	vst v9  }
0x159: {  	v5 =	vbroadcast v5, $0x0;
	v7 =	vand.u32 $0xFFFFFFFD, v7;
	v9 =	vmov s14;
	v18 =	vld [tilespmem:s18+$0xFFFFFFC0];
	[tilespmem:s16+$0x90] =	vst v8  }
0x15a: {  	v7 =	vbroadcast v7, $0x0;
	v8 =	vand.u32 $0xFFFFFFFE, v9;
	v9 =	vld [tilespmem:s18+$0x40];
	[tilespmem:s16+$0x10] =	vst v10  }
0x15b: {  	v8 =	vbroadcast v8, $0x0;
	v10 =	vld [tilespmem:s18+$0xFFFFFF50];
	[tilespmem:s16+$0xFFFFFF90] =	vst v11  }
0x15c: {  	v11 =	vld [tilespmem:s18+$0xFFFFFFD0];
	[tilespmem:s16+$0xFFFFFF10] =	vst v12  }
0x15d: {  	v12 =	vld [tilespmem:s18+$0x50];
	[tilespmem:s16+$0xFFFFFF40] =	vst v13  }
0x15e: {  	v13 =	vld [tilespmem:s18+$0xD0];
	[tilespmem:s16+$0x80] =	vst v6  }
0x15f: {  	v6 =	vld [tilespmem:s18+$0xFFFFFF60];
	[tilespmem:s16+$0x60] =	vst v1  }
0x160: {  	v19 =	vld [tilespmem:s18+$0xFFFFFFE0];
	[tilespmem:s16+$0xC0] =	vst v0  }
0x161: {  	v1 =	vld [tilespmem:s18+$0x60];
	[tilespmem:s16+$0x0] =	vst v2  }
0x162: {  	v2 =	vld [tilespmem:s18+$0xE0];
	[tilespmem:s16+$0xFFFFFF80] =	vst v3  }
0x163: {  	v3 =	vld [tilespmem:s18+$0xFFFFFF70];
	[tilespmem:s16+$0xFFFFFF00] =	vst v4;
	s16 =	smov.u32 s18  }
0x164: {  	v0 =	vld.idx.msk [tilespmem:v15+s19+$0x0], $0xffff  }
0x165: {  	v15 =	vld.idx.msk [tilespmem:v5+s19+$0x0], $0xffff  }
0x166: {  	v4 =	vld.idx.msk [tilespmem:v7+s19+$0x0], $0xffff  }
0x167: {  	v20 =	vld.idx.msk [tilespmem:v8+s19+$0x0], $0xffff  }
0x168: {  	v5 =	vld [tilespmem:s18+$0x70]  }
0x169: {  	v7 =	vld [tilespmem:s18+$0x30]  }
0x16a: {  	v13 =	vmul.f32 v13, v0;
	v2 =	vmul.f32 v2, v0;
	v8 =	vld [tilespmem:s18+$0xFFFFFFB0]  }
0x16b: {  	v10 =	vmul.f32 v10, v15;
	v6 =	vmul.f32 v6, v15;
	v21 =	vld [tilespmem:s18+$0xFFFFFF30]  }
0x16c: {  	v18 =	vmul.f32 v18, v4;
	v11 =	vmul.f32 v11, v4;
	v22 =	vld [tilespmem:s18+$0xA0];
	[tilespmem:s18+$0xD0] =	vst v13  }
0x16d: {  	v17 =	vmul.f32 v17, v0;
	v9 =	vmul.f32 v9, v20;
	v13 =	vld [tilespmem:s18+$0x20];
	[tilespmem:s18+$0xE0] =	vst v2  }
0x16e: {  	v2 =	vld [tilespmem:s18+$0xFFFFFFA0];
	v23 =	vmul.f32 v7, v20;
	[tilespmem:s18+$0xFFFFFF50] =	vst v10;
	v10 =	vmul.f32 v12, v20  }
0x16f: {  	v1 =	vmul.f32 v1, v20;
	v12 =	vld [tilespmem:s18+$0xFFFFFF20];
	v24 =	vmul.f32 v8, v4;
	[tilespmem:s18+$0xFFFFFF60] =	vst v6  }
0x170: {  	v6 =	vld [tilespmem:s18+$0x90];
	v21 =	vmul.f32 v21, v15;
	[tilespmem:s18+$0xFFFFFFC0] =	vst v18;
	v18 =	vmul.f32 v5, v20  }
0x171: {  	v19 =	vmul.f32 v19, v4;
	v25 =	vld [tilespmem:s18+$0x10];
	v22 =	vmul.f32 v22, v0;
	[tilespmem:s18+$0xFFFFFFD0] =	vst v11  }
0x172: {  	v11 =	vld [tilespmem:s18+$0xFFFFFF90];
	v5 =	vmul.f32 v13, v20;
	[tilespmem:s18+$0xB0] =	vst v17;
	v13 =	vmul.f32 v16, v4  }
0x173: {  	v16 =	vld [tilespmem:s18+$0xFFFFFF10];
	v7 =	vmul.f32 v2, v4;
	[tilespmem:s18+$0x40] =	vst v9;
	v2 =	vmul.f32 v3, v15  }
0x174: {  	v17 =	vmul.f32 v14, v0;
	v3 =	vld [tilespmem:s18+$0x80];
	v9 =	vmul.f32 v12, v15;
	[tilespmem:s18+$0x30] =	vst v23  }
0x175: {  	v23 =	vld [tilespmem:s18+$0x0];
	v8 =	vmul.f32 v6, v0;
	[tilespmem:s18+$0x50] =	vst v10  }
0x176: {  	v26 =	vld [tilespmem:s18+$0xFFFFFF80];
	v10 =	vmul.f32 v25, v20;
	[tilespmem:s18+$0xFFFFFFB0] =	vst v24  }
0x177: {  	v24 =	vld [tilespmem:s18+$0xFFFFFF00];
	v11 =	vmul.f32 v11, v4;
	[tilespmem:s18+$0x70] =	vst v18  }
0x178: {  	v12 =	vmul.f32 v16, v15;
	v16 =	vld [tilespmem:s18+$0xFFFFFF40];
	[tilespmem:s18+$0xFFFFFFE0] =	vst v19  }
.Ltmp2:
0x179: {  	v6 =	vmul.f32 v3, v0;
	v14 =	vld [tilespmem:s18+$0xC0];
	[tilespmem:s18+$0xFFFFFF70] =	vst v2;
	(pc) =	sbr.rel @p0 .LBB2_7-.Ltmp2, $4  }
0x17a: {  	v2 =	vmul.f32 v23, v20;
	[tilespmem:s18+$0xF0] =	vst v17  }
0x17b: {  	v3 =	vmul.f32 v26, v4;
	[tilespmem:s18+$0xFFFFFF30] =	vst v21  }
0x17c: {  	v4 =	vmul.f32 v24, v15;
	[tilespmem:s18+$0xFFFFFFF0] =	vst v13  }
0x17d: {  	s18 =	sadd.s32 $0x200, s18;
	[tilespmem:s16+$0xA0] =	vst v22;
	v13 =	vmul.f32 v16, v15  }
0x17e: {  	[tilespmem:s16+$0x20] =	vst v5  }
0x17f: {  	[tilespmem:s16+$0xFFFFFFA0] =	vst v7  }
0x180: {  	[tilespmem:s16+$0xFFFFFF20] =	vst v9  }
0x181: {  	[tilespmem:s16+$0x90] =	vst v8  }
0x182: {  	[tilespmem:s16+$0x10] =	vst v10  }
0x183: {  	[tilespmem:s16+$0xFFFFFF90] =	vst v11  }
0x184: {  	[tilespmem:s16+$0xFFFFFF10] =	vst v12  }
0x185: {  	[tilespmem:s16+$0x80] =	vst v6  }
0x186: {  	[tilespmem:s16+$0x60] =	vst v1  }
0x187: {  	[tilespmem:s16+$0x0] =	vst v2  }
0x188: {  	[tilespmem:s16+$0xFFFFFF80] =	vst v3  }
0x189: {  	v0 =	vmul.f32 v14, v0;
	[tilespmem:s16+$0xFFFFFF00] =	vst v4  }
0x18a: {  	[tilespmem:s16+$0xFFFFFF40] =	vst v13  }
0x18b: {  	s17 =	simm.s32 $0x280;
	[tilespmem:s16+$0xC0] =	vst v0  }
0x18c: {  	[spmem:s3] =	stream.indirect.scatter.add.f32 [tilespmem:s26], [sflag:$0x9], $0x80, s17, s21, $0xb8;
	[tilespmem:$0x1F600] =	vst v63  }
0x18d: {  	s14 =	smul.u32 $0x168, s9;
	_ =	swait.ge [sflag:s4], $0x3C00  }
0x18e: {  	s15 =	rddreg [dreg:$0xe]  }
0x18f: {  	s15 =	sadd.s32 s14, s15  }
0x190: {  	[sflag:s4] =	ssyncset.done $0x0;
	s15 =	sshrl.u32 s15, $0x3  }
0x191: {  	[sflag:s4] =	ssyncadd.s32 $0xFFFFC400;
	s18 =	sadd.s32 s1, s15  }
0x192: {  	[tilespmem:s5], [sflag:$0x1] =	stream.linear.gather [hbm4b:s18+s5], $0x78, $0x38;
	[tilespmem:$0x1F600] =	vst v63  }
0x193: {  	s16 =	sadd.s32 $0x9C40, s18  }
0x194: {  	[tilespmem:s8], [sflag:$0x1] =	stream.linear.gather [hbm4b:s16+s5], $0x78, $0x38;
	[tilespmem:$0x1F600] =	vst v63  }
0x195: {  	s15 =	sadd.s32 s6, s15  }
0x196: {  	[tilespmem:s10], [sflag:$0x1] =	stream.linear.gather [hbm4b:s15+s5], $0x78, $0x38;
	[tilespmem:$0x1F600] =	vst v63  }
0x197: {  	_ =	swait.ge [sflag:s20], $0x78  }
0x198: {  	[sflag:s20] =	ssyncset.done $0x0  }
0x199: {  	[sflag:s20] =	ssyncadd.s32 $0xFFFFFF88  }
0x19a: {  	_ =	swait.ge [sflag:s20], $0x78  }
0x19b: {  	[sflag:s20] =	ssyncset.done $0x0  }
0x19c: {  	[sflag:s20] =	ssyncadd.s32 $0xFFFFFF88  }
0x19d: {  	_ =	swait.ge [sflag:s20], $0x78  }
0x19e: {  	[sflag:s20] =	ssyncset.done $0x0  }
0x19f: {  	[sflag:s20] =	ssyncadd.s32 $0xFFFFFF88  }
0x1a0: {  	[tilespmem:s22], [sflag:$0x4] =	stream.indirect.gather [hbm4b:s2+s21], $0x80, s5, s21, $0xb8;
	[tilespmem:$0x1F600] =	vst v63  }
0x1a1: {  	_ =	swait.ge [sflag:s7], $0x3C00  }
0x1a2: {  	s16 =	rddreg [dreg:$0xf]  }
0x1a3: {  	s15 =	sadd.s32 s14, s16  }
0x1a4: {  	[sflag:s7] =	ssyncset.done $0x0;
	s15 =	sshrl.u32 s15, $0x3  }
0x1a5: {  	[sflag:s7] =	ssyncadd.s32 $0xFFFFC400;
	s18 =	sadd.s32 s1, s15  }
0x1a6: {  	[tilespmem:s11], [sflag:$0x2] =	stream.linear.gather [hbm4b:s18+s5], $0x78, $0x38;
	[tilespmem:$0x1F600] =	vst v63  }
0x1a7: {  	s16 =	sadd.s32 $0x9C40, s18  }
0x1a8: {  	[tilespmem:s12], [sflag:$0x2] =	stream.linear.gather [hbm4b:s16+s5], $0x78, $0x38;
	[tilespmem:$0x1F600] =	vst v63  }
0x1a9: {  	s15 =	sadd.s32 s6, s15  }
0x1aa: {  	[tilespmem:s13], [sflag:$0x2] =	stream.linear.gather [hbm4b:s15+s5], $0x78, $0x38;
	[tilespmem:$0x1F600] =	vst v63  }
0x1ab: {  	_ =	swait.ge [sflag:s23], $0x78  }
0x1ac: {  	[sflag:s23] =	ssyncset.done $0x0  }
0x1ad: {  	[sflag:s23] =	ssyncadd.s32 $0xFFFFFF88  }
0x1ae: {  	_ =	swait.ge [sflag:s23], $0x78  }
0x1af: {  	[sflag:s23] =	ssyncset.done $0x0  }
0x1b0: {  	[sflag:s23] =	ssyncadd.s32 $0xFFFFFF88  }
0x1b1: {  	_ =	swait.ge [sflag:s23], $0x78  }
0x1b2: {  	[sflag:s23] =	ssyncset.done $0x0  }
0x1b3: {  	[sflag:s23] =	ssyncadd.s32 $0xFFFFFF88  }
0x1b4: {  	[tilespmem:s24], [sflag:$0x5] =	stream.indirect.gather [hbm4b:s2+s21], $0x80, s11, s21, $0xb8;
	[tilespmem:$0x1F600] =	vst v63  }
0x1b5: {  	_ =	swait.ge [sflag:s29], $0x3C00  }
0x1b6: {  	s16 =	rddreg [dreg:$0x10]  }
0x1b7: {  	s14 =	sadd.s32 s14, s16  }
0x1b8: {  	[sflag:s29] =	ssyncset.done $0x0;
	s14 =	sshrl.u32 s14, $0x3  }
0x1b9: {  	[sflag:s29] =	ssyncadd.s32 $0xFFFFC400;
	s16 =	simm.s32 $0x100;
	s18 =	sadd.s32 s1, s14  }
0x1ba: {  	[tilespmem:s16], [sflag:$0x3] =	stream.linear.gather [hbm4b:s18+s5], $0x78, $0x38;
	[tilespmem:$0x1F600] =	vst v63  }
0x1bb: {  	s15 =	sadd.s32 $0x9C40, s18  }
0x1bc: {  	[tilespmem:s17], [sflag:$0x3] =	stream.linear.gather [hbm4b:s15+s5], $0x78, $0x38;
	[tilespmem:$0x1F600] =	vst v63  }
0x1bd: {  	s14 =	sadd.s32 s6, s14  }
0x1be: {  	[tilespmem:s19], [sflag:$0x3] =	stream.linear.gather [hbm4b:s14+s5], $0x78, $0x38;
	[tilespmem:$0x1F600] =	vst v63  }
0x1bf: {  	_ =	swait.ge [sflag:s25], $0x78  }
0x1c0: {  	[sflag:s25] =	ssyncset.done $0x0  }
0x1c1: {  	[sflag:s25] =	ssyncadd.s32 $0xFFFFFF88  }
0x1c2: {  	s9 =	sadd.s32 $0x1, s9;
	_ =	swait.ge [sflag:s25], $0x78  }
0x1c3: {  	p0 =	sne.s32 s9, $0x1A;
	[sflag:s25] =	ssyncset.done $0x0  }
.Ltmp3:
0x1c4: {  	[sflag:s25] =	ssyncadd.s32 $0xFFFFFF88;
	(pc) =	sbr.rel @p0 .LBB2_2-.Ltmp3, $4  }
0x1c5: {  	_ =	swait.ge [sflag:s25], $0x78  }
0x1c6: {  	[sflag:s25] =	ssyncset.done $0x0  }
0x1c7: {  	s18 =	simm.s32 $0x280;
	[sflag:s25] =	ssyncadd.s32 $0xFFFFFF88  }
0x1c8: {  	[tilespmem:s26], [sflag:$0x6] =	stream.indirect.gather [hbm4b:s2+s21], $0x80, s16, s21, $0xb8;
	[tilespmem:$0x1F600] =	vst v63  }
0x1c9: {  	_ =	swait.ge [sflag:s30], $0x3C00  }
0x1ca: {  	[sflag:s30] =	ssyncset.done $0x0  }
0x1cb: {  	s9 =	simm.s32 $0x580;
	[sflag:s30] =	ssyncadd.s32 $0xFFFFC400  }
0x1cc: {  	v2 =	vld [tilespmem:s9+$0xFFFFFFF0]  }
0x1cd: {  	v3 =	vld [tilespmem:s9+$0xF0]  }
0x1ce: {  	v1 =	vld [tilespmem:s9+$0xB0]  }
0x1cf: {  	v4 =	vld [tilespmem:s9+$0xFFFFFFC0]  }
0x1d0: {  	v5 =	vld [tilespmem:s9+$0x40]  }
0x1d1: {  	v6 =	vld [tilespmem:s9+$0xFFFFFF50]  }
0x1d2: {  	v7 =	vld [tilespmem:s9+$0xFFFFFFD0]  }
0x1d3: {  	v8 =	vld [tilespmem:s9+$0x50]  }
0x1d4: {  	v11 =	vld [tilespmem:s9+$0xD0]  }
0x1d5: {  	s15 =	simm.s32 $0x3;
	v13 =	vld [tilespmem:s9+$0xFFFFFF60]  }
0x1d6: {  	s14 =	simm.s32 $0x0;
	v9 =	vmov s15;
	v16 =	vld [tilespmem:s9+$0x60]  }
0x1d7: {  	s16 =	simm.s32 $0x1;
	v0 =	vmov s14;
	v17 =	vld [tilespmem:s9+$0xE0]  }
0x1d8: {  	s17 =	simm.s32 $0x2;
	v10 =	vmov s16;
	v0 =	vand.u32 $0xFFFFFFFC, v0;
	v18 =	vld [tilespmem:s9+$0xFFFFFF70]  }
0x1d9: {  	v12 =	vbroadcast v0, $0x0;
	v0 =	vand.u32 $0xFFFFFFFD, v10;
	v10 =	vmov s17;
	v21 =	vld [tilespmem:s9+$0xA0]  }
0x1da: {  	v22 =	vld [tilespmem:s9+$0xFFFFFF30];
	v14 =	vbroadcast v0, $0x0;
	v0 =	vand.u32 $0xFFFFFFFE, v10  }
0x1db: {  	v15 =	vbroadcast v0, $0x0;
	v0 =	vld.idx.msk [tilespmem:v9+s10+$0x0], $0xffff  }
0x1dc: {  	v59 =	vld [tilespmem:s9+$0xFFFFFFA0]  }
0x1dd: {  	v23 =	vld [tilespmem:s9+$0xFFFFFF20]  }
0x1de: {  	v24 =	vld [tilespmem:s9+$0x10]  }
0x1df: {  	v60 =	vld [tilespmem:s9+$0x80]  }
0x1e0: {  	v19 =	vld.idx.msk [tilespmem:v12+s10+$0x0], $0xffff;
	v11 =	vmul.f32 v11, v0  }
0x1e1: {  	v20 =	vld.idx.msk [tilespmem:v14+s10+$0x0], $0xffff;
	v17 =	vmul.f32 v17, v0  }
0x1e2: {  	v15 =	vld.idx.msk [tilespmem:v15+s10+$0x0], $0xffff;
	v1 =	vmul.f32 v1, v0;
	[tilespmem:s9+$0xD0] =	vst v11  }
0x1e3: {  	v10 =	vld [tilespmem:s9+$0xFFFFFFE0];
	v3 =	vmul.f32 v3, v0;
	[tilespmem:s9+$0xE0] =	vst v17  }
0x1e4: {  	v61 =	vld [tilespmem:s9+$0xFFFFFF80];
	v21 =	vmul.f32 v21, v0;
	[tilespmem:s9+$0xB0] =	vst v1  }
0x1e5: {  	v62 =	vld [tilespmem:s9+$0xFFFFFF00];
	[tilespmem:s9+$0xF0] =	vst v3;
	v6 =	vmul.f32 v6, v19  }
0x1e6: {  	v14 =	vld [tilespmem:s9+$0xFFFFFFB0];
	[tilespmem:s9+$0xA0] =	vst v21;
	v11 =	vmul.f32 v13, v19  }
0x1e7: {  	v12 =	vld [tilespmem:s9+$0x30];
	v4 =	vmul.f32 v4, v20;
	[tilespmem:s9+$0xFFFFFF50] =	vst v6  }
0x1e8: {  	v9 =	vld [tilespmem:s9+$0x70];
	v10 =	vmul.f32 v10, v20;
	[tilespmem:s9+$0xFFFFFF60] =	vst v11  }
0x1e9: {  	v13 =	vld [tilespmem:s9+$0x20];
	v25 =	vmul.f32 v2, v20;
	v6 =	vmul.f32 v7, v20;
	[tilespmem:s9+$0xFFFFFFC0] =	vst v4  }
0x1ea: {  	v63 =	vld [tilespmem:s9+$0xFFFFFF40];
	v2 =	vmul.f32 v18, v19;
	v7 =	vmul.f32 v8, v15;
	[tilespmem:s9+$0xFFFFFFE0] =	vst v10  }
0x1eb: {  	v3 =	vmul.f32 v61, v20;
	v11 =	vld [tilespmem:s9+$0x90];
	v8 =	vmul.f32 v14, v20;
	[tilespmem:s9+$0xFFFFFFD0] =	vst v6  }
0x1ec: {  	v4 =	vmul.f32 v5, v15;
	v5 =	vmul.f32 v12, v15;
	v12 =	vld [tilespmem:s9+$0xFFFFFF10];
	[tilespmem:s9+$0x50] =	vst v7  }
0x1ed: {  	v1 =	vmul.f32 v16, v15;
	v9 =	vmul.f32 v9, v15;
	v6 =	vld [tilespmem:s9+$0xFFFFFF90];
	[tilespmem:s9+$0xFFFFFFB0] =	vst v8  }
0x1ee: {  	v10 =	vmul.f32 v24, v15;
	[tilespmem:s9+$0x30] =	vst v5;
	v5 =	vmul.f32 v13, v15;
	v13 =	vld [tilespmem:s9+$0x0]  }
0x1ef: {  	v7 =	vmul.f32 v59, v20;
	[tilespmem:s9+$0x40] =	vst v4;
	v4 =	vmul.f32 v22, v19  }
0x1f0: {  	v14 =	vld [tilespmem:s9+$0xC0];
	[tilespmem:s9+$0x70] =	vst v9;
	v9 =	vmul.f32 v23, v19;
	v8 =	vmul.f32 v11, v0  }
0x1f1: {  	[tilespmem:s9+$0xFFFFFF30] =	vst v4;
	v4 =	vmul.f32 v62, v19;
	v12 =	vmul.f32 v12, v19  }
0x1f2: {  	[tilespmem:s9+$0xFFFFFF70] =	vst v2;
	v11 =	vmul.f32 v6, v20;
	v6 =	vmul.f32 v60, v0  }
0x1f3: {  	s16 =	simm.s32 $0x7;
	s17 =	simm.s32 $0x780;
	[tilespmem:s9+$0xFFFFFFF0] =	vst v25;
	v2 =	vmul.f32 v13, v15;
	v13 =	vmul.f32 v63, v19  }
.LBB2_10:
0x1f4: {  	s14 =	sadd.s32 $0xFFFFFFFD, s16  }
0x1f5: {  	v15 =	vmov s16;
	v16 =	vld [tilespmem:s17+$0xFFFFFFF0];
	p0 =	sne.s32 s16, $0x77;
	[tilespmem:s9+$0x20] =	vst v5;
	v0 =	vmul.f32 v14, v0;
	s15 =	smov.u32 s16;
	s16 =	sadd.s32 $0x4, s16  }
0x1f6: {  	v5 =	vmov s14;
	s14 =	sadd.s32 $0xFFFFFFFE, s15;
	v14 =	vld [tilespmem:s17+$0xF0];
	[tilespmem:s9+$0xFFFFFFA0] =	vst v7  }
0x1f7: {  	v5 =	vand.u32 $0xFFFFFFFC, v5;
	v7 =	vmov s14;
	s14 =	sadd.s32 $0xFFFFFFFF, s15;
	v17 =	vld [tilespmem:s17+$0xB0];
	[tilespmem:s9+$0xFFFFFF20] =	vst v9  }
0x1f8: {  	v5 =	vbroadcast v5, $0x0;
	v7 =	vand.u32 $0xFFFFFFFD, v7;
	v9 =	vmov s14;
	v18 =	vld [tilespmem:s17+$0xFFFFFFC0];
	[tilespmem:s9+$0x90] =	vst v8  }
0x1f9: {  	v7 =	vbroadcast v7, $0x0;
	v8 =	vand.u32 $0xFFFFFFFE, v9;
	v9 =	vld [tilespmem:s17+$0x40];
	[tilespmem:s9+$0x10] =	vst v10  }
0x1fa: {  	v8 =	vbroadcast v8, $0x0;
	v10 =	vld [tilespmem:s17+$0xFFFFFF50];
	[tilespmem:s9+$0xFFFFFF90] =	vst v11  }
0x1fb: {  	v11 =	vld [tilespmem:s17+$0xFFFFFFD0];
	[tilespmem:s9+$0xFFFFFF10] =	vst v12  }
0x1fc: {  	v12 =	vld [tilespmem:s17+$0x50];
	[tilespmem:s9+$0xFFFFFF40] =	vst v13  }
0x1fd: {  	v13 =	vld [tilespmem:s17+$0xD0];
	[tilespmem:s9+$0x80] =	vst v6  }
0x1fe: {  	v6 =	vld [tilespmem:s17+$0xFFFFFF60];
	[tilespmem:s9+$0x60] =	vst v1  }
0x1ff: {  	v19 =	vld [tilespmem:s17+$0xFFFFFFE0];
	[tilespmem:s9+$0xC0] =	vst v0  }
0x200: {  	v1 =	vld [tilespmem:s17+$0x60];
	[tilespmem:s9+$0x0] =	vst v2  }
0x201: {  	v2 =	vld [tilespmem:s17+$0xE0];
	[tilespmem:s9+$0xFFFFFF80] =	vst v3  }
0x202: {  	v3 =	vld [tilespmem:s17+$0xFFFFFF70];
	[tilespmem:s9+$0xFFFFFF00] =	vst v4;
	s9 =	smov.u32 s17  }
0x203: {  	v0 =	vld.idx.msk [tilespmem:v15+s10+$0x0], $0xffff  }
0x204: {  	v15 =	vld.idx.msk [tilespmem:v5+s10+$0x0], $0xffff  }
0x205: {  	v4 =	vld.idx.msk [tilespmem:v7+s10+$0x0], $0xffff  }
0x206: {  	v20 =	vld.idx.msk [tilespmem:v8+s10+$0x0], $0xffff  }
0x207: {  	v5 =	vld [tilespmem:s17+$0x70]  }
0x208: {  	v7 =	vld [tilespmem:s17+$0x30]  }
0x209: {  	v13 =	vmul.f32 v13, v0;
	v2 =	vmul.f32 v2, v0;
	v8 =	vld [tilespmem:s17+$0xFFFFFFB0]  }
0x20a: {  	v10 =	vmul.f32 v10, v15;
	v6 =	vmul.f32 v6, v15;
	v21 =	vld [tilespmem:s17+$0xFFFFFF30]  }
0x20b: {  	v18 =	vmul.f32 v18, v4;
	v11 =	vmul.f32 v11, v4;
	v22 =	vld [tilespmem:s17+$0xA0];
	[tilespmem:s17+$0xD0] =	vst v13  }
0x20c: {  	v17 =	vmul.f32 v17, v0;
	v9 =	vmul.f32 v9, v20;
	v13 =	vld [tilespmem:s17+$0x20];
	[tilespmem:s17+$0xE0] =	vst v2  }
0x20d: {  	v2 =	vld [tilespmem:s17+$0xFFFFFFA0];
	v23 =	vmul.f32 v7, v20;
	[tilespmem:s17+$0xFFFFFF50] =	vst v10;
	v10 =	vmul.f32 v12, v20  }
0x20e: {  	v1 =	vmul.f32 v1, v20;
	v12 =	vld [tilespmem:s17+$0xFFFFFF20];
	v24 =	vmul.f32 v8, v4;
	[tilespmem:s17+$0xFFFFFF60] =	vst v6  }
0x20f: {  	v6 =	vld [tilespmem:s17+$0x90];
	v21 =	vmul.f32 v21, v15;
	[tilespmem:s17+$0xFFFFFFC0] =	vst v18;
	v18 =	vmul.f32 v5, v20  }
0x210: {  	v19 =	vmul.f32 v19, v4;
	v25 =	vld [tilespmem:s17+$0x10];
	v22 =	vmul.f32 v22, v0;
	[tilespmem:s17+$0xFFFFFFD0] =	vst v11  }
0x211: {  	v11 =	vld [tilespmem:s17+$0xFFFFFF90];
	v5 =	vmul.f32 v13, v20;
	[tilespmem:s17+$0xB0] =	vst v17;
	v13 =	vmul.f32 v16, v4  }
0x212: {  	v16 =	vld [tilespmem:s17+$0xFFFFFF10];
	v7 =	vmul.f32 v2, v4;
	[tilespmem:s17+$0x40] =	vst v9;
	v2 =	vmul.f32 v3, v15  }
0x213: {  	v17 =	vmul.f32 v14, v0;
	v3 =	vld [tilespmem:s17+$0x80];
	v9 =	vmul.f32 v12, v15;
	[tilespmem:s17+$0x30] =	vst v23  }
0x214: {  	v23 =	vld [tilespmem:s17+$0x0];
	v8 =	vmul.f32 v6, v0;
	[tilespmem:s17+$0x50] =	vst v10  }
0x215: {  	v26 =	vld [tilespmem:s17+$0xFFFFFF80];
	v10 =	vmul.f32 v25, v20;
	[tilespmem:s17+$0xFFFFFFB0] =	vst v24  }
0x216: {  	v24 =	vld [tilespmem:s17+$0xFFFFFF00];
	v11 =	vmul.f32 v11, v4;
	[tilespmem:s17+$0x70] =	vst v18  }
0x217: {  	v12 =	vmul.f32 v16, v15;
	v16 =	vld [tilespmem:s17+$0xFFFFFF40];
	[tilespmem:s17+$0xFFFFFFE0] =	vst v19  }
.Ltmp4:
0x218: {  	v6 =	vmul.f32 v3, v0;
	v14 =	vld [tilespmem:s17+$0xC0];
	[tilespmem:s17+$0xFFFFFF70] =	vst v2;
	(pc) =	sbr.rel @p0 .LBB2_10-.Ltmp4, $4  }
0x219: {  	v2 =	vmul.f32 v23, v20;
	[tilespmem:s17+$0xF0] =	vst v17  }
0x21a: {  	v3 =	vmul.f32 v26, v4;
	[tilespmem:s17+$0xFFFFFF30] =	vst v21  }
0x21b: {  	v4 =	vmul.f32 v24, v15;
	[tilespmem:s17+$0xFFFFFFF0] =	vst v13  }
0x21c: {  	s17 =	sadd.s32 $0x200, s17;
	[tilespmem:s9+$0xA0] =	vst v22;
	v13 =	vmul.f32 v16, v15  }
0x21d: {  	[tilespmem:s9+$0x20] =	vst v5  }
0x21e: {  	[tilespmem:s9+$0xFFFFFFA0] =	vst v7  }
0x21f: {  	[tilespmem:s9+$0xFFFFFF20] =	vst v9  }
0x220: {  	[tilespmem:s9+$0x90] =	vst v8  }
0x221: {  	[tilespmem:s9+$0x10] =	vst v10  }
0x222: {  	[tilespmem:s9+$0xFFFFFF90] =	vst v11  }
0x223: {  	[tilespmem:s9+$0xFFFFFF10] =	vst v12  }
0x224: {  	[tilespmem:s9+$0x80] =	vst v6  }
0x225: {  	[tilespmem:s9+$0x60] =	vst v1  }
0x226: {  	[tilespmem:s9+$0x0] =	vst v2  }
0x227: {  	[tilespmem:s9+$0xFFFFFF80] =	vst v3  }
0x228: {  	v0 =	vmul.f32 v14, v0;
	[tilespmem:s9+$0xFFFFFF00] =	vst v4  }
0x229: {  	[tilespmem:s9+$0xFFFFFF40] =	vst v13  }
0x22a: {  	[tilespmem:s9+$0xC0] =	vst v0  }
0x22b: {  	[spmem:s3] =	stream.indirect.scatter.add.f32 [tilespmem:s22], [sflag:$0x7], $0x80, s8, s21, $0xb8;
	[tilespmem:$0x1F600] =	vst v63  }
0x22c: {  	_ =	swait.ge [sflag:s31], $0x3C00  }
0x22d: {  	[sflag:s31] =	ssyncset.done $0x0  }
0x22e: {  	s9 =	simm.s32 $0x4180;
	[sflag:s31] =	ssyncadd.s32 $0xFFFFC400  }
0x22f: {  	v2 =	vld [tilespmem:s9+$0xFFFFFFF0]  }
0x230: {  	v3 =	vld [tilespmem:s9+$0xF0]  }
0x231: {  	v1 =	vld [tilespmem:s9+$0xB0]  }
0x232: {  	v4 =	vld [tilespmem:s9+$0xFFFFFFC0]  }
0x233: {  	v5 =	vld [tilespmem:s9+$0x40]  }
0x234: {  	v6 =	vld [tilespmem:s9+$0xFFFFFF50]  }
0x235: {  	s14 =	simm.s32 $0x0;
	v7 =	vld [tilespmem:s9+$0xFFFFFFD0]  }
0x236: {  	s15 =	simm.s32 $0x3;
	s16 =	simm.s32 $0x1;
	v0 =	vmov s14;
	v8 =	vld [tilespmem:s9+$0x50]  }
0x237: {  	s17 =	simm.s32 $0x2;
	v9 =	vmov s15;
	v10 =	vmov s16;
	v0 =	vand.u32 $0xFFFFFFFC, v0;
	v11 =	vld [tilespmem:s9+$0xD0]  }
0x238: {  	v12 =	vbroadcast v0, $0x0;
	v0 =	vand.u32 $0xFFFFFFFD, v10;
	v10 =	vmov s17;
	v13 =	vld [tilespmem:s9+$0xFFFFFF60]  }
0x239: {  	v14 =	vbroadcast v0, $0x0;
	v0 =	vand.u32 $0xFFFFFFFE, v10;
	v10 =	vld [tilespmem:s9+$0xFFFFFFE0]  }
0x23a: {  	v16 =	vld [tilespmem:s9+$0x60]  }
0x23b: {  	v17 =	vld [tilespmem:s9+$0xE0]  }
0x23c: {  	v18 =	vld [tilespmem:s9+$0xFFFFFF70]  }
0x23d: {  	v15 =	vbroadcast v0, $0x0;
	v0 =	vld.idx.msk [tilespmem:v9+s13+$0x0], $0xffff  }
0x23e: {  	v9 =	vld [tilespmem:s9+$0x70]  }
0x23f: {  	v21 =	vld [tilespmem:s9+$0xA0]  }
0x240: {  	v22 =	vld [tilespmem:s9+$0xFFFFFF30]  }
0x241: {  	v59 =	vld [tilespmem:s9+$0xFFFFFFA0]  }
0x242: {  	v23 =	vld [tilespmem:s9+$0xFFFFFF20]  }
0x243: {  	v19 =	vld.idx.msk [tilespmem:v12+s13+$0x0], $0xffff;
	v11 =	vmul.f32 v11, v0  }
0x244: {  	v20 =	vld.idx.msk [tilespmem:v14+s13+$0x0], $0xffff;
	v17 =	vmul.f32 v17, v0  }
0x245: {  	v15 =	vld.idx.msk [tilespmem:v15+s13+$0x0], $0xffff;
	v1 =	vmul.f32 v1, v0;
	[tilespmem:s9+$0xD0] =	vst v11  }
0x246: {  	v24 =	vld [tilespmem:s9+$0x10];
	v3 =	vmul.f32 v3, v0;
	[tilespmem:s9+$0xE0] =	vst v17  }
0x247: {  	v60 =	vld [tilespmem:s9+$0x80];
	v21 =	vmul.f32 v21, v0;
	[tilespmem:s9+$0xB0] =	vst v1  }
0x248: {  	v61 =	vld [tilespmem:s9+$0xFFFFFF80];
	[tilespmem:s9+$0xF0] =	vst v3;
	v6 =	vmul.f32 v6, v19  }
0x249: {  	v14 =	vld [tilespmem:s9+$0xFFFFFFB0];
	[tilespmem:s9+$0xA0] =	vst v21;
	v11 =	vmul.f32 v13, v19  }
0x24a: {  	v12 =	vld [tilespmem:s9+$0x30];
	v4 =	vmul.f32 v4, v20;
	[tilespmem:s9+$0xFFFFFF50] =	vst v6  }
0x24b: {  	v62 =	vld [tilespmem:s9+$0xFFFFFF00];
	v10 =	vmul.f32 v10, v20;
	[tilespmem:s9+$0xFFFFFF60] =	vst v11  }
0x24c: {  	v13 =	vld [tilespmem:s9+$0x20];
	v25 =	vmul.f32 v2, v20;
	v6 =	vmul.f32 v7, v20;
	[tilespmem:s9+$0xFFFFFFC0] =	vst v4  }
0x24d: {  	v63 =	vld [tilespmem:s9+$0xFFFFFF40];
	v2 =	vmul.f32 v18, v19;
	v7 =	vmul.f32 v8, v15;
	[tilespmem:s9+$0xFFFFFFE0] =	vst v10  }
0x24e: {  	v3 =	vmul.f32 v61, v20;
	v11 =	vld [tilespmem:s9+$0x90];
	v8 =	vmul.f32 v14, v20;
	[tilespmem:s9+$0xFFFFFFD0] =	vst v6  }
0x24f: {  	v4 =	vmul.f32 v5, v15;
	v5 =	vmul.f32 v12, v15;
	v12 =	vld [tilespmem:s9+$0xFFFFFF10];
	[tilespmem:s9+$0x50] =	vst v7  }
0x250: {  	v1 =	vmul.f32 v16, v15;
	v9 =	vmul.f32 v9, v15;
	v6 =	vld [tilespmem:s9+$0xFFFFFF90];
	[tilespmem:s9+$0xFFFFFFB0] =	vst v8  }
0x251: {  	v10 =	vmul.f32 v24, v15;
	[tilespmem:s9+$0x30] =	vst v5;
	v5 =	vmul.f32 v13, v15;
	v13 =	vld [tilespmem:s9+$0x0]  }
0x252: {  	v7 =	vmul.f32 v59, v20;
	[tilespmem:s9+$0x40] =	vst v4;
	v4 =	vmul.f32 v22, v19  }
0x253: {  	v14 =	vld [tilespmem:s9+$0xC0];
	[tilespmem:s9+$0x70] =	vst v9;
	v9 =	vmul.f32 v23, v19;
	v8 =	vmul.f32 v11, v0  }
0x254: {  	[tilespmem:s9+$0xFFFFFF30] =	vst v4;
	v4 =	vmul.f32 v62, v19;
	v12 =	vmul.f32 v12, v19  }
0x255: {  	[tilespmem:s9+$0xFFFFFF70] =	vst v2;
	v11 =	vmul.f32 v6, v20;
	v6 =	vmul.f32 v60, v0  }
0x256: {  	s16 =	simm.s32 $0x7;
	s17 =	simm.s32 $0x4380;
	[tilespmem:s9+$0xFFFFFFF0] =	vst v25;
	v2 =	vmul.f32 v13, v15;
	v13 =	vmul.f32 v63, v19  }
.LBB2_12:
0x257: {  	s14 =	sadd.s32 $0xFFFFFFFD, s16  }
0x258: {  	v15 =	vmov s16;
	v16 =	vld [tilespmem:s17+$0xFFFFFFF0];
	p0 =	sne.s32 s16, $0x77;
	[tilespmem:s9+$0x20] =	vst v5;
	v0 =	vmul.f32 v14, v0;
	s15 =	smov.u32 s16;
	s16 =	sadd.s32 $0x4, s16  }
0x259: {  	v5 =	vmov s14;
	s14 =	sadd.s32 $0xFFFFFFFE, s15;
	v14 =	vld [tilespmem:s17+$0xF0];
	[tilespmem:s9+$0xFFFFFFA0] =	vst v7  }
0x25a: {  	v5 =	vand.u32 $0xFFFFFFFC, v5;
	v7 =	vmov s14;
	s14 =	sadd.s32 $0xFFFFFFFF, s15;
	v17 =	vld [tilespmem:s17+$0xB0];
	[tilespmem:s9+$0xFFFFFF20] =	vst v9  }
0x25b: {  	v5 =	vbroadcast v5, $0x0;
	v7 =	vand.u32 $0xFFFFFFFD, v7;
	v9 =	vmov s14;
	v18 =	vld [tilespmem:s17+$0xFFFFFFC0];
	[tilespmem:s9+$0x90] =	vst v8  }
0x25c: {  	v7 =	vbroadcast v7, $0x0;
	v8 =	vand.u32 $0xFFFFFFFE, v9;
	v9 =	vld [tilespmem:s17+$0x40];
	[tilespmem:s9+$0x10] =	vst v10  }
0x25d: {  	v8 =	vbroadcast v8, $0x0;
	v10 =	vld [tilespmem:s17+$0xFFFFFF50];
	[tilespmem:s9+$0xFFFFFF90] =	vst v11  }
0x25e: {  	v11 =	vld [tilespmem:s17+$0xFFFFFFD0];
	[tilespmem:s9+$0xFFFFFF10] =	vst v12  }
0x25f: {  	v12 =	vld [tilespmem:s17+$0x50];
	[tilespmem:s9+$0xFFFFFF40] =	vst v13  }
0x260: {  	v13 =	vld [tilespmem:s17+$0xD0];
	[tilespmem:s9+$0x80] =	vst v6  }
0x261: {  	v6 =	vld [tilespmem:s17+$0xFFFFFF60];
	[tilespmem:s9+$0x60] =	vst v1  }
0x262: {  	v19 =	vld [tilespmem:s17+$0xFFFFFFE0];
	[tilespmem:s9+$0xC0] =	vst v0  }
0x263: {  	v1 =	vld [tilespmem:s17+$0x60];
	[tilespmem:s9+$0x0] =	vst v2  }
0x264: {  	v2 =	vld [tilespmem:s17+$0xE0];
	[tilespmem:s9+$0xFFFFFF80] =	vst v3  }
0x265: {  	v3 =	vld [tilespmem:s17+$0xFFFFFF70];
	[tilespmem:s9+$0xFFFFFF00] =	vst v4;
	s9 =	smov.u32 s17  }
0x266: {  	v0 =	vld.idx.msk [tilespmem:v15+s13+$0x0], $0xffff  }
0x267: {  	v15 =	vld.idx.msk [tilespmem:v5+s13+$0x0], $0xffff  }
0x268: {  	v4 =	vld.idx.msk [tilespmem:v7+s13+$0x0], $0xffff  }
0x269: {  	v20 =	vld.idx.msk [tilespmem:v8+s13+$0x0], $0xffff  }
0x26a: {  	v5 =	vld [tilespmem:s17+$0x70]  }
0x26b: {  	v7 =	vld [tilespmem:s17+$0x30]  }
0x26c: {  	v13 =	vmul.f32 v13, v0;
	v2 =	vmul.f32 v2, v0;
	v8 =	vld [tilespmem:s17+$0xFFFFFFB0]  }
0x26d: {  	v10 =	vmul.f32 v10, v15;
	v6 =	vmul.f32 v6, v15;
	v21 =	vld [tilespmem:s17+$0xFFFFFF30]  }
0x26e: {  	v18 =	vmul.f32 v18, v4;
	v11 =	vmul.f32 v11, v4;
	v22 =	vld [tilespmem:s17+$0xA0];
	[tilespmem:s17+$0xD0] =	vst v13  }
0x26f: {  	v17 =	vmul.f32 v17, v0;
	v9 =	vmul.f32 v9, v20;
	v13 =	vld [tilespmem:s17+$0x20];
	[tilespmem:s17+$0xE0] =	vst v2  }
0x270: {  	v2 =	vld [tilespmem:s17+$0xFFFFFFA0];
	v23 =	vmul.f32 v7, v20;
	[tilespmem:s17+$0xFFFFFF50] =	vst v10;
	v10 =	vmul.f32 v12, v20  }
0x271: {  	v1 =	vmul.f32 v1, v20;
	v12 =	vld [tilespmem:s17+$0xFFFFFF20];
	v24 =	vmul.f32 v8, v4;
	[tilespmem:s17+$0xFFFFFF60] =	vst v6  }
0x272: {  	v6 =	vld [tilespmem:s17+$0x90];
	v21 =	vmul.f32 v21, v15;
	[tilespmem:s17+$0xFFFFFFC0] =	vst v18;
	v18 =	vmul.f32 v5, v20  }
0x273: {  	v19 =	vmul.f32 v19, v4;
	v25 =	vld [tilespmem:s17+$0x10];
	v22 =	vmul.f32 v22, v0;
	[tilespmem:s17+$0xFFFFFFD0] =	vst v11  }
0x274: {  	v11 =	vld [tilespmem:s17+$0xFFFFFF90];
	v5 =	vmul.f32 v13, v20;
	[tilespmem:s17+$0xB0] =	vst v17;
	v13 =	vmul.f32 v16, v4  }
0x275: {  	v16 =	vld [tilespmem:s17+$0xFFFFFF10];
	v7 =	vmul.f32 v2, v4;
	[tilespmem:s17+$0x40] =	vst v9;
	v2 =	vmul.f32 v3, v15  }
0x276: {  	v17 =	vmul.f32 v14, v0;
	v3 =	vld [tilespmem:s17+$0x80];
	v9 =	vmul.f32 v12, v15;
	[tilespmem:s17+$0x30] =	vst v23  }
0x277: {  	v23 =	vld [tilespmem:s17+$0x0];
	v8 =	vmul.f32 v6, v0;
	[tilespmem:s17+$0x50] =	vst v10  }
0x278: {  	v26 =	vld [tilespmem:s17+$0xFFFFFF80];
	v10 =	vmul.f32 v25, v20;
	[tilespmem:s17+$0xFFFFFFB0] =	vst v24  }
0x279: {  	v24 =	vld [tilespmem:s17+$0xFFFFFF00];
	v11 =	vmul.f32 v11, v4;
	[tilespmem:s17+$0x70] =	vst v18  }
0x27a: {  	v12 =	vmul.f32 v16, v15;
	v16 =	vld [tilespmem:s17+$0xFFFFFF40];
	[tilespmem:s17+$0xFFFFFFE0] =	vst v19  }
.Ltmp5:
0x27b: {  	v6 =	vmul.f32 v3, v0;
	v14 =	vld [tilespmem:s17+$0xC0];
	[tilespmem:s17+$0xFFFFFF70] =	vst v2;
	(pc) =	sbr.rel @p0 .LBB2_12-.Ltmp5, $4  }
0x27c: {  	v2 =	vmul.f32 v23, v20;
	[tilespmem:s17+$0xF0] =	vst v17  }
0x27d: {  	v3 =	vmul.f32 v26, v4;
	[tilespmem:s17+$0xFFFFFF30] =	vst v21  }
0x27e: {  	v4 =	vmul.f32 v24, v15;
	[tilespmem:s17+$0xFFFFFFF0] =	vst v13  }
0x27f: {  	s17 =	sadd.s32 $0x200, s17;
	[tilespmem:s9+$0xA0] =	vst v22;
	v13 =	vmul.f32 v16, v15  }
0x280: {  	[tilespmem:s9+$0x20] =	vst v5  }
0x281: {  	[tilespmem:s9+$0xFFFFFFA0] =	vst v7  }
0x282: {  	[tilespmem:s9+$0xFFFFFF20] =	vst v9  }
0x283: {  	[tilespmem:s9+$0x90] =	vst v8  }
0x284: {  	[tilespmem:s9+$0x10] =	vst v10  }
0x285: {  	[tilespmem:s9+$0xFFFFFF90] =	vst v11  }
0x286: {  	[tilespmem:s9+$0xFFFFFF10] =	vst v12  }
0x287: {  	[tilespmem:s9+$0x80] =	vst v6  }
0x288: {  	[tilespmem:s9+$0x60] =	vst v1  }
0x289: {  	[tilespmem:s9+$0x0] =	vst v2  }
0x28a: {  	[tilespmem:s9+$0xFFFFFF80] =	vst v3  }
0x28b: {  	v0 =	vmul.f32 v14, v0;
	[tilespmem:s9+$0xFFFFFF00] =	vst v4  }
0x28c: {  	[tilespmem:s9+$0xFFFFFF40] =	vst v13  }
0x28d: {  	[tilespmem:s9+$0xC0] =	vst v0  }
0x28e: {  	[spmem:s3] =	stream.indirect.scatter.add.f32 [tilespmem:s24], [sflag:$0x8], $0x80, s12, s21, $0xb8;
	[tilespmem:$0x1F600] =	vst v63  }
0x28f: {  	_ =	swait.ge [sflag:s0], $0x3C00  }
0x290: {  	[sflag:s0] =	ssyncset.done $0x0  }
0x291: {  	s9 =	simm.s32 $0x7D80;
	[sflag:s0] =	ssyncadd.s32 $0xFFFFC400  }
0x292: {  	v2 =	vld [tilespmem:s9+$0xFFFFFFF0]  }
0x293: {  	v3 =	vld [tilespmem:s9+$0xF0]  }
0x294: {  	v1 =	vld [tilespmem:s9+$0xB0]  }
0x295: {  	v4 =	vld [tilespmem:s9+$0xFFFFFFC0]  }
0x296: {  	v5 =	vld [tilespmem:s9+$0x40]  }
0x297: {  	v6 =	vld [tilespmem:s9+$0xFFFFFF50]  }
0x298: {  	s14 =	simm.s32 $0x0;
	v7 =	vld [tilespmem:s9+$0xFFFFFFD0]  }
0x299: {  	s15 =	simm.s32 $0x3;
	s16 =	simm.s32 $0x1;
	v0 =	vmov s14;
	v8 =	vld [tilespmem:s9+$0x50]  }
0x29a: {  	s17 =	simm.s32 $0x2;
	v9 =	vmov s15;
	v10 =	vmov s16;
	v0 =	vand.u32 $0xFFFFFFFC, v0;
	v11 =	vld [tilespmem:s9+$0xD0]  }
0x29b: {  	v12 =	vbroadcast v0, $0x0;
	v0 =	vand.u32 $0xFFFFFFFD, v10;
	v10 =	vmov s17;
	v13 =	vld [tilespmem:s9+$0xFFFFFF60]  }
0x29c: {  	v14 =	vbroadcast v0, $0x0;
	v0 =	vand.u32 $0xFFFFFFFE, v10;
	v10 =	vld [tilespmem:s9+$0xFFFFFFE0]  }
0x29d: {  	v16 =	vld [tilespmem:s9+$0x60]  }
0x29e: {  	v17 =	vld [tilespmem:s9+$0xE0]  }
0x29f: {  	v18 =	vld [tilespmem:s9+$0xFFFFFF70]  }
0x2a0: {  	v15 =	vbroadcast v0, $0x0;
	v0 =	vld.idx.msk [tilespmem:v9+s19+$0x0], $0xffff  }
0x2a1: {  	v9 =	vld [tilespmem:s9+$0x70]  }
0x2a2: {  	v21 =	vld [tilespmem:s9+$0xA0]  }
0x2a3: {  	v22 =	vld [tilespmem:s9+$0xFFFFFF30]  }
0x2a4: {  	v59 =	vld [tilespmem:s9+$0xFFFFFFA0]  }
0x2a5: {  	v23 =	vld [tilespmem:s9+$0xFFFFFF20]  }
0x2a6: {  	v19 =	vld.idx.msk [tilespmem:v12+s19+$0x0], $0xffff;
	v11 =	vmul.f32 v11, v0  }
0x2a7: {  	v20 =	vld.idx.msk [tilespmem:v14+s19+$0x0], $0xffff;
	v17 =	vmul.f32 v17, v0  }
0x2a8: {  	v15 =	vld.idx.msk [tilespmem:v15+s19+$0x0], $0xffff;
	v1 =	vmul.f32 v1, v0;
	[tilespmem:s9+$0xD0] =	vst v11  }
0x2a9: {  	v24 =	vld [tilespmem:s9+$0x10];
	v3 =	vmul.f32 v3, v0;
	[tilespmem:s9+$0xE0] =	vst v17  }
0x2aa: {  	v60 =	vld [tilespmem:s9+$0x80];
	v21 =	vmul.f32 v21, v0;
	[tilespmem:s9+$0xB0] =	vst v1  }
0x2ab: {  	v61 =	vld [tilespmem:s9+$0xFFFFFF80];
	[tilespmem:s9+$0xF0] =	vst v3;
	v6 =	vmul.f32 v6, v19  }
0x2ac: {  	v14 =	vld [tilespmem:s9+$0xFFFFFFB0];
	[tilespmem:s9+$0xA0] =	vst v21;
	v11 =	vmul.f32 v13, v19  }
0x2ad: {  	v12 =	vld [tilespmem:s9+$0x30];
	v4 =	vmul.f32 v4, v20;
	[tilespmem:s9+$0xFFFFFF50] =	vst v6  }
0x2ae: {  	v62 =	vld [tilespmem:s9+$0xFFFFFF00];
	v10 =	vmul.f32 v10, v20;
	[tilespmem:s9+$0xFFFFFF60] =	vst v11  }
0x2af: {  	v13 =	vld [tilespmem:s9+$0x20];
	v25 =	vmul.f32 v2, v20;
	v6 =	vmul.f32 v7, v20;
	[tilespmem:s9+$0xFFFFFFC0] =	vst v4  }
0x2b0: {  	v63 =	vld [tilespmem:s9+$0xFFFFFF40];
	v2 =	vmul.f32 v18, v19;
	v7 =	vmul.f32 v8, v15;
	[tilespmem:s9+$0xFFFFFFE0] =	vst v10  }
0x2b1: {  	v3 =	vmul.f32 v61, v20;
	v11 =	vld [tilespmem:s9+$0x90];
	v8 =	vmul.f32 v14, v20;
	[tilespmem:s9+$0xFFFFFFD0] =	vst v6  }
0x2b2: {  	v4 =	vmul.f32 v5, v15;
	v5 =	vmul.f32 v12, v15;
	v12 =	vld [tilespmem:s9+$0xFFFFFF10];
	[tilespmem:s9+$0x50] =	vst v7  }
0x2b3: {  	v1 =	vmul.f32 v16, v15;
	v9 =	vmul.f32 v9, v15;
	v6 =	vld [tilespmem:s9+$0xFFFFFF90];
	[tilespmem:s9+$0xFFFFFFB0] =	vst v8  }
0x2b4: {  	v10 =	vmul.f32 v24, v15;
	[tilespmem:s9+$0x30] =	vst v5;
	v5 =	vmul.f32 v13, v15;
	v13 =	vld [tilespmem:s9+$0x0]  }
0x2b5: {  	v7 =	vmul.f32 v59, v20;
	[tilespmem:s9+$0x40] =	vst v4;
	v4 =	vmul.f32 v22, v19  }
0x2b6: {  	v14 =	vld [tilespmem:s9+$0xC0];
	[tilespmem:s9+$0x70] =	vst v9;
	v9 =	vmul.f32 v23, v19;
	v8 =	vmul.f32 v11, v0  }
0x2b7: {  	[tilespmem:s9+$0xFFFFFF30] =	vst v4;
	v4 =	vmul.f32 v62, v19;
	v12 =	vmul.f32 v12, v19  }
0x2b8: {  	[tilespmem:s9+$0xFFFFFF70] =	vst v2;
	v11 =	vmul.f32 v6, v20;
	v6 =	vmul.f32 v60, v0  }
0x2b9: {  	s16 =	simm.s32 $0x7;
	s17 =	simm.s32 $0x7F80;
	[tilespmem:s9+$0xFFFFFFF0] =	vst v25;
	v2 =	vmul.f32 v13, v15;
	v13 =	vmul.f32 v63, v19  }
.LBB2_14:
0x2ba: {  	s14 =	sadd.s32 $0xFFFFFFFD, s16  }
0x2bb: {  	v15 =	vmov s16;
	v16 =	vld [tilespmem:s17+$0xFFFFFFF0];
	p0 =	sne.s32 s16, $0x77;
	[tilespmem:s9+$0x20] =	vst v5;
	v0 =	vmul.f32 v14, v0;
	s15 =	smov.u32 s16;
	s16 =	sadd.s32 $0x4, s16  }
0x2bc: {  	v5 =	vmov s14;
	s14 =	sadd.s32 $0xFFFFFFFE, s15;
	v14 =	vld [tilespmem:s17+$0xF0];
	[tilespmem:s9+$0xFFFFFFA0] =	vst v7  }
0x2bd: {  	v5 =	vand.u32 $0xFFFFFFFC, v5;
	v7 =	vmov s14;
	s14 =	sadd.s32 $0xFFFFFFFF, s15;
	v17 =	vld [tilespmem:s17+$0xB0];
	[tilespmem:s9+$0xFFFFFF20] =	vst v9  }
0x2be: {  	v5 =	vbroadcast v5, $0x0;
	v7 =	vand.u32 $0xFFFFFFFD, v7;
	v9 =	vmov s14;
	v18 =	vld [tilespmem:s17+$0xFFFFFFC0];
	[tilespmem:s9+$0x90] =	vst v8  }
0x2bf: {  	v7 =	vbroadcast v7, $0x0;
	v8 =	vand.u32 $0xFFFFFFFE, v9;
	v9 =	vld [tilespmem:s17+$0x40];
	[tilespmem:s9+$0x10] =	vst v10  }
0x2c0: {  	v8 =	vbroadcast v8, $0x0;
	v10 =	vld [tilespmem:s17+$0xFFFFFF50];
	[tilespmem:s9+$0xFFFFFF90] =	vst v11  }
0x2c1: {  	v11 =	vld [tilespmem:s17+$0xFFFFFFD0];
	[tilespmem:s9+$0xFFFFFF10] =	vst v12  }
0x2c2: {  	v12 =	vld [tilespmem:s17+$0x50];
	[tilespmem:s9+$0xFFFFFF40] =	vst v13  }
0x2c3: {  	v13 =	vld [tilespmem:s17+$0xD0];
	[tilespmem:s9+$0x80] =	vst v6  }
0x2c4: {  	v6 =	vld [tilespmem:s17+$0xFFFFFF60];
	[tilespmem:s9+$0x60] =	vst v1  }
0x2c5: {  	v19 =	vld [tilespmem:s17+$0xFFFFFFE0];
	[tilespmem:s9+$0xC0] =	vst v0  }
0x2c6: {  	v1 =	vld [tilespmem:s17+$0x60];
	[tilespmem:s9+$0x0] =	vst v2  }
0x2c7: {  	v2 =	vld [tilespmem:s17+$0xE0];
	[tilespmem:s9+$0xFFFFFF80] =	vst v3  }
0x2c8: {  	v3 =	vld [tilespmem:s17+$0xFFFFFF70];
	[tilespmem:s9+$0xFFFFFF00] =	vst v4;
	s9 =	smov.u32 s17  }
0x2c9: {  	v0 =	vld.idx.msk [tilespmem:v15+s19+$0x0], $0xffff  }
0x2ca: {  	v15 =	vld.idx.msk [tilespmem:v5+s19+$0x0], $0xffff  }
0x2cb: {  	v4 =	vld.idx.msk [tilespmem:v7+s19+$0x0], $0xffff  }
0x2cc: {  	v20 =	vld.idx.msk [tilespmem:v8+s19+$0x0], $0xffff  }
0x2cd: {  	v5 =	vld [tilespmem:s17+$0x70]  }
0x2ce: {  	v7 =	vld [tilespmem:s17+$0x30]  }
0x2cf: {  	v13 =	vmul.f32 v13, v0;
	v2 =	vmul.f32 v2, v0;
	v8 =	vld [tilespmem:s17+$0xFFFFFFB0]  }
0x2d0: {  	v10 =	vmul.f32 v10, v15;
	v6 =	vmul.f32 v6, v15;
	v21 =	vld [tilespmem:s17+$0xFFFFFF30]  }
0x2d1: {  	v18 =	vmul.f32 v18, v4;
	v11 =	vmul.f32 v11, v4;
	v22 =	vld [tilespmem:s17+$0xA0];
	[tilespmem:s17+$0xD0] =	vst v13  }
0x2d2: {  	v17 =	vmul.f32 v17, v0;
	v9 =	vmul.f32 v9, v20;
	v13 =	vld [tilespmem:s17+$0x20];
	[tilespmem:s17+$0xE0] =	vst v2  }
0x2d3: {  	v2 =	vld [tilespmem:s17+$0xFFFFFFA0];
	v23 =	vmul.f32 v7, v20;
	[tilespmem:s17+$0xFFFFFF50] =	vst v10;
	v10 =	vmul.f32 v12, v20  }
0x2d4: {  	v1 =	vmul.f32 v1, v20;
	v12 =	vld [tilespmem:s17+$0xFFFFFF20];
	v24 =	vmul.f32 v8, v4;
	[tilespmem:s17+$0xFFFFFF60] =	vst v6  }
0x2d5: {  	v6 =	vld [tilespmem:s17+$0x90];
	v21 =	vmul.f32 v21, v15;
	[tilespmem:s17+$0xFFFFFFC0] =	vst v18;
	v18 =	vmul.f32 v5, v20  }
0x2d6: {  	v19 =	vmul.f32 v19, v4;
	v25 =	vld [tilespmem:s17+$0x10];
	v22 =	vmul.f32 v22, v0;
	[tilespmem:s17+$0xFFFFFFD0] =	vst v11  }
0x2d7: {  	v11 =	vld [tilespmem:s17+$0xFFFFFF90];
	v5 =	vmul.f32 v13, v20;
	[tilespmem:s17+$0xB0] =	vst v17;
	v13 =	vmul.f32 v16, v4  }
0x2d8: {  	v16 =	vld [tilespmem:s17+$0xFFFFFF10];
	v7 =	vmul.f32 v2, v4;
	[tilespmem:s17+$0x40] =	vst v9;
	v2 =	vmul.f32 v3, v15  }
0x2d9: {  	v17 =	vmul.f32 v14, v0;
	v3 =	vld [tilespmem:s17+$0x80];
	v9 =	vmul.f32 v12, v15;
	[tilespmem:s17+$0x30] =	vst v23  }
0x2da: {  	v23 =	vld [tilespmem:s17+$0x0];
	v8 =	vmul.f32 v6, v0;
	[tilespmem:s17+$0x50] =	vst v10  }
0x2db: {  	v26 =	vld [tilespmem:s17+$0xFFFFFF80];
	v10 =	vmul.f32 v25, v20;
	[tilespmem:s17+$0xFFFFFFB0] =	vst v24  }
0x2dc: {  	v24 =	vld [tilespmem:s17+$0xFFFFFF00];
	v11 =	vmul.f32 v11, v4;
	[tilespmem:s17+$0x70] =	vst v18  }
0x2dd: {  	v12 =	vmul.f32 v16, v15;
	v16 =	vld [tilespmem:s17+$0xFFFFFF40];
	[tilespmem:s17+$0xFFFFFFE0] =	vst v19  }
.Ltmp6:
0x2de: {  	v6 =	vmul.f32 v3, v0;
	v14 =	vld [tilespmem:s17+$0xC0];
	[tilespmem:s17+$0xFFFFFF70] =	vst v2;
	(pc) =	sbr.rel @p0 .LBB2_14-.Ltmp6, $4  }
0x2df: {  	v2 =	vmul.f32 v23, v20;
	[tilespmem:s17+$0xF0] =	vst v17  }
0x2e0: {  	v3 =	vmul.f32 v26, v4;
	[tilespmem:s17+$0xFFFFFF30] =	vst v21  }
0x2e1: {  	v4 =	vmul.f32 v24, v15;
	[tilespmem:s17+$0xFFFFFFF0] =	vst v13  }
0x2e2: {  	s17 =	sadd.s32 $0x200, s17;
	[tilespmem:s9+$0xA0] =	vst v22;
	v13 =	vmul.f32 v16, v15  }
0x2e3: {  	[tilespmem:s9+$0x20] =	vst v5  }
0x2e4: {  	[tilespmem:s9+$0xFFFFFFA0] =	vst v7  }
0x2e5: {  	[tilespmem:s9+$0xFFFFFF20] =	vst v9  }
0x2e6: {  	[tilespmem:s9+$0x90] =	vst v8  }
0x2e7: {  	[tilespmem:s9+$0x10] =	vst v10  }
0x2e8: {  	[tilespmem:s9+$0xFFFFFF90] =	vst v11  }
0x2e9: {  	[tilespmem:s9+$0xFFFFFF10] =	vst v12  }
0x2ea: {  	[tilespmem:s9+$0x80] =	vst v6  }
0x2eb: {  	[tilespmem:s9+$0x60] =	vst v1  }
0x2ec: {  	[tilespmem:s9+$0x0] =	vst v2  }
0x2ed: {  	[tilespmem:s9+$0xFFFFFF80] =	vst v3  }
0x2ee: {  	v0 =	vmul.f32 v14, v0;
	[tilespmem:s9+$0xFFFFFF00] =	vst v4  }
0x2ef: {  	[tilespmem:s9+$0xFFFFFF40] =	vst v13  }
0x2f0: {  	[tilespmem:s9+$0xC0] =	vst v0  }
0x2f1: {  	[spmem:s3] =	stream.indirect.scatter.add.f32 [tilespmem:s26], [sflag:$0x9], $0x80, s18, s21, $0xb8;
	[tilespmem:$0x1F600] =	vst v63  }
0x2f2: {  	_ =	swait.ge [sflag:s4], $0x3C00  }
0x2f3: {  	[sflag:s4] =	ssyncset.done $0x0  }
0x2f4: {  	s14 =	rddreg [dreg:$0x11];
	[sflag:s4] =	ssyncadd.s32 $0xFFFFC400  }
0x2f5: {  	[tilespmem:s5], [sflag:$0x1] =	stream.linear.gather [hbm4b:s14+s5], $0x78, $0x38;
	[tilespmem:$0x1F600] =	vst v63  }
0x2f6: {  	s15 =	rddreg [dreg:$0x12]  }
0x2f7: {  	[tilespmem:s8], [sflag:$0x1] =	stream.linear.gather [hbm4b:s15+s5], $0x78, $0x38;
	[tilespmem:$0x1F600] =	vst v63  }
0x2f8: {  	s16 =	rddreg [dreg:$0x13]  }
0x2f9: {  	[tilespmem:s10], [sflag:$0x1] =	stream.linear.gather [hbm4b:s16+s5], $0x78, $0x38;
	[tilespmem:$0x1F600] =	vst v63  }
0x2fa: {  	_ =	swait.ge [sflag:s20], $0x78  }
0x2fb: {  	[sflag:s20] =	ssyncset.done $0x0  }
0x2fc: {  	[sflag:s20] =	ssyncadd.s32 $0xFFFFFF88  }
0x2fd: {  	_ =	swait.ge [sflag:s20], $0x78  }
0x2fe: {  	[sflag:s20] =	ssyncset.done $0x0  }
0x2ff: {  	[sflag:s20] =	ssyncadd.s32 $0xFFFFFF88  }
0x300: {  	_ =	swait.ge [sflag:s20], $0x78  }
0x301: {  	[sflag:s20] =	ssyncset.done $0x0  }
0x302: {  	[sflag:s20] =	ssyncadd.s32 $0xFFFFFF88  }
0x303: {  	[tilespmem:s22], [sflag:$0x4] =	stream.indirect.gather [hbm4b:s2+s21], $0x80, s5, s21, $0xb8;
	[tilespmem:$0x1F600] =	vst v63  }
0x304: {  	_ =	swait.ge [sflag:s7], $0x3C00  }
0x305: {  	[sflag:s7] =	ssyncset.done $0x0  }
0x306: {  	s17 =	rddreg [dreg:$0x14];
	[sflag:s7] =	ssyncadd.s32 $0xFFFFC400  }
0x307: {  	[tilespmem:s11], [sflag:$0x2] =	stream.linear.gather [hbm4b:s17+s5], $0x78, $0x38;
	[tilespmem:$0x1F600] =	vst v63  }
0x308: {  	s14 =	rddreg [dreg:$0x1f]  }
0x309: {  	[tilespmem:s12], [sflag:$0x2] =	stream.linear.gather [hbm4b:s14+s5], $0x78, $0x38;
	[tilespmem:$0x1F600] =	vst v63  }
0x30a: {  	s15 =	rddreg [dreg:$0x15]  }
0x30b: {  	[tilespmem:s13], [sflag:$0x2] =	stream.linear.gather [hbm4b:s15+s5], $0x78, $0x38;
	[tilespmem:$0x1F600] =	vst v63  }
0x30c: {  	_ =	swait.ge [sflag:s23], $0x78  }
0x30d: {  	[sflag:s23] =	ssyncset.done $0x0  }
0x30e: {  	[sflag:s23] =	ssyncadd.s32 $0xFFFFFF88  }
0x30f: {  	_ =	swait.ge [sflag:s23], $0x78  }
0x310: {  	[sflag:s23] =	ssyncset.done $0x0  }
0x311: {  	[sflag:s23] =	ssyncadd.s32 $0xFFFFFF88  }
0x312: {  	_ =	swait.ge [sflag:s23], $0x78  }
0x313: {  	[sflag:s23] =	ssyncset.done $0x0  }
0x314: {  	[sflag:s23] =	ssyncadd.s32 $0xFFFFFF88  }
0x315: {  	[tilespmem:s24], [sflag:$0x5] =	stream.indirect.gather [hbm4b:s2+s21], $0x80, s11, s21, $0xb8;
	[tilespmem:$0x1F600] =	vst v63  }
0x316: {  	_ =	swait.ge [sflag:s30], $0x3C00  }
0x317: {  	[sflag:s30] =	ssyncset.done $0x0  }
0x318: {  	s9 =	simm.s32 $0x580;
	[sflag:s30] =	ssyncadd.s32 $0xFFFFC400  }
0x319: {  	v2 =	vld [tilespmem:s9+$0xFFFFFFF0]  }
0x31a: {  	v3 =	vld [tilespmem:s9+$0xF0]  }
0x31b: {  	v1 =	vld [tilespmem:s9+$0xB0]  }
0x31c: {  	v4 =	vld [tilespmem:s9+$0xFFFFFFC0]  }
0x31d: {  	v5 =	vld [tilespmem:s9+$0x40]  }
0x31e: {  	v6 =	vld [tilespmem:s9+$0xFFFFFF50]  }
0x31f: {  	s14 =	simm.s32 $0x0;
	v7 =	vld [tilespmem:s9+$0xFFFFFFD0]  }
0x320: {  	s16 =	simm.s32 $0x1;
	v0 =	vmov s14;
	s15 =	simm.s32 $0x3;
	v8 =	vld [tilespmem:s9+$0x50]  }
0x321: {  	v10 =	vmov s16;
	s17 =	simm.s32 $0x2;
	v0 =	vand.u32 $0xFFFFFFFC, v0;
	v9 =	vmov s15;
	v11 =	vld [tilespmem:s9+$0xD0]  }
0x322: {  	v12 =	vbroadcast v0, $0x0;
	v0 =	vand.u32 $0xFFFFFFFD, v10;
	v10 =	vmov s17;
	v13 =	vld [tilespmem:s9+$0xFFFFFF60]  }
0x323: {  	v14 =	vbroadcast v0, $0x0;
	v0 =	vand.u32 $0xFFFFFFFE, v10;
	v10 =	vld [tilespmem:s9+$0xFFFFFFE0]  }
0x324: {  	v15 =	vbroadcast v0, $0x0;
	v16 =	vld [tilespmem:s9+$0x60]  }
0x325: {  	v17 =	vld [tilespmem:s9+$0xE0]  }
0x326: {  	v18 =	vld [tilespmem:s9+$0xFFFFFF70]  }
0x327: {  	v0 =	vld.idx.msk [tilespmem:v9+s10+$0x0], $0xffff  }
0x328: {  	v19 =	vld.idx.msk [tilespmem:v12+s10+$0x0], $0xffff  }
0x329: {  	v20 =	vld.idx.msk [tilespmem:v14+s10+$0x0], $0xffff  }
0x32a: {  	v15 =	vld.idx.msk [tilespmem:v15+s10+$0x0], $0xffff  }
0x32b: {  	v9 =	vld [tilespmem:s9+$0x70]  }
0x32c: {  	v12 =	vld [tilespmem:s9+$0x30]  }
0x32d: {  	v14 =	vld [tilespmem:s9+$0xFFFFFFB0];
	v11 =	vmul.f32 v11, v0  }
0x32e: {  	v21 =	vld [tilespmem:s9+$0xA0];
	v17 =	vmul.f32 v17, v0  }
0x32f: {  	v22 =	vld [tilespmem:s9+$0xFFFFFF30];
	v6 =	vmul.f32 v6, v19;
	[tilespmem:s9+$0xD0] =	vst v11  }
0x330: {  	v59 =	vld [tilespmem:s9+$0xFFFFFFA0];
	v4 =	vmul.f32 v4, v20;
	[tilespmem:s9+$0xE0] =	vst v17  }
0x331: {  	v23 =	vld [tilespmem:s9+$0xFFFFFF20];
	v1 =	vmul.f32 v1, v0;
	[tilespmem:s9+$0xFFFFFF50] =	vst v6  }
0x332: {  	v24 =	vld [tilespmem:s9+$0x10];
	v9 =	vmul.f32 v9, v15;
	[tilespmem:s9+$0xFFFFFFC0] =	vst v4  }
0x333: {  	v60 =	vld [tilespmem:s9+$0x80];
	v10 =	vmul.f32 v10, v20;
	[tilespmem:s9+$0xB0] =	vst v1  }
0x334: {  	v61 =	vld [tilespmem:s9+$0xFFFFFF80];
	v25 =	vmul.f32 v2, v20;
	v2 =	vmul.f32 v18, v19;
	[tilespmem:s9+$0x70] =	vst v9  }
0x335: {  	v62 =	vld [tilespmem:s9+$0xFFFFFF00];
	v3 =	vmul.f32 v3, v0;
	[tilespmem:s9+$0xFFFFFFE0] =	vst v10  }
0x336: {  	v11 =	vmul.f32 v13, v19;
	v13 =	vld [tilespmem:s9+$0x20];
	[tilespmem:s9+$0xFFFFFF70] =	vst v2  }
0x337: {  	v63 =	vld [tilespmem:s9+$0xFFFFFF40];
	v21 =	vmul.f32 v21, v0;
	v6 =	vmul.f32 v7, v20;
	[tilespmem:s9+$0xF0] =	vst v3  }
0x338: {  	v4 =	vmul.f32 v5, v15;
	v5 =	vmul.f32 v12, v15;
	v12 =	vld [tilespmem:s9+$0xFFFFFF10];
	[tilespmem:s9+$0xFFFFFF60] =	vst v11  }
0x339: {  	v7 =	vmul.f32 v8, v15;
	v8 =	vmul.f32 v14, v20;
	v11 =	vld [tilespmem:s9+$0x90];
	[tilespmem:s9+$0xFFFFFFD0] =	vst v6  }
0x33a: {  	v1 =	vmul.f32 v16, v15;
	v9 =	vmul.f32 v23, v19;
	v6 =	vld [tilespmem:s9+$0xFFFFFF90];
	[tilespmem:s9+$0x40] =	vst v4  }
0x33b: {  	v4 =	vmul.f32 v22, v19;
	[tilespmem:s9+$0x30] =	vst v5;
	v5 =	vmul.f32 v13, v15;
	v13 =	vld [tilespmem:s9+$0x0]  }
0x33c: {  	v10 =	vmul.f32 v24, v15;
	v3 =	vmul.f32 v61, v20;
	[tilespmem:s9+$0x50] =	vst v7  }
0x33d: {  	v14 =	vld [tilespmem:s9+$0xC0];
	v7 =	vmul.f32 v59, v20;
	[tilespmem:s9+$0xFFFFFF30] =	vst v4;
	v4 =	vmul.f32 v62, v19  }
0x33e: {  	[tilespmem:s9+$0xFFFFFFB0] =	vst v8;
	v12 =	vmul.f32 v12, v19;
	v8 =	vmul.f32 v11, v0  }
0x33f: {  	[tilespmem:s9+$0xFFFFFFF0] =	vst v25;
	v11 =	vmul.f32 v6, v20;
	v6 =	vmul.f32 v60, v0  }
0x340: {  	s16 =	simm.s32 $0x7;
	s17 =	simm.s32 $0x780;
	[tilespmem:s9+$0xA0] =	vst v21;
	v2 =	vmul.f32 v13, v15;
	v13 =	vmul.f32 v63, v19  }
.LBB2_16:
0x341: {  	s14 =	sadd.s32 $0xFFFFFFFD, s16  }
0x342: {  	v15 =	vmov s16;
	v16 =	vld [tilespmem:s17+$0xFFFFFFF0];
	p0 =	sne.s32 s16, $0x77;
	[tilespmem:s9+$0x20] =	vst v5;
	v0 =	vmul.f32 v14, v0;
	s15 =	smov.u32 s16;
	s16 =	sadd.s32 $0x4, s16  }
0x343: {  	v5 =	vmov s14;
	s14 =	sadd.s32 $0xFFFFFFFE, s15;
	v14 =	vld [tilespmem:s17+$0xF0];
	[tilespmem:s9+$0xFFFFFFA0] =	vst v7  }
0x344: {  	v5 =	vand.u32 $0xFFFFFFFC, v5;
	v7 =	vmov s14;
	s14 =	sadd.s32 $0xFFFFFFFF, s15;
	v17 =	vld [tilespmem:s17+$0xB0];
	[tilespmem:s9+$0xFFFFFF20] =	vst v9  }
0x345: {  	v5 =	vbroadcast v5, $0x0;
	v7 =	vand.u32 $0xFFFFFFFD, v7;
	v9 =	vmov s14;
	v18 =	vld [tilespmem:s17+$0xFFFFFFC0];
	[tilespmem:s9+$0x90] =	vst v8  }
0x346: {  	v7 =	vbroadcast v7, $0x0;
	v8 =	vand.u32 $0xFFFFFFFE, v9;
	v9 =	vld [tilespmem:s17+$0x40];
	[tilespmem:s9+$0x10] =	vst v10  }
0x347: {  	v8 =	vbroadcast v8, $0x0;
	v10 =	vld [tilespmem:s17+$0xFFFFFF50];
	[tilespmem:s9+$0xFFFFFF90] =	vst v11  }
0x348: {  	v11 =	vld [tilespmem:s17+$0xFFFFFFD0];
	[tilespmem:s9+$0xFFFFFF10] =	vst v12  }
0x349: {  	v12 =	vld [tilespmem:s17+$0x50];
	[tilespmem:s9+$0xFFFFFF40] =	vst v13  }
0x34a: {  	v13 =	vld [tilespmem:s17+$0xD0];
	[tilespmem:s9+$0x80] =	vst v6  }
0x34b: {  	v6 =	vld [tilespmem:s17+$0xFFFFFF60];
	[tilespmem:s9+$0x60] =	vst v1  }
0x34c: {  	v19 =	vld [tilespmem:s17+$0xFFFFFFE0];
	[tilespmem:s9+$0xC0] =	vst v0  }
0x34d: {  	v1 =	vld [tilespmem:s17+$0x60];
	[tilespmem:s9+$0x0] =	vst v2  }
0x34e: {  	v2 =	vld [tilespmem:s17+$0xE0];
	[tilespmem:s9+$0xFFFFFF80] =	vst v3  }
0x34f: {  	v3 =	vld [tilespmem:s17+$0xFFFFFF70];
	[tilespmem:s9+$0xFFFFFF00] =	vst v4;
	s9 =	smov.u32 s17  }
0x350: {  	v0 =	vld.idx.msk [tilespmem:v15+s10+$0x0], $0xffff  }
0x351: {  	v15 =	vld.idx.msk [tilespmem:v5+s10+$0x0], $0xffff  }
0x352: {  	v4 =	vld.idx.msk [tilespmem:v7+s10+$0x0], $0xffff  }
0x353: {  	v20 =	vld.idx.msk [tilespmem:v8+s10+$0x0], $0xffff  }
0x354: {  	v5 =	vld [tilespmem:s17+$0x70]  }
0x355: {  	v7 =	vld [tilespmem:s17+$0x30]  }
0x356: {  	v13 =	vmul.f32 v13, v0;
	v2 =	vmul.f32 v2, v0;
	v8 =	vld [tilespmem:s17+$0xFFFFFFB0]  }
0x357: {  	v10 =	vmul.f32 v10, v15;
	v6 =	vmul.f32 v6, v15;
	v21 =	vld [tilespmem:s17+$0xFFFFFF30]  }
0x358: {  	v18 =	vmul.f32 v18, v4;
	v11 =	vmul.f32 v11, v4;
	v22 =	vld [tilespmem:s17+$0xA0];
	[tilespmem:s17+$0xD0] =	vst v13  }
0x359: {  	v17 =	vmul.f32 v17, v0;
	v9 =	vmul.f32 v9, v20;
	v13 =	vld [tilespmem:s17+$0x20];
	[tilespmem:s17+$0xE0] =	vst v2  }
0x35a: {  	v2 =	vld [tilespmem:s17+$0xFFFFFFA0];
	v23 =	vmul.f32 v7, v20;
	[tilespmem:s17+$0xFFFFFF50] =	vst v10;
	v10 =	vmul.f32 v12, v20  }
0x35b: {  	v1 =	vmul.f32 v1, v20;
	v12 =	vld [tilespmem:s17+$0xFFFFFF20];
	v24 =	vmul.f32 v8, v4;
	[tilespmem:s17+$0xFFFFFF60] =	vst v6  }
0x35c: {  	v6 =	vld [tilespmem:s17+$0x90];
	v21 =	vmul.f32 v21, v15;
	[tilespmem:s17+$0xFFFFFFC0] =	vst v18;
	v18 =	vmul.f32 v5, v20  }
0x35d: {  	v19 =	vmul.f32 v19, v4;
	v25 =	vld [tilespmem:s17+$0x10];
	v22 =	vmul.f32 v22, v0;
	[tilespmem:s17+$0xFFFFFFD0] =	vst v11  }
0x35e: {  	v11 =	vld [tilespmem:s17+$0xFFFFFF90];
	v5 =	vmul.f32 v13, v20;
	[tilespmem:s17+$0xB0] =	vst v17;
	v13 =	vmul.f32 v16, v4  }
0x35f: {  	v16 =	vld [tilespmem:s17+$0xFFFFFF10];
	v7 =	vmul.f32 v2, v4;
	[tilespmem:s17+$0x40] =	vst v9;
	v2 =	vmul.f32 v3, v15  }
0x360: {  	v17 =	vmul.f32 v14, v0;
	v3 =	vld [tilespmem:s17+$0x80];
	v9 =	vmul.f32 v12, v15;
	[tilespmem:s17+$0x30] =	vst v23  }
0x361: {  	v23 =	vld [tilespmem:s17+$0x0];
	v8 =	vmul.f32 v6, v0;
	[tilespmem:s17+$0x50] =	vst v10  }
0x362: {  	v26 =	vld [tilespmem:s17+$0xFFFFFF80];
	v10 =	vmul.f32 v25, v20;
	[tilespmem:s17+$0xFFFFFFB0] =	vst v24  }
0x363: {  	v24 =	vld [tilespmem:s17+$0xFFFFFF00];
	v11 =	vmul.f32 v11, v4;
	[tilespmem:s17+$0x70] =	vst v18  }
0x364: {  	v12 =	vmul.f32 v16, v15;
	v16 =	vld [tilespmem:s17+$0xFFFFFF40];
	[tilespmem:s17+$0xFFFFFFE0] =	vst v19  }
.Ltmp7:
0x365: {  	v6 =	vmul.f32 v3, v0;
	v14 =	vld [tilespmem:s17+$0xC0];
	[tilespmem:s17+$0xFFFFFF70] =	vst v2;
	(pc) =	sbr.rel @p0 .LBB2_16-.Ltmp7, $4  }
0x366: {  	v2 =	vmul.f32 v23, v20;
	[tilespmem:s17+$0xF0] =	vst v17  }
0x367: {  	v3 =	vmul.f32 v26, v4;
	[tilespmem:s17+$0xFFFFFF30] =	vst v21  }
0x368: {  	v4 =	vmul.f32 v24, v15;
	[tilespmem:s17+$0xFFFFFFF0] =	vst v13  }
0x369: {  	s17 =	sadd.s32 $0x200, s17;
	[tilespmem:s9+$0xA0] =	vst v22;
	v13 =	vmul.f32 v16, v15  }
0x36a: {  	[tilespmem:s9+$0x20] =	vst v5  }
0x36b: {  	[tilespmem:s9+$0xFFFFFFA0] =	vst v7  }
0x36c: {  	[tilespmem:s9+$0xFFFFFF20] =	vst v9  }
0x36d: {  	[tilespmem:s9+$0x90] =	vst v8  }
0x36e: {  	[tilespmem:s9+$0x10] =	vst v10  }
0x36f: {  	[tilespmem:s9+$0xFFFFFF90] =	vst v11  }
0x370: {  	[tilespmem:s9+$0xFFFFFF10] =	vst v12  }
0x371: {  	[tilespmem:s9+$0x80] =	vst v6  }
0x372: {  	[tilespmem:s9+$0x60] =	vst v1  }
0x373: {  	[tilespmem:s9+$0x0] =	vst v2  }
0x374: {  	[tilespmem:s9+$0xFFFFFF80] =	vst v3  }
0x375: {  	v0 =	vmul.f32 v14, v0;
	[tilespmem:s9+$0xFFFFFF00] =	vst v4  }
0x376: {  	[tilespmem:s9+$0xFFFFFF40] =	vst v13  }
0x377: {  	[tilespmem:s9+$0xC0] =	vst v0  }
0x378: {  	[spmem:s3] =	stream.indirect.scatter.add.f32 [tilespmem:s22], [sflag:$0x7], $0x80, s8, s21, $0xb8;
	[tilespmem:$0x1F600] =	vst v63  }
0x379: {  	_ =	swait.ge [sflag:s31], $0x3C00  }
0x37a: {  	[sflag:s31] =	ssyncset.done $0x0  }
0x37b: {  	s9 =	simm.s32 $0x4180;
	[sflag:s31] =	ssyncadd.s32 $0xFFFFC400  }
0x37c: {  	v2 =	vld [tilespmem:s9+$0xFFFFFFF0]  }
0x37d: {  	v3 =	vld [tilespmem:s9+$0xF0]  }
0x37e: {  	v1 =	vld [tilespmem:s9+$0xB0]  }
0x37f: {  	v4 =	vld [tilespmem:s9+$0xFFFFFFC0]  }
0x380: {  	v5 =	vld [tilespmem:s9+$0x40]  }
0x381: {  	v6 =	vld [tilespmem:s9+$0xFFFFFF50]  }
0x382: {  	s14 =	simm.s32 $0x0;
	v7 =	vld [tilespmem:s9+$0xFFFFFFD0]  }
0x383: {  	s15 =	simm.s32 $0x3;
	s16 =	simm.s32 $0x1;
	v0 =	vmov s14;
	v8 =	vld [tilespmem:s9+$0x50]  }
0x384: {  	s17 =	simm.s32 $0x2;
	v9 =	vmov s15;
	v10 =	vmov s16;
	v0 =	vand.u32 $0xFFFFFFFC, v0;
	v11 =	vld [tilespmem:s9+$0xD0]  }
0x385: {  	v12 =	vbroadcast v0, $0x0;
	v0 =	vand.u32 $0xFFFFFFFD, v10;
	v10 =	vmov s17;
	v13 =	vld [tilespmem:s9+$0xFFFFFF60]  }
0x386: {  	v14 =	vbroadcast v0, $0x0;
	v0 =	vand.u32 $0xFFFFFFFE, v10;
	v10 =	vld [tilespmem:s9+$0xFFFFFFE0]  }
0x387: {  	v16 =	vld [tilespmem:s9+$0x60]  }
0x388: {  	v17 =	vld [tilespmem:s9+$0xE0]  }
0x389: {  	v18 =	vld [tilespmem:s9+$0xFFFFFF70]  }
0x38a: {  	v15 =	vbroadcast v0, $0x0;
	v0 =	vld.idx.msk [tilespmem:v9+s13+$0x0], $0xffff  }
0x38b: {  	v9 =	vld [tilespmem:s9+$0x70]  }
0x38c: {  	v21 =	vld [tilespmem:s9+$0xA0]  }
0x38d: {  	v22 =	vld [tilespmem:s9+$0xFFFFFF30]  }
0x38e: {  	v59 =	vld [tilespmem:s9+$0xFFFFFFA0]  }
0x38f: {  	v23 =	vld [tilespmem:s9+$0xFFFFFF20]  }
0x390: {  	v19 =	vld.idx.msk [tilespmem:v12+s13+$0x0], $0xffff;
	v11 =	vmul.f32 v11, v0  }
0x391: {  	v20 =	vld.idx.msk [tilespmem:v14+s13+$0x0], $0xffff;
	v17 =	vmul.f32 v17, v0  }
0x392: {  	v15 =	vld.idx.msk [tilespmem:v15+s13+$0x0], $0xffff;
	v1 =	vmul.f32 v1, v0;
	[tilespmem:s9+$0xD0] =	vst v11  }
0x393: {  	v24 =	vld [tilespmem:s9+$0x10];
	v3 =	vmul.f32 v3, v0;
	[tilespmem:s9+$0xE0] =	vst v17  }
0x394: {  	v60 =	vld [tilespmem:s9+$0x80];
	v21 =	vmul.f32 v21, v0;
	[tilespmem:s9+$0xB0] =	vst v1  }
0x395: {  	v61 =	vld [tilespmem:s9+$0xFFFFFF80];
	[tilespmem:s9+$0xF0] =	vst v3;
	v6 =	vmul.f32 v6, v19  }
0x396: {  	v14 =	vld [tilespmem:s9+$0xFFFFFFB0];
	[tilespmem:s9+$0xA0] =	vst v21;
	v11 =	vmul.f32 v13, v19  }
0x397: {  	v12 =	vld [tilespmem:s9+$0x30];
	v4 =	vmul.f32 v4, v20;
	[tilespmem:s9+$0xFFFFFF50] =	vst v6  }
0x398: {  	v62 =	vld [tilespmem:s9+$0xFFFFFF00];
	v10 =	vmul.f32 v10, v20;
	[tilespmem:s9+$0xFFFFFF60] =	vst v11  }
0x399: {  	v13 =	vld [tilespmem:s9+$0x20];
	v25 =	vmul.f32 v2, v20;
	v6 =	vmul.f32 v7, v20;
	[tilespmem:s9+$0xFFFFFFC0] =	vst v4  }
0x39a: {  	v63 =	vld [tilespmem:s9+$0xFFFFFF40];
	v2 =	vmul.f32 v18, v19;
	v7 =	vmul.f32 v8, v15;
	[tilespmem:s9+$0xFFFFFFE0] =	vst v10  }
0x39b: {  	v3 =	vmul.f32 v61, v20;
	v11 =	vld [tilespmem:s9+$0x90];
	v8 =	vmul.f32 v14, v20;
	[tilespmem:s9+$0xFFFFFFD0] =	vst v6  }
0x39c: {  	v4 =	vmul.f32 v5, v15;
	v5 =	vmul.f32 v12, v15;
	v12 =	vld [tilespmem:s9+$0xFFFFFF10];
	[tilespmem:s9+$0x50] =	vst v7  }
0x39d: {  	v1 =	vmul.f32 v16, v15;
	v9 =	vmul.f32 v9, v15;
	v6 =	vld [tilespmem:s9+$0xFFFFFF90];
	[tilespmem:s9+$0xFFFFFFB0] =	vst v8  }
0x39e: {  	v10 =	vmul.f32 v24, v15;
	[tilespmem:s9+$0x30] =	vst v5;
	v5 =	vmul.f32 v13, v15;
	v13 =	vld [tilespmem:s9+$0x0]  }
0x39f: {  	v7 =	vmul.f32 v59, v20;
	[tilespmem:s9+$0x40] =	vst v4;
	v4 =	vmul.f32 v22, v19  }
0x3a0: {  	v14 =	vld [tilespmem:s9+$0xC0];
	[tilespmem:s9+$0x70] =	vst v9;
	v9 =	vmul.f32 v23, v19;
	v8 =	vmul.f32 v11, v0  }
0x3a1: {  	[tilespmem:s9+$0xFFFFFF30] =	vst v4;
	v4 =	vmul.f32 v62, v19;
	v12 =	vmul.f32 v12, v19  }
0x3a2: {  	[tilespmem:s9+$0xFFFFFF70] =	vst v2;
	v11 =	vmul.f32 v6, v20;
	v6 =	vmul.f32 v60, v0  }
0x3a3: {  	s16 =	simm.s32 $0x7;
	s17 =	simm.s32 $0x4380;
	[tilespmem:s9+$0xFFFFFFF0] =	vst v25;
	v2 =	vmul.f32 v13, v15;
	v13 =	vmul.f32 v63, v19  }
.LBB2_18:
0x3a4: {  	s14 =	sadd.s32 $0xFFFFFFFD, s16  }
0x3a5: {  	v15 =	vmov s16;
	v16 =	vld [tilespmem:s17+$0xFFFFFFF0];
	p0 =	sne.s32 s16, $0x77;
	[tilespmem:s9+$0x20] =	vst v5;
	v0 =	vmul.f32 v14, v0;
	s15 =	smov.u32 s16;
	s16 =	sadd.s32 $0x4, s16  }
0x3a6: {  	v5 =	vmov s14;
	s14 =	sadd.s32 $0xFFFFFFFE, s15;
	v14 =	vld [tilespmem:s17+$0xF0];
	[tilespmem:s9+$0xFFFFFFA0] =	vst v7  }
0x3a7: {  	v5 =	vand.u32 $0xFFFFFFFC, v5;
	v7 =	vmov s14;
	s14 =	sadd.s32 $0xFFFFFFFF, s15;
	v17 =	vld [tilespmem:s17+$0xB0];
	[tilespmem:s9+$0xFFFFFF20] =	vst v9  }
0x3a8: {  	v5 =	vbroadcast v5, $0x0;
	v7 =	vand.u32 $0xFFFFFFFD, v7;
	v9 =	vmov s14;
	v18 =	vld [tilespmem:s17+$0xFFFFFFC0];
	[tilespmem:s9+$0x90] =	vst v8  }
0x3a9: {  	v7 =	vbroadcast v7, $0x0;
	v8 =	vand.u32 $0xFFFFFFFE, v9;
	v9 =	vld [tilespmem:s17+$0x40];
	[tilespmem:s9+$0x10] =	vst v10  }
0x3aa: {  	v8 =	vbroadcast v8, $0x0;
	v10 =	vld [tilespmem:s17+$0xFFFFFF50];
	[tilespmem:s9+$0xFFFFFF90] =	vst v11  }
0x3ab: {  	v11 =	vld [tilespmem:s17+$0xFFFFFFD0];
	[tilespmem:s9+$0xFFFFFF10] =	vst v12  }
0x3ac: {  	v12 =	vld [tilespmem:s17+$0x50];
	[tilespmem:s9+$0xFFFFFF40] =	vst v13  }
0x3ad: {  	v13 =	vld [tilespmem:s17+$0xD0];
	[tilespmem:s9+$0x80] =	vst v6  }
0x3ae: {  	v6 =	vld [tilespmem:s17+$0xFFFFFF60];
	[tilespmem:s9+$0x60] =	vst v1  }
0x3af: {  	v19 =	vld [tilespmem:s17+$0xFFFFFFE0];
	[tilespmem:s9+$0xC0] =	vst v0  }
0x3b0: {  	v1 =	vld [tilespmem:s17+$0x60];
	[tilespmem:s9+$0x0] =	vst v2  }
0x3b1: {  	v2 =	vld [tilespmem:s17+$0xE0];
	[tilespmem:s9+$0xFFFFFF80] =	vst v3  }
0x3b2: {  	v3 =	vld [tilespmem:s17+$0xFFFFFF70];
	[tilespmem:s9+$0xFFFFFF00] =	vst v4;
	s9 =	smov.u32 s17  }
0x3b3: {  	v0 =	vld.idx.msk [tilespmem:v15+s13+$0x0], $0xffff  }
0x3b4: {  	v15 =	vld.idx.msk [tilespmem:v5+s13+$0x0], $0xffff  }
0x3b5: {  	v4 =	vld.idx.msk [tilespmem:v7+s13+$0x0], $0xffff  }
0x3b6: {  	v20 =	vld.idx.msk [tilespmem:v8+s13+$0x0], $0xffff  }
0x3b7: {  	v5 =	vld [tilespmem:s17+$0x70]  }
0x3b8: {  	v7 =	vld [tilespmem:s17+$0x30]  }
0x3b9: {  	v13 =	vmul.f32 v13, v0;
	v2 =	vmul.f32 v2, v0;
	v8 =	vld [tilespmem:s17+$0xFFFFFFB0]  }
0x3ba: {  	v10 =	vmul.f32 v10, v15;
	v6 =	vmul.f32 v6, v15;
	v21 =	vld [tilespmem:s17+$0xFFFFFF30]  }
0x3bb: {  	v18 =	vmul.f32 v18, v4;
	v11 =	vmul.f32 v11, v4;
	v22 =	vld [tilespmem:s17+$0xA0];
	[tilespmem:s17+$0xD0] =	vst v13  }
0x3bc: {  	v17 =	vmul.f32 v17, v0;
	v9 =	vmul.f32 v9, v20;
	v13 =	vld [tilespmem:s17+$0x20];
	[tilespmem:s17+$0xE0] =	vst v2  }
0x3bd: {  	v2 =	vld [tilespmem:s17+$0xFFFFFFA0];
	v23 =	vmul.f32 v7, v20;
	[tilespmem:s17+$0xFFFFFF50] =	vst v10;
	v10 =	vmul.f32 v12, v20  }
0x3be: {  	v1 =	vmul.f32 v1, v20;
	v12 =	vld [tilespmem:s17+$0xFFFFFF20];
	v24 =	vmul.f32 v8, v4;
	[tilespmem:s17+$0xFFFFFF60] =	vst v6  }
0x3bf: {  	v6 =	vld [tilespmem:s17+$0x90];
	v21 =	vmul.f32 v21, v15;
	[tilespmem:s17+$0xFFFFFFC0] =	vst v18;
	v18 =	vmul.f32 v5, v20  }
0x3c0: {  	v19 =	vmul.f32 v19, v4;
	v25 =	vld [tilespmem:s17+$0x10];
	v22 =	vmul.f32 v22, v0;
	[tilespmem:s17+$0xFFFFFFD0] =	vst v11  }
0x3c1: {  	v11 =	vld [tilespmem:s17+$0xFFFFFF90];
	v5 =	vmul.f32 v13, v20;
	[tilespmem:s17+$0xB0] =	vst v17;
	v13 =	vmul.f32 v16, v4  }
0x3c2: {  	v16 =	vld [tilespmem:s17+$0xFFFFFF10];
	v7 =	vmul.f32 v2, v4;
	[tilespmem:s17+$0x40] =	vst v9;
	v2 =	vmul.f32 v3, v15  }
0x3c3: {  	v17 =	vmul.f32 v14, v0;
	v3 =	vld [tilespmem:s17+$0x80];
	v9 =	vmul.f32 v12, v15;
	[tilespmem:s17+$0x30] =	vst v23  }
0x3c4: {  	v23 =	vld [tilespmem:s17+$0x0];
	v8 =	vmul.f32 v6, v0;
	[tilespmem:s17+$0x50] =	vst v10  }
0x3c5: {  	v26 =	vld [tilespmem:s17+$0xFFFFFF80];
	v10 =	vmul.f32 v25, v20;
	[tilespmem:s17+$0xFFFFFFB0] =	vst v24  }
0x3c6: {  	v24 =	vld [tilespmem:s17+$0xFFFFFF00];
	v11 =	vmul.f32 v11, v4;
	[tilespmem:s17+$0x70] =	vst v18  }
0x3c7: {  	v12 =	vmul.f32 v16, v15;
	v16 =	vld [tilespmem:s17+$0xFFFFFF40];
	[tilespmem:s17+$0xFFFFFFE0] =	vst v19  }
.Ltmp8:
0x3c8: {  	v6 =	vmul.f32 v3, v0;
	v14 =	vld [tilespmem:s17+$0xC0];
	[tilespmem:s17+$0xFFFFFF70] =	vst v2;
	(pc) =	sbr.rel @p0 .LBB2_18-.Ltmp8, $4  }
0x3c9: {  	v2 =	vmul.f32 v23, v20;
	[tilespmem:s17+$0xF0] =	vst v17  }
0x3ca: {  	v3 =	vmul.f32 v26, v4;
	[tilespmem:s17+$0xFFFFFF30] =	vst v21  }
0x3cb: {  	v4 =	vmul.f32 v24, v15;
	[tilespmem:s17+$0xFFFFFFF0] =	vst v13  }
0x3cc: {  	s17 =	sadd.s32 $0x200, s17;
	[tilespmem:s9+$0xA0] =	vst v22;
	v13 =	vmul.f32 v16, v15  }
0x3cd: {  	[tilespmem:s9+$0x20] =	vst v5  }
0x3ce: {  	[tilespmem:s9+$0xFFFFFFA0] =	vst v7  }
0x3cf: {  	[tilespmem:s9+$0xFFFFFF20] =	vst v9  }
0x3d0: {  	[tilespmem:s9+$0x90] =	vst v8  }
0x3d1: {  	[tilespmem:s9+$0x10] =	vst v10  }
0x3d2: {  	[tilespmem:s9+$0xFFFFFF90] =	vst v11  }
0x3d3: {  	[tilespmem:s9+$0xFFFFFF10] =	vst v12  }
0x3d4: {  	[tilespmem:s9+$0x80] =	vst v6  }
0x3d5: {  	[tilespmem:s9+$0x60] =	vst v1  }
0x3d6: {  	[tilespmem:s9+$0x0] =	vst v2  }
0x3d7: {  	[tilespmem:s9+$0xFFFFFF80] =	vst v3  }
0x3d8: {  	v0 =	vmul.f32 v14, v0;
	[tilespmem:s9+$0xFFFFFF00] =	vst v4  }
0x3d9: {  	[tilespmem:s9+$0xFFFFFF40] =	vst v13  }
0x3da: {  	[tilespmem:s9+$0xC0] =	vst v0  }
0x3db: {  	[spmem:s3] =	stream.indirect.scatter.add.f32 [tilespmem:s24], [sflag:$0x8], $0x80, s12, s21, $0xb8;
	[tilespmem:$0x1F600] =	vst v63  }
0x3dc: {  	_ =	swait.ge [sflag:s4], $0x3C00  }
0x3dd: {  	[sflag:s4] =	ssyncset.done $0x0  }
0x3de: {  	[sflag:s4] =	ssyncadd.s32 $0xFFFFC400  }
0x3df: {  	_ =	swait.ge [sflag:s7], $0x3C00  }
0x3e0: {  	[sflag:s7] =	ssyncset.done $0x0  }
0x3e1: {  	[sflag:s7] =	ssyncadd.s32 $0xFFFFC400  }
0x3e2: {  	_ =	swait.ge [sflag:s29], $0x3C00  }
0x3e3: {  	s15 =	simm.s32 $0xB880;
	s16 =	simm.s32 $0xB;
	[sflag:s29] =	ssyncset.done $0x0  }
0x3e4: {  	s9 =	simm.s32 $0x0;
	s14 =	rddreg [dreg:$0x17];
	[sflag:s29] =	ssyncadd.s32 $0xFFFFC400  }
0x3e5: {  	[tilespmem:s15], [sflag:$0xB] =	stream.linear.gather [hbm4b:s14+s9], $0x28, $0x38;
	[tilespmem:$0x1F600] =	vst v63  }
0x3e6: {  	_ =	swait.ge [sflag:s16], $0x28  }
0x3e7: {  	[sflag:s16] =	ssyncset.done $0x0  }
0x3e8: {  	s17 =	simm.s32 $0xB900;
	s14 =	rddreg [dreg:$0x16];
	[sflag:s16] =	ssyncadd.s32 $0xFFFFFFD8  }
0x3e9: {  	[tilespmem:s17], [sflag:$0xB] =	stream.linear.gather [hbm4b:s14+s9], $0x28, $0x38;
	[tilespmem:$0x1F600] =	vst v63  }
0x3ea: {  	_ =	swait.ge [sflag:s16], $0x28  }
0x3eb: {  	[sflag:s16] =	ssyncset.done $0x0  }
0x3ec: {  	s17 =	rddreg [dreg:$0x18];
	[sflag:s16] =	ssyncadd.s32 $0xFFFFFFD8  }
0x3ed: {  	[tilespmem:s28], [sflag:$0xB] =	stream.linear.gather [hbm4b:s17+s9], $0x28, $0x38;
	[tilespmem:$0x1F600] =	vst v63  }
0x3ee: {  	_ =	swait.ge [sflag:s16], $0x28  }
0x3ef: {  	[sflag:s16] =	ssyncset.done $0x0  }
0x3f0: {  	s17 =	simm.s32 $0x28;
	[sflag:s16] =	ssyncadd.s32 $0xFFFFFFD8  }
0x3f1: {  	[tilespmem:s22], [sflag:$0xB] =	stream.indirect.gather [hbm4b:s2+s17], $0x80, s15, s17, $0xb8;
	[tilespmem:$0x1F600] =	vst v63  }
0x3f2: {  	_ =	swait.ge [sflag:s16], $0x1400  }
0x3f3: {  	v0 =	vmov s9;
	[sflag:s16] =	ssyncset.done $0x0  }
0x3f4: {  	s9 =	simm.s32 $0x4C0;
	[sflag:s16] =	ssyncadd.s32 $0xFFFFEC00  }
0x3f5: {  	v4 =	vld [tilespmem:s9+$0x30]  }
0x3f6: {  	v7 =	vld [tilespmem:s9+$0x10]  }
0x3f7: {  	v5 =	vld [tilespmem:s9+$0xFFFFFFC0]  }
0x3f8: {  	v1 =	vld.idx.msk [tilespmem:v0+s28+$0x0], $0xffff  }
0x3f9: {  	v9 =	vld [tilespmem:s9+$0xFFFFFFE0]  }
0x3fa: {  	v0 =	vld [tilespmem:s9+$0xFFFFFFF0]  }
0x3fb: {  	v2 =	vld [tilespmem:s9+$0x20]  }
0x3fc: {  	v3 =	vld [tilespmem:s9+$0xFFFFFFD0]  }
0x3fd: {  	v8 =	vmul.f32 v4, v1;
	v4 =	vld [tilespmem:s9+$0x0]  }
0x3fe: {  	v6 =	vmul.f32 v5, v1  }
0x3ff: {  	s17 =	simm.s32 $0x4C0;
	s16 =	simm.s32 $0x1;
	v5 =	vmul.f32 v9, v1;
	v7 =	vmul.f32 v7, v1  }
.LBB2_20:
0x400: {  	p0 =	sne.s32 s16, $0x27  }
0x401: {  	v3 =	vmul.f32 v3, v1;
	v2 =	vmul.f32 v2, v1;
	[tilespmem:s9+$0x30] =	vst v8;
	s17 =	sadd.s32 $0x80, s17;
	s14 =	smov.u32 s16;
	s16 =	sadd.s32 $0x1, s16  }
0x402: {  	[tilespmem:s9+$0xFFFFFFC0] =	vst v6;
	v6 =	vmul.f32 v0, v1;
	v1 =	vmul.f32 v4, v1  }
0x403: {  	[tilespmem:s9+$0x10] =	vst v7  }
0x404: {  	v4 =	vmov s14;
	[tilespmem:s9+$0xFFFFFFE0] =	vst v5  }
0x405: {  	v0 =	vld [tilespmem:s17+$0xFFFFFFF0];
	[tilespmem:s9+$0xFFFFFFF0] =	vst v6  }
0x406: {  	v5 =	vld [tilespmem:s17+$0x30];
	[tilespmem:s9+$0x0] =	vst v1  }
0x407: {  	v7 =	vld [tilespmem:s17+$0x10];
	[tilespmem:s9+$0x20] =	vst v2  }
0x408: {  	v6 =	vld [tilespmem:s17+$0xFFFFFFC0];
	[tilespmem:s9+$0xFFFFFFD0] =	vst v3;
	s9 =	smov.u32 s17  }
0x409: {  	v1 =	vld.idx.msk [tilespmem:v4+s28+$0x0], $0xffff  }
0x40a: {  	v9 =	vld [tilespmem:s17+$0xFFFFFFE0]  }
0x40b: {  	v2 =	vld [tilespmem:s17+$0x20]  }
.Ltmp9:
0x40c: {  	v3 =	vld [tilespmem:s17+$0xFFFFFFD0];
	(pc) =	sbr.rel @p0 .LBB2_20-.Ltmp9, $3  }
0x40d: {  	v4 =	vld [tilespmem:s17+$0x0];
	_ =	sdelay $0x1  }
0x40e: {  	v6 =	vmul.f32 v6, v1;
	v8 =	vmul.f32 v5, v1  }
0x40f: {  	v7 =	vmul.f32 v7, v1;
	v5 =	vmul.f32 v9, v1  }
0x410: {  	[tilespmem:s9+$0x30] =	vst v8  }
0x411: {  	[tilespmem:s9+$0xFFFFFFC0] =	vst v6  }
0x412: {  	v0 =	vmul.f32 v0, v1;
	[tilespmem:s9+$0x10] =	vst v7  }
0x413: {  	v2 =	vmul.f32 v2, v1;
	[tilespmem:s9+$0xFFFFFFE0] =	vst v5  }
0x414: {  	v63 =	vmul.f32 v3, v1;
	[tilespmem:s9+$0xFFFFFFF0] =	vst v0  }
0x415: {  	v4 =	vmul.f32 v4, v1;
	[tilespmem:s9+$0x20] =	vst v2  }
0x416: {  	[tilespmem:s9+$0xFFFFFFD0] =	vst v63  }
0x417: {  	s15 =	simm.s32 $0xB900;
	s14 =	simm.s32 $0x28;
	[tilespmem:s9+$0x0] =	vst v4  }
0x418: {  	[spmem:s3] =	stream.indirect.scatter.add.f32 [tilespmem:s22], [sflag:$0xB], $0x80, s15, s14, $0xb8;
	[tilespmem:$0x1F600] =	vst v63  }
0x419: {  	s15 =	simm.s32 $0xB  }
0x41a: {  	_ =	swait.ge [sflag:s15], $0x1400  }
0x41b: {  	[sflag:s15] =	ssyncset.done $0x0  }
0x41c: {  	[sflag:s15] =	ssyncadd.s32 $0xFFFFEC00  }
0x41d: {  	[bflag:$0x0] =	sbarrier.arrive $0xFFFF  }
0x41e: {  	s16 =	rddreg [dreg:$0x1a]  }
0x41f: {  	s9 =	sor.u32 $0x1C0B, s16;
	s16 =	sld [smem:$0x7FD];
	_ =	sdelay $0x1  }
0x420: {  	s17 =	rddreg [dreg:$0x19]  }
0x421: {  	[hbm:s17], [sflag:s9] =	dma.local [spmem:s16], $0x2780  }
0x422: {  	_ =	swait.ge [sflag:s15], $0x2780  }
0x423: {  	s16 =	sld [smem:$0x7FC];
	_ =	sdelay $0x2  }
0x424: {  	s17 =	rddreg [dreg:$0x1b];
	s14 =	sadd.s32 $0x1, s16  }
0x425: {  	p0 =	sne.s32 s14, s17  }
.Ltmp10:
0x426: {  	_ = 	snop;
	(pc) =	sbr.rel @p0 .LBB2_1-.Ltmp10, $3  }
0x427: {  	_ =	sdelay $0x1  }
0x428: {  	[sflag:s15] =	ssyncset.done $0x0  }
0x429: {  	[sflag:s15] =	ssyncadd.s32 $0xFFFFD880  }
0x42a: {  	_ =	sfence.sel $0x180000  }
0x42b: {  	[bflag:$0x0] =	sbarrier.arrive $0xFFFF  }
0x42c: {  	_ =	strace $0x9000004A  }
0x42d: {  	s0 =	stileid.u32;
	[bflag:$0x2] =	sbarrier.arrive $0xFFFF  }
0x42e: {  	p0 =	sne.s32 s0, $0x0;
	s0 =	rddreg [dreg:$0x4]  }
0x42f: {  	s0 =	sadd.s32 @!p0 $0x100000, s0  }
0x430: {  	[sflag:s0] =	ssyncadd.tile.s32 @!p0 $0x1;
	_ =	shalt  }
.Lfunc_end2:
_tile_overlayer_lowered:
.L_overlay_start_2:
0x431: {  	(tag) =	ssettag $0x2  }
0x432: {  	s0 =	rddreg [dreg:$0x0];
	s2 =	stileid.u32  }
0x433: {  	s1 =	rddreg [dreg:$0x1];
	p0 =	sne.s32 s2, $0x0  }
0x434: {  	s3 =	rddreg [dreg:$0x2];
	[bflag:$0x3] =	sbarrier.arrive $0xFFFF;
	s2 =	simm.s32 @!p0 $0x1C0B  }
0x435: {  	[timem:s3], [sflag:s2] =	dma.local @!p0 [hbm:s0], s1  }
0x436: {  	s0 =	simm.s32 @!p0 $0xB  }
0x437: {  	_ =	swait.ge @!p0 [sflag:s0], s1  }
0x438: {  	s1 =	ssub.s32 @!p0 $0x0, s1;
	[sflag:s0] =	ssyncset.done @!p0 $0x0  }
0x439: {  	[sflag:s0] =	ssyncadd.s32 @!p0 s1  }
0x43a: {  	[bflag:$0x3] =	sbarrier.arrive $0xFFFF  }
0x43b: {  	_ =	shalt  }

</sc_bundles>
